<compile_context>
chip_gen: v7x
topology: tpu7x:2x2x1
jax: 0.10.2.dev20260603
libtpu: 0.0.44.dev20260713+nightly
codegen_flags: <defaults>
</compile_context>

<pallas_src>
import functools

import jax
import jax.numpy as jnp
from jax import lax
from jax.experimental import pallas as pl
from jax.experimental.pallas import tpu as pltpu
from jax.experimental.pallas import tpu_sc as plsc

N = 10000
E = 160000
D = 256
B = 4096

N_PAD = 10240
SCHUNK = 3200
NCHUNKS = E // SCHUNK
SPT = 128
ROWW = D + 128
ACC_ROWS = SPT + 1
ACC_FLAT = ACC_ROWS * ROWW
DUMP = SPT * ROWW
NSTRIPE = N_PAD // 32

_mesh = plsc.VectorSubcoreMesh(core_axis_name="c", subcore_axis_name="s")
_sc_params = pltpu.CompilerParams(needs_layout_passes=False)


def _mlp(features, W1, b1, W2, b2):
    blk = 1000

    def body(x_ref, w1_ref, b1_ref, w2_ref, b2_ref, o_ref):
        h = jnp.tanh(
            jnp.dot(x_ref[...], w1_ref[...], preferred_element_type=jnp.float32)
            + b1_ref[...]
        )
        o_ref[...] = (
            jnp.dot(h, w2_ref[...], preferred_element_type=jnp.float32)
            + b2_ref[...]
        )

    return pl.pallas_call(
        body,
        grid=(N // blk,),
        in_specs=[
            pl.BlockSpec((blk, D), lambda i: (i, 0)),
            pl.BlockSpec((D, D), lambda i: (0, 0)),
            pl.BlockSpec((1, D), lambda i: (0, 0)),
            pl.BlockSpec((D, D), lambda i: (0, 0)),
            pl.BlockSpec((1, D), lambda i: (0, 0)),
        ],
        out_specs=pl.BlockSpec((blk, D), lambda i: (i, 0)),
        out_shape=jax.ShapeDtypeStruct((N, D), jnp.float32),
    )(features, W1, b1.reshape(1, D), W2, b2.reshape(1, D))


@functools.partial(
    pl.kernel,
    mesh=_mesh,
    out_type=jax.ShapeDtypeStruct((N_PAD,), jnp.int32),
    compiler_params=_sc_params,
    scratch_types=[
        pltpu.VMEM((B,), jnp.int32),
        pltpu.VMEM((NSTRIPE,), jnp.int32),
    ],
)
def _build_slots(nodes_hbm, slot_hbm, nodes_v, stripe_v):
    c = lax.axis_index("c")
    s = lax.axis_index("s")
    wid = c * 16 + s
    nbase = wid * NSTRIPE
    pltpu.sync_copy(nodes_hbm, nodes_v)
    for i in range(NSTRIPE // 16):
        stripe_v[pl.ds(i * 16, 16)] = jnp.full((16,), -1, jnp.int32)

    def scan_b(k, carry):
        n16 = nodes_v[pl.ds(k * 16, 16)]
        local = n16 - nbase
        m = (local >= 0) & (local < NSTRIPE)
        bval = lax.iota(jnp.int32, 16) + k * 16
        plsc.store_scatter(stripe_v, [jnp.clip(local, 0, NSTRIPE - 1)], bval,
                           mask=m)
        return carry

    lax.fori_loop(0, B // 16, scan_b, 0)
    pltpu.sync_copy(stripe_v, slot_hbm.at[pl.ds(nbase, NSTRIPE)])


@functools.partial(
    pl.kernel,
    mesh=_mesh,
    out_type=jax.ShapeDtypeStruct((32 * DUMP,), jnp.float32),
    compiler_params=_sc_params,
    scratch_types=[
        pltpu.VMEM((N_PAD,), jnp.int32),
        pltpu.VMEM((SCHUNK,), jnp.int32),
        pltpu.VMEM((SCHUNK,), jnp.int32),
        pltpu.VMEM((SCHUNK,), jnp.int32),
        pltpu.VMEM((SCHUNK,), jnp.int32),
        pltpu.VMEM((256,), jnp.int32),
        pltpu.VMEM((256,), jnp.int32),
        pltpu.VMEM((ACC_FLAT,), jnp.float32),
        pltpu.VMEM((128, D), jnp.float32),
        pltpu.SemaphoreType.DMA,
        pltpu.SemaphoreType.DMA,
        pltpu.SemaphoreType.DMA,
        pltpu.SemaphoreType.DMA,
        pltpu.SemaphoreType.DMA,
    ],
)
def _aggregate(rows_hbm, cols_hbm, slot_hbm, emb_hbm, acc_out,
               slot_v, rows_v0, cols_v0, rows_v1, cols_v1, pcols, pls,
               acc_v, emb_buf, sem, sem_r0, sem_c0, sem_r1, sem_c1):
    c = lax.axis_index("c")
    s = lax.axis_index("s")
    wid = c * 16 + s
    base_slot = wid * SPT
    pltpu.sync_copy(slot_hbm, slot_v)

    def zero(k, carry):
        acc_v[pl.ds(k * 16, 16)] = jnp.zeros((16,), jnp.float32)
        return carry

    lax.fori_loop(0, ACC_FLAT // 16, zero, 0)
    onehot = jnp.where(lax.iota(jnp.int32, 16) == 0, 1.0, 0.0)

    def flush():
        cp = pltpu.async_copy(emb_hbm.at[pcols.at[pl.ds(0, 128)]],
                              emb_buf, sem)
        cp.wait()

        def acc_one(k, carry):
            ls = pls[pl.ds(k, 16)][0]
            b0 = ls * ROWW
            for i in range(D // 16):
                acc_v[pl.ds(b0 + i * 16, 16)] = (
                    acc_v[pl.ds(b0 + i * 16, 16)] + emb_buf[k, pl.ds(i * 16, 16)]
                )
            acc_v[pl.ds(b0 + D, 16)] = acc_v[pl.ds(b0 + D, 16)] + onehot
            return carry

        lax.fori_loop(0, 128, acc_one, 0)
        for i2 in range(4):
            t = pcols[pl.ds(128 + i2 * 16, 16)]
            pcols[pl.ds(i2 * 16, 16)] = t
            t2 = pls[pl.ds(128 + i2 * 16, 16)]
            pls[pl.ds(i2 * 16, 16)] = t2

    def process(rows_v, cols_v, cnt_vec):
        def block(t, cnt_vec):
            for i in range(8):
                off = t * 128 + i * 16
                r16 = rows_v[pl.ds(off, 16)]
                s16 = plsc.load_gather(slot_v, [r16])
                ls16 = s16 - base_slot
                m = (ls16 >= 0) & (ls16 < SPT)
                c16 = cols_v[pl.ds(off, 16)]
                mi16 = jnp.where(m, jnp.full((16,), 1, jnp.int32),
                                 jnp.zeros((16,), jnp.int32))
                idx16 = plsc.cumsum(mi16) + cnt_vec - 1
                plsc.store_scatter(pcols, [idx16], c16, mask=m)
                plsc.store_scatter(pls, [idx16], ls16, mask=m)
                cnt_vec = cnt_vec + plsc.all_reduce_population_count(m)
            cnt_s = cnt_vec[0]

            @pl.when(cnt_s >= 128)
            def _():
                flush()

            return jnp.where(cnt_s >= 128, cnt_vec - 128, cnt_vec)

        return lax.fori_loop(0, SCHUNK // 128, block, cnt_vec)

    def start_load(jj, rows_v, cols_v, sem_r, sem_c):
        pltpu.async_copy(rows_hbm.at[pl.ds(jj * SCHUNK, SCHUNK)], rows_v,
                         sem_r)
        pltpu.async_copy(cols_hbm.at[pl.ds(jj * SCHUNK, SCHUNK)], cols_v,
                         sem_c)

    def wait_load(rows_v, cols_v, sem_r, sem_c):
        pltpu.make_async_copy(rows_hbm.at[pl.ds(0, SCHUNK)], rows_v,
                              sem_r).wait()
        pltpu.make_async_copy(cols_hbm.at[pl.ds(0, SCHUNK)], cols_v,
                              sem_c).wait()

    start_load(0, rows_v0, cols_v0, sem_r0, sem_c0)
    start_load(1, rows_v1, cols_v1, sem_r1, sem_c1)

    def chunk2(j, cnt_vec):
        wait_load(rows_v0, cols_v0, sem_r0, sem_c0)
        cnt_vec = process(rows_v0, cols_v0, cnt_vec)
        start_load(jnp.minimum(2 * j + 2, NCHUNKS - 2), rows_v0, cols_v0,
                   sem_r0, sem_c0)
        wait_load(rows_v1, cols_v1, sem_r1, sem_c1)
        cnt_vec = process(rows_v1, cols_v1, cnt_vec)
        start_load(jnp.minimum(2 * j + 3, NCHUNKS - 1), rows_v1, cols_v1,
                   sem_r1, sem_c1)
        return cnt_vec

    cnt_vec = lax.fori_loop(0, NCHUNKS // 2, chunk2,
                            jnp.zeros((16,), jnp.int32))
    wait_load(rows_v0, cols_v0, sem_r0, sem_c0)
    wait_load(rows_v1, cols_v1, sem_r1, sem_c1)
    cnt = cnt_vec[0]
    for i in range(8):
        pls[pl.ds(cnt + i * 16, 16)] = jnp.full((16,), SPT, jnp.int32)
        pcols[pl.ds(cnt + i * 16, 16)] = jnp.zeros((16,), jnp.int32)

    @pl.when(cnt > 0)
    def _():
        flush()

    pltpu.sync_copy(acc_v.at[pl.ds(0, DUMP)],
                    acc_out.at[pl.ds(wid * DUMP, DUMP)])


@functools.partial(
    pl.kernel,
    mesh=_mesh,
    out_type=jax.ShapeDtypeStruct((B, ROWW), jnp.float32),
    compiler_params=_sc_params,
    scratch_types=[
        pltpu.VMEM((N_PAD,), jnp.int32),
        pltpu.VMEM((128,), jnp.int32),
        pltpu.VMEM((128,), jnp.int32),
        pltpu.VMEM((128, ROWW), jnp.float32),
        pltpu.VMEM((128,), jnp.float32),
        pltpu.SemaphoreType.DMA,
    ],
)
def _finalize(nodes_hbm, slot_hbm, acc2d_hbm, out_hbm,
              slot_v, nodes_v, slots_v, buf, rec, sem):
    c = lax.axis_index("c")
    s = lax.axis_index("s")
    wid = c * 16 + s
    base = wid * 128
    pltpu.sync_copy(slot_hbm, slot_v)
    pltpu.sync_copy(nodes_hbm.at[pl.ds(base, 128)], nodes_v)
    for i in range(8):
        n16 = nodes_v[pl.ds(i * 16, 16)]
        slots_v[pl.ds(i * 16, 16)] = plsc.load_gather(slot_v, [n16])
    pltpu.async_copy(acc2d_hbm.at[slots_v], buf, sem).wait()
    colD = jnp.full((16,), D, jnp.int32)
    for i in range(8):
        dd = plsc.load_gather(buf, [lax.iota(jnp.int32, 16) + i * 16, colD])
        dd = jnp.where(dd == 0.0, jnp.ones((16,), jnp.float32), dd)
        rec[pl.ds(i * 16, 16)] = 1.0 / dd

    zero16 = jnp.zeros((16,), jnp.int32)

    def row(r, carry):
        rv = plsc.load_gather(rec, [zero16 + r])
        for i in range(D // 16):
            buf[r, pl.ds(i * 16, 16)] = buf[r, pl.ds(i * 16, 16)] * rv
        return carry

    lax.fori_loop(0, 128, row, 0)
    pltpu.sync_copy(buf, out_hbm.at[pl.ds(base, 128)])


def kernel(nodes, edge_index, features, W1, b1, W2, b2):
    new_emb = _mlp(features, W1, b1, W2, b2)
    slot = _build_slots(nodes)
    acc_flat = _aggregate(edge_index[0], edge_index[1], slot, new_emb)
    acc2d = acc_flat.reshape(B, ROWW)
    out = _finalize(nodes, slot, acc2d)
    return out[:, :D]

# --- scband reference (transcript-rebuilt; emitter-appended) ---
"""Pipeline reference for scband-mean-aggregator-41412074668238 (READ-ONLY COPY).

The authoritative reference and input builder live on the scoring server;
editing this copy changes nothing except your own understanding.
"""

import jax, jax.numpy as jnp
import numpy as np

N = 10000
E = 160000
IN_DIM = 256
OUT_DIM = 256
B = 4096


def setup_inputs(seed: int = 0) -> dict:
    key = jax.random.key(seed)
    ks = jax.random.split(key, 8)
    nodes = jax.random.randint(ks[0], (B,), 0, N, dtype=jnp.int32)
    edge_index = jax.random.randint(ks[1], (2, E), 0, N, dtype=jnp.int32)
    features = jax.random.normal(ks[2], (N, IN_DIM), dtype=jnp.float32)
    W1 = jax.random.normal(ks[3], (IN_DIM, OUT_DIM), dtype=jnp.float32) * 0.05
    b1 = jax.random.normal(ks[4], (OUT_DIM,), dtype=jnp.float32) * 0.05
    W2 = jax.random.normal(ks[5], (OUT_DIM, OUT_DIM), dtype=jnp.float32) * 0.05
    b2 = jax.random.normal(ks[6], (OUT_DIM,), dtype=jnp.float32) * 0.05
    return {"nodes": nodes, "edge_index": edge_index, "features": features,
            "W1": W1, "b1": b1, "W2": W2, "b2": b2}


def reference(nodes, edge_index, features, W1, b1, W2, b2):
    # out_linear: Linear -> Tanh -> Linear, applied to raw node features
    new_emb = jnp.tanh(features @ W1 + b1) @ W2 + b2
    rows = edge_index[0]
    cols = edge_index[1]
    # sparse A @ new_emb : scatter-add neighbor embeddings into row (dst) slots
    agg = jnp.zeros((N, OUT_DIM), dtype=new_emb.dtype).at[rows].add(new_emb[cols])
    # denom = A @ ones : per-row degree (duplicate edges counted, matching coalesce-sum)
    deg = jnp.zeros((N,), dtype=new_emb.dtype).at[rows].add(1.0)
    deg = jnp.where(deg == 0.0, 1.0, deg)
    out = agg / deg[:, None]
    # select the batch nodes
    return out[nodes]

if __name__ == "__main__":
    import jax
    _d = setup_inputs()
    print(jax.jit(kernel)(*tuple(_d.values())))

</pallas_src>

<mosaic_0001>
#map = affine_map<(d0, d1) -> (0)>
#map1 = affine_map<(d0, d1) -> (0, 0)>
module attributes {stable_mosaic.version = 14 : i64} {
  func.func @_aggregate(%arg0: i32, %arg1: i32, %arg2: memref<160000xi32, #tpu.memory_space<hbm>>, %arg3: memref<160000xi32, #tpu.memory_space<hbm>>, %arg4: memref<10240xi32, #tpu.memory_space<hbm>>, %arg5: memref<10000x256xf32, #tpu.memory_space<hbm>>, %arg6: memref<1572864xf32, #tpu.memory_space<hbm>>, %arg7: memref<10240xi32, #tpu.memory_space<vmem>>, %arg8: memref<3200xi32, #tpu.memory_space<vmem>>, %arg9: memref<3200xi32, #tpu.memory_space<vmem>>, %arg10: memref<3200xi32, #tpu.memory_space<vmem>>, %arg11: memref<3200xi32, #tpu.memory_space<vmem>>, %arg12: memref<256xi32, #tpu.memory_space<vmem>>, %arg13: memref<256xi32, #tpu.memory_space<vmem>>, %arg14: memref<49536xf32, #tpu.memory_space<vmem>>, %arg15: memref<128x256xf32, #tpu.memory_space<vmem>>, %arg16: memref<!tpu.dma_semaphore, #tpu.memory_space<semaphore_mem>>, %arg17: memref<!tpu.dma_semaphore, #tpu.memory_space<semaphore_mem>>, %arg18: memref<!tpu.dma_semaphore, #tpu.memory_space<semaphore_mem>>, %arg19: memref<!tpu.dma_semaphore, #tpu.memory_space<semaphore_mem>>, %arg20: memref<!tpu.dma_semaphore, #tpu.memory_space<semaphore_mem>>) attributes {dimension_semantics = [#tpu.dimension_semantics<core_parallel>, #tpu.dimension_semantics<subcore_parallel>], iteration_bounds = array<i64: 2, 16>, scalar_prefetch = 0 : i64, scratch_operands = 14 : i64, tpu.core_type = #tpu.core_type<sc_vector_subcore>, window_params = [{transform_indices = #map}, {transform_indices = #map}, {transform_indices = #map}, {transform_indices = #map1}, {transform_indices = #map}]} {
    %mul3A = arith.constant 16 : i32
    %mul3A_0 = arith.muli %arg0, %mul3A : i32
    %add3A = arith.addi %mul3A_0, %arg1 : i32
    %mul3A_1 = arith.constant 128 : i32
    %mul3A_2 = arith.muli %add3A, %mul3A_1 : i32
    "tpu.region"() ({
      %run_scoped3A = tpu.sem_alloc : memref<!tpu.dma_semaphore, #tpu.memory_space<semaphore_mem>>
      tpu.enqueue_dma source(%arg4 : memref<10240xi32, #tpu.memory_space<hbm>>) target(%arg7 : memref<10240xi32, #tpu.memory_space<vmem>>) target_semaphore(%run_scoped3A : memref<!tpu.dma_semaphore, #tpu.memory_space<semaphore_mem>>)
      tpu.wait_dma2 semaphore(%run_scoped3A : memref<!tpu.dma_semaphore, #tpu.memory_space<semaphore_mem>>) src(%arg4 : memref<10240xi32, #tpu.memory_space<hbm>>) dst(%arg7 : memref<10240xi32, #tpu.memory_space<vmem>>)
      tpu.yield
    }) : () -> ()
    %scan3A = arith.constant 0 : i32
    %scan3A_3 = arith.constant 0 : i32
    %scan3A_4 = arith.constant 3096 : i32
    %scan3A_5 = arith.addi %scan3A_3, %scan3A_4 : i32
    %scan3A_6 = arith.constant 1 : i32
    scf.for %scan3A_149 = %scan3A_3 to %scan3A_5 step %scan3A_6  : i32 {
      %broadcast_in_dim3A_150 = arith.constant 0.000000e+00 : f32
      %broadcast_in_dim3A_151 = vector.broadcast %broadcast_in_dim3A_150 : f32 to vector<16xf32>
      %mul3A_152 = arith.constant 16 : i32
      %mul3A_153 = arith.muli %scan3A_149, %mul3A_152 : i32
      %swap3A_154 = arith.index_cast %mul3A_153 : i32 to index
      %swap3A_155 = tpu.vector_load %arg14[%swap3A_154] {strides = array<i32>} : memref<49536xf32, #tpu.memory_space<vmem>>, vector<16xf32>,
      tpu.vector_store %arg14[%swap3A_154], %broadcast_in_dim3A_151 {strides = array<i32>} : memref<49536xf32, #tpu.memory_space<vmem>>, vector<16xf32>,
    }
    %scan3A_7 = arith.constant 3096 : i32
    %iota3A = tpu.iota {dimensions = array<i32: 0>} : vector<16xi32>
    %eq3A = arith.constant 0 : i32
    %eq3A_8 = vector.broadcast %eq3A : i32 to vector<16xi32>
    %eq3A_9 = arith.cmpi eq, %iota3A, %eq3A_8 : vector<16xi32>
    %jit3A = arith.constant 1.000000e+00 : f32
    %jit3A_10 = arith.constant 0.000000e+00 : f32
    %broadcast_in_dim3A = vector.broadcast %jit3A : f32 to vector<16xf32>
    %broadcast_in_dim3A_11 = vector.broadcast %jit3A_10 : f32 to vector<16xf32>
    %select_n3A = arith.select %eq3A_9, %broadcast_in_dim3A, %broadcast_in_dim3A_11 : vector<16xi1>, vector<16xf32>
    %dma_start3A = arith.constant 0 : i32
    %dma_start3A_12 = tpu.memref_slice %arg2[%dma_start3A] : memref<160000xi32, #tpu.memory_space<hbm>> -> memref<3200xi32, #tpu.memory_space<hbm>>
    %dma_start3A_13 = arith.constant 0 : i32
    %dma_start3A_14 = tpu.memref_slice %arg2[%dma_start3A_13] : memref<160000xi32, #tpu.memory_space<hbm>> -> memref<3200xi32, #tpu.memory_space<hbm>>
    tpu.enqueue_dma source(%dma_start3A_14 : memref<3200xi32, #tpu.memory_space<hbm>>) target(%arg8 : memref<3200xi32, #tpu.memory_space<vmem>>) target_semaphore(%arg17 : memref<!tpu.dma_semaphore, #tpu.memory_space<semaphore_mem>>)
    %dma_start3A_15 = arith.constant 0 : i32
    %dma_start3A_16 = tpu.memref_slice %arg3[%dma_start3A_15] : memref<160000xi32, #tpu.memory_space<hbm>> -> memref<3200xi32, #tpu.memory_space<hbm>>
    %dma_start3A_17 = arith.constant 0 : i32
    %dma_start3A_18 = tpu.memref_slice %arg3[%dma_start3A_17] : memref<160000xi32, #tpu.memory_space<hbm>> -> memref<3200xi32, #tpu.memory_space<hbm>>
    tpu.enqueue_dma source(%dma_start3A_18 : memref<3200xi32, #tpu.memory_space<hbm>>) target(%arg9 : memref<3200xi32, #tpu.memory_space<vmem>>) target_semaphore(%arg18 : memref<!tpu.dma_semaphore, #tpu.memory_space<semaphore_mem>>)
    %dma_start3A_19 = arith.constant 3200 : i32
    %dma_start3A_20 = tpu.memref_slice %arg2[%dma_start3A_19] : memref<160000xi32, #tpu.memory_space<hbm>> -> memref<3200xi32, #tpu.memory_space<hbm>>
    %dma_start3A_21 = arith.constant 3200 : i32
    %dma_start3A_22 = tpu.memref_slice %arg2[%dma_start3A_21] : memref<160000xi32, #tpu.memory_space<hbm>> -> memref<3200xi32, #tpu.memory_space<hbm>>
    tpu.enqueue_dma source(%dma_start3A_22 : memref<3200xi32, #tpu.memory_space<hbm>>) target(%arg10 : memref<3200xi32, #tpu.memory_space<vmem>>) target_semaphore(%arg19 : memref<!tpu.dma_semaphore, #tpu.memory_space<semaphore_mem>>)
    %dma_start3A_23 = arith.constant 3200 : i32
    %dma_start3A_24 = tpu.memref_slice %arg3[%dma_start3A_23] : memref<160000xi32, #tpu.memory_space<hbm>> -> memref<3200xi32, #tpu.memory_space<hbm>>
    %dma_start3A_25 = arith.constant 3200 : i32
    %dma_start3A_26 = tpu.memref_slice %arg3[%dma_start3A_25] : memref<160000xi32, #tpu.memory_space<hbm>> -> memref<3200xi32, #tpu.memory_space<hbm>>
    tpu.enqueue_dma source(%dma_start3A_26 : memref<3200xi32, #tpu.memory_space<hbm>>) target(%arg11 : memref<3200xi32, #tpu.memory_space<vmem>>) target_semaphore(%arg20 : memref<!tpu.dma_semaphore, #tpu.memory_space<semaphore_mem>>)
    %broadcast_in_dim3A_27 = arith.constant 0 : i32
    %broadcast_in_dim3A_28 = vector.broadcast %broadcast_in_dim3A_27 : i32 to vector<16xi32>
    %scan3A_29 = arith.constant 0 : i32
    %scan3A_30 = arith.constant 25 : i32
    %scan3A_31 = arith.addi %scan3A_29, %scan3A_30 : i32
    %scan3A_32 = arith.constant 1 : i32
    %scan3A_33 = scf.for %scan3A_149 = %scan3A_29 to %scan3A_31 step %scan3A_32 iter_args(%scan3A_150 = %broadcast_in_dim3A_28) -> (vector<16xi32>)  : i32 {
      %dma_wait3A_151 = arith.constant 0 : i32
      %dma_wait3A_152 = tpu.memref_slice %arg2[%dma_wait3A_151] : memref<160000xi32, #tpu.memory_space<hbm>> -> memref<3200xi32, #tpu.memory_space<hbm>>
      %dma_wait3A_153 = arith.constant 0 : i32
      %dma_wait3A_154 = tpu.memref_slice %arg2[%dma_wait3A_153] : memref<160000xi32, #tpu.memory_space<hbm>> -> memref<3200xi32, #tpu.memory_space<hbm>>
      tpu.wait_dma2 semaphore(%arg17 : memref<!tpu.dma_semaphore, #tpu.memory_space<semaphore_mem>>) src(%dma_wait3A_154 : memref<3200xi32, #tpu.memory_space<hbm>>) dst(%arg8 : memref<3200xi32, #tpu.memory_space<vmem>>)
      %dma_wait3A_155 = arith.constant 0 : i32
      %dma_wait3A_156 = tpu.memref_slice %arg3[%dma_wait3A_155] : memref<160000xi32, #tpu.memory_space<hbm>> -> memref<3200xi32, #tpu.memory_space<hbm>>
      %dma_wait3A_157 = arith.constant 0 : i32
      %dma_wait3A_158 = tpu.memref_slice %arg3[%dma_wait3A_157] : memref<160000xi32, #tpu.memory_space<hbm>> -> memref<3200xi32, #tpu.memory_space<hbm>>
      tpu.wait_dma2 semaphore(%arg18 : memref<!tpu.dma_semaphore, #tpu.memory_space<semaphore_mem>>) src(%dma_wait3A_158 : memref<3200xi32, #tpu.memory_space<hbm>>) dst(%arg9 : memref<3200xi32, #tpu.memory_space<vmem>>)
      %scan3A_159 = arith.constant 0 : i32
      %scan3A_160 = arith.constant 25 : i32
      %scan3A_161 = arith.addi %scan3A_159, %scan3A_160 : i32
      %scan3A_162 = arith.constant 1 : i32
      %scan3A_163 = scf.for %scan3A_206 = %scan3A_159 to %scan3A_161 step %scan3A_162 iter_args(%scan3A_207 = %scan3A_150) -> (vector<16xi32>)  : i32 {
        %mul3A_208 = arith.constant 128 : i32
        %mul3A_209 = arith.muli %scan3A_206, %mul3A_208 : i32
        %add3A_210 = arith.constant 0 : i32
        %add3A_211 = arith.addi %mul3A_209, %add3A_210 : i32
        %get3A = arith.index_cast %add3A_211 : i32 to index
        %get3A_212 = tpu.vector_load %arg8[%get3A] {strides = array<i32>} : memref<3200xi32, #tpu.memory_space<vmem>>, vector<16xi32>,
        %gather3A = tpu.vector_load_idx %arg7[%get3A_212] : memref<10240xi32, #tpu.memory_space<vmem>>[vector<16xi32>], vector<16xi32>,
        %sub3A = vector.broadcast %mul3A_2 : i32 to vector<16xi32>
        %sub3A_213 = arith.subi %gather3A, %sub3A : vector<16xi32>
        %ge3A = arith.constant 0 : i32
        %ge3A_214 = vector.broadcast %ge3A : i32 to vector<16xi32>
        %ge3A_215 = arith.cmpi sge, %sub3A_213, %ge3A_214 : vector<16xi32>
        %lt3A = arith.constant 128 : i32
        %lt3A_216 = vector.broadcast %lt3A : i32 to vector<16xi32>
        %lt3A_217 = arith.cmpi slt, %sub3A_213, %lt3A_216 : vector<16xi32>
        %and3A = arith.andi %ge3A_215, %lt3A_217 : vector<16xi1>
        %get3A_218 = arith.index_cast %add3A_211 : i32 to index
        %get3A_219 = tpu.vector_load %arg9[%get3A_218] {strides = array<i32>} : memref<3200xi32, #tpu.memory_space<vmem>>, vector<16xi32>,
        %broadcast_in_dim3A_220 = arith.constant 1 : i32
        %broadcast_in_dim3A_221 = vector.broadcast %broadcast_in_dim3A_220 : i32 to vector<16xi32>
        %broadcast_in_dim3A_222 = arith.constant 0 : i32
        %broadcast_in_dim3A_223 = vector.broadcast %broadcast_in_dim3A_222 : i32 to vector<16xi32>
        %select_n3A_224 = arith.select %and3A, %broadcast_in_dim3A_221, %broadcast_in_dim3A_223 : vector<16xi1>, vector<16xi32>
        %broadcast_in_dim3A_225 = arith.constant true
        %broadcast_in_dim3A_226 = vector.broadcast %broadcast_in_dim3A_225 : i1 to vector<16xi1>
        %masked_cumsum3A = tpu.scan <sum>, %select_n3A_224 masked %broadcast_in_dim3A_226 : vector<16xi32>, vector<16xi1> -> vector<16xi32>
        %add3A_227 = arith.addi %masked_cumsum3A, %scan3A_207 : vector<16xi32>
        %sub3A_228 = arith.constant 1 : i32
        %sub3A_229 = vector.broadcast %sub3A_228 : i32 to vector<16xi32>
        %sub3A_230 = arith.subi %add3A_227, %sub3A_229 : vector<16xi32>
        tpu.vector_store_idx %arg12[%sub3A_230], %get3A_219 masked %and3A : memref<256xi32, #tpu.memory_space<vmem>>[vector<16xi32>], vector<16xi32>, vector<16xi1>
        tpu.vector_store_idx %arg13[%sub3A_230], %sub3A_213 masked %and3A : memref<256xi32, #tpu.memory_space<vmem>>[vector<16xi32>], vector<16xi32>, vector<16xi1>
        %all_reduce_population_count3A = tpu.all_reduce %and3A {dim = 0 : i64, kind = #tpu.reduction_kind<sum>} : vector<16xi1> -> vector<16xi32>
        %add3A_231 = arith.addi %scan3A_207, %all_reduce_population_count3A : vector<16xi32>
        %mul3A_232 = arith.constant 128 : i32
        %mul3A_233 = arith.muli %scan3A_206, %mul3A_232 : i32
        %add3A_234 = arith.constant 16 : i32
        %add3A_235 = arith.addi %mul3A_233, %add3A_234 : i32
        %get3A_236 = arith.index_cast %add3A_235 : i32 to index
        %get3A_237 = tpu.vector_load %arg8[%get3A_236] {strides = array<i32>} : memref<3200xi32, #tpu.memory_space<vmem>>, vector<16xi32>,
        %gather3A_238 = tpu.vector_load_idx %arg7[%get3A_237] : memref<10240xi32, #tpu.memory_space<vmem>>[vector<16xi32>], vector<16xi32>,
        %sub3A_239 = vector.broadcast %mul3A_2 : i32 to vector<16xi32>
        %sub3A_240 = arith.subi %gather3A_238, %sub3A_239 : vector<16xi32>
        %ge3A_241 = arith.constant 0 : i32
        %ge3A_242 = vector.broadcast %ge3A_241 : i32 to vector<16xi32>
        %ge3A_243 = arith.cmpi sge, %sub3A_240, %ge3A_242 : vector<16xi32>
        %lt3A_244 = arith.constant 128 : i32
        %lt3A_245 = vector.broadcast %lt3A_244 : i32 to vector<16xi32>
        %lt3A_246 = arith.cmpi slt, %sub3A_240, %lt3A_245 : vector<16xi32>
        %and3A_247 = arith.andi %ge3A_243, %lt3A_246 : vector<16xi1>
        %get3A_248 = arith.index_cast %add3A_235 : i32 to index
        %get3A_249 = tpu.vector_load %arg9[%get3A_248] {strides = array<i32>} : memref<3200xi32, #tpu.memory_space<vmem>>, vector<16xi32>,
        %broadcast_in_dim3A_250 = arith.constant 1 : i32
        %broadcast_in_dim3A_251 = vector.broadcast %broadcast_in_dim3A_250 : i32 to vector<16xi32>
        %broadcast_in_dim3A_252 = arith.constant 0 : i32
        %broadcast_in_dim3A_253 = vector.broadcast %broadcast_in_dim3A_252 : i32 to vector<16xi32>
        %select_n3A_254 = arith.select %and3A_247, %broadcast_in_dim3A_251, %broadcast_in_dim3A_253 : vector<16xi1>, vector<16xi32>
        %broadcast_in_dim3A_255 = arith.constant true
        %broadcast_in_dim3A_256 = vector.broadcast %broadcast_in_dim3A_255 : i1 to vector<16xi1>
        %masked_cumsum3A_257 = tpu.scan <sum>, %select_n3A_254 masked %broadcast_in_dim3A_256 : vector<16xi32>, vector<16xi1> -> vector<16xi32>
        %add3A_258 = arith.addi %masked_cumsum3A_257, %add3A_231 : vector<16xi32>
        %sub3A_259 = arith.constant 1 : i32
        %sub3A_260 = vector.broadcast %sub3A_259 : i32 to vector<16xi32>
        %sub3A_261 = arith.subi %add3A_258, %sub3A_260 : vector<16xi32>
        tpu.vector_store_idx %arg12[%sub3A_261], %get3A_249 masked %and3A_247 : memref<256xi32, #tpu.memory_space<vmem>>[vector<16xi32>], vector<16xi32>, vector<16xi1>
        tpu.vector_store_idx %arg13[%sub3A_261], %sub3A_240 masked %and3A_247 : memref<256xi32, #tpu.memory_space<vmem>>[vector<16xi32>], vector<16xi32>, vector<16xi1>
        %all_reduce_population_count3A_262 = tpu.all_reduce %and3A_247 {dim = 0 : i64, kind = #tpu.reduction_kind<sum>} : vector<16xi1> -> vector<16xi32>
        %add3A_263 = arith.addi %add3A_231, %all_reduce_population_count3A_262 : vector<16xi32>
        %mul3A_264 = arith.constant 128 : i32
        %mul3A_265 = arith.muli %scan3A_206, %mul3A_264 : i32
        %add3A_266 = arith.constant 32 : i32
        %add3A_267 = arith.addi %mul3A_265, %add3A_266 : i32
        %get3A_268 = arith.index_cast %add3A_267 : i32 to index
        %get3A_269 = tpu.vector_load %arg8[%get3A_268] {strides = array<i32>} : memref<3200xi32, #tpu.memory_space<vmem>>, vector<16xi32>,
        %gather3A_270 = tpu.vector_load_idx %arg7[%get3A_269] : memref<10240xi32, #tpu.memory_space<vmem>>[vector<16xi32>], vector<16xi32>,
        %sub3A_271 = vector.broadcast %mul3A_2 : i32 to vector<16xi32>
        %sub3A_272 = arith.subi %gather3A_270, %sub3A_271 : vector<16xi32>
        %ge3A_273 = arith.constant 0 : i32
        %ge3A_274 = vector.broadcast %ge3A_273 : i32 to vector<16xi32>
        %ge3A_275 = arith.cmpi sge, %sub3A_272, %ge3A_274 : vector<16xi32>
        %lt3A_276 = arith.constant 128 : i32
        %lt3A_277 = vector.broadcast %lt3A_276 : i32 to vector<16xi32>
        %lt3A_278 = arith.cmpi slt, %sub3A_272, %lt3A_277 : vector<16xi32>
        %and3A_279 = arith.andi %ge3A_275, %lt3A_278 : vector<16xi1>
        %get3A_280 = arith.index_cast %add3A_267 : i32 to index
        %get3A_281 = tpu.vector_load %arg9[%get3A_280] {strides = array<i32>} : memref<3200xi32, #tpu.memory_space<vmem>>, vector<16xi32>,
        %broadcast_in_dim3A_282 = arith.constant 1 : i32
        %broadcast_in_dim3A_283 = vector.broadcast %broadcast_in_dim3A_282 : i32 to vector<16xi32>
        %broadcast_in_dim3A_284 = arith.constant 0 : i32
        %broadcast_in_dim3A_285 = vector.broadcast %broadcast_in_dim3A_284 : i32 to vector<16xi32>
        %select_n3A_286 = arith.select %and3A_279, %broadcast_in_dim3A_283, %broadcast_in_dim3A_285 : vector<16xi1>, vector<16xi32>
        %broadcast_in_dim3A_287 = arith.constant true
        %broadcast_in_dim3A_288 = vector.broadcast %broadcast_in_dim3A_287 : i1 to vector<16xi1>
        %masked_cumsum3A_289 = tpu.scan <sum>, %select_n3A_286 masked %broadcast_in_dim3A_288 : vector<16xi32>, vector<16xi1> -> vector<16xi32>
        %add3A_290 = arith.addi %masked_cumsum3A_289, %add3A_263 : vector<16xi32>
        %sub3A_291 = arith.constant 1 : i32
        %sub3A_292 = vector.broadcast %sub3A_291 : i32 to vector<16xi32>
        %sub3A_293 = arith.subi %add3A_290, %sub3A_292 : vector<16xi32>
        tpu.vector_store_idx %arg12[%sub3A_293], %get3A_281 masked %and3A_279 : memref<256xi32, #tpu.memory_space<vmem>>[vector<16xi32>], vector<16xi32>, vector<16xi1>
        tpu.vector_store_idx %arg13[%sub3A_293], %sub3A_272 masked %and3A_279 : memref<256xi32, #tpu.memory_space<vmem>>[vector<16xi32>], vector<16xi32>, vector<16xi1>
        %all_reduce_population_count3A_294 = tpu.all_reduce %and3A_279 {dim = 0 : i64, kind = #tpu.reduction_kind<sum>} : vector<16xi1> -> vector<16xi32>
        %add3A_295 = arith.addi %add3A_263, %all_reduce_population_count3A_294 : vector<16xi32>
        %mul3A_296 = arith.constant 128 : i32
        %mul3A_297 = arith.muli %scan3A_206, %mul3A_296 : i32
        %add3A_298 = arith.constant 48 : i32
        %add3A_299 = arith.addi %mul3A_297, %add3A_298 : i32
        %get3A_300 = arith.index_cast %add3A_299 : i32 to index
        %get3A_301 = tpu.vector_load %arg8[%get3A_300] {strides = array<i32>} : memref<3200xi32, #tpu.memory_space<vmem>>, vector<16xi32>,
        %gather3A_302 = tpu.vector_load_idx %arg7[%get3A_301] : memref<10240xi32, #tpu.memory_space<vmem>>[vector<16xi32>], vector<16xi32>,
        %sub3A_303 = vector.broadcast %mul3A_2 : i32 to vector<16xi32>
        %sub3A_304 = arith.subi %gather3A_302, %sub3A_303 : vector<16xi32>
        %ge3A_305 = arith.constant 0 : i32
        %ge3A_306 = vector.broadcast %ge3A_305 : i32 to vector<16xi32>
        %ge3A_307 = arith.cmpi sge, %sub3A_304, %ge3A_306 : vector<16xi32>
        %lt3A_308 = arith.constant 128 : i32
        %lt3A_309 = vector.broadcast %lt3A_308 : i32 to vector<16xi32>
        %lt3A_310 = arith.cmpi slt, %sub3A_304, %lt3A_309 : vector<16xi32>
        %and3A_311 = arith.andi %ge3A_307, %lt3A_310 : vector<16xi1>
        %get3A_312 = arith.index_cast %add3A_299 : i32 to index
        %get3A_313 = tpu.vector_load %arg9[%get3A_312] {strides = array<i32>} : memref<3200xi32, #tpu.memory_space<vmem>>, vector<16xi32>,
        %broadcast_in_dim3A_314 = arith.constant 1 : i32
        %broadcast_in_dim3A_315 = vector.broadcast %broadcast_in_dim3A_314 : i32 to vector<16xi32>
        %broadcast_in_dim3A_316 = arith.constant 0 : i32
        %broadcast_in_dim3A_317 = vector.broadcast %broadcast_in_dim3A_316 : i32 to vector<16xi32>
        %select_n3A_318 = arith.select %and3A_311, %broadcast_in_dim3A_315, %broadcast_in_dim3A_317 : vector<16xi1>, vector<16xi32>
        %broadcast_in_dim3A_319 = arith.constant true
        %broadcast_in_dim3A_320 = vector.broadcast %broadcast_in_dim3A_319 : i1 to vector<16xi1>
        %masked_cumsum3A_321 = tpu.scan <sum>, %select_n3A_318 masked %broadcast_in_dim3A_320 : vector<16xi32>, vector<16xi1> -> vector<16xi32>
        %add3A_322 = arith.addi %masked_cumsum3A_321, %add3A_295 : vector<16xi32>
        %sub3A_323 = arith.constant 1 : i32
        %sub3A_324 = vector.broadcast %sub3A_323 : i32 to vector<16xi32>
        %sub3A_325 = arith.subi %add3A_322, %sub3A_324 : vector<16xi32>
        tpu.vector_store_idx %arg12[%sub3A_325], %get3A_313 masked %and3A_311 : memref<256xi32, #tpu.memory_space<vmem>>[vector<16xi32>], vector<16xi32>, vector<16xi1>
        tpu.vector_store_idx %arg13[%sub3A_325], %sub3A_304 masked %and3A_311 : memref<256xi32, #tpu.memory_space<vmem>>[vector<16xi32>], vector<16xi32>, vector<16xi1>
        %all_reduce_population_count3A_326 = tpu.all_reduce %and3A_311 {dim = 0 : i64, kind = #tpu.reduction_kind<sum>} : vector<16xi1> -> vector<16xi32>
        %add3A_327 = arith.addi %add3A_295, %all_reduce_population_count3A_326 : vector<16xi32>
        %mul3A_328 = arith.constant 128 : i32
        %mul3A_329 = arith.muli %scan3A_206, %mul3A_328 : i32
        %add3A_330 = arith.constant 64 : i32
        %add3A_331 = arith.addi %mul3A_329, %add3A_330 : i32
        %get3A_332 = arith.index_cast %add3A_331 : i32 to index
        %get3A_333 = tpu.vector_load %arg8[%get3A_332] {strides = array<i32>} : memref<3200xi32, #tpu.memory_space<vmem>>, vector<16xi32>,
        %gather3A_334 = tpu.vector_load_idx %arg7[%get3A_333] : memref<10240xi32, #tpu.memory_space<vmem>>[vector<16xi32>], vector<16xi32>,
        %sub3A_335 = vector.broadcast %mul3A_2 : i32 to vector<16xi32>
        %sub3A_336 = arith.subi %gather3A_334, %sub3A_335 : vector<16xi32>
        %ge3A_337 = arith.constant 0 : i32
        %ge3A_338 = vector.broadcast %ge3A_337 : i32 to vector<16xi32>
        %ge3A_339 = arith.cmpi sge, %sub3A_336, %ge3A_338 : vector<16xi32>
        %lt3A_340 = arith.constant 128 : i32
        %lt3A_341 = vector.broadcast %lt3A_340 : i32 to vector<16xi32>
        %lt3A_342 = arith.cmpi slt, %sub3A_336, %lt3A_341 : vector<16xi32>
        %and3A_343 = arith.andi %ge3A_339, %lt3A_342 : vector<16xi1>
        %get3A_344 = arith.index_cast %add3A_331 : i32 to index
        %get3A_345 = tpu.vector_load %arg9[%get3A_344] {strides = array<i32>} : memref<3200xi32, #tpu.memory_space<vmem>>, vector<16xi32>,
        %broadcast_in_dim3A_346 = arith.constant 1 : i32
        %broadcast_in_dim3A_347 = vector.broadcast %broadcast_in_dim3A_346 : i32 to vector<16xi32>
        %broadcast_in_dim3A_348 = arith.constant 0 : i32
        %broadcast_in_dim3A_349 = vector.broadcast %broadcast_in_dim3A_348 : i32 to vector<16xi32>
        %select_n3A_350 = arith.select %and3A_343, %broadcast_in_dim3A_347, %broadcast_in_dim3A_349 : vector<16xi1>, vector<16xi32>
        %broadcast_in_dim3A_351 = arith.constant true
        %broadcast_in_dim3A_352 = vector.broadcast %broadcast_in_dim3A_351 : i1 to vector<16xi1>
        %masked_cumsum3A_353 = tpu.scan <sum>, %select_n3A_350 masked %broadcast_in_dim3A_352 : vector<16xi32>, vector<16xi1> -> vector<16xi32>
        %add3A_354 = arith.addi %masked_cumsum3A_353, %add3A_327 : vector<16xi32>
        %sub3A_355 = arith.constant 1 : i32
        %sub3A_356 = vector.broadcast %sub3A_355 : i32 to vector<16xi32>
        %sub3A_357 = arith.subi %add3A_354, %sub3A_356 : vector<16xi32>
        tpu.vector_store_idx %arg12[%sub3A_357], %get3A_345 masked %and3A_343 : memref<256xi32, #tpu.memory_space<vmem>>[vector<16xi32>], vector<16xi32>, vector<16xi1>
        tpu.vector_store_idx %arg13[%sub3A_357], %sub3A_336 masked %and3A_343 : memref<256xi32, #tpu.memory_space<vmem>>[vector<16xi32>], vector<16xi32>, vector<16xi1>
        %all_reduce_population_count3A_358 = tpu.all_reduce %and3A_343 {dim = 0 : i64, kind = #tpu.reduction_kind<sum>} : vector<16xi1> -> vector<16xi32>
        %add3A_359 = arith.addi %add3A_327, %all_reduce_population_count3A_358 : vector<16xi32>
        %mul3A_360 = arith.constant 128 : i32
        %mul3A_361 = arith.muli %scan3A_206, %mul3A_360 : i32
        %add3A_362 = arith.constant 80 : i32
        %add3A_363 = arith.addi %mul3A_361, %add3A_362 : i32
        %get3A_364 = arith.index_cast %add3A_363 : i32 to index
        %get3A_365 = tpu.vector_load %arg8[%get3A_364] {strides = array<i32>} : memref<3200xi32, #tpu.memory_space<vmem>>, vector<16xi32>,
        %gather3A_366 = tpu.vector_load_idx %arg7[%get3A_365] : memref<10240xi32, #tpu.memory_space<vmem>>[vector<16xi32>], vector<16xi32>,
        %sub3A_367 = vector.broadcast %mul3A_2 : i32 to vector<16xi32>
        %sub3A_368 = arith.subi %gather3A_366, %sub3A_367 : vector<16xi32>
        %ge3A_369 = arith.constant 0 : i32
        %ge3A_370 = vector.broadcast %ge3A_369 : i32 to vector<16xi32>
        %ge3A_371 = arith.cmpi sge, %sub3A_368, %ge3A_370 : vector<16xi32>
        %lt3A_372 = arith.constant 128 : i32
        %lt3A_373 = vector.broadcast %lt3A_372 : i32 to vector<16xi32>
        %lt3A_374 = arith.cmpi slt, %sub3A_368, %lt3A_373 : vector<16xi32>
        %and3A_375 = arith.andi %ge3A_371, %lt3A_374 : vector<16xi1>
        %get3A_376 = arith.index_cast %add3A_363 : i32 to index
        %get3A_377 = tpu.vector_load %arg9[%get3A_376] {strides = array<i32>} : memref<3200xi32, #tpu.memory_space<vmem>>, vector<16xi32>,
        %broadcast_in_dim3A_378 = arith.constant 1 : i32
        %broadcast_in_dim3A_379 = vector.broadcast %broadcast_in_dim3A_378 : i32 to vector<16xi32>
        %broadcast_in_dim3A_380 = arith.constant 0 : i32
        %broadcast_in_dim3A_381 = vector.broadcast %broadcast_in_dim3A_380 : i32 to vector<16xi32>
        %select_n3A_382 = arith.select %and3A_375, %broadcast_in_dim3A_379, %broadcast_in_dim3A_381 : vector<16xi1>, vector<16xi32>
        %broadcast_in_dim3A_383 = arith.constant true
        %broadcast_in_dim3A_384 = vector.broadcast %broadcast_in_dim3A_383 : i1 to vector<16xi1>
        %masked_cumsum3A_385 = tpu.scan <sum>, %select_n3A_382 masked %broadcast_in_dim3A_384 : vector<16xi32>, vector<16xi1> -> vector<16xi32>
        %add3A_386 = arith.addi %masked_cumsum3A_385, %add3A_359 : vector<16xi32>
        %sub3A_387 = arith.constant 1 : i32
        %sub3A_388 = vector.broadcast %sub3A_387 : i32 to vector<16xi32>
        %sub3A_389 = arith.subi %add3A_386, %sub3A_388 : vector<16xi32>
        tpu.vector_store_idx %arg12[%sub3A_389], %get3A_377 masked %and3A_375 : memref<256xi32, #tpu.memory_space<vmem>>[vector<16xi32>], vector<16xi32>, vector<16xi1>
        tpu.vector_store_idx %arg13[%sub3A_389], %sub3A_368 masked %and3A_375 : memref<256xi32, #tpu.memory_space<vmem>>[vector<16xi32>], vector<16xi32>, vector<16xi1>
        %all_reduce_population_count3A_390 = tpu.all_reduce %and3A_375 {dim = 0 : i64, kind = #tpu.reduction_kind<sum>} : vector<16xi1> -> vector<16xi32>
        %add3A_391 = arith.addi %add3A_359, %all_reduce_population_count3A_390 : vector<16xi32>
        %mul3A_392 = arith.constant 128 : i32
        %mul3A_393 = arith.muli %scan3A_206, %mul3A_392 : i32
        %add3A_394 = arith.constant 96 : i32
        %add3A_395 = arith.addi %mul3A_393, %add3A_394 : i32
        %get3A_396 = arith.index_cast %add3A_395 : i32 to index
        %get3A_397 = tpu.vector_load %arg8[%get3A_396] {strides = array<i32>} : memref<3200xi32, #tpu.memory_space<vmem>>, vector<16xi32>,
        %gather3A_398 = tpu.vector_load_idx %arg7[%get3A_397] : memref<10240xi32, #tpu.memory_space<vmem>>[vector<16xi32>], vector<16xi32>,
        %sub3A_399 = vector.broadcast %mul3A_2 : i32 to vector<16xi32>
        %sub3A_400 = arith.subi %gather3A_398, %sub3A_399 : vector<16xi32>
        %ge3A_401 = arith.constant 0 : i32
        %ge3A_402 = vector.broadcast %ge3A_401 : i32 to vector<16xi32>
        %ge3A_403 = arith.cmpi sge, %sub3A_400, %ge3A_402 : vector<16xi32>
        %lt3A_404 = arith.constant 128 : i32
        %lt3A_405 = vector.broadcast %lt3A_404 : i32 to vector<16xi32>
        %lt3A_406 = arith.cmpi slt, %sub3A_400, %lt3A_405 : vector<16xi32>
        %and3A_407 = arith.andi %ge3A_403, %lt3A_406 : vector<16xi1>
        %get3A_408 = arith.index_cast %add3A_395 : i32 to index
        %get3A_409 = tpu.vector_load %arg9[%get3A_408] {strides = array<i32>} : memref<3200xi32, #tpu.memory_space<vmem>>, vector<16xi32>,
        %broadcast_in_dim3A_410 = arith.constant 1 : i32
        %broadcast_in_dim3A_411 = vector.broadcast %broadcast_in_dim3A_410 : i32 to vector<16xi32>
        %broadcast_in_dim3A_412 = arith.constant 0 : i32
        %broadcast_in_dim3A_413 = vector.broadcast %broadcast_in_dim3A_412 : i32 to vector<16xi32>
        %select_n3A_414 = arith.select %and3A_407, %broadcast_in_dim3A_411, %broadcast_in_dim3A_413 : vector<16xi1>, vector<16xi32>
        %broadcast_in_dim3A_415 = arith.constant true
        %broadcast_in_dim3A_416 = vector.broadcast %broadcast_in_dim3A_415 : i1 to vector<16xi1>
        %masked_cumsum3A_417 = tpu.scan <sum>, %select_n3A_414 masked %broadcast_in_dim3A_416 : vector<16xi32>, vector<16xi1> -> vector<16xi32>
        %add3A_418 = arith.addi %masked_cumsum3A_417, %add3A_391 : vector<16xi32>
        %sub3A_419 = arith.constant 1 : i32
        %sub3A_420 = vector.broadcast %sub3A_419 : i32 to vector<16xi32>
        %sub3A_421 = arith.subi %add3A_418, %sub3A_420 : vector<16xi32>
        tpu.vector_store_idx %arg12[%sub3A_421], %get3A_409 masked %and3A_407 : memref<256xi32, #tpu.memory_space<vmem>>[vector<16xi32>], vector<16xi32>, vector<16xi1>
        tpu.vector_store_idx %arg13[%sub3A_421], %sub3A_400 masked %and3A_407 : memref<256xi32, #tpu.memory_space<vmem>>[vector<16xi32>], vector<16xi32>, vector<16xi1>
        %all_reduce_population_count3A_422 = tpu.all_reduce %and3A_407 {dim = 0 : i64, kind = #tpu.reduction_kind<sum>} : vector<16xi1> -> vector<16xi32>
        %add3A_423 = arith.addi %add3A_391, %all_reduce_population_count3A_422 : vector<16xi32>
        %mul3A_424 = arith.constant 128 : i32
        %mul3A_425 = arith.muli %scan3A_206, %mul3A_424 : i32
        %add3A_426 = arith.constant 112 : i32
        %add3A_427 = arith.addi %mul3A_425, %add3A_426 : i32
        %get3A_428 = arith.index_cast %add3A_427 : i32 to index
        %get3A_429 = tpu.vector_load %arg8[%get3A_428] {strides = array<i32>} : memref<3200xi32, #tpu.memory_space<vmem>>, vector<16xi32>,
        %gather3A_430 = tpu.vector_load_idx %arg7[%get3A_429] : memref<10240xi32, #tpu.memory_space<vmem>>[vector<16xi32>], vector<16xi32>,
        %sub3A_431 = vector.broadcast %mul3A_2 : i32 to vector<16xi32>
        %sub3A_432 = arith.subi %gather3A_430, %sub3A_431 : vector<16xi32>
        %ge3A_433 = arith.constant 0 : i32
        %ge3A_434 = vector.broadcast %ge3A_433 : i32 to vector<16xi32>
        %ge3A_435 = arith.cmpi sge, %sub3A_432, %ge3A_434 : vector<16xi32>
        %lt3A_436 = arith.constant 128 : i32
        %lt3A_437 = vector.broadcast %lt3A_436 : i32 to vector<16xi32>
        %lt3A_438 = arith.cmpi slt, %sub3A_432, %lt3A_437 : vector<16xi32>
        %and3A_439 = arith.andi %ge3A_435, %lt3A_438 : vector<16xi1>
        %get3A_440 = arith.index_cast %add3A_427 : i32 to index
        %get3A_441 = tpu.vector_load %arg9[%get3A_440] {strides = array<i32>} : memref<3200xi32, #tpu.memory_space<vmem>>, vector<16xi32>,
        %broadcast_in_dim3A_442 = arith.constant 1 : i32
        %broadcast_in_dim3A_443 = vector.broadcast %broadcast_in_dim3A_442 : i32 to vector<16xi32>
        %broadcast_in_dim3A_444 = arith.constant 0 : i32
        %broadcast_in_dim3A_445 = vector.broadcast %broadcast_in_dim3A_444 : i32 to vector<16xi32>
        %select_n3A_446 = arith.select %and3A_439, %broadcast_in_dim3A_443, %broadcast_in_dim3A_445 : vector<16xi1>, vector<16xi32>
        %broadcast_in_dim3A_447 = arith.constant true
        %broadcast_in_dim3A_448 = vector.broadcast %broadcast_in_dim3A_447 : i1 to vector<16xi1>
        %masked_cumsum3A_449 = tpu.scan <sum>, %select_n3A_446 masked %broadcast_in_dim3A_448 : vector<16xi32>, vector<16xi1> -> vector<16xi32>
        %add3A_450 = arith.addi %masked_cumsum3A_449, %add3A_423 : vector<16xi32>
        %sub3A_451 = arith.constant 1 : i32
        %sub3A_452 = vector.broadcast %sub3A_451 : i32 to vector<16xi32>
        %sub3A_453 = arith.subi %add3A_450, %sub3A_452 : vector<16xi32>
        tpu.vector_store_idx %arg12[%sub3A_453], %get3A_441 masked %and3A_439 : memref<256xi32, #tpu.memory_space<vmem>>[vector<16xi32>], vector<16xi32>, vector<16xi1>
        tpu.vector_store_idx %arg13[%sub3A_453], %sub3A_432 masked %and3A_439 : memref<256xi32, #tpu.memory_space<vmem>>[vector<16xi32>], vector<16xi32>, vector<16xi1>
        %all_reduce_population_count3A_454 = tpu.all_reduce %and3A_439 {dim = 0 : i64, kind = #tpu.reduction_kind<sum>} : vector<16xi1> -> vector<16xi32>
        %add3A_455 = arith.addi %add3A_423, %all_reduce_population_count3A_454 : vector<16xi32>
        %slice3A_456 = vector.extract_strided_slice %add3A_455 {offsets = [0], sizes = [1], strides = [1]} : vector<16xi32> to vector<1xi32>
        %squeeze3A_457 = vector.extract %slice3A_456[0] : i32 from vector<1xi32>
        %ge3A_458 = arith.constant 128 : i32
        %ge3A_459 = arith.cmpi sge, %squeeze3A_457, %ge3A_458 : i32
        %convert_element_type3A_460 = arith.extui %ge3A_459 : i1 to i32
        %cond3A_461 = arith.constant 0 : i32
        %cond3A_462 = arith.cmpi ne, %convert_element_type3A_460, %cond3A_461 : i32
        scf.if %cond3A_462 {
          %dma_start3A_469 = arith.constant 0 : i32
          %dma_start3A_470 = tpu.memref_slice %arg12[%dma_start3A_469] : memref<256xi32, #tpu.memory_space<vmem>> -> memref<128xi32, #tpu.memory_space<vmem>>
          %dma_start3A_471 = arith.constant 0 : i32
          %dma_start3A_472 = arith.constant 0 : i32
          %dma_start3A_473 = tpu.memref_slice %arg5[%dma_start3A_471, %dma_start3A_472] : memref<10000x256xf32, #tpu.memory_space<hbm>> -> memref<10000x256xf32, #tpu.memory_space<hbm>>
          tpu.enqueue_indirect_dma source(%dma_start3A_473 : memref<10000x256xf32, #tpu.memory_space<hbm>>) target(%arg15 : memref<128x256xf32, #tpu.memory_space<vmem>>) offsets(%dma_start3A_470 : memref<128xi32, #tpu.memory_space<vmem>>) semaphore(%arg16 : memref<!tpu.dma_semaphore, #tpu.memory_space<semaphore_mem>>)
          %dma_wait3A_474 = arith.constant 0 : i32
          %dma_wait3A_475 = tpu.memref_slice %arg12[%dma_wait3A_474] : memref<256xi32, #tpu.memory_space<vmem>> -> memref<128xi32, #tpu.memory_space<vmem>>
          %dma_wait3A_476 = arith.constant 0 : i32
          %dma_wait3A_477 = arith.constant 0 : i32
          %dma_wait3A_478 = tpu.memref_slice %arg5[%dma_wait3A_476, %dma_wait3A_477] : memref<10000x256xf32, #tpu.memory_space<hbm>> -> memref<10000x256xf32, #tpu.memory_space<hbm>>
          tpu.wait_indirect_dma semaphore(%arg16 : memref<!tpu.dma_semaphore, #tpu.memory_space<semaphore_mem>>) src(%dma_wait3A_478 : memref<10000x256xf32, #tpu.memory_space<hbm>>) dst(%arg15 : memref<128x256xf32, #tpu.memory_space<vmem>>)
          %scan3A_479 = arith.constant 0 : i32
          %scan3A_480 = arith.constant 0 : i32
          %scan3A_481 = arith.constant 128 : i32
          %scan3A_482 = arith.addi %scan3A_480, %scan3A_481 : i32
          %scan3A_483 = arith.constant 1 : i32
          scf.for %scan3A_517 = %scan3A_480 to %scan3A_482 step %scan3A_483  : i32 {
            %get3A_518 = arith.index_cast %scan3A_517 : i32 to index
            %get3A_519 = tpu.vector_load %arg13[%get3A_518] {strides = array<i32>} : memref<256xi32, #tpu.memory_space<vmem>>, vector<16xi32>,
            %slice3A_520 = vector.extract_strided_slice %get3A_519 {offsets = [0], sizes = [1], strides = [1]} : vector<16xi32> to vector<1xi32>
            %squeeze3A_521 = vector.extract %slice3A_520[0] : i32 from vector<1xi32>
            %mul3A_522 = arith.constant 384 : i32
            %mul3A_523 = arith.muli %squeeze3A_521, %mul3A_522 : i32
            %add3A_524 = arith.constant 0 : i32
            %add3A_525 = arith.addi %mul3A_523, %add3A_524 : i32
            %get3A_526 = arith.index_cast %add3A_525 : i32 to index
            %get3A_527 = tpu.vector_load %arg14[%get3A_526] {strides = array<i32>} : memref<49536xf32, #tpu.memory_space<vmem>>, vector<16xf32>,
            %get3A_528 = arith.index_cast %scan3A_517 : i32 to index
            %get3A_529 = arith.constant 0 : index
            %get3A_530 = tpu.vector_load %arg15[%get3A_528, %get3A_529] {strides = array<i32>} : memref<128x256xf32, #tpu.memory_space<vmem>>, vector<16xf32>,
            %add3A_531 = arith.addf %get3A_527, %get3A_530 : vector<16xf32>
            %add3A_532 = arith.constant 0 : i32
            %add3A_533 = arith.addi %mul3A_523, %add3A_532 : i32
            %swap3A_534 = arith.index_cast %add3A_533 : i32 to index
            %swap3A_535 = tpu.vector_load %arg14[%swap3A_534] {strides = array<i32>} : memref<49536xf32, #tpu.memory_space<vmem>>, vector<16xf32>,
            tpu.vector_store %arg14[%swap3A_534], %add3A_531 {strides = array<i32>} : memref<49536xf32, #tpu.memory_space<vmem>>, vector<16xf32>,
            %add3A_536 = arith.constant 16 : i32
            %add3A_537 = arith.addi %mul3A_523, %add3A_536 : i32
            %get3A_538 = arith.index_cast %add3A_537 : i32 to index
            %get3A_539 = tpu.vector_load %arg14[%get3A_538] {strides = array<i32>} : memref<49536xf32, #tpu.memory_space<vmem>>, vector<16xf32>,
            %get3A_540 = arith.index_cast %scan3A_517 : i32 to index
            %get3A_541 = arith.constant 16 : index
            %get3A_542 = tpu.vector_load %arg15[%get3A_540, %get3A_541] {strides = array<i32>} : memref<128x256xf32, #tpu.memory_space<vmem>>, vector<16xf32>,
            %add3A_543 = arith.addf %get3A_539, %get3A_542 : vector<16xf32>
            %add3A_544 = arith.constant 16 : i32
            %add3A_545 = arith.addi %mul3A_523, %add3A_544 : i32
            %swap3A_546 = arith.index_cast %add3A_545 : i32 to index
            %swap3A_547 = tpu.vector_load %arg14[%swap3A_546] {strides = array<i32>} : memref<49536xf32, #tpu.memory_space<vmem>>, vector<16xf32>,
            tpu.vector_store %arg14[%swap3A_546], %add3A_543 {strides = array<i32>} : memref<49536xf32, #tpu.memory_space<vmem>>, vector<16xf32>,
            %add3A_548 = arith.constant 32 : i32
            %add3A_549 = arith.addi %mul3A_523, %add3A_548 : i32
            %get3A_550 = arith.index_cast %add3A_549 : i32 to index
            %get3A_551 = tpu.vector_load %arg14[%get3A_550] {strides = array<i32>} : memref<49536xf32, #tpu.memory_space<vmem>>, vector<16xf32>,
            %get3A_552 = arith.index_cast %scan3A_517 : i32 to index
            %get3A_553 = arith.constant 32 : index
            %get3A_554 = tpu.vector_load %arg15[%get3A_552, %get3A_553] {strides = array<i32>} : memref<128x256xf32, #tpu.memory_space<vmem>>, vector<16xf32>,
            %add3A_555 = arith.addf %get3A_551, %get3A_554 : vector<16xf32>
            %add3A_556 = arith.constant 32 : i32
            %add3A_557 = arith.addi %mul3A_523, %add3A_556 : i32
            %swap3A_558 = arith.index_cast %add3A_557 : i32 to index
            %swap3A_559 = tpu.vector_load %arg14[%swap3A_558] {strides = array<i32>} : memref<49536xf32, #tpu.memory_space<vmem>>, vector<16xf32>,
            tpu.vector_store %arg14[%swap3A_558], %add3A_555 {strides = array<i32>} : memref<49536xf32, #tpu.memory_space<vmem>>, vector<16xf32>,
            %add3A_560 = arith.constant 48 : i32
            %add3A_561 = arith.addi %mul3A_523, %add3A_560 : i32
            %get3A_562 = arith.index_cast %add3A_561 : i32 to index
            %get3A_563 = tpu.vector_load %arg14[%get3A_562] {strides = array<i32>} : memref<49536xf32, #tpu.memory_space<vmem>>, vector<16xf32>,
            %get3A_564 = arith.index_cast %scan3A_517 : i32 to index
            %get3A_565 = arith.constant 48 : index
            %get3A_566 = tpu.vector_load %arg15[%get3A_564, %get3A_565] {strides = array<i32>} : memref<128x256xf32, #tpu.memory_space<vmem>>, vector<16xf32>,
            %add3A_567 = arith.addf %get3A_563, %get3A_566 : vector<16xf32>
            %add3A_568 = arith.constant 48 : i32
            %add3A_569 = arith.addi %mul3A_523, %add3A_568 : i32
            %swap3A_570 = arith.index_cast %add3A_569 : i32 to index
            %swap3A_571 = tpu.vector_load %arg14[%swap3A_570] {strides = array<i32>} : memref<49536xf32, #tpu.memory_space<vmem>>, vector<16xf32>,
            tpu.vector_store %arg14[%swap3A_570], %add3A_567 {strides = array<i32>} : memref<49536xf32, #tpu.memory_space<vmem>>, vector<16xf32>,
            %add3A_572 = arith.constant 64 : i32
            %add3A_573 = arith.addi %mul3A_523, %add3A_572 : i32
            %get3A_574 = arith.index_cast %add3A_573 : i32 to index
            %get3A_575 = tpu.vector_load %arg14[%get3A_574] {strides = array<i32>} : memref<49536xf32, #tpu.memory_space<vmem>>, vector<16xf32>,
            %get3A_576 = arith.index_cast %scan3A_517 : i32 to index
            %get3A_577 = arith.constant 64 : index
            %get3A_578 = tpu.vector_load %arg15[%get3A_576, %get3A_577] {strides = array<i32>} : memref<128x256xf32, #tpu.memory_space<vmem>>, vector<16xf32>,
            %add3A_579 = arith.addf %get3A_575, %get3A_578 : vector<16xf32>
            %add3A_580 = arith.constant 64 : i32
            %add3A_581 = arith.addi %mul3A_523, %add3A_580 : i32
            %swap3A_582 = arith.index_cast %add3A_581 : i32 to index
            %swap3A_583 = tpu.vector_load %arg14[%swap3A_582] {strides = array<i32>} : memref<49536xf32, #tpu.memory_space<vmem>>, vector<16xf32>,
            tpu.vector_store %arg14[%swap3A_582], %add3A_579 {strides = array<i32>} : memref<49536xf32, #tpu.memory_space<vmem>>, vector<16xf32>,
            %add3A_584 = arith.constant 80 : i32
            %add3A_585 = arith.addi %mul3A_523, %add3A_584 : i32
            %get3A_586 = arith.index_cast %add3A_585 : i32 to index
            %get3A_587 = tpu.vector_load %arg14[%get3A_586] {strides = array<i32>} : memref<49536xf32, #tpu.memory_space<vmem>>, vector<16xf32>,
            %get3A_588 = arith.index_cast %scan3A_517 : i32 to index
            %get3A_589 = arith.constant 80 : index
            %get3A_590 = tpu.vector_load %arg15[%get3A_588, %get3A_589] {strides = array<i32>} : memref<128x256xf32, #tpu.memory_space<vmem>>, vector<16xf32>,
            %add3A_591 = arith.addf %get3A_587, %get3A_590 : vector<16xf32>
            %add3A_592 = arith.constant 80 : i32
            %add3A_593 = arith.addi %mul3A_523, %add3A_592 : i32
            %swap3A_594 = arith.index_cast %add3A_593 : i32 to index
            %swap3A_595 = tpu.vector_load %arg14[%swap3A_594] {strides = array<i32>} : memref<49536xf32, #tpu.memory_space<vmem>>, vector<16xf32>,
            tpu.vector_store %arg14[%swap3A_594], %add3A_591 {strides = array<i32>} : memref<49536xf32, #tpu.memory_space<vmem>>, vector<16xf32>,
            %add3A_596 = arith.constant 96 : i32
            %add3A_597 = arith.addi %mul3A_523, %add3A_596 : i32
            %get3A_598 = arith.index_cast %add3A_597 : i32 to index
            %get3A_599 = tpu.vector_load %arg14[%get3A_598] {strides = array<i32>} : memref<49536xf32, #tpu.memory_space<vmem>>, vector<16xf32>,
            %get3A_600 = arith.index_cast %scan3A_517 : i32 to index
            %get3A_601 = arith.constant 96 : index
            %get3A_602 = tpu.vector_load %arg15[%get3A_600, %get3A_601] {strides = array<i32>} : memref<128x256xf32, #tpu.memory_space<vmem>>, vector<16xf32>,
            %add3A_603 = arith.addf %get3A_599, %get3A_602 : vector<16xf32>
            %add3A_604 = arith.constant 96 : i32
            %add3A_605 = arith.addi %mul3A_523, %add3A_604 : i32
            %swap3A_606 = arith.index_cast %add3A_605 : i32 to index
            %swap3A_607 = tpu.vector_load %arg14[%swap3A_606] {strides = array<i32>} : memref<49536xf32, #tpu.memory_space<vmem>>, vector<16xf32>,
            tpu.vector_store %arg14[%swap3A_606], %add3A_603 {strides = array<i32>} : memref<49536xf32, #tpu.memory_space<vmem>>, vector<16xf32>,
            %add3A_608 = arith.constant 112 : i32
            %add3A_609 = arith.addi %mul3A_523, %add3A_608 : i32
            %get3A_610 = arith.index_cast %add3A_609 : i32 to index
            %get3A_611 = tpu.vector_load %arg14[%get3A_610] {strides = array<i32>} : memref<49536xf32, #tpu.memory_space<vmem>>, vector<16xf32>,
            %get3A_612 = arith.index_cast %scan3A_517 : i32 to index
            %get3A_613 = arith.constant 112 : index
            %get3A_614 = tpu.vector_load %arg15[%get3A_612, %get3A_613] {strides = array<i32>} : memref<128x256xf32, #tpu.memory_space<vmem>>, vector<16xf32>,
            %add3A_615 = arith.addf %get3A_611, %get3A_614 : vector<16xf32>
            %add3A_616 = arith.constant 112 : i32
            %add3A_617 = arith.addi %mul3A_523, %add3A_616 : i32
            %swap3A_618 = arith.index_cast %add3A_617 : i32 to index
            %swap3A_619 = tpu.vector_load %arg14[%swap3A_618] {strides = array<i32>} : memref<49536xf32, #tpu.memory_space<vmem>>, vector<16xf32>,
            tpu.vector_store %arg14[%swap3A_618], %add3A_615 {strides = array<i32>} : memref<49536xf32, #tpu.memory_space<vmem>>, vector<16xf32>,
            %add3A_620 = arith.constant 128 : i32
            %add3A_621 = arith.addi %mul3A_523, %add3A_620 : i32
            %get3A_622 = arith.index_cast %add3A_621 : i32 to index
            %get3A_623 = tpu.vector_load %arg14[%get3A_622] {strides = array<i32>} : memref<49536xf32, #tpu.memory_space<vmem>>, vector<16xf32>,
            %get3A_624 = arith.index_cast %scan3A_517 : i32 to index
            %get3A_625 = arith.constant 128 : index
            %get3A_626 = tpu.vector_load %arg15[%get3A_624, %get3A_625] {strides = array<i32>} : memref<128x256xf32, #tpu.memory_space<vmem>>, vector<16xf32>,
            %add3A_627 = arith.addf %get3A_623, %get3A_626 : vector<16xf32>
            %add3A_628 = arith.constant 128 : i32
            %add3A_629 = arith.addi %mul3A_523, %add3A_628 : i32
            %swap3A_630 = arith.index_cast %add3A_629 : i32 to index
            %swap3A_631 = tpu.vector_load %arg14[%swap3A_630] {strides = array<i32>} : memref<49536xf32, #tpu.memory_space<vmem>>, vector<16xf32>,
            tpu.vector_store %arg14[%swap3A_630], %add3A_627 {strides = array<i32>} : memref<49536xf32, #tpu.memory_space<vmem>>, vector<16xf32>,
            %add3A_632 = arith.constant 144 : i32
            %add3A_633 = arith.addi %mul3A_523, %add3A_632 : i32
            %get3A_634 = arith.index_cast %add3A_633 : i32 to index
            %get3A_635 = tpu.vector_load %arg14[%get3A_634] {strides = array<i32>} : memref<49536xf32, #tpu.memory_space<vmem>>, vector<16xf32>,
            %get3A_636 = arith.index_cast %scan3A_517 : i32 to index
            %get3A_637 = arith.constant 144 : index
            %get3A_638 = tpu.vector_load %arg15[%get3A_636, %get3A_637] {strides = array<i32>} : memref<128x256xf32, #tpu.memory_space<vmem>>, vector<16xf32>,
            %add3A_639 = arith.addf %get3A_635, %get3A_638 : vector<16xf32>
            %add3A_640 = arith.constant 144 : i32
            %add3A_641 = arith.addi %mul3A_523, %add3A_640 : i32
            %swap3A_642 = arith.index_cast %add3A_641 : i32 to index
            %swap3A_643 = tpu.vector_load %arg14[%swap3A_642] {strides = array<i32>} : memref<49536xf32, #tpu.memory_space<vmem>>, vector<16xf32>,
            tpu.vector_store %arg14[%swap3A_642], %add3A_639 {strides = array<i32>} : memref<49536xf32, #tpu.memory_space<vmem>>, vector<16xf32>,
            %add3A_644 = arith.constant 160 : i32
            %add3A_645 = arith.addi %mul3A_523, %add3A_644 : i32
            %get3A_646 = arith.index_cast %add3A_645 : i32 to index
            %get3A_647 = tpu.vector_load %arg14[%get3A_646] {strides = array<i32>} : memref<49536xf32, #tpu.memory_space<vmem>>, vector<16xf32>,
            %get3A_648 = arith.index_cast %scan3A_517 : i32 to index
            %get3A_649 = arith.constant 160 : index
            %get3A_650 = tpu.vector_load %arg15[%get3A_648, %get3A_649] {strides = array<i32>} : memref<128x256xf32, #tpu.memory_space<vmem>>, vector<16xf32>,
            %add3A_651 = arith.addf %get3A_647, %get3A_650 : vector<16xf32>
            %add3A_652 = arith.constant 160 : i32
            %add3A_653 = arith.addi %mul3A_523, %add3A_652 : i32
            %swap3A_654 = arith.index_cast %add3A_653 : i32 to index
            %swap3A_655 = tpu.vector_load %arg14[%swap3A_654] {strides = array<i32>} : memref<49536xf32, #tpu.memory_space<vmem>>, vector<16xf32>,
            tpu.vector_store %arg14[%swap3A_654], %add3A_651 {strides = array<i32>} : memref<49536xf32, #tpu.memory_space<vmem>>, vector<16xf32>,
            %add3A_656 = arith.constant 176 : i32
            %add3A_657 = arith.addi %mul3A_523, %add3A_656 : i32
            %get3A_658 = arith.index_cast %add3A_657 : i32 to index
            %get3A_659 = tpu.vector_load %arg14[%get3A_658] {strides = array<i32>} : memref<49536xf32, #tpu.memory_space<vmem>>, vector<16xf32>,
            %get3A_660 = arith.index_cast %scan3A_517 : i32 to index
            %get3A_661 = arith.constant 176 : index
            %get3A_662 = tpu.vector_load %arg15[%get3A_660, %get3A_661] {strides = array<i32>} : memref<128x256xf32, #tpu.memory_space<vmem>>, vector<16xf32>,
            %add3A_663 = arith.addf %get3A_659, %get3A_662 : vector<16xf32>
            %add3A_664 = arith.constant 176 : i32
            %add3A_665 = arith.addi %mul3A_523, %add3A_664 : i32
            %swap3A_666 = arith.index_cast %add3A_665 : i32 to index
            %swap3A_667 = tpu.vector_load %arg14[%swap3A_666] {strides = array<i32>} : memref<49536xf32, #tpu.memory_space<vmem>>, vector<16xf32>,
            tpu.vector_store %arg14[%swap3A_666], %add3A_663 {strides = array<i32>} : memref<49536xf32, #tpu.memory_space<vmem>>, vector<16xf32>,
            %add3A_668 = arith.constant 192 : i32
            %add3A_669 = arith.addi %mul3A_523, %add3A_668 : i32
            %get3A_670 = arith.index_cast %add3A_669 : i32 to index
            %get3A_671 = tpu.vector_load %arg14[%get3A_670] {strides = array<i32>} : memref<49536xf32, #tpu.memory_space<vmem>>, vector<16xf32>,
            %get3A_672 = arith.index_cast %scan3A_517 : i32 to index
            %get3A_673 = arith.constant 192 : index
            %get3A_674 = tpu.vector_load %arg15[%get3A_672, %get3A_673] {strides = array<i32>} : memref<128x256xf32, #tpu.memory_space<vmem>>, vector<16xf32>,
            %add3A_675 = arith.addf %get3A_671, %get3A_674 : vector<16xf32>
            %add3A_676 = arith.constant 192 : i32
            %add3A_677 = arith.addi %mul3A_523, %add3A_676 : i32
            %swap3A_678 = arith.index_cast %add3A_677 : i32 to index
            %swap3A_679 = tpu.vector_load %arg14[%swap3A_678] {strides = array<i32>} : memref<49536xf32, #tpu.memory_space<vmem>>, vector<16xf32>,
            tpu.vector_store %arg14[%swap3A_678], %add3A_675 {strides = array<i32>} : memref<49536xf32, #tpu.memory_space<vmem>>, vector<16xf32>,
            %add3A_680 = arith.constant 208 : i32
            %add3A_681 = arith.addi %mul3A_523, %add3A_680 : i32
            %get3A_682 = arith.index_cast %add3A_681 : i32 to index
            %get3A_683 = tpu.vector_load %arg14[%get3A_682] {strides = array<i32>} : memref<49536xf32, #tpu.memory_space<vmem>>, vector<16xf32>,
            %get3A_684 = arith.index_cast %scan3A_517 : i32 to index
            %get3A_685 = arith.constant 208 : index
            %get3A_686 = tpu.vector_load %arg15[%get3A_684, %get3A_685] {strides = array<i32>} : memref<128x256xf32, #tpu.memory_space<vmem>>, vector<16xf32>,
            %add3A_687 = arith.addf %get3A_683, %get3A_686 : vector<16xf32>
            %add3A_688 = arith.constant 208 : i32
            %add3A_689 = arith.addi %mul3A_523, %add3A_688 : i32
            %swap3A_690 = arith.index_cast %add3A_689 : i32 to index
            %swap3A_691 = tpu.vector_load %arg14[%swap3A_690] {strides = array<i32>} : memref<49536xf32, #tpu.memory_space<vmem>>, vector<16xf32>,
            tpu.vector_store %arg14[%swap3A_690], %add3A_687 {strides = array<i32>} : memref<49536xf32, #tpu.memory_space<vmem>>, vector<16xf32>,
            %add3A_692 = arith.constant 224 : i32
            %add3A_693 = arith.addi %mul3A_523, %add3A_692 : i32
            %get3A_694 = arith.index_cast %add3A_693 : i32 to index
            %get3A_695 = tpu.vector_load %arg14[%get3A_694] {strides = array<i32>} : memref<49536xf32, #tpu.memory_space<vmem>>, vector<16xf32>,
            %get3A_696 = arith.index_cast %scan3A_517 : i32 to index
            %get3A_697 = arith.constant 224 : index
            %get3A_698 = tpu.vector_load %arg15[%get3A_696, %get3A_697] {strides = array<i32>} : memref<128x256xf32, #tpu.memory_space<vmem>>, vector<16xf32>,
            %add3A_699 = arith.addf %get3A_695, %get3A_698 : vector<16xf32>
            %add3A_700 = arith.constant 224 : i32
            %add3A_701 = arith.addi %mul3A_523, %add3A_700 : i32
            %swap3A_702 = arith.index_cast %add3A_701 : i32 to index
            %swap3A_703 = tpu.vector_load %arg14[%swap3A_702] {strides = array<i32>} : memref<49536xf32, #tpu.memory_space<vmem>>, vector<16xf32>,
            tpu.vector_store %arg14[%swap3A_702], %add3A_699 {strides = array<i32>} : memref<49536xf32, #tpu.memory_space<vmem>>, vector<16xf32>,
            %add3A_704 = arith.constant 240 : i32
            %add3A_705 = arith.addi %mul3A_523, %add3A_704 : i32
            %get3A_706 = arith.index_cast %add3A_705 : i32 to index
            %get3A_707 = tpu.vector_load %arg14[%get3A_706] {strides = array<i32>} : memref<49536xf32, #tpu.memory_space<vmem>>, vector<16xf32>,
            %get3A_708 = arith.index_cast %scan3A_517 : i32 to index
            %get3A_709 = arith.constant 240 : index
            %get3A_710 = tpu.vector_load %arg15[%get3A_708, %get3A_709] {strides = array<i32>} : memref<128x256xf32, #tpu.memory_space<vmem>>, vector<16xf32>,
            %add3A_711 = arith.addf %get3A_707, %get3A_710 : vector<16xf32>
            %add3A_712 = arith.constant 240 : i32
            %add3A_713 = arith.addi %mul3A_523, %add3A_712 : i32
            %swap3A_714 = arith.index_cast %add3A_713 : i32 to index
            %swap3A_715 = tpu.vector_load %arg14[%swap3A_714] {strides = array<i32>} : memref<49536xf32, #tpu.memory_space<vmem>>, vector<16xf32>,
            tpu.vector_store %arg14[%swap3A_714], %add3A_711 {strides = array<i32>} : memref<49536xf32, #tpu.memory_space<vmem>>, vector<16xf32>,
            %add3A_716 = arith.constant 256 : i32
            %add3A_717 = arith.addi %mul3A_523, %add3A_716 : i32
            %get3A_718 = arith.index_cast %add3A_717 : i32 to index
            %get3A_719 = tpu.vector_load %arg14[%get3A_718] {strides = array<i32>} : memref<49536xf32, #tpu.memory_space<vmem>>, vector<16xf32>,
            %add3A_720 = arith.addf %get3A_719, %select_n3A : vector<16xf32>
            %add3A_721 = arith.constant 256 : i32
            %add3A_722 = arith.addi %mul3A_523, %add3A_721 : i32
            %swap3A_723 = arith.index_cast %add3A_722 : i32 to index
            %swap3A_724 = tpu.vector_load %arg14[%swap3A_723] {strides = array<i32>} : memref<49536xf32, #tpu.memory_space<vmem>>, vector<16xf32>,
            tpu.vector_store %arg14[%swap3A_723], %add3A_720 {strides = array<i32>} : memref<49536xf32, #tpu.memory_space<vmem>>, vector<16xf32>,
          }
          %scan3A_484 = arith.constant 128 : i32
          %get3A_485 = arith.constant 128 : index
          %get3A_486 = tpu.vector_load %arg12[%get3A_485] {strides = array<i32>} : memref<256xi32, #tpu.memory_space<vmem>>, vector<16xi32>,
          %swap3A_487 = arith.constant 0 : index
          %swap3A_488 = tpu.vector_load %arg12[%swap3A_487] {strides = array<i32>} : memref<256xi32, #tpu.memory_space<vmem>>, vector<16xi32>,
          tpu.vector_store %arg12[%swap3A_487], %get3A_486 {strides = array<i32>} : memref<256xi32, #tpu.memory_space<vmem>>, vector<16xi32>,
          %get3A_489 = arith.constant 128 : index
          %get3A_490 = tpu.vector_load %arg13[%get3A_489] {strides = array<i32>} : memref<256xi32, #tpu.memory_space<vmem>>, vector<16xi32>,
          %swap3A_491 = arith.constant 0 : index
          %swap3A_492 = tpu.vector_load %arg13[%swap3A_491] {strides = array<i32>} : memref<256xi32, #tpu.memory_space<vmem>>, vector<16xi32>,
          tpu.vector_store %arg13[%swap3A_491], %get3A_490 {strides = array<i32>} : memref<256xi32, #tpu.memory_space<vmem>>, vector<16xi32>,
          %get3A_493 = arith.constant 144 : index
          %get3A_494 = tpu.vector_load %arg12[%get3A_493] {strides = array<i32>} : memref<256xi32, #tpu.memory_space<vmem>>, vector<16xi32>,
          %swap3A_495 = arith.constant 16 : index
          %swap3A_496 = tpu.vector_load %arg12[%swap3A_495] {strides = array<i32>} : memref<256xi32, #tpu.memory_space<vmem>>, vector<16xi32>,
          tpu.vector_store %arg12[%swap3A_495], %get3A_494 {strides = array<i32>} : memref<256xi32, #tpu.memory_space<vmem>>, vector<16xi32>,
          %get3A_497 = arith.constant 144 : index
          %get3A_498 = tpu.vector_load %arg13[%get3A_497] {strides = array<i32>} : memref<256xi32, #tpu.memory_space<vmem>>, vector<16xi32>,
          %swap3A_499 = arith.constant 16 : index
          %swap3A_500 = tpu.vector_load %arg13[%swap3A_499] {strides = array<i32>} : memref<256xi32, #tpu.memory_space<vmem>>, vector<16xi32>,
          tpu.vector_store %arg13[%swap3A_499], %get3A_498 {strides = array<i32>} : memref<256xi32, #tpu.memory_space<vmem>>, vector<16xi32>,
          %get3A_501 = arith.constant 160 : index
          %get3A_502 = tpu.vector_load %arg12[%get3A_501] {strides = array<i32>} : memref<256xi32, #tpu.memory_space<vmem>>, vector<16xi32>,
          %swap3A_503 = arith.constant 32 : index
          %swap3A_504 = tpu.vector_load %arg12[%swap3A_503] {strides = array<i32>} : memref<256xi32, #tpu.memory_space<vmem>>, vector<16xi32>,
          tpu.vector_store %arg12[%swap3A_503], %get3A_502 {strides = array<i32>} : memref<256xi32, #tpu.memory_space<vmem>>, vector<16xi32>,
          %get3A_505 = arith.constant 160 : index
          %get3A_506 = tpu.vector_load %arg13[%get3A_505] {strides = array<i32>} : memref<256xi32, #tpu.memory_space<vmem>>, vector<16xi32>,
          %swap3A_507 = arith.constant 32 : index
          %swap3A_508 = tpu.vector_load %arg13[%swap3A_507] {strides = array<i32>} : memref<256xi32, #tpu.memory_space<vmem>>, vector<16xi32>,
          tpu.vector_store %arg13[%swap3A_507], %get3A_506 {strides = array<i32>} : memref<256xi32, #tpu.memory_space<vmem>>, vector<16xi32>,
          %get3A_509 = arith.constant 176 : index
          %get3A_510 = tpu.vector_load %arg12[%get3A_509] {strides = array<i32>} : memref<256xi32, #tpu.memory_space<vmem>>, vector<16xi32>,
          %swap3A_511 = arith.constant 48 : index
          %swap3A_512 = tpu.vector_load %arg12[%swap3A_511] {strides = array<i32>} : memref<256xi32, #tpu.memory_space<vmem>>, vector<16xi32>,
          tpu.vector_store %arg12[%swap3A_511], %get3A_510 {strides = array<i32>} : memref<256xi32, #tpu.memory_space<vmem>>, vector<16xi32>,
          %get3A_513 = arith.constant 176 : index
          %get3A_514 = tpu.vector_load %arg13[%get3A_513] {strides = array<i32>} : memref<256xi32, #tpu.memory_space<vmem>>, vector<16xi32>,
          %swap3A_515 = arith.constant 48 : index
          %swap3A_516 = tpu.vector_load %arg13[%swap3A_515] {strides = array<i32>} : memref<256xi32, #tpu.memory_space<vmem>>, vector<16xi32>,
          tpu.vector_store %arg13[%swap3A_515], %get3A_514 {strides = array<i32>} : memref<256xi32, #tpu.memory_space<vmem>>, vector<16xi32>,
        } else {
        }
        %ge3A_463 = arith.constant 128 : i32
        %ge3A_464 = arith.cmpi sge, %squeeze3A_457, %ge3A_463 : i32
        %sub3A_465 = arith.constant 128 : i32
        %sub3A_466 = vector.broadcast %sub3A_465 : i32 to vector<16xi32>
        %sub3A_467 = arith.subi %add3A_455, %sub3A_466 : vector<16xi32>
        %select_n3A_468 = arith.select %ge3A_464, %sub3A_467, %add3A_455 : vector<16xi32>
        scf.yield %select_n3A_468 : vector<16xi32>
      }
      %scan3A_164 = arith.constant 25 : i32
      %mul3A_165 = arith.constant 2 : i32
      %mul3A_166 = arith.muli %mul3A_165, %scan3A_149 : i32
      %add3A_167 = arith.constant 2 : i32
      %add3A_168 = arith.addi %mul3A_166, %add3A_167 : i32
      %min3A = arith.constant 48 : i32
      %min3A_169 = arith.minsi %add3A_168, %min3A : i32
      %mul3A_170 = arith.constant 3200 : i32
      %mul3A_171 = arith.muli %min3A_169, %mul3A_170 : i32
      %dma_start3A_172 = tpu.memref_slice %arg2[%mul3A_171] : memref<160000xi32, #tpu.memory_space<hbm>> -> memref<3200xi32, #tpu.memory_space<hbm>>
      %dma_start3A_173 = tpu.memref_slice %arg2[%mul3A_171] : memref<160000xi32, #tpu.memory_space<hbm>> -> memref<3200xi32, #tpu.memory_space<hbm>>
      tpu.enqueue_dma source(%dma_start3A_173 : memref<3200xi32, #tpu.memory_space<hbm>>) target(%arg8 : memref<3200xi32, #tpu.memory_space<vmem>>) target_semaphore(%arg17 : memref<!tpu.dma_semaphore, #tpu.memory_space<semaphore_mem>>)
      %mul3A_174 = arith.constant 3200 : i32
      %mul3A_175 = arith.muli %min3A_169, %mul3A_174 : i32
      %dma_start3A_176 = tpu.memref_slice %arg3[%mul3A_175] : memref<160000xi32, #tpu.memory_space<hbm>> -> memref<3200xi32, #tpu.memory_space<hbm>>
      %dma_start3A_177 = tpu.memref_slice %arg3[%mul3A_175] : memref<160000xi32, #tpu.memory_space<hbm>> -> memref<3200xi32, #tpu.memory_space<hbm>>
      tpu.enqueue_dma source(%dma_start3A_177 : memref<3200xi32, #tpu.memory_space<hbm>>) target(%arg9 : memref<3200xi32, #tpu.memory_space<vmem>>) target_semaphore(%arg18 : memref<!tpu.dma_semaphore, #tpu.memory_space<semaphore_mem>>)
      %dma_wait3A_178 = arith.constant 0 : i32
      %dma_wait3A_179 = tpu.memref_slice %arg2[%dma_wait3A_178] : memref<160000xi32, #tpu.memory_space<hbm>> -> memref<3200xi32, #tpu.memory_space<hbm>>
      %dma_wait3A_180 = arith.constant 0 : i32
      %dma_wait3A_181 = tpu.memref_slice %arg2[%dma_wait3A_180] : memref<160000xi32, #tpu.memory_space<hbm>> -> memref<3200xi32, #tpu.memory_space<hbm>>
      tpu.wait_dma2 semaphore(%arg19 : memref<!tpu.dma_semaphore, #tpu.memory_space<semaphore_mem>>) src(%dma_wait3A_181 : memref<3200xi32, #tpu.memory_space<hbm>>) dst(%arg10 : memref<3200xi32, #tpu.memory_space<vmem>>)
      %dma_wait3A_182 = arith.constant 0 : i32
      %dma_wait3A_183 = tpu.memref_slice %arg3[%dma_wait3A_182] : memref<160000xi32, #tpu.memory_space<hbm>> -> memref<3200xi32, #tpu.memory_space<hbm>>
      %dma_wait3A_184 = arith.constant 0 : i32
      %dma_wait3A_185 = tpu.memref_slice %arg3[%dma_wait3A_184] : memref<160000xi32, #tpu.memory_space<hbm>> -> memref<3200xi32, #tpu.memory_space<hbm>>
      tpu.wait_dma2 semaphore(%arg20 : memref<!tpu.dma_semaphore, #tpu.memory_space<semaphore_mem>>) src(%dma_wait3A_185 : memref<3200xi32, #tpu.memory_space<hbm>>) dst(%arg11 : memref<3200xi32, #tpu.memory_space<vmem>>)
      %scan3A_186 = arith.constant 0 : i32
      %scan3A_187 = arith.constant 25 : i32
      %scan3A_188 = arith.addi %scan3A_186, %scan3A_187 : i32
      %scan3A_189 = arith.constant 1 : i32
      %scan3A_190 = scf.for %scan3A_206 = %scan3A_186 to %scan3A_188 step %scan3A_189 iter_args(%scan3A_207 = %scan3A_163) -> (vector<16xi32>)  : i32 {
        %mul3A_208 = arith.constant 128 : i32
        %mul3A_209 = arith.muli %scan3A_206, %mul3A_208 : i32
        %add3A_210 = arith.constant 0 : i32
        %add3A_211 = arith.addi %mul3A_209, %add3A_210 : i32
        %get3A = arith.index_cast %add3A_211 : i32 to index
        %get3A_212 = tpu.vector_load %arg10[%get3A] {strides = array<i32>} : memref<3200xi32, #tpu.memory_space<vmem>>, vector<16xi32>,
        %gather3A = tpu.vector_load_idx %arg7[%get3A_212] : memref<10240xi32, #tpu.memory_space<vmem>>[vector<16xi32>], vector<16xi32>,
        %sub3A = vector.broadcast %mul3A_2 : i32 to vector<16xi32>
        %sub3A_213 = arith.subi %gather3A, %sub3A : vector<16xi32>
        %ge3A = arith.constant 0 : i32
        %ge3A_214 = vector.broadcast %ge3A : i32 to vector<16xi32>
        %ge3A_215 = arith.cmpi sge, %sub3A_213, %ge3A_214 : vector<16xi32>
        %lt3A = arith.constant 128 : i32
        %lt3A_216 = vector.broadcast %lt3A : i32 to vector<16xi32>
        %lt3A_217 = arith.cmpi slt, %sub3A_213, %lt3A_216 : vector<16xi32>
        %and3A = arith.andi %ge3A_215, %lt3A_217 : vector<16xi1>
        %get3A_218 = arith.index_cast %add3A_211 : i32 to index
        %get3A_219 = tpu.vector_load %arg11[%get3A_218] {strides = array<i32>} : memref<3200xi32, #tpu.memory_space<vmem>>, vector<16xi32>,
        %broadcast_in_dim3A_220 = arith.constant 1 : i32
        %broadcast_in_dim3A_221 = vector.broadcast %broadcast_in_dim3A_220 : i32 to vector<16xi32>
        %broadcast_in_dim3A_222 = arith.constant 0 : i32
        %broadcast_in_dim3A_223 = vector.broadcast %broadcast_in_dim3A_222 : i32 to vector<16xi32>
        %select_n3A_224 = arith.select %and3A, %broadcast_in_dim3A_221, %broadcast_in_dim3A_223 : vector<16xi1>, vector<16xi32>
        %broadcast_in_dim3A_225 = arith.constant true
        %broadcast_in_dim3A_226 = vector.broadcast %broadcast_in_dim3A_225 : i1 to vector<16xi1>
        %masked_cumsum3A = tpu.scan <sum>, %select_n3A_224 masked %broadcast_in_dim3A_226 : vector<16xi32>, vector<16xi1> -> vector<16xi32>
        %add3A_227 = arith.addi %masked_cumsum3A, %scan3A_207 : vector<16xi32>
        %sub3A_228 = arith.constant 1 : i32
        %sub3A_229 = vector.broadcast %sub3A_228 : i32 to vector<16xi32>
        %sub3A_230 = arith.subi %add3A_227, %sub3A_229 : vector<16xi32>
        tpu.vector_store_idx %arg12[%sub3A_230], %get3A_219 masked %and3A : memref<256xi32, #tpu.memory_space<vmem>>[vector<16xi32>], vector<16xi32>, vector<16xi1>
        tpu.vector_store_idx %arg13[%sub3A_230], %sub3A_213 masked %and3A : memref<256xi32, #tpu.memory_space<vmem>>[vector<16xi32>], vector<16xi32>, vector<16xi1>
        %all_reduce_population_count3A = tpu.all_reduce %and3A {dim = 0 : i64, kind = #tpu.reduction_kind<sum>} : vector<16xi1> -> vector<16xi32>
        %add3A_231 = arith.addi %scan3A_207, %all_reduce_population_count3A : vector<16xi32>
        %mul3A_232 = arith.constant 128 : i32
        %mul3A_233 = arith.muli %scan3A_206, %mul3A_232 : i32
        %add3A_234 = arith.constant 16 : i32
        %add3A_235 = arith.addi %mul3A_233, %add3A_234 : i32
        %get3A_236 = arith.index_cast %add3A_235 : i32 to index
        %get3A_237 = tpu.vector_load %arg10[%get3A_236] {strides = array<i32>} : memref<3200xi32, #tpu.memory_space<vmem>>, vector<16xi32>,
        %gather3A_238 = tpu.vector_load_idx %arg7[%get3A_237] : memref<10240xi32, #tpu.memory_space<vmem>>[vector<16xi32>], vector<16xi32>,
        %sub3A_239 = vector.broadcast %mul3A_2 : i32 to vector<16xi32>
        %sub3A_240 = arith.subi %gather3A_238, %sub3A_239 : vector<16xi32>
        %ge3A_241 = arith.constant 0 : i32
        %ge3A_242 = vector.broadcast %ge3A_241 : i32 to vector<16xi32>
        %ge3A_243 = arith.cmpi sge, %sub3A_240, %ge3A_242 : vector<16xi32>
        %lt3A_244 = arith.constant 128 : i32
        %lt3A_245 = vector.broadcast %lt3A_244 : i32 to vector<16xi32>
        %lt3A_246 = arith.cmpi slt, %sub3A_240, %lt3A_245 : vector<16xi32>
        %and3A_247 = arith.andi %ge3A_243, %lt3A_246 : vector<16xi1>
        %get3A_248 = arith.index_cast %add3A_235 : i32 to index
        %get3A_249 = tpu.vector_load %arg11[%get3A_248] {strides = array<i32>} : memref<3200xi32, #tpu.memory_space<vmem>>, vector<16xi32>,
        %broadcast_in_dim3A_250 = arith.constant 1 : i32
        %broadcast_in_dim3A_251 = vector.broadcast %broadcast_in_dim3A_250 : i32 to vector<16xi32>
        %broadcast_in_dim3A_252 = arith.constant 0 : i32
        %broadcast_in_dim3A_253 = vector.broadcast %broadcast_in_dim3A_252 : i32 to vector<16xi32>
        %select_n3A_254 = arith.select %and3A_247, %broadcast_in_dim3A_251, %broadcast_in_dim3A_253 : vector<16xi1>, vector<16xi32>
        %broadcast_in_dim3A_255 = arith.constant true
        %broadcast_in_dim3A_256 = vector.broadcast %broadcast_in_dim3A_255 : i1 to vector<16xi1>
        %masked_cumsum3A_257 = tpu.scan <sum>, %select_n3A_254 masked %broadcast_in_dim3A_256 : vector<16xi32>, vector<16xi1> -> vector<16xi32>
        %add3A_258 = arith.addi %masked_cumsum3A_257, %add3A_231 : vector<16xi32>
        %sub3A_259 = arith.constant 1 : i32
        %sub3A_260 = vector.broadcast %sub3A_259 : i32 to vector<16xi32>
        %sub3A_261 = arith.subi %add3A_258, %sub3A_260 : vector<16xi32>
        tpu.vector_store_idx %arg12[%sub3A_261], %get3A_249 masked %and3A_247 : memref<256xi32, #tpu.memory_space<vmem>>[vector<16xi32>], vector<16xi32>, vector<16xi1>
        tpu.vector_store_idx %arg13[%sub3A_261], %sub3A_240 masked %and3A_247 : memref<256xi32, #tpu.memory_space<vmem>>[vector<16xi32>], vector<16xi32>, vector<16xi1>
        %all_reduce_population_count3A_262 = tpu.all_reduce %and3A_247 {dim = 0 : i64, kind = #tpu.reduction_kind<sum>} : vector<16xi1> -> vector<16xi32>
        %add3A_263 = arith.addi %add3A_231, %all_reduce_population_count3A_262 : vector<16xi32>
        %mul3A_264 = arith.constant 128 : i32
        %mul3A_265 = arith.muli %scan3A_206, %mul3A_264 : i32
        %add3A_266 = arith.constant 32 : i32
        %add3A_267 = arith.addi %mul3A_265, %add3A_266 : i32
        %get3A_268 = arith.index_cast %add3A_267 : i32 to index
        %get3A_269 = tpu.vector_load %arg10[%get3A_268] {strides = array<i32>} : memref<3200xi32, #tpu.memory_space<vmem>>, vector<16xi32>,
        %gather3A_270 = tpu.vector_load_idx %arg7[%get3A_269] : memref<10240xi32, #tpu.memory_space<vmem>>[vector<16xi32>], vector<16xi32>,
        %sub3A_271 = vector.broadcast %mul3A_2 : i32 to vector<16xi32>
        %sub3A_272 = arith.subi %gather3A_270, %sub3A_271 : vector<16xi32>
        %ge3A_273 = arith.constant 0 : i32
        %ge3A_274 = vector.broadcast %ge3A_273 : i32 to vector<16xi32>
        %ge3A_275 = arith.cmpi sge, %sub3A_272, %ge3A_274 : vector<16xi32>
        %lt3A_276 = arith.constant 128 : i32
        %lt3A_277 = vector.broadcast %lt3A_276 : i32 to vector<16xi32>
        %lt3A_278 = arith.cmpi slt, %sub3A_272, %lt3A_277 : vector<16xi32>
        %and3A_279 = arith.andi %ge3A_275, %lt3A_278 : vector<16xi1>
        %get3A_280 = arith.index_cast %add3A_267 : i32 to index
        %get3A_281 = tpu.vector_load %arg11[%get3A_280] {strides = array<i32>} : memref<3200xi32, #tpu.memory_space<vmem>>, vector<16xi32>,
        %broadcast_in_dim3A_282 = arith.constant 1 : i32
        %broadcast_in_dim3A_283 = vector.broadcast %broadcast_in_dim3A_282 : i32 to vector<16xi32>
        %broadcast_in_dim3A_284 = arith.constant 0 : i32
        %broadcast_in_dim3A_285 = vector.broadcast %broadcast_in_dim3A_284 : i32 to vector<16xi32>
        %select_n3A_286 = arith.select %and3A_279, %broadcast_in_dim3A_283, %broadcast_in_dim3A_285 : vector<16xi1>, vector<16xi32>
        %broadcast_in_dim3A_287 = arith.constant true
        %broadcast_in_dim3A_288 = vector.broadcast %broadcast_in_dim3A_287 : i1 to vector<16xi1>
        %masked_cumsum3A_289 = tpu.scan <sum>, %select_n3A_286 masked %broadcast_in_dim3A_288 : vector<16xi32>, vector<16xi1> -> vector<16xi32>
        %add3A_290 = arith.addi %masked_cumsum3A_289, %add3A_263 : vector<16xi32>
        %sub3A_291 = arith.constant 1 : i32
        %sub3A_292 = vector.broadcast %sub3A_291 : i32 to vector<16xi32>
        %sub3A_293 = arith.subi %add3A_290, %sub3A_292 : vector<16xi32>
        tpu.vector_store_idx %arg12[%sub3A_293], %get3A_281 masked %and3A_279 : memref<256xi32, #tpu.memory_space<vmem>>[vector<16xi32>], vector<16xi32>, vector<16xi1>
        tpu.vector_store_idx %arg13[%sub3A_293], %sub3A_272 masked %and3A_279 : memref<256xi32, #tpu.memory_space<vmem>>[vector<16xi32>], vector<16xi32>, vector<16xi1>
        %all_reduce_population_count3A_294 = tpu.all_reduce %and3A_279 {dim = 0 : i64, kind = #tpu.reduction_kind<sum>} : vector<16xi1> -> vector<16xi32>
        %add3A_295 = arith.addi %add3A_263, %all_reduce_population_count3A_294 : vector<16xi32>
        %mul3A_296 = arith.constant 128 : i32
        %mul3A_297 = arith.muli %scan3A_206, %mul3A_296 : i32
        %add3A_298 = arith.constant 48 : i32
        %add3A_299 = arith.addi %mul3A_297, %add3A_298 : i32
        %get3A_300 = arith.index_cast %add3A_299 : i32 to index
        %get3A_301 = tpu.vector_load %arg10[%get3A_300] {strides = array<i32>} : memref<3200xi32, #tpu.memory_space<vmem>>, vector<16xi32>,
        %gather3A_302 = tpu.vector_load_idx %arg7[%get3A_301] : memref<10240xi32, #tpu.memory_space<vmem>>[vector<16xi32>], vector<16xi32>,
        %sub3A_303 = vector.broadcast %mul3A_2 : i32 to vector<16xi32>
        %sub3A_304 = arith.subi %gather3A_302, %sub3A_303 : vector<16xi32>
        %ge3A_305 = arith.constant 0 : i32
        %ge3A_306 = vector.broadcast %ge3A_305 : i32 to vector<16xi32>
        %ge3A_307 = arith.cmpi sge, %sub3A_304, %ge3A_306 : vector<16xi32>
        %lt3A_308 = arith.constant 128 : i32
        %lt3A_309 = vector.broadcast %lt3A_308 : i32 to vector<16xi32>
        %lt3A_310 = arith.cmpi slt, %sub3A_304, %lt3A_309 : vector<16xi32>
        %and3A_311 = arith.andi %ge3A_307, %lt3A_310 : vector<16xi1>
        %get3A_312 = arith.index_cast %add3A_299 : i32 to index
        %get3A_313 = tpu.vector_load %arg11[%get3A_312] {strides = array<i32>} : memref<3200xi32, #tpu.memory_space<vmem>>, vector<16xi32>,
        %broadcast_in_dim3A_314 = arith.constant 1 : i32
        %broadcast_in_dim3A_315 = vector.broadcast %broadcast_in_dim3A_314 : i32 to vector<16xi32>
        %broadcast_in_dim3A_316 = arith.constant 0 : i32
        %broadcast_in_dim3A_317 = vector.broadcast %broadcast_in_dim3A_316 : i32 to vector<16xi32>
        %select_n3A_318 = arith.select %and3A_311, %broadcast_in_dim3A_315, %broadcast_in_dim3A_317 : vector<16xi1>, vector<16xi32>
        %broadcast_in_dim3A_319 = arith.constant true
        %broadcast_in_dim3A_320 = vector.broadcast %broadcast_in_dim3A_319 : i1 to vector<16xi1>
        %masked_cumsum3A_321 = tpu.scan <sum>, %select_n3A_318 masked %broadcast_in_dim3A_320 : vector<16xi32>, vector<16xi1> -> vector<16xi32>
        %add3A_322 = arith.addi %masked_cumsum3A_321, %add3A_295 : vector<16xi32>
        %sub3A_323 = arith.constant 1 : i32
        %sub3A_324 = vector.broadcast %sub3A_323 : i32 to vector<16xi32>
        %sub3A_325 = arith.subi %add3A_322, %sub3A_324 : vector<16xi32>
        tpu.vector_store_idx %arg12[%sub3A_325], %get3A_313 masked %and3A_311 : memref<256xi32, #tpu.memory_space<vmem>>[vector<16xi32>], vector<16xi32>, vector<16xi1>
        tpu.vector_store_idx %arg13[%sub3A_325], %sub3A_304 masked %and3A_311 : memref<256xi32, #tpu.memory_space<vmem>>[vector<16xi32>], vector<16xi32>, vector<16xi1>
        %all_reduce_population_count3A_326 = tpu.all_reduce %and3A_311 {dim = 0 : i64, kind = #tpu.reduction_kind<sum>} : vector<16xi1> -> vector<16xi32>
        %add3A_327 = arith.addi %add3A_295, %all_reduce_population_count3A_326 : vector<16xi32>
        %mul3A_328 = arith.constant 128 : i32
        %mul3A_329 = arith.muli %scan3A_206, %mul3A_328 : i32
        %add3A_330 = arith.constant 64 : i32
        %add3A_331 = arith.addi %mul3A_329, %add3A_330 : i32
        %get3A_332 = arith.index_cast %add3A_331 : i32 to index
        %get3A_333 = tpu.vector_load %arg10[%get3A_332] {strides = array<i32>} : memref<3200xi32, #tpu.memory_space<vmem>>, vector<16xi32>,
        %gather3A_334 = tpu.vector_load_idx %arg7[%get3A_333] : memref<10240xi32, #tpu.memory_space<vmem>>[vector<16xi32>], vector<16xi32>,
        %sub3A_335 = vector.broadcast %mul3A_2 : i32 to vector<16xi32>
        %sub3A_336 = arith.subi %gather3A_334, %sub3A_335 : vector<16xi32>
        %ge3A_337 = arith.constant 0 : i32
        %ge3A_338 = vector.broadcast %ge3A_337 : i32 to vector<16xi32>
        %ge3A_339 = arith.cmpi sge, %sub3A_336, %ge3A_338 : vector<16xi32>
        %lt3A_340 = arith.constant 128 : i32
        %lt3A_341 = vector.broadcast %lt3A_340 : i32 to vector<16xi32>
        %lt3A_342 = arith.cmpi slt, %sub3A_336, %lt3A_341 : vector<16xi32>
        %and3A_343 = arith.andi %ge3A_339, %lt3A_342 : vector<16xi1>
        %get3A_344 = arith.index_cast %add3A_331 : i32 to index
        %get3A_345 = tpu.vector_load %arg11[%get3A_344] {strides = array<i32>} : memref<3200xi32, #tpu.memory_space<vmem>>, vector<16xi32>,
        %broadcast_in_dim3A_346 = arith.constant 1 : i32
        %broadcast_in_dim3A_347 = vector.broadcast %broadcast_in_dim3A_346 : i32 to vector<16xi32>
        %broadcast_in_dim3A_348 = arith.constant 0 : i32
        %broadcast_in_dim3A_349 = vector.broadcast %broadcast_in_dim3A_348 : i32 to vector<16xi32>
        %select_n3A_350 = arith.select %and3A_343, %broadcast_in_dim3A_347, %broadcast_in_dim3A_349 : vector<16xi1>, vector<16xi32>
        %broadcast_in_dim3A_351 = arith.constant true
        %broadcast_in_dim3A_352 = vector.broadcast %broadcast_in_dim3A_351 : i1 to vector<16xi1>
        %masked_cumsum3A_353 = tpu.scan <sum>, %select_n3A_350 masked %broadcast_in_dim3A_352 : vector<16xi32>, vector<16xi1> -> vector<16xi32>
        %add3A_354 = arith.addi %masked_cumsum3A_353, %add3A_327 : vector<16xi32>
        %sub3A_355 = arith.constant 1 : i32
        %sub3A_356 = vector.broadcast %sub3A_355 : i32 to vector<16xi32>
        %sub3A_357 = arith.subi %add3A_354, %sub3A_356 : vector<16xi32>
        tpu.vector_store_idx %arg12[%sub3A_357], %get3A_345 masked %and3A_343 : memref<256xi32, #tpu.memory_space<vmem>>[vector<16xi32>], vector<16xi32>, vector<16xi1>
        tpu.vector_store_idx %arg13[%sub3A_357], %sub3A_336 masked %and3A_343 : memref<256xi32, #tpu.memory_space<vmem>>[vector<16xi32>], vector<16xi32>, vector<16xi1>
        %all_reduce_population_count3A_358 = tpu.all_reduce %and3A_343 {dim = 0 : i64, kind = #tpu.reduction_kind<sum>} : vector<16xi1> -> vector<16xi32>
        %add3A_359 = arith.addi %add3A_327, %all_reduce_population_count3A_358 : vector<16xi32>
        %mul3A_360 = arith.constant 128 : i32
        %mul3A_361 = arith.muli %scan3A_206, %mul3A_360 : i32
        %add3A_362 = arith.constant 80 : i32
        %add3A_363 = arith.addi %mul3A_361, %add3A_362 : i32
        %get3A_364 = arith.index_cast %add3A_363 : i32 to index
        %get3A_365 = tpu.vector_load %arg10[%get3A_364] {strides = array<i32>} : memref<3200xi32, #tpu.memory_space<vmem>>, vector<16xi32>,
        %gather3A_366 = tpu.vector_load_idx %arg7[%get3A_365] : memref<10240xi32, #tpu.memory_space<vmem>>[vector<16xi32>], vector<16xi32>,
        %sub3A_367 = vector.broadcast %mul3A_2 : i32 to vector<16xi32>
        %sub3A_368 = arith.subi %gather3A_366, %sub3A_367 : vector<16xi32>
        %ge3A_369 = arith.constant 0 : i32
        %ge3A_370 = vector.broadcast %ge3A_369 : i32 to vector<16xi32>
        %ge3A_371 = arith.cmpi sge, %sub3A_368, %ge3A_370 : vector<16xi32>
        %lt3A_372 = arith.constant 128 : i32
        %lt3A_373 = vector.broadcast %lt3A_372 : i32 to vector<16xi32>
        %lt3A_374 = arith.cmpi slt, %sub3A_368, %lt3A_373 : vector<16xi32>
        %and3A_375 = arith.andi %ge3A_371, %lt3A_374 : vector<16xi1>
        %get3A_376 = arith.index_cast %add3A_363 : i32 to index
        %get3A_377 = tpu.vector_load %arg11[%get3A_376] {strides = array<i32>} : memref<3200xi32, #tpu.memory_space<vmem>>, vector<16xi32>,
        %broadcast_in_dim3A_378 = arith.constant 1 : i32
        %broadcast_in_dim3A_379 = vector.broadcast %broadcast_in_dim3A_378 : i32 to vector<16xi32>
        %broadcast_in_dim3A_380 = arith.constant 0 : i32
        %broadcast_in_dim3A_381 = vector.broadcast %broadcast_in_dim3A_380 : i32 to vector<16xi32>
        %select_n3A_382 = arith.select %and3A_375, %broadcast_in_dim3A_379, %broadcast_in_dim3A_381 : vector<16xi1>, vector<16xi32>
        %broadcast_in_dim3A_383 = arith.constant true
        %broadcast_in_dim3A_384 = vector.broadcast %broadcast_in_dim3A_383 : i1 to vector<16xi1>
        %masked_cumsum3A_385 = tpu.scan <sum>, %select_n3A_382 masked %broadcast_in_dim3A_384 : vector<16xi32>, vector<16xi1> -> vector<16xi32>
        %add3A_386 = arith.addi %masked_cumsum3A_385, %add3A_359 : vector<16xi32>
        %sub3A_387 = arith.constant 1 : i32
        %sub3A_388 = vector.broadcast %sub3A_387 : i32 to vector<16xi32>
        %sub3A_389 = arith.subi %add3A_386, %sub3A_388 : vector<16xi32>
        tpu.vector_store_idx %arg12[%sub3A_389], %get3A_377 masked %and3A_375 : memref<256xi32, #tpu.memory_space<vmem>>[vector<16xi32>], vector<16xi32>, vector<16xi1>
        tpu.vector_store_idx %arg13[%sub3A_389], %sub3A_368 masked %and3A_375 : memref<256xi32, #tpu.memory_space<vmem>>[vector<16xi32>], vector<16xi32>, vector<16xi1>
        %all_reduce_population_count3A_390 = tpu.all_reduce %and3A_375 {dim = 0 : i64, kind = #tpu.reduction_kind<sum>} : vector<16xi1> -> vector<16xi32>
        %add3A_391 = arith.addi %add3A_359, %all_reduce_population_count3A_390 : vector<16xi32>
        %mul3A_392 = arith.constant 128 : i32
        %mul3A_393 = arith.muli %scan3A_206, %mul3A_392 : i32
        %add3A_394 = arith.constant 96 : i32
        %add3A_395 = arith.addi %mul3A_393, %add3A_394 : i32
        %get3A_396 = arith.index_cast %add3A_395 : i32 to index
        %get3A_397 = tpu.vector_load %arg10[%get3A_396] {strides = array<i32>} : memref<3200xi32, #tpu.memory_space<vmem>>, vector<16xi32>,
        %gather3A_398 = tpu.vector_load_idx %arg7[%get3A_397] : memref<10240xi32, #tpu.memory_space<vmem>>[vector<16xi32>], vector<16xi32>,
        %sub3A_399 = vector.broadcast %mul3A_2 : i32 to vector<16xi32>
        %sub3A_400 = arith.subi %gather3A_398, %sub3A_399 : vector<16xi32>
        %ge3A_401 = arith.constant 0 : i32
        %ge3A_402 = vector.broadcast %ge3A_401 : i32 to vector<16xi32>
        %ge3A_403 = arith.cmpi sge, %sub3A_400, %ge3A_402 : vector<16xi32>
        %lt3A_404 = arith.constant 128 : i32
        %lt3A_405 = vector.broadcast %lt3A_404 : i32 to vector<16xi32>
        %lt3A_406 = arith.cmpi slt, %sub3A_400, %lt3A_405 : vector<16xi32>
        %and3A_407 = arith.andi %ge3A_403, %lt3A_406 : vector<16xi1>
        %get3A_408 = arith.index_cast %add3A_395 : i32 to index
        %get3A_409 = tpu.vector_load %arg11[%get3A_408] {strides = array<i32>} : memref<3200xi32, #tpu.memory_space<vmem>>, vector<16xi32>,
        %broadcast_in_dim3A_410 = arith.constant 1 : i32
        %broadcast_in_dim3A_411 = vector.broadcast %broadcast_in_dim3A_410 : i32 to vector<16xi32>
        %broadcast_in_dim3A_412 = arith.constant 0 : i32
        %broadcast_in_dim3A_413 = vector.broadcast %broadcast_in_dim3A_412 : i32 to vector<16xi32>
        %select_n3A_414 = arith.select %and3A_407, %broadcast_in_dim3A_411, %broadcast_in_dim3A_413 : vector<16xi1>, vector<16xi32>
        %broadcast_in_dim3A_415 = arith.constant true
        %broadcast_in_dim3A_416 = vector.broadcast %broadcast_in_dim3A_415 : i1 to vector<16xi1>
        %masked_cumsum3A_417 = tpu.scan <sum>, %select_n3A_414 masked %broadcast_in_dim3A_416 : vector<16xi32>, vector<16xi1> -> vector<16xi32>
        %add3A_418 = arith.addi %masked_cumsum3A_417, %add3A_391 : vector<16xi32>
        %sub3A_419 = arith.constant 1 : i32
        %sub3A_420 = vector.broadcast %sub3A_419 : i32 to vector<16xi32>
        %sub3A_421 = arith.subi %add3A_418, %sub3A_420 : vector<16xi32>
        tpu.vector_store_idx %arg12[%sub3A_421], %get3A_409 masked %and3A_407 : memref<256xi32, #tpu.memory_space<vmem>>[vector<16xi32>], vector<16xi32>, vector<16xi1>
        tpu.vector_store_idx %arg13[%sub3A_421], %sub3A_400 masked %and3A_407 : memref<256xi32, #tpu.memory_space<vmem>>[vector<16xi32>], vector<16xi32>, vector<16xi1>
        %all_reduce_population_count3A_422 = tpu.all_reduce %and3A_407 {dim = 0 : i64, kind = #tpu.reduction_kind<sum>} : vector<16xi1> -> vector<16xi32>
        %add3A_423 = arith.addi %add3A_391, %all_reduce_population_count3A_422 : vector<16xi32>
        %mul3A_424 = arith.constant 128 : i32
        %mul3A_425 = arith.muli %scan3A_206, %mul3A_424 : i32
        %add3A_426 = arith.constant 112 : i32
        %add3A_427 = arith.addi %mul3A_425, %add3A_426 : i32
        %get3A_428 = arith.index_cast %add3A_427 : i32 to index
        %get3A_429 = tpu.vector_load %arg10[%get3A_428] {strides = array<i32>} : memref<3200xi32, #tpu.memory_space<vmem>>, vector<16xi32>,
        %gather3A_430 = tpu.vector_load_idx %arg7[%get3A_429] : memref<10240xi32, #tpu.memory_space<vmem>>[vector<16xi32>], vector<16xi32>,
        %sub3A_431 = vector.broadcast %mul3A_2 : i32 to vector<16xi32>
        %sub3A_432 = arith.subi %gather3A_430, %sub3A_431 : vector<16xi32>
        %ge3A_433 = arith.constant 0 : i32
        %ge3A_434 = vector.broadcast %ge3A_433 : i32 to vector<16xi32>
        %ge3A_435 = arith.cmpi sge, %sub3A_432, %ge3A_434 : vector<16xi32>
        %lt3A_436 = arith.constant 128 : i32
        %lt3A_437 = vector.broadcast %lt3A_436 : i32 to vector<16xi32>
        %lt3A_438 = arith.cmpi slt, %sub3A_432, %lt3A_437 : vector<16xi32>
        %and3A_439 = arith.andi %ge3A_435, %lt3A_438 : vector<16xi1>
        %get3A_440 = arith.index_cast %add3A_427 : i32 to index
        %get3A_441 = tpu.vector_load %arg11[%get3A_440] {strides = array<i32>} : memref<3200xi32, #tpu.memory_space<vmem>>, vector<16xi32>,
        %broadcast_in_dim3A_442 = arith.constant 1 : i32
        %broadcast_in_dim3A_443 = vector.broadcast %broadcast_in_dim3A_442 : i32 to vector<16xi32>
        %broadcast_in_dim3A_444 = arith.constant 0 : i32
        %broadcast_in_dim3A_445 = vector.broadcast %broadcast_in_dim3A_444 : i32 to vector<16xi32>
        %select_n3A_446 = arith.select %and3A_439, %broadcast_in_dim3A_443, %broadcast_in_dim3A_445 : vector<16xi1>, vector<16xi32>
        %broadcast_in_dim3A_447 = arith.constant true
        %broadcast_in_dim3A_448 = vector.broadcast %broadcast_in_dim3A_447 : i1 to vector<16xi1>
        %masked_cumsum3A_449 = tpu.scan <sum>, %select_n3A_446 masked %broadcast_in_dim3A_448 : vector<16xi32>, vector<16xi1> -> vector<16xi32>
        %add3A_450 = arith.addi %masked_cumsum3A_449, %add3A_423 : vector<16xi32>
        %sub3A_451 = arith.constant 1 : i32
        %sub3A_452 = vector.broadcast %sub3A_451 : i32 to vector<16xi32>
        %sub3A_453 = arith.subi %add3A_450, %sub3A_452 : vector<16xi32>
        tpu.vector_store_idx %arg12[%sub3A_453], %get3A_441 masked %and3A_439 : memref<256xi32, #tpu.memory_space<vmem>>[vector<16xi32>], vector<16xi32>, vector<16xi1>
        tpu.vector_store_idx %arg13[%sub3A_453], %sub3A_432 masked %and3A_439 : memref<256xi32, #tpu.memory_space<vmem>>[vector<16xi32>], vector<16xi32>, vector<16xi1>
        %all_reduce_population_count3A_454 = tpu.all_reduce %and3A_439 {dim = 0 : i64, kind = #tpu.reduction_kind<sum>} : vector<16xi1> -> vector<16xi32>
        %add3A_455 = arith.addi %add3A_423, %all_reduce_population_count3A_454 : vector<16xi32>
        %slice3A_456 = vector.extract_strided_slice %add3A_455 {offsets = [0], sizes = [1], strides = [1]} : vector<16xi32> to vector<1xi32>
        %squeeze3A_457 = vector.extract %slice3A_456[0] : i32 from vector<1xi32>
        %ge3A_458 = arith.constant 128 : i32
        %ge3A_459 = arith.cmpi sge, %squeeze3A_457, %ge3A_458 : i32
        %convert_element_type3A_460 = arith.extui %ge3A_459 : i1 to i32
        %cond3A_461 = arith.constant 0 : i32
        %cond3A_462 = arith.cmpi ne, %convert_element_type3A_460, %cond3A_461 : i32
        scf.if %cond3A_462 {
          %dma_start3A_469 = arith.constant 0 : i32
          %dma_start3A_470 = tpu.memref_slice %arg12[%dma_start3A_469] : memref<256xi32, #tpu.memory_space<vmem>> -> memref<128xi32, #tpu.memory_space<vmem>>
          %dma_start3A_471 = arith.constant 0 : i32
          %dma_start3A_472 = arith.constant 0 : i32
          %dma_start3A_473 = tpu.memref_slice %arg5[%dma_start3A_471, %dma_start3A_472] : memref<10000x256xf32, #tpu.memory_space<hbm>> -> memref<10000x256xf32, #tpu.memory_space<hbm>>
          tpu.enqueue_indirect_dma source(%dma_start3A_473 : memref<10000x256xf32, #tpu.memory_space<hbm>>) target(%arg15 : memref<128x256xf32, #tpu.memory_space<vmem>>) offsets(%dma_start3A_470 : memref<128xi32, #tpu.memory_space<vmem>>) semaphore(%arg16 : memref<!tpu.dma_semaphore, #tpu.memory_space<semaphore_mem>>)
          %dma_wait3A_474 = arith.constant 0 : i32
          %dma_wait3A_475 = tpu.memref_slice %arg12[%dma_wait3A_474] : memref<256xi32, #tpu.memory_space<vmem>> -> memref<128xi32, #tpu.memory_space<vmem>>
          %dma_wait3A_476 = arith.constant 0 : i32
          %dma_wait3A_477 = arith.constant 0 : i32
          %dma_wait3A_478 = tpu.memref_slice %arg5[%dma_wait3A_476, %dma_wait3A_477] : memref<10000x256xf32, #tpu.memory_space<hbm>> -> memref<10000x256xf32, #tpu.memory_space<hbm>>
          tpu.wait_indirect_dma semaphore(%arg16 : memref<!tpu.dma_semaphore, #tpu.memory_space<semaphore_mem>>) src(%dma_wait3A_478 : memref<10000x256xf32, #tpu.memory_space<hbm>>) dst(%arg15 : memref<128x256xf32, #tpu.memory_space<vmem>>)
          %scan3A_479 = arith.constant 0 : i32
          %scan3A_480 = arith.constant 0 : i32
          %scan3A_481 = arith.constant 128 : i32
          %scan3A_482 = arith.addi %scan3A_480, %scan3A_481 : i32
          %scan3A_483 = arith.constant 1 : i32
          scf.for %scan3A_517 = %scan3A_480 to %scan3A_482 step %scan3A_483  : i32 {
            %get3A_518 = arith.index_cast %scan3A_517 : i32 to index
            %get3A_519 = tpu.vector_load %arg13[%get3A_518] {strides = array<i32>} : memref<256xi32, #tpu.memory_space<vmem>>, vector<16xi32>,
            %slice3A_520 = vector.extract_strided_slice %get3A_519 {offsets = [0], sizes = [1], strides = [1]} : vector<16xi32> to vector<1xi32>
            %squeeze3A_521 = vector.extract %slice3A_520[0] : i32 from vector<1xi32>
            %mul3A_522 = arith.constant 384 : i32
            %mul3A_523 = arith.muli %squeeze3A_521, %mul3A_522 : i32
            %add3A_524 = arith.constant 0 : i32
            %add3A_525 = arith.addi %mul3A_523, %add3A_524 : i32
            %get3A_526 = arith.index_cast %add3A_525 : i32 to index
            %get3A_527 = tpu.vector_load %arg14[%get3A_526] {strides = array<i32>} : memref<49536xf32, #tpu.memory_space<vmem>>, vector<16xf32>,
            %get3A_528 = arith.index_cast %scan3A_517 : i32 to index
            %get3A_529 = arith.constant 0 : index
            %get3A_530 = tpu.vector_load %arg15[%get3A_528, %get3A_529] {strides = array<i32>} : memref<128x256xf32, #tpu.memory_space<vmem>>, vector<16xf32>,
            %add3A_531 = arith.addf %get3A_527, %get3A_530 : vector<16xf32>
            %add3A_532 = arith.constant 0 : i32
            %add3A_533 = arith.addi %mul3A_523, %add3A_532 : i32
            %swap3A_534 = arith.index_cast %add3A_533 : i32 to index
            %swap3A_535 = tpu.vector_load %arg14[%swap3A_534] {strides = array<i32>} : memref<49536xf32, #tpu.memory_space<vmem>>, vector<16xf32>,
            tpu.vector_store %arg14[%swap3A_534], %add3A_531 {strides = array<i32>} : memref<49536xf32, #tpu.memory_space<vmem>>, vector<16xf32>,
            %add3A_536 = arith.constant 16 : i32
            %add3A_537 = arith.addi %mul3A_523, %add3A_536 : i32
            %get3A_538 = arith.index_cast %add3A_537 : i32 to index
            %get3A_539 = tpu.vector_load %arg14[%get3A_538] {strides = array<i32>} : memref<49536xf32, #tpu.memory_space<vmem>>, vector<16xf32>,
            %get3A_540 = arith.index_cast %scan3A_517 : i32 to index
            %get3A_541 = arith.constant 16 : index
            %get3A_542 = tpu.vector_load %arg15[%get3A_540, %get3A_541] {strides = array<i32>} : memref<128x256xf32, #tpu.memory_space<vmem>>, vector<16xf32>,
            %add3A_543 = arith.addf %get3A_539, %get3A_542 : vector<16xf32>
            %add3A_544 = arith.constant 16 : i32
            %add3A_545 = arith.addi %mul3A_523, %add3A_544 : i32
            %swap3A_546 = arith.index_cast %add3A_545 : i32 to index
            %swap3A_547 = tpu.vector_load %arg14[%swap3A_546] {strides = array<i32>} : memref<49536xf32, #tpu.memory_space<vmem>>, vector<16xf32>,
            tpu.vector_store %arg14[%swap3A_546], %add3A_543 {strides = array<i32>} : memref<49536xf32, #tpu.memory_space<vmem>>, vector<16xf32>,
            %add3A_548 = arith.constant 32 : i32
            %add3A_549 = arith.addi %mul3A_523, %add3A_548 : i32
            %get3A_550 = arith.index_cast %add3A_549 : i32 to index
            %get3A_551 = tpu.vector_load %arg14[%get3A_550] {strides = array<i32>} : memref<49536xf32, #tpu.memory_space<vmem>>, vector<16xf32>,
            %get3A_552 = arith.index_cast %scan3A_517 : i32 to index
            %get3A_553 = arith.constant 32 : index
            %get3A_554 = tpu.vector_load %arg15[%get3A_552, %get3A_553] {strides = array<i32>} : memref<128x256xf32, #tpu.memory_space<vmem>>, vector<16xf32>,
            %add3A_555 = arith.addf %get3A_551, %get3A_554 : vector<16xf32>
            %add3A_556 = arith.constant 32 : i32
            %add3A_557 = arith.addi %mul3A_523, %add3A_556 : i32
            %swap3A_558 = arith.index_cast %add3A_557 : i32 to index
            %swap3A_559 = tpu.vector_load %arg14[%swap3A_558] {strides = array<i32>} : memref<49536xf32, #tpu.memory_space<vmem>>, vector<16xf32>,
            tpu.vector_store %arg14[%swap3A_558], %add3A_555 {strides = array<i32>} : memref<49536xf32, #tpu.memory_space<vmem>>, vector<16xf32>,
            %add3A_560 = arith.constant 48 : i32
            %add3A_561 = arith.addi %mul3A_523, %add3A_560 : i32
            %get3A_562 = arith.index_cast %add3A_561 : i32 to index
            %get3A_563 = tpu.vector_load %arg14[%get3A_562] {strides = array<i32>} : memref<49536xf32, #tpu.memory_space<vmem>>, vector<16xf32>,
            %get3A_564 = arith.index_cast %scan3A_517 : i32 to index
            %get3A_565 = arith.constant 48 : index
            %get3A_566 = tpu.vector_load %arg15[%get3A_564, %get3A_565] {strides = array<i32>} : memref<128x256xf32, #tpu.memory_space<vmem>>, vector<16xf32>,
            %add3A_567 = arith.addf %get3A_563, %get3A_566 : vector<16xf32>
            %add3A_568 = arith.constant 48 : i32
            %add3A_569 = arith.addi %mul3A_523, %add3A_568 : i32
            %swap3A_570 = arith.index_cast %add3A_569 : i32 to index
            %swap3A_571 = tpu.vector_load %arg14[%swap3A_570] {strides = array<i32>} : memref<49536xf32, #tpu.memory_space<vmem>>, vector<16xf32>,
            tpu.vector_store %arg14[%swap3A_570], %add3A_567 {strides = array<i32>} : memref<49536xf32, #tpu.memory_space<vmem>>, vector<16xf32>,
            %add3A_572 = arith.constant 64 : i32
            %add3A_573 = arith.addi %mul3A_523, %add3A_572 : i32
            %get3A_574 = arith.index_cast %add3A_573 : i32 to index
            %get3A_575 = tpu.vector_load %arg14[%get3A_574] {strides = array<i32>} : memref<49536xf32, #tpu.memory_space<vmem>>, vector<16xf32>,
            %get3A_576 = arith.index_cast %scan3A_517 : i32 to index
            %get3A_577 = arith.constant 64 : index
            %get3A_578 = tpu.vector_load %arg15[%get3A_576, %get3A_577] {strides = array<i32>} : memref<128x256xf32, #tpu.memory_space<vmem>>, vector<16xf32>,
            %add3A_579 = arith.addf %get3A_575, %get3A_578 : vector<16xf32>
            %add3A_580 = arith.constant 64 : i32
            %add3A_581 = arith.addi %mul3A_523, %add3A_580 : i32
            %swap3A_582 = arith.index_cast %add3A_581 : i32 to index
            %swap3A_583 = tpu.vector_load %arg14[%swap3A_582] {strides = array<i32>} : memref<49536xf32, #tpu.memory_space<vmem>>, vector<16xf32>,
            tpu.vector_store %arg14[%swap3A_582], %add3A_579 {strides = array<i32>} : memref<49536xf32, #tpu.memory_space<vmem>>, vector<16xf32>,
            %add3A_584 = arith.constant 80 : i32
            %add3A_585 = arith.addi %mul3A_523, %add3A_584 : i32
            %get3A_586 = arith.index_cast %add3A_585 : i32 to index
            %get3A_587 = tpu.vector_load %arg14[%get3A_586] {strides = array<i32>} : memref<49536xf32, #tpu.memory_space<vmem>>, vector<16xf32>,
            %get3A_588 = arith.index_cast %scan3A_517 : i32 to index
            %get3A_589 = arith.constant 80 : index
            %get3A_590 = tpu.vector_load %arg15[%get3A_588, %get3A_589] {strides = array<i32>} : memref<128x256xf32, #tpu.memory_space<vmem>>, vector<16xf32>,
            %add3A_591 = arith.addf %get3A_587, %get3A_590 : vector<16xf32>
            %add3A_592 = arith.constant 80 : i32
            %add3A_593 = arith.addi %mul3A_523, %add3A_592 : i32
            %swap3A_594 = arith.index_cast %add3A_593 : i32 to index
            %swap3A_595 = tpu.vector_load %arg14[%swap3A_594] {strides = array<i32>} : memref<49536xf32, #tpu.memory_space<vmem>>, vector<16xf32>,
            tpu.vector_store %arg14[%swap3A_594], %add3A_591 {strides = array<i32>} : memref<49536xf32, #tpu.memory_space<vmem>>, vector<16xf32>,
            %add3A_596 = arith.constant 96 : i32
            %add3A_597 = arith.addi %mul3A_523, %add3A_596 : i32
            %get3A_598 = arith.index_cast %add3A_597 : i32 to index
            %get3A_599 = tpu.vector_load %arg14[%get3A_598] {strides = array<i32>} : memref<49536xf32, #tpu.memory_space<vmem>>, vector<16xf32>,
            %get3A_600 = arith.index_cast %scan3A_517 : i32 to index
            %get3A_601 = arith.constant 96 : index
            %get3A_602 = tpu.vector_load %arg15[%get3A_600, %get3A_601] {strides = array<i32>} : memref<128x256xf32, #tpu.memory_space<vmem>>, vector<16xf32>,
            %add3A_603 = arith.addf %get3A_599, %get3A_602 : vector<16xf32>
            %add3A_604 = arith.constant 96 : i32
            %add3A_605 = arith.addi %mul3A_523, %add3A_604 : i32
            %swap3A_606 = arith.index_cast %add3A_605 : i32 to index
            %swap3A_607 = tpu.vector_load %arg14[%swap3A_606] {strides = array<i32>} : memref<49536xf32, #tpu.memory_space<vmem>>, vector<16xf32>,
            tpu.vector_store %arg14[%swap3A_606], %add3A_603 {strides = array<i32>} : memref<49536xf32, #tpu.memory_space<vmem>>, vector<16xf32>,
            %add3A_608 = arith.constant 112 : i32
            %add3A_609 = arith.addi %mul3A_523, %add3A_608 : i32
            %get3A_610 = arith.index_cast %add3A_609 : i32 to index
            %get3A_611 = tpu.vector_load %arg14[%get3A_610] {strides = array<i32>} : memref<49536xf32, #tpu.memory_space<vmem>>, vector<16xf32>,
            %get3A_612 = arith.index_cast %scan3A_517 : i32 to index
            %get3A_613 = arith.constant 112 : index
            %get3A_614 = tpu.vector_load %arg15[%get3A_612, %get3A_613] {strides = array<i32>} : memref<128x256xf32, #tpu.memory_space<vmem>>, vector<16xf32>,
            %add3A_615 = arith.addf %get3A_611, %get3A_614 : vector<16xf32>
            %add3A_616 = arith.constant 112 : i32
            %add3A_617 = arith.addi %mul3A_523, %add3A_616 : i32
            %swap3A_618 = arith.index_cast %add3A_617 : i32 to index
            %swap3A_619 = tpu.vector_load %arg14[%swap3A_618] {strides = array<i32>} : memref<49536xf32, #tpu.memory_space<vmem>>, vector<16xf32>,
            tpu.vector_store %arg14[%swap3A_618], %add3A_615 {strides = array<i32>} : memref<49536xf32, #tpu.memory_space<vmem>>, vector<16xf32>,
            %add3A_620 = arith.constant 128 : i32
            %add3A_621 = arith.addi %mul3A_523, %add3A_620 : i32
            %get3A_622 = arith.index_cast %add3A_621 : i32 to index
            %get3A_623 = tpu.vector_load %arg14[%get3A_622] {strides = array<i32>} : memref<49536xf32, #tpu.memory_space<vmem>>, vector<16xf32>,
            %get3A_624 = arith.index_cast %scan3A_517 : i32 to index
            %get3A_625 = arith.constant 128 : index
            %get3A_626 = tpu.vector_load %arg15[%get3A_624, %get3A_625] {strides = array<i32>} : memref<128x256xf32, #tpu.memory_space<vmem>>, vector<16xf32>,
            %add3A_627 = arith.addf %get3A_623, %get3A_626 : vector<16xf32>
            %add3A_628 = arith.constant 128 : i32
            %add3A_629 = arith.addi %mul3A_523, %add3A_628 : i32
            %swap3A_630 = arith.index_cast %add3A_629 : i32 to index
            %swap3A_631 = tpu.vector_load %arg14[%swap3A_630] {strides = array<i32>} : memref<49536xf32, #tpu.memory_space<vmem>>, vector<16xf32>,
            tpu.vector_store %arg14[%swap3A_630], %add3A_627 {strides = array<i32>} : memref<49536xf32, #tpu.memory_space<vmem>>, vector<16xf32>,
            %add3A_632 = arith.constant 144 : i32
            %add3A_633 = arith.addi %mul3A_523, %add3A_632 : i32
            %get3A_634 = arith.index_cast %add3A_633 : i32 to index
            %get3A_635 = tpu.vector_load %arg14[%get3A_634] {strides = array<i32>} : memref<49536xf32, #tpu.memory_space<vmem>>, vector<16xf32>,
            %get3A_636 = arith.index_cast %scan3A_517 : i32 to index
            %get3A_637 = arith.constant 144 : index
            %get3A_638 = tpu.vector_load %arg15[%get3A_636, %get3A_637] {strides = array<i32>} : memref<128x256xf32, #tpu.memory_space<vmem>>, vector<16xf32>,
            %add3A_639 = arith.addf %get3A_635, %get3A_638 : vector<16xf32>
            %add3A_640 = arith.constant 144 : i32
            %add3A_641 = arith.addi %mul3A_523, %add3A_640 : i32
            %swap3A_642 = arith.index_cast %add3A_641 : i32 to index
            %swap3A_643 = tpu.vector_load %arg14[%swap3A_642] {strides = array<i32>} : memref<49536xf32, #tpu.memory_space<vmem>>, vector<16xf32>,
            tpu.vector_store %arg14[%swap3A_642], %add3A_639 {strides = array<i32>} : memref<49536xf32, #tpu.memory_space<vmem>>, vector<16xf32>,
            %add3A_644 = arith.constant 160 : i32
            %add3A_645 = arith.addi %mul3A_523, %add3A_644 : i32
            %get3A_646 = arith.index_cast %add3A_645 : i32 to index
            %get3A_647 = tpu.vector_load %arg14[%get3A_646] {strides = array<i32>} : memref<49536xf32, #tpu.memory_space<vmem>>, vector<16xf32>,
            %get3A_648 = arith.index_cast %scan3A_517 : i32 to index
            %get3A_649 = arith.constant 160 : index
            %get3A_650 = tpu.vector_load %arg15[%get3A_648, %get3A_649] {strides = array<i32>} : memref<128x256xf32, #tpu.memory_space<vmem>>, vector<16xf32>,
            %add3A_651 = arith.addf %get3A_647, %get3A_650 : vector<16xf32>
            %add3A_652 = arith.constant 160 : i32
            %add3A_653 = arith.addi %mul3A_523, %add3A_652 : i32
            %swap3A_654 = arith.index_cast %add3A_653 : i32 to index
            %swap3A_655 = tpu.vector_load %arg14[%swap3A_654] {strides = array<i32>} : memref<49536xf32, #tpu.memory_space<vmem>>, vector<16xf32>,
            tpu.vector_store %arg14[%swap3A_654], %add3A_651 {strides = array<i32>} : memref<49536xf32, #tpu.memory_space<vmem>>, vector<16xf32>,
            %add3A_656 = arith.constant 176 : i32
            %add3A_657 = arith.addi %mul3A_523, %add3A_656 : i32
            %get3A_658 = arith.index_cast %add3A_657 : i32 to index
            %get3A_659 = tpu.vector_load %arg14[%get3A_658] {strides = array<i32>} : memref<49536xf32, #tpu.memory_space<vmem>>, vector<16xf32>,
            %get3A_660 = arith.index_cast %scan3A_517 : i32 to index
            %get3A_661 = arith.constant 176 : index
            %get3A_662 = tpu.vector_load %arg15[%get3A_660, %get3A_661] {strides = array<i32>} : memref<128x256xf32, #tpu.memory_space<vmem>>, vector<16xf32>,
            %add3A_663 = arith.addf %get3A_659, %get3A_662 : vector<16xf32>
            %add3A_664 = arith.constant 176 : i32
            %add3A_665 = arith.addi %mul3A_523, %add3A_664 : i32
            %swap3A_666 = arith.index_cast %add3A_665 : i32 to index
            %swap3A_667 = tpu.vector_load %arg14[%swap3A_666] {strides = array<i32>} : memref<49536xf32, #tpu.memory_space<vmem>>, vector<16xf32>,
            tpu.vector_store %arg14[%swap3A_666], %add3A_663 {strides = array<i32>} : memref<49536xf32, #tpu.memory_space<vmem>>, vector<16xf32>,
            %add3A_668 = arith.constant 192 : i32
            %add3A_669 = arith.addi %mul3A_523, %add3A_668 : i32
            %get3A_670 = arith.index_cast %add3A_669 : i32 to index
            %get3A_671 = tpu.vector_load %arg14[%get3A_670] {strides = array<i32>} : memref<49536xf32, #tpu.memory_space<vmem>>, vector<16xf32>,
            %get3A_672 = arith.index_cast %scan3A_517 : i32 to index
            %get3A_673 = arith.constant 192 : index
            %get3A_674 = tpu.vector_load %arg15[%get3A_672, %get3A_673] {strides = array<i32>} : memref<128x256xf32, #tpu.memory_space<vmem>>, vector<16xf32>,
            %add3A_675 = arith.addf %get3A_671, %get3A_674 : vector<16xf32>
            %add3A_676 = arith.constant 192 : i32
            %add3A_677 = arith.addi %mul3A_523, %add3A_676 : i32
            %swap3A_678 = arith.index_cast %add3A_677 : i32 to index
            %swap3A_679 = tpu.vector_load %arg14[%swap3A_678] {strides = array<i32>} : memref<49536xf32, #tpu.memory_space<vmem>>, vector<16xf32>,
            tpu.vector_store %arg14[%swap3A_678], %add3A_675 {strides = array<i32>} : memref<49536xf32, #tpu.memory_space<vmem>>, vector<16xf32>,
            %add3A_680 = arith.constant 208 : i32
            %add3A_681 = arith.addi %mul3A_523, %add3A_680 : i32
            %get3A_682 = arith.index_cast %add3A_681 : i32 to index
            %get3A_683 = tpu.vector_load %arg14[%get3A_682] {strides = array<i32>} : memref<49536xf32, #tpu.memory_space<vmem>>, vector<16xf32>,
            %get3A_684 = arith.index_cast %scan3A_517 : i32 to index
            %get3A_685 = arith.constant 208 : index
            %get3A_686 = tpu.vector_load %arg15[%get3A_684, %get3A_685] {strides = array<i32>} : memref<128x256xf32, #tpu.memory_space<vmem>>, vector<16xf32>,
            %add3A_687 = arith.addf %get3A_683, %get3A_686 : vector<16xf32>
            %add3A_688 = arith.constant 208 : i32
            %add3A_689 = arith.addi %mul3A_523, %add3A_688 : i32
            %swap3A_690 = arith.index_cast %add3A_689 : i32 to index
            %swap3A_691 = tpu.vector_load %arg14[%swap3A_690] {strides = array<i32>} : memref<49536xf32, #tpu.memory_space<vmem>>, vector<16xf32>,
            tpu.vector_store %arg14[%swap3A_690], %add3A_687 {strides = array<i32>} : memref<49536xf32, #tpu.memory_space<vmem>>, vector<16xf32>,
            %add3A_692 = arith.constant 224 : i32
            %add3A_693 = arith.addi %mul3A_523, %add3A_692 : i32
            %get3A_694 = arith.index_cast %add3A_693 : i32 to index
            %get3A_695 = tpu.vector_load %arg14[%get3A_694] {strides = array<i32>} : memref<49536xf32, #tpu.memory_space<vmem>>, vector<16xf32>,
            %get3A_696 = arith.index_cast %scan3A_517 : i32 to index
            %get3A_697 = arith.constant 224 : index
            %get3A_698 = tpu.vector_load %arg15[%get3A_696, %get3A_697] {strides = array<i32>} : memref<128x256xf32, #tpu.memory_space<vmem>>, vector<16xf32>,
            %add3A_699 = arith.addf %get3A_695, %get3A_698 : vector<16xf32>
            %add3A_700 = arith.constant 224 : i32
            %add3A_701 = arith.addi %mul3A_523, %add3A_700 : i32
            %swap3A_702 = arith.index_cast %add3A_701 : i32 to index
            %swap3A_703 = tpu.vector_load %arg14[%swap3A_702] {strides = array<i32>} : memref<49536xf32, #tpu.memory_space<vmem>>, vector<16xf32>,
            tpu.vector_store %arg14[%swap3A_702], %add3A_699 {strides = array<i32>} : memref<49536xf32, #tpu.memory_space<vmem>>, vector<16xf32>,
            %add3A_704 = arith.constant 240 : i32
            %add3A_705 = arith.addi %mul3A_523, %add3A_704 : i32
            %get3A_706 = arith.index_cast %add3A_705 : i32 to index
            %get3A_707 = tpu.vector_load %arg14[%get3A_706] {strides = array<i32>} : memref<49536xf32, #tpu.memory_space<vmem>>, vector<16xf32>,
            %get3A_708 = arith.index_cast %scan3A_517 : i32 to index
            %get3A_709 = arith.constant 240 : index
            %get3A_710 = tpu.vector_load %arg15[%get3A_708, %get3A_709] {strides = array<i32>} : memref<128x256xf32, #tpu.memory_space<vmem>>, vector<16xf32>,
            %add3A_711 = arith.addf %get3A_707, %get3A_710 : vector<16xf32>
            %add3A_712 = arith.constant 240 : i32
            %add3A_713 = arith.addi %mul3A_523, %add3A_712 : i32
            %swap3A_714 = arith.index_cast %add3A_713 : i32 to index
            %swap3A_715 = tpu.vector_load %arg14[%swap3A_714] {strides = array<i32>} : memref<49536xf32, #tpu.memory_space<vmem>>, vector<16xf32>,
            tpu.vector_store %arg14[%swap3A_714], %add3A_711 {strides = array<i32>} : memref<49536xf32, #tpu.memory_space<vmem>>, vector<16xf32>,
            %add3A_716 = arith.constant 256 : i32
            %add3A_717 = arith.addi %mul3A_523, %add3A_716 : i32
            %get3A_718 = arith.index_cast %add3A_717 : i32 to index
            %get3A_719 = tpu.vector_load %arg14[%get3A_718] {strides = array<i32>} : memref<49536xf32, #tpu.memory_space<vmem>>, vector<16xf32>,
            %add3A_720 = arith.addf %get3A_719, %select_n3A : vector<16xf32>
            %add3A_721 = arith.constant 256 : i32
            %add3A_722 = arith.addi %mul3A_523, %add3A_721 : i32
            %swap3A_723 = arith.index_cast %add3A_722 : i32 to index
            %swap3A_724 = tpu.vector_load %arg14[%swap3A_723] {strides = array<i32>} : memref<49536xf32, #tpu.memory_space<vmem>>, vector<16xf32>,
            tpu.vector_store %arg14[%swap3A_723], %add3A_720 {strides = array<i32>} : memref<49536xf32, #tpu.memory_space<vmem>>, vector<16xf32>,
          }
          %scan3A_484 = arith.constant 128 : i32
          %get3A_485 = arith.constant 128 : index
          %get3A_486 = tpu.vector_load %arg12[%get3A_485] {strides = array<i32>} : memref<256xi32, #tpu.memory_space<vmem>>, vector<16xi32>,
          %swap3A_487 = arith.constant 0 : index
          %swap3A_488 = tpu.vector_load %arg12[%swap3A_487] {strides = array<i32>} : memref<256xi32, #tpu.memory_space<vmem>>, vector<16xi32>,
          tpu.vector_store %arg12[%swap3A_487], %get3A_486 {strides = array<i32>} : memref<256xi32, #tpu.memory_space<vmem>>, vector<16xi32>,
          %get3A_489 = arith.constant 128 : index
          %get3A_490 = tpu.vector_load %arg13[%get3A_489] {strides = array<i32>} : memref<256xi32, #tpu.memory_space<vmem>>, vector<16xi32>,
          %swap3A_491 = arith.constant 0 : index
          %swap3A_492 = tpu.vector_load %arg13[%swap3A_491] {strides = array<i32>} : memref<256xi32, #tpu.memory_space<vmem>>, vector<16xi32>,
          tpu.vector_store %arg13[%swap3A_491], %get3A_490 {strides = array<i32>} : memref<256xi32, #tpu.memory_space<vmem>>, vector<16xi32>,
          %get3A_493 = arith.constant 144 : index
          %get3A_494 = tpu.vector_load %arg12[%get3A_493] {strides = array<i32>} : memref<256xi32, #tpu.memory_space<vmem>>, vector<16xi32>,
          %swap3A_495 = arith.constant 16 : index
          %swap3A_496 = tpu.vector_load %arg12[%swap3A_495] {strides = array<i32>} : memref<256xi32, #tpu.memory_space<vmem>>, vector<16xi32>,
          tpu.vector_store %arg12[%swap3A_495], %get3A_494 {strides = array<i32>} : memref<256xi32, #tpu.memory_space<vmem>>, vector<16xi32>,
          %get3A_497 = arith.constant 144 : index
          %get3A_498 = tpu.vector_load %arg13[%get3A_497] {strides = array<i32>} : memref<256xi32, #tpu.memory_space<vmem>>, vector<16xi32>,
          %swap3A_499 = arith.constant 16 : index
          %swap3A_500 = tpu.vector_load %arg13[%swap3A_499] {strides = array<i32>} : memref<256xi32, #tpu.memory_space<vmem>>, vector<16xi32>,
          tpu.vector_store %arg13[%swap3A_499], %get3A_498 {strides = array<i32>} : memref<256xi32, #tpu.memory_space<vmem>>, vector<16xi32>,
          %get3A_501 = arith.constant 160 : index
          %get3A_502 = tpu.vector_load %arg12[%get3A_501] {strides = array<i32>} : memref<256xi32, #tpu.memory_space<vmem>>, vector<16xi32>,
          %swap3A_503 = arith.constant 32 : index
          %swap3A_504 = tpu.vector_load %arg12[%swap3A_503] {strides = array<i32>} : memref<256xi32, #tpu.memory_space<vmem>>, vector<16xi32>,
          tpu.vector_store %arg12[%swap3A_503], %get3A_502 {strides = array<i32>} : memref<256xi32, #tpu.memory_space<vmem>>, vector<16xi32>,
          %get3A_505 = arith.constant 160 : index
          %get3A_506 = tpu.vector_load %arg13[%get3A_505] {strides = array<i32>} : memref<256xi32, #tpu.memory_space<vmem>>, vector<16xi32>,
          %swap3A_507 = arith.constant 32 : index
          %swap3A_508 = tpu.vector_load %arg13[%swap3A_507] {strides = array<i32>} : memref<256xi32, #tpu.memory_space<vmem>>, vector<16xi32>,
          tpu.vector_store %arg13[%swap3A_507], %get3A_506 {strides = array<i32>} : memref<256xi32, #tpu.memory_space<vmem>>, vector<16xi32>,
          %get3A_509 = arith.constant 176 : index
          %get3A_510 = tpu.vector_load %arg12[%get3A_509] {strides = array<i32>} : memref<256xi32, #tpu.memory_space<vmem>>, vector<16xi32>,
          %swap3A_511 = arith.constant 48 : index
          %swap3A_512 = tpu.vector_load %arg12[%swap3A_511] {strides = array<i32>} : memref<256xi32, #tpu.memory_space<vmem>>, vector<16xi32>,
          tpu.vector_store %arg12[%swap3A_511], %get3A_510 {strides = array<i32>} : memref<256xi32, #tpu.memory_space<vmem>>, vector<16xi32>,
          %get3A_513 = arith.constant 176 : index
          %get3A_514 = tpu.vector_load %arg13[%get3A_513] {strides = array<i32>} : memref<256xi32, #tpu.memory_space<vmem>>, vector<16xi32>,
          %swap3A_515 = arith.constant 48 : index
          %swap3A_516 = tpu.vector_load %arg13[%swap3A_515] {strides = array<i32>} : memref<256xi32, #tpu.memory_space<vmem>>, vector<16xi32>,
          tpu.vector_store %arg13[%swap3A_515], %get3A_514 {strides = array<i32>} : memref<256xi32, #tpu.memory_space<vmem>>, vector<16xi32>,
        } else {
        }
        %ge3A_463 = arith.constant 128 : i32
        %ge3A_464 = arith.cmpi sge, %squeeze3A_457, %ge3A_463 : i32
        %sub3A_465 = arith.constant 128 : i32
        %sub3A_466 = vector.broadcast %sub3A_465 : i32 to vector<16xi32>
        %sub3A_467 = arith.subi %add3A_455, %sub3A_466 : vector<16xi32>
        %select_n3A_468 = arith.select %ge3A_464, %sub3A_467, %add3A_455 : vector<16xi32>
        scf.yield %select_n3A_468 : vector<16xi32>
      }
      %scan3A_191 = arith.constant 25 : i32
      %mul3A_192 = arith.constant 2 : i32
      %mul3A_193 = arith.muli %mul3A_192, %scan3A_149 : i32
      %add3A_194 = arith.constant 3 : i32
      %add3A_195 = arith.addi %mul3A_193, %add3A_194 : i32
      %min3A_196 = arith.constant 49 : i32
      %min3A_197 = arith.minsi %add3A_195, %min3A_196 : i32
      %mul3A_198 = arith.constant 3200 : i32
      %mul3A_199 = arith.muli %min3A_197, %mul3A_198 : i32
      %dma_start3A_200 = tpu.memref_slice %arg2[%mul3A_199] : memref<160000xi32, #tpu.memory_space<hbm>> -> memref<3200xi32, #tpu.memory_space<hbm>>
      %dma_start3A_201 = tpu.memref_slice %arg2[%mul3A_199] : memref<160000xi32, #tpu.memory_space<hbm>> -> memref<3200xi32, #tpu.memory_space<hbm>>
      tpu.enqueue_dma source(%dma_start3A_201 : memref<3200xi32, #tpu.memory_space<hbm>>) target(%arg10 : memref<3200xi32, #tpu.memory_space<vmem>>) target_semaphore(%arg19 : memref<!tpu.dma_semaphore, #tpu.memory_space<semaphore_mem>>)
      %mul3A_202 = arith.constant 3200 : i32
      %mul3A_203 = arith.muli %min3A_197, %mul3A_202 : i32
      %dma_start3A_204 = tpu.memref_slice %arg3[%mul3A_203] : memref<160000xi32, #tpu.memory_space<hbm>> -> memref<3200xi32, #tpu.memory_space<hbm>>
      %dma_start3A_205 = tpu.memref_slice %arg3[%mul3A_203] : memref<160000xi32, #tpu.memory_space<hbm>> -> memref<3200xi32, #tpu.memory_space<hbm>>
      tpu.enqueue_dma source(%dma_start3A_205 : memref<3200xi32, #tpu.memory_space<hbm>>) target(%arg11 : memref<3200xi32, #tpu.memory_space<vmem>>) target_semaphore(%arg20 : memref<!tpu.dma_semaphore, #tpu.memory_space<semaphore_mem>>)
      scf.yield %scan3A_190 : vector<16xi32>
    }
    %scan3A_34 = arith.constant 25 : i32
    %dma_wait3A = arith.constant 0 : i32
    %dma_wait3A_35 = tpu.memref_slice %arg2[%dma_wait3A] : memref<160000xi32, #tpu.memory_space<hbm>> -> memref<3200xi32, #tpu.memory_space<hbm>>
    %dma_wait3A_36 = arith.constant 0 : i32
    %dma_wait3A_37 = tpu.memref_slice %arg2[%dma_wait3A_36] : memref<160000xi32, #tpu.memory_space<hbm>> -> memref<3200xi32, #tpu.memory_space<hbm>>
    tpu.wait_dma2 semaphore(%arg17 : memref<!tpu.dma_semaphore, #tpu.memory_space<semaphore_mem>>) src(%dma_wait3A_37 : memref<3200xi32, #tpu.memory_space<hbm>>) dst(%arg8 : memref<3200xi32, #tpu.memory_space<vmem>>)
    %dma_wait3A_38 = arith.constant 0 : i32
    %dma_wait3A_39 = tpu.memref_slice %arg3[%dma_wait3A_38] : memref<160000xi32, #tpu.memory_space<hbm>> -> memref<3200xi32, #tpu.memory_space<hbm>>
    %dma_wait3A_40 = arith.constant 0 : i32
    %dma_wait3A_41 = tpu.memref_slice %arg3[%dma_wait3A_40] : memref<160000xi32, #tpu.memory_space<hbm>> -> memref<3200xi32, #tpu.memory_space<hbm>>
    tpu.wait_dma2 semaphore(%arg18 : memref<!tpu.dma_semaphore, #tpu.memory_space<semaphore_mem>>) src(%dma_wait3A_41 : memref<3200xi32, #tpu.memory_space<hbm>>) dst(%arg9 : memref<3200xi32, #tpu.memory_space<vmem>>)
    %dma_wait3A_42 = arith.constant 0 : i32
    %dma_wait3A_43 = tpu.memref_slice %arg2[%dma_wait3A_42] : memref<160000xi32, #tpu.memory_space<hbm>> -> memref<3200xi32, #tpu.memory_space<hbm>>
    %dma_wait3A_44 = arith.constant 0 : i32
    %dma_wait3A_45 = tpu.memref_slice %arg2[%dma_wait3A_44] : memref<160000xi32, #tpu.memory_space<hbm>> -> memref<3200xi32, #tpu.memory_space<hbm>>
    tpu.wait_dma2 semaphore(%arg19 : memref<!tpu.dma_semaphore, #tpu.memory_space<semaphore_mem>>) src(%dma_wait3A_45 : memref<3200xi32, #tpu.memory_space<hbm>>) dst(%arg10 : memref<3200xi32, #tpu.memory_space<vmem>>)
    %dma_wait3A_46 = arith.constant 0 : i32
    %dma_wait3A_47 = tpu.memref_slice %arg3[%dma_wait3A_46] : memref<160000xi32, #tpu.memory_space<hbm>> -> memref<3200xi32, #tpu.memory_space<hbm>>
    %dma_wait3A_48 = arith.constant 0 : i32
    %dma_wait3A_49 = tpu.memref_slice %arg3[%dma_wait3A_48] : memref<160000xi32, #tpu.memory_space<hbm>> -> memref<3200xi32, #tpu.memory_space<hbm>>
    tpu.wait_dma2 semaphore(%arg20 : memref<!tpu.dma_semaphore, #tpu.memory_space<semaphore_mem>>) src(%dma_wait3A_49 : memref<3200xi32, #tpu.memory_space<hbm>>) dst(%arg11 : memref<3200xi32, #tpu.memory_space<vmem>>)
    %slice3A = vector.extract_strided_slice %scan3A_33 {offsets = [0], sizes = [1], strides = [1]} : vector<16xi32> to vector<1xi32>
    %squeeze3A = vector.extract %slice3A[0] : i32 from vector<1xi32>
    %broadcast_in_dim3A_50 = arith.constant 128 : i32
    %broadcast_in_dim3A_51 = vector.broadcast %broadcast_in_dim3A_50 : i32 to vector<16xi32>
    %add3A_52 = arith.constant 0 : i32
    %add3A_53 = arith.addi %squeeze3A, %add3A_52 : i32
    %swap3A = arith.index_cast %add3A_53 : i32 to index
    %swap3A_54 = tpu.vector_load %arg13[%swap3A] {strides = array<i32>} : memref<256xi32, #tpu.memory_space<vmem>>, vector<16xi32>,
    tpu.vector_store %arg13[%swap3A], %broadcast_in_dim3A_51 {strides = array<i32>} : memref<256xi32, #tpu.memory_space<vmem>>, vector<16xi32>,
    %broadcast_in_dim3A_55 = arith.constant 0 : i32
    %broadcast_in_dim3A_56 = vector.broadcast %broadcast_in_dim3A_55 : i32 to vector<16xi32>
    %add3A_57 = arith.constant 0 : i32
    %add3A_58 = arith.addi %squeeze3A, %add3A_57 : i32
    %swap3A_59 = arith.index_cast %add3A_58 : i32 to index
    %swap3A_60 = tpu.vector_load %arg12[%swap3A_59] {strides = array<i32>} : memref<256xi32, #tpu.memory_space<vmem>>, vector<16xi32>,
    tpu.vector_store %arg12[%swap3A_59], %broadcast_in_dim3A_56 {strides = array<i32>} : memref<256xi32, #tpu.memory_space<vmem>>, vector<16xi32>,
    %broadcast_in_dim3A_61 = arith.constant 128 : i32
    %broadcast_in_dim3A_62 = vector.broadcast %broadcast_in_dim3A_61 : i32 to vector<16xi32>
    %add3A_63 = arith.constant 16 : i32
    %add3A_64 = arith.addi %squeeze3A, %add3A_63 : i32
    %swap3A_65 = arith.index_cast %add3A_64 : i32 to index
    %swap3A_66 = tpu.vector_load %arg13[%swap3A_65] {strides = array<i32>} : memref<256xi32, #tpu.memory_space<vmem>>, vector<16xi32>,
    tpu.vector_store %arg13[%swap3A_65], %broadcast_in_dim3A_62 {strides = array<i32>} : memref<256xi32, #tpu.memory_space<vmem>>, vector<16xi32>,
    %broadcast_in_dim3A_67 = arith.constant 0 : i32
    %broadcast_in_dim3A_68 = vector.broadcast %broadcast_in_dim3A_67 : i32 to vector<16xi32>
    %add3A_69 = arith.constant 16 : i32
    %add3A_70 = arith.addi %squeeze3A, %add3A_69 : i32
    %swap3A_71 = arith.index_cast %add3A_70 : i32 to index
    %swap3A_72 = tpu.vector_load %arg12[%swap3A_71] {strides = array<i32>} : memref<256xi32, #tpu.memory_space<vmem>>, vector<16xi32>,
    tpu.vector_store %arg12[%swap3A_71], %broadcast_in_dim3A_68 {strides = array<i32>} : memref<256xi32, #tpu.memory_space<vmem>>, vector<16xi32>,
    %broadcast_in_dim3A_73 = arith.constant 128 : i32
    %broadcast_in_dim3A_74 = vector.broadcast %broadcast_in_dim3A_73 : i32 to vector<16xi32>
    %add3A_75 = arith.constant 32 : i32
    %add3A_76 = arith.addi %squeeze3A, %add3A_75 : i32
    %swap3A_77 = arith.index_cast %add3A_76 : i32 to index
    %swap3A_78 = tpu.vector_load %arg13[%swap3A_77] {strides = array<i32>} : memref<256xi32, #tpu.memory_space<vmem>>, vector<16xi32>,
    tpu.vector_store %arg13[%swap3A_77], %broadcast_in_dim3A_74 {strides = array<i32>} : memref<256xi32, #tpu.memory_space<vmem>>, vector<16xi32>,
    %broadcast_in_dim3A_79 = arith.constant 0 : i32
    %broadcast_in_dim3A_80 = vector.broadcast %broadcast_in_dim3A_79 : i32 to vector<16xi32>
    %add3A_81 = arith.constant 32 : i32
    %add3A_82 = arith.addi %squeeze3A, %add3A_81 : i32
    %swap3A_83 = arith.index_cast %add3A_82 : i32 to index
    %swap3A_84 = tpu.vector_load %arg12[%swap3A_83] {strides = array<i32>} : memref<256xi32, #tpu.memory_space<vmem>>, vector<16xi32>,
    tpu.vector_store %arg12[%swap3A_83], %broadcast_in_dim3A_80 {strides = array<i32>} : memref<256xi32, #tpu.memory_space<vmem>>, vector<16xi32>,
    %broadcast_in_dim3A_85 = arith.constant 128 : i32
    %broadcast_in_dim3A_86 = vector.broadcast %broadcast_in_dim3A_85 : i32 to vector<16xi32>
    %add3A_87 = arith.constant 48 : i32
    %add3A_88 = arith.addi %squeeze3A, %add3A_87 : i32
    %swap3A_89 = arith.index_cast %add3A_88 : i32 to index
    %swap3A_90 = tpu.vector_load %arg13[%swap3A_89] {strides = array<i32>} : memref<256xi32, #tpu.memory_space<vmem>>, vector<16xi32>,
    tpu.vector_store %arg13[%swap3A_89], %broadcast_in_dim3A_86 {strides = array<i32>} : memref<256xi32, #tpu.memory_space<vmem>>, vector<16xi32>,
    %broadcast_in_dim3A_91 = arith.constant 0 : i32
    %broadcast_in_dim3A_92 = vector.broadcast %broadcast_in_dim3A_91 : i32 to vector<16xi32>
    %add3A_93 = arith.constant 48 : i32
    %add3A_94 = arith.addi %squeeze3A, %add3A_93 : i32
    %swap3A_95 = arith.index_cast %add3A_94 : i32 to index
    %swap3A_96 = tpu.vector_load %arg12[%swap3A_95] {strides = array<i32>} : memref<256xi32, #tpu.memory_space<vmem>>, vector<16xi32>,
    tpu.vector_store %arg12[%swap3A_95], %broadcast_in_dim3A_92 {strides = array<i32>} : memref<256xi32, #tpu.memory_space<vmem>>, vector<16xi32>,
    %broadcast_in_dim3A_97 = arith.constant 128 : i32
    %broadcast_in_dim3A_98 = vector.broadcast %broadcast_in_dim3A_97 : i32 to vector<16xi32>
    %add3A_99 = arith.constant 64 : i32
    %add3A_100 = arith.addi %squeeze3A, %add3A_99 : i32
    %swap3A_101 = arith.index_cast %add3A_100 : i32 to index
    %swap3A_102 = tpu.vector_load %arg13[%swap3A_101] {strides = array<i32>} : memref<256xi32, #tpu.memory_space<vmem>>, vector<16xi32>,
    tpu.vector_store %arg13[%swap3A_101], %broadcast_in_dim3A_98 {strides = array<i32>} : memref<256xi32, #tpu.memory_space<vmem>>, vector<16xi32>,
    %broadcast_in_dim3A_103 = arith.constant 0 : i32
    %broadcast_in_dim3A_104 = vector.broadcast %broadcast_in_dim3A_103 : i32 to vector<16xi32>
    %add3A_105 = arith.constant 64 : i32
    %add3A_106 = arith.addi %squeeze3A, %add3A_105 : i32
    %swap3A_107 = arith.index_cast %add3A_106 : i32 to index
    %swap3A_108 = tpu.vector_load %arg12[%swap3A_107] {strides = array<i32>} : memref<256xi32, #tpu.memory_space<vmem>>, vector<16xi32>,
    tpu.vector_store %arg12[%swap3A_107], %broadcast_in_dim3A_104 {strides = array<i32>} : memref<256xi32, #tpu.memory_space<vmem>>, vector<16xi32>,
    %broadcast_in_dim3A_109 = arith.constant 128 : i32
    %broadcast_in_dim3A_110 = vector.broadcast %broadcast_in_dim3A_109 : i32 to vector<16xi32>
    %add3A_111 = arith.constant 80 : i32
    %add3A_112 = arith.addi %squeeze3A, %add3A_111 : i32
    %swap3A_113 = arith.index_cast %add3A_112 : i32 to index
    %swap3A_114 = tpu.vector_load %arg13[%swap3A_113] {strides = array<i32>} : memref<256xi32, #tpu.memory_space<vmem>>, vector<16xi32>,
    tpu.vector_store %arg13[%swap3A_113], %broadcast_in_dim3A_110 {strides = array<i32>} : memref<256xi32, #tpu.memory_space<vmem>>, vector<16xi32>,
    %broadcast_in_dim3A_115 = arith.constant 0 : i32
    %broadcast_in_dim3A_116 = vector.broadcast %broadcast_in_dim3A_115 : i32 to vector<16xi32>
    %add3A_117 = arith.constant 80 : i32
    %add3A_118 = arith.addi %squeeze3A, %add3A_117 : i32
    %swap3A_119 = arith.index_cast %add3A_118 : i32 to index
    %swap3A_120 = tpu.vector_load %arg12[%swap3A_119] {strides = array<i32>} : memref<256xi32, #tpu.memory_space<vmem>>, vector<16xi32>,
    tpu.vector_store %arg12[%swap3A_119], %broadcast_in_dim3A_116 {strides = array<i32>} : memref<256xi32, #tpu.memory_space<vmem>>, vector<16xi32>,
    %broadcast_in_dim3A_121 = arith.constant 128 : i32
    %broadcast_in_dim3A_122 = vector.broadcast %broadcast_in_dim3A_121 : i32 to vector<16xi32>
    %add3A_123 = arith.constant 96 : i32
    %add3A_124 = arith.addi %squeeze3A, %add3A_123 : i32
    %swap3A_125 = arith.index_cast %add3A_124 : i32 to index
    %swap3A_126 = tpu.vector_load %arg13[%swap3A_125] {strides = array<i32>} : memref<256xi32, #tpu.memory_space<vmem>>, vector<16xi32>,
    tpu.vector_store %arg13[%swap3A_125], %broadcast_in_dim3A_122 {strides = array<i32>} : memref<256xi32, #tpu.memory_space<vmem>>, vector<16xi32>,
    %broadcast_in_dim3A_127 = arith.constant 0 : i32
    %broadcast_in_dim3A_128 = vector.broadcast %broadcast_in_dim3A_127 : i32 to vector<16xi32>
    %add3A_129 = arith.constant 96 : i32
    %add3A_130 = arith.addi %squeeze3A, %add3A_129 : i32
    %swap3A_131 = arith.index_cast %add3A_130 : i32 to index
    %swap3A_132 = tpu.vector_load %arg12[%swap3A_131] {strides = array<i32>} : memref<256xi32, #tpu.memory_space<vmem>>, vector<16xi32>,
    tpu.vector_store %arg12[%swap3A_131], %broadcast_in_dim3A_128 {strides = array<i32>} : memref<256xi32, #tpu.memory_space<vmem>>, vector<16xi32>,
    %broadcast_in_dim3A_133 = arith.constant 128 : i32
    %broadcast_in_dim3A_134 = vector.broadcast %broadcast_in_dim3A_133 : i32 to vector<16xi32>
    %add3A_135 = arith.constant 112 : i32
    %add3A_136 = arith.addi %squeeze3A, %add3A_135 : i32
    %swap3A_137 = arith.index_cast %add3A_136 : i32 to index
    %swap3A_138 = tpu.vector_load %arg13[%swap3A_137] {strides = array<i32>} : memref<256xi32, #tpu.memory_space<vmem>>, vector<16xi32>,
    tpu.vector_store %arg13[%swap3A_137], %broadcast_in_dim3A_134 {strides = array<i32>} : memref<256xi32, #tpu.memory_space<vmem>>, vector<16xi32>,
    %broadcast_in_dim3A_139 = arith.constant 0 : i32
    %broadcast_in_dim3A_140 = vector.broadcast %broadcast_in_dim3A_139 : i32 to vector<16xi32>
    %add3A_141 = arith.constant 112 : i32
    %add3A_142 = arith.addi %squeeze3A, %add3A_141 : i32
    %swap3A_143 = arith.index_cast %add3A_142 : i32 to index
    %swap3A_144 = tpu.vector_load %arg12[%swap3A_143] {strides = array<i32>} : memref<256xi32, #tpu.memory_space<vmem>>, vector<16xi32>,
    tpu.vector_store %arg12[%swap3A_143], %broadcast_in_dim3A_140 {strides = array<i32>} : memref<256xi32, #tpu.memory_space<vmem>>, vector<16xi32>,
    %gt3A = arith.constant 0 : i32
    %gt3A_145 = arith.cmpi sgt, %squeeze3A, %gt3A : i32
    %convert_element_type3A = arith.extui %gt3A_145 : i1 to i32
    %cond3A = arith.constant 0 : i32
    %cond3A_146 = arith.cmpi ne, %convert_element_type3A, %cond3A : i32
    scf.if %cond3A_146 {
      %dma_start3A_149 = arith.constant 0 : i32
      %dma_start3A_150 = tpu.memref_slice %arg12[%dma_start3A_149] : memref<256xi32, #tpu.memory_space<vmem>> -> memref<128xi32, #tpu.memory_space<vmem>>
      %dma_start3A_151 = arith.constant 0 : i32
      %dma_start3A_152 = arith.constant 0 : i32
      %dma_start3A_153 = tpu.memref_slice %arg5[%dma_start3A_151, %dma_start3A_152] : memref<10000x256xf32, #tpu.memory_space<hbm>> -> memref<10000x256xf32, #tpu.memory_space<hbm>>
      tpu.enqueue_indirect_dma source(%dma_start3A_153 : memref<10000x256xf32, #tpu.memory_space<hbm>>) target(%arg15 : memref<128x256xf32, #tpu.memory_space<vmem>>) offsets(%dma_start3A_150 : memref<128xi32, #tpu.memory_space<vmem>>) semaphore(%arg16 : memref<!tpu.dma_semaphore, #tpu.memory_space<semaphore_mem>>)
      %dma_wait3A_154 = arith.constant 0 : i32
      %dma_wait3A_155 = tpu.memref_slice %arg12[%dma_wait3A_154] : memref<256xi32, #tpu.memory_space<vmem>> -> memref<128xi32, #tpu.memory_space<vmem>>
      %dma_wait3A_156 = arith.constant 0 : i32
      %dma_wait3A_157 = arith.constant 0 : i32
      %dma_wait3A_158 = tpu.memref_slice %arg5[%dma_wait3A_156, %dma_wait3A_157] : memref<10000x256xf32, #tpu.memory_space<hbm>> -> memref<10000x256xf32, #tpu.memory_space<hbm>>
      tpu.wait_indirect_dma semaphore(%arg16 : memref<!tpu.dma_semaphore, #tpu.memory_space<semaphore_mem>>) src(%dma_wait3A_158 : memref<10000x256xf32, #tpu.memory_space<hbm>>) dst(%arg15 : memref<128x256xf32, #tpu.memory_space<vmem>>)
      %scan3A_159 = arith.constant 0 : i32
      %scan3A_160 = arith.constant 0 : i32
      %scan3A_161 = arith.constant 128 : i32
      %scan3A_162 = arith.addi %scan3A_160, %scan3A_161 : i32
      %scan3A_163 = arith.constant 1 : i32
      scf.for %scan3A_196 = %scan3A_160 to %scan3A_162 step %scan3A_163  : i32 {
        %get3A_197 = arith.index_cast %scan3A_196 : i32 to index
        %get3A_198 = tpu.vector_load %arg13[%get3A_197] {strides = array<i32>} : memref<256xi32, #tpu.memory_space<vmem>>, vector<16xi32>,
        %slice3A_199 = vector.extract_strided_slice %get3A_198 {offsets = [0], sizes = [1], strides = [1]} : vector<16xi32> to vector<1xi32>
        %squeeze3A_200 = vector.extract %slice3A_199[0] : i32 from vector<1xi32>
        %mul3A_201 = arith.constant 384 : i32
        %mul3A_202 = arith.muli %squeeze3A_200, %mul3A_201 : i32
        %add3A_203 = arith.constant 0 : i32
        %add3A_204 = arith.addi %mul3A_202, %add3A_203 : i32
        %get3A_205 = arith.index_cast %add3A_204 : i32 to index
        %get3A_206 = tpu.vector_load %arg14[%get3A_205] {strides = array<i32>} : memref<49536xf32, #tpu.memory_space<vmem>>, vector<16xf32>,
        %get3A_207 = arith.index_cast %scan3A_196 : i32 to index
        %get3A_208 = arith.constant 0 : index
        %get3A_209 = tpu.vector_load %arg15[%get3A_207, %get3A_208] {strides = array<i32>} : memref<128x256xf32, #tpu.memory_space<vmem>>, vector<16xf32>,
        %add3A_210 = arith.addf %get3A_206, %get3A_209 : vector<16xf32>
        %add3A_211 = arith.constant 0 : i32
        %add3A_212 = arith.addi %mul3A_202, %add3A_211 : i32
        %swap3A_213 = arith.index_cast %add3A_212 : i32 to index
        %swap3A_214 = tpu.vector_load %arg14[%swap3A_213] {strides = array<i32>} : memref<49536xf32, #tpu.memory_space<vmem>>, vector<16xf32>,
        tpu.vector_store %arg14[%swap3A_213], %add3A_210 {strides = array<i32>} : memref<49536xf32, #tpu.memory_space<vmem>>, vector<16xf32>,
        %add3A_215 = arith.constant 16 : i32
        %add3A_216 = arith.addi %mul3A_202, %add3A_215 : i32
        %get3A_217 = arith.index_cast %add3A_216 : i32 to index
        %get3A_218 = tpu.vector_load %arg14[%get3A_217] {strides = array<i32>} : memref<49536xf32, #tpu.memory_space<vmem>>, vector<16xf32>,
        %get3A_219 = arith.index_cast %scan3A_196 : i32 to index
        %get3A_220 = arith.constant 16 : index
        %get3A_221 = tpu.vector_load %arg15[%get3A_219, %get3A_220] {strides = array<i32>} : memref<128x256xf32, #tpu.memory_space<vmem>>, vector<16xf32>,
        %add3A_222 = arith.addf %get3A_218, %get3A_221 : vector<16xf32>
        %add3A_223 = arith.constant 16 : i32
        %add3A_224 = arith.addi %mul3A_202, %add3A_223 : i32
        %swap3A_225 = arith.index_cast %add3A_224 : i32 to index
        %swap3A_226 = tpu.vector_load %arg14[%swap3A_225] {strides = array<i32>} : memref<49536xf32, #tpu.memory_space<vmem>>, vector<16xf32>,
        tpu.vector_store %arg14[%swap3A_225], %add3A_222 {strides = array<i32>} : memref<49536xf32, #tpu.memory_space<vmem>>, vector<16xf32>,
        %add3A_227 = arith.constant 32 : i32
        %add3A_228 = arith.addi %mul3A_202, %add3A_227 : i32
        %get3A_229 = arith.index_cast %add3A_228 : i32 to index
        %get3A_230 = tpu.vector_load %arg14[%get3A_229] {strides = array<i32>} : memref<49536xf32, #tpu.memory_space<vmem>>, vector<16xf32>,
        %get3A_231 = arith.index_cast %scan3A_196 : i32 to index
        %get3A_232 = arith.constant 32 : index
        %get3A_233 = tpu.vector_load %arg15[%get3A_231, %get3A_232] {strides = array<i32>} : memref<128x256xf32, #tpu.memory_space<vmem>>, vector<16xf32>,
        %add3A_234 = arith.addf %get3A_230, %get3A_233 : vector<16xf32>
        %add3A_235 = arith.constant 32 : i32
        %add3A_236 = arith.addi %mul3A_202, %add3A_235 : i32
        %swap3A_237 = arith.index_cast %add3A_236 : i32 to index
        %swap3A_238 = tpu.vector_load %arg14[%swap3A_237] {strides = array<i32>} : memref<49536xf32, #tpu.memory_space<vmem>>, vector<16xf32>,
        tpu.vector_store %arg14[%swap3A_237], %add3A_234 {strides = array<i32>} : memref<49536xf32, #tpu.memory_space<vmem>>, vector<16xf32>,
        %add3A_239 = arith.constant 48 : i32
        %add3A_240 = arith.addi %mul3A_202, %add3A_239 : i32
        %get3A_241 = arith.index_cast %add3A_240 : i32 to index
        %get3A_242 = tpu.vector_load %arg14[%get3A_241] {strides = array<i32>} : memref<49536xf32, #tpu.memory_space<vmem>>, vector<16xf32>,
        %get3A_243 = arith.index_cast %scan3A_196 : i32 to index
        %get3A_244 = arith.constant 48 : index
        %get3A_245 = tpu.vector_load %arg15[%get3A_243, %get3A_244] {strides = array<i32>} : memref<128x256xf32, #tpu.memory_space<vmem>>, vector<16xf32>,
        %add3A_246 = arith.addf %get3A_242, %get3A_245 : vector<16xf32>
        %add3A_247 = arith.constant 48 : i32
        %add3A_248 = arith.addi %mul3A_202, %add3A_247 : i32
        %swap3A_249 = arith.index_cast %add3A_248 : i32 to index
        %swap3A_250 = tpu.vector_load %arg14[%swap3A_249] {strides = array<i32>} : memref<49536xf32, #tpu.memory_space<vmem>>, vector<16xf32>,
        tpu.vector_store %arg14[%swap3A_249], %add3A_246 {strides = array<i32>} : memref<49536xf32, #tpu.memory_space<vmem>>, vector<16xf32>,
        %add3A_251 = arith.constant 64 : i32
        %add3A_252 = arith.addi %mul3A_202, %add3A_251 : i32
        %get3A_253 = arith.index_cast %add3A_252 : i32 to index
        %get3A_254 = tpu.vector_load %arg14[%get3A_253] {strides = array<i32>} : memref<49536xf32, #tpu.memory_space<vmem>>, vector<16xf32>,
        %get3A_255 = arith.index_cast %scan3A_196 : i32 to index
        %get3A_256 = arith.constant 64 : index
        %get3A_257 = tpu.vector_load %arg15[%get3A_255, %get3A_256] {strides = array<i32>} : memref<128x256xf32, #tpu.memory_space<vmem>>, vector<16xf32>,
        %add3A_258 = arith.addf %get3A_254, %get3A_257 : vector<16xf32>
        %add3A_259 = arith.constant 64 : i32
        %add3A_260 = arith.addi %mul3A_202, %add3A_259 : i32
        %swap3A_261 = arith.index_cast %add3A_260 : i32 to index
        %swap3A_262 = tpu.vector_load %arg14[%swap3A_261] {strides = array<i32>} : memref<49536xf32, #tpu.memory_space<vmem>>, vector<16xf32>,
        tpu.vector_store %arg14[%swap3A_261], %add3A_258 {strides = array<i32>} : memref<49536xf32, #tpu.memory_space<vmem>>, vector<16xf32>,
        %add3A_263 = arith.constant 80 : i32
        %add3A_264 = arith.addi %mul3A_202, %add3A_263 : i32
        %get3A_265 = arith.index_cast %add3A_264 : i32 to index
        %get3A_266 = tpu.vector_load %arg14[%get3A_265] {strides = array<i32>} : memref<49536xf32, #tpu.memory_space<vmem>>, vector<16xf32>,
        %get3A_267 = arith.index_cast %scan3A_196 : i32 to index
        %get3A_268 = arith.constant 80 : index
        %get3A_269 = tpu.vector_load %arg15[%get3A_267, %get3A_268] {strides = array<i32>} : memref<128x256xf32, #tpu.memory_space<vmem>>, vector<16xf32>,
        %add3A_270 = arith.addf %get3A_266, %get3A_269 : vector<16xf32>
        %add3A_271 = arith.constant 80 : i32
        %add3A_272 = arith.addi %mul3A_202, %add3A_271 : i32
        %swap3A_273 = arith.index_cast %add3A_272 : i32 to index
        %swap3A_274 = tpu.vector_load %arg14[%swap3A_273] {strides = array<i32>} : memref<49536xf32, #tpu.memory_space<vmem>>, vector<16xf32>,
        tpu.vector_store %arg14[%swap3A_273], %add3A_270 {strides = array<i32>} : memref<49536xf32, #tpu.memory_space<vmem>>, vector<16xf32>,
        %add3A_275 = arith.constant 96 : i32
        %add3A_276 = arith.addi %mul3A_202, %add3A_275 : i32
        %get3A_277 = arith.index_cast %add3A_276 : i32 to index
        %get3A_278 = tpu.vector_load %arg14[%get3A_277] {strides = array<i32>} : memref<49536xf32, #tpu.memory_space<vmem>>, vector<16xf32>,
        %get3A_279 = arith.index_cast %scan3A_196 : i32 to index
        %get3A_280 = arith.constant 96 : index
        %get3A_281 = tpu.vector_load %arg15[%get3A_279, %get3A_280] {strides = array<i32>} : memref<128x256xf32, #tpu.memory_space<vmem>>, vector<16xf32>,
        %add3A_282 = arith.addf %get3A_278, %get3A_281 : vector<16xf32>
        %add3A_283 = arith.constant 96 : i32
        %add3A_284 = arith.addi %mul3A_202, %add3A_283 : i32
        %swap3A_285 = arith.index_cast %add3A_284 : i32 to index
        %swap3A_286 = tpu.vector_load %arg14[%swap3A_285] {strides = array<i32>} : memref<49536xf32, #tpu.memory_space<vmem>>, vector<16xf32>,
        tpu.vector_store %arg14[%swap3A_285], %add3A_282 {strides = array<i32>} : memref<49536xf32, #tpu.memory_space<vmem>>, vector<16xf32>,
        %add3A_287 = arith.constant 112 : i32
        %add3A_288 = arith.addi %mul3A_202, %add3A_287 : i32
        %get3A_289 = arith.index_cast %add3A_288 : i32 to index
        %get3A_290 = tpu.vector_load %arg14[%get3A_289] {strides = array<i32>} : memref<49536xf32, #tpu.memory_space<vmem>>, vector<16xf32>,
        %get3A_291 = arith.index_cast %scan3A_196 : i32 to index
        %get3A_292 = arith.constant 112 : index
        %get3A_293 = tpu.vector_load %arg15[%get3A_291, %get3A_292] {strides = array<i32>} : memref<128x256xf32, #tpu.memory_space<vmem>>, vector<16xf32>,
        %add3A_294 = arith.addf %get3A_290, %get3A_293 : vector<16xf32>
        %add3A_295 = arith.constant 112 : i32
        %add3A_296 = arith.addi %mul3A_202, %add3A_295 : i32
        %swap3A_297 = arith.index_cast %add3A_296 : i32 to index
        %swap3A_298 = tpu.vector_load %arg14[%swap3A_297] {strides = array<i32>} : memref<49536xf32, #tpu.memory_space<vmem>>, vector<16xf32>,
        tpu.vector_store %arg14[%swap3A_297], %add3A_294 {strides = array<i32>} : memref<49536xf32, #tpu.memory_space<vmem>>, vector<16xf32>,
        %add3A_299 = arith.constant 128 : i32
        %add3A_300 = arith.addi %mul3A_202, %add3A_299 : i32
        %get3A_301 = arith.index_cast %add3A_300 : i32 to index
        %get3A_302 = tpu.vector_load %arg14[%get3A_301] {strides = array<i32>} : memref<49536xf32, #tpu.memory_space<vmem>>, vector<16xf32>,
        %get3A_303 = arith.index_cast %scan3A_196 : i32 to index
        %get3A_304 = arith.constant 128 : index
        %get3A_305 = tpu.vector_load %arg15[%get3A_303, %get3A_304] {strides = array<i32>} : memref<128x256xf32, #tpu.memory_space<vmem>>, vector<16xf32>,
        %add3A_306 = arith.addf %get3A_302, %get3A_305 : vector<16xf32>
        %add3A_307 = arith.constant 128 : i32
        %add3A_308 = arith.addi %mul3A_202, %add3A_307 : i32
        %swap3A_309 = arith.index_cast %add3A_308 : i32 to index
        %swap3A_310 = tpu.vector_load %arg14[%swap3A_309] {strides = array<i32>} : memref<49536xf32, #tpu.memory_space<vmem>>, vector<16xf32>,
        tpu.vector_store %arg14[%swap3A_309], %add3A_306 {strides = array<i32>} : memref<49536xf32, #tpu.memory_space<vmem>>, vector<16xf32>,
        %add3A_311 = arith.constant 144 : i32
        %add3A_312 = arith.addi %mul3A_202, %add3A_311 : i32
        %get3A_313 = arith.index_cast %add3A_312 : i32 to index
        %get3A_314 = tpu.vector_load %arg14[%get3A_313] {strides = array<i32>} : memref<49536xf32, #tpu.memory_space<vmem>>, vector<16xf32>,
        %get3A_315 = arith.index_cast %scan3A_196 : i32 to index
        %get3A_316 = arith.constant 144 : index
        %get3A_317 = tpu.vector_load %arg15[%get3A_315, %get3A_316] {strides = array<i32>} : memref<128x256xf32, #tpu.memory_space<vmem>>, vector<16xf32>,
        %add3A_318 = arith.addf %get3A_314, %get3A_317 : vector<16xf32>
        %add3A_319 = arith.constant 144 : i32
        %add3A_320 = arith.addi %mul3A_202, %add3A_319 : i32
        %swap3A_321 = arith.index_cast %add3A_320 : i32 to index
        %swap3A_322 = tpu.vector_load %arg14[%swap3A_321] {strides = array<i32>} : memref<49536xf32, #tpu.memory_space<vmem>>, vector<16xf32>,
        tpu.vector_store %arg14[%swap3A_321], %add3A_318 {strides = array<i32>} : memref<49536xf32, #tpu.memory_space<vmem>>, vector<16xf32>,
        %add3A_323 = arith.constant 160 : i32
        %add3A_324 = arith.addi %mul3A_202, %add3A_323 : i32
        %get3A_325 = arith.index_cast %add3A_324 : i32 to index
        %get3A_326 = tpu.vector_load %arg14[%get3A_325] {strides = array<i32>} : memref<49536xf32, #tpu.memory_space<vmem>>, vector<16xf32>,
        %get3A_327 = arith.index_cast %scan3A_196 : i32 to index
        %get3A_328 = arith.constant 160 : index
        %get3A_329 = tpu.vector_load %arg15[%get3A_327, %get3A_328] {strides = array<i32>} : memref<128x256xf32, #tpu.memory_space<vmem>>, vector<16xf32>,
        %add3A_330 = arith.addf %get3A_326, %get3A_329 : vector<16xf32>
        %add3A_331 = arith.constant 160 : i32
        %add3A_332 = arith.addi %mul3A_202, %add3A_331 : i32
        %swap3A_333 = arith.index_cast %add3A_332 : i32 to index
        %swap3A_334 = tpu.vector_load %arg14[%swap3A_333] {strides = array<i32>} : memref<49536xf32, #tpu.memory_space<vmem>>, vector<16xf32>,
        tpu.vector_store %arg14[%swap3A_333], %add3A_330 {strides = array<i32>} : memref<49536xf32, #tpu.memory_space<vmem>>, vector<16xf32>,
        %add3A_335 = arith.constant 176 : i32
        %add3A_336 = arith.addi %mul3A_202, %add3A_335 : i32
        %get3A_337 = arith.index_cast %add3A_336 : i32 to index
        %get3A_338 = tpu.vector_load %arg14[%get3A_337] {strides = array<i32>} : memref<49536xf32, #tpu.memory_space<vmem>>, vector<16xf32>,
        %get3A_339 = arith.index_cast %scan3A_196 : i32 to index
        %get3A_340 = arith.constant 176 : index
        %get3A_341 = tpu.vector_load %arg15[%get3A_339, %get3A_340] {strides = array<i32>} : memref<128x256xf32, #tpu.memory_space<vmem>>, vector<16xf32>,
        %add3A_342 = arith.addf %get3A_338, %get3A_341 : vector<16xf32>
        %add3A_343 = arith.constant 176 : i32
        %add3A_344 = arith.addi %mul3A_202, %add3A_343 : i32
        %swap3A_345 = arith.index_cast %add3A_344 : i32 to index
        %swap3A_346 = tpu.vector_load %arg14[%swap3A_345] {strides = array<i32>} : memref<49536xf32, #tpu.memory_space<vmem>>, vector<16xf32>,
        tpu.vector_store %arg14[%swap3A_345], %add3A_342 {strides = array<i32>} : memref<49536xf32, #tpu.memory_space<vmem>>, vector<16xf32>,
        %add3A_347 = arith.constant 192 : i32
        %add3A_348 = arith.addi %mul3A_202, %add3A_347 : i32
        %get3A_349 = arith.index_cast %add3A_348 : i32 to index
        %get3A_350 = tpu.vector_load %arg14[%get3A_349] {strides = array<i32>} : memref<49536xf32, #tpu.memory_space<vmem>>, vector<16xf32>,
        %get3A_351 = arith.index_cast %scan3A_196 : i32 to index
        %get3A_352 = arith.constant 192 : index
        %get3A_353 = tpu.vector_load %arg15[%get3A_351, %get3A_352] {strides = array<i32>} : memref<128x256xf32, #tpu.memory_space<vmem>>, vector<16xf32>,
        %add3A_354 = arith.addf %get3A_350, %get3A_353 : vector<16xf32>
        %add3A_355 = arith.constant 192 : i32
        %add3A_356 = arith.addi %mul3A_202, %add3A_355 : i32
        %swap3A_357 = arith.index_cast %add3A_356 : i32 to index
        %swap3A_358 = tpu.vector_load %arg14[%swap3A_357] {strides = array<i32>} : memref<49536xf32, #tpu.memory_space<vmem>>, vector<16xf32>,
        tpu.vector_store %arg14[%swap3A_357], %add3A_354 {strides = array<i32>} : memref<49536xf32, #tpu.memory_space<vmem>>, vector<16xf32>,
        %add3A_359 = arith.constant 208 : i32
        %add3A_360 = arith.addi %mul3A_202, %add3A_359 : i32
        %get3A_361 = arith.index_cast %add3A_360 : i32 to index
        %get3A_362 = tpu.vector_load %arg14[%get3A_361] {strides = array<i32>} : memref<49536xf32, #tpu.memory_space<vmem>>, vector<16xf32>,
        %get3A_363 = arith.index_cast %scan3A_196 : i32 to index
        %get3A_364 = arith.constant 208 : index
        %get3A_365 = tpu.vector_load %arg15[%get3A_363, %get3A_364] {strides = array<i32>} : memref<128x256xf32, #tpu.memory_space<vmem>>, vector<16xf32>,
        %add3A_366 = arith.addf %get3A_362, %get3A_365 : vector<16xf32>
        %add3A_367 = arith.constant 208 : i32
        %add3A_368 = arith.addi %mul3A_202, %add3A_367 : i32
        %swap3A_369 = arith.index_cast %add3A_368 : i32 to index
        %swap3A_370 = tpu.vector_load %arg14[%swap3A_369] {strides = array<i32>} : memref<49536xf32, #tpu.memory_space<vmem>>, vector<16xf32>,
        tpu.vector_store %arg14[%swap3A_369], %add3A_366 {strides = array<i32>} : memref<49536xf32, #tpu.memory_space<vmem>>, vector<16xf32>,
        %add3A_371 = arith.constant 224 : i32
        %add3A_372 = arith.addi %mul3A_202, %add3A_371 : i32
        %get3A_373 = arith.index_cast %add3A_372 : i32 to index
        %get3A_374 = tpu.vector_load %arg14[%get3A_373] {strides = array<i32>} : memref<49536xf32, #tpu.memory_space<vmem>>, vector<16xf32>,
        %get3A_375 = arith.index_cast %scan3A_196 : i32 to index
        %get3A_376 = arith.constant 224 : index
        %get3A_377 = tpu.vector_load %arg15[%get3A_375, %get3A_376] {strides = array<i32>} : memref<128x256xf32, #tpu.memory_space<vmem>>, vector<16xf32>,
        %add3A_378 = arith.addf %get3A_374, %get3A_377 : vector<16xf32>
        %add3A_379 = arith.constant 224 : i32
        %add3A_380 = arith.addi %mul3A_202, %add3A_379 : i32
        %swap3A_381 = arith.index_cast %add3A_380 : i32 to index
        %swap3A_382 = tpu.vector_load %arg14[%swap3A_381] {strides = array<i32>} : memref<49536xf32, #tpu.memory_space<vmem>>, vector<16xf32>,
        tpu.vector_store %arg14[%swap3A_381], %add3A_378 {strides = array<i32>} : memref<49536xf32, #tpu.memory_space<vmem>>, vector<16xf32>,
        %add3A_383 = arith.constant 240 : i32
        %add3A_384 = arith.addi %mul3A_202, %add3A_383 : i32
        %get3A_385 = arith.index_cast %add3A_384 : i32 to index
        %get3A_386 = tpu.vector_load %arg14[%get3A_385] {strides = array<i32>} : memref<49536xf32, #tpu.memory_space<vmem>>, vector<16xf32>,
        %get3A_387 = arith.index_cast %scan3A_196 : i32 to index
        %get3A_388 = arith.constant 240 : index
        %get3A_389 = tpu.vector_load %arg15[%get3A_387, %get3A_388] {strides = array<i32>} : memref<128x256xf32, #tpu.memory_space<vmem>>, vector<16xf32>,
        %add3A_390 = arith.addf %get3A_386, %get3A_389 : vector<16xf32>
        %add3A_391 = arith.constant 240 : i32
        %add3A_392 = arith.addi %mul3A_202, %add3A_391 : i32
        %swap3A_393 = arith.index_cast %add3A_392 : i32 to index
        %swap3A_394 = tpu.vector_load %arg14[%swap3A_393] {strides = array<i32>} : memref<49536xf32, #tpu.memory_space<vmem>>, vector<16xf32>,
        tpu.vector_store %arg14[%swap3A_393], %add3A_390 {strides = array<i32>} : memref<49536xf32, #tpu.memory_space<vmem>>, vector<16xf32>,
        %add3A_395 = arith.constant 256 : i32
        %add3A_396 = arith.addi %mul3A_202, %add3A_395 : i32
        %get3A_397 = arith.index_cast %add3A_396 : i32 to index
        %get3A_398 = tpu.vector_load %arg14[%get3A_397] {strides = array<i32>} : memref<49536xf32, #tpu.memory_space<vmem>>, vector<16xf32>,
        %add3A_399 = arith.addf %get3A_398, %select_n3A : vector<16xf32>
        %add3A_400 = arith.constant 256 : i32
        %add3A_401 = arith.addi %mul3A_202, %add3A_400 : i32
        %swap3A_402 = arith.index_cast %add3A_401 : i32 to index
        %swap3A_403 = tpu.vector_load %arg14[%swap3A_402] {strides = array<i32>} : memref<49536xf32, #tpu.memory_space<vmem>>, vector<16xf32>,
        tpu.vector_store %arg14[%swap3A_402], %add3A_399 {strides = array<i32>} : memref<49536xf32, #tpu.memory_space<vmem>>, vector<16xf32>,
      }
      %scan3A_164 = arith.constant 128 : i32
      %get3A = arith.constant 128 : index
      %get3A_165 = tpu.vector_load %arg12[%get3A] {strides = array<i32>} : memref<256xi32, #tpu.memory_space<vmem>>, vector<16xi32>,
      %swap3A_166 = arith.constant 0 : index
      %swap3A_167 = tpu.vector_load %arg12[%swap3A_166] {strides = array<i32>} : memref<256xi32, #tpu.memory_space<vmem>>, vector<16xi32>,
      tpu.vector_store %arg12[%swap3A_166], %get3A_165 {strides = array<i32>} : memref<256xi32, #tpu.memory_space<vmem>>, vector<16xi32>,
      %get3A_168 = arith.constant 128 : index
      %get3A_169 = tpu.vector_load %arg13[%get3A_168] {strides = array<i32>} : memref<256xi32, #tpu.memory_space<vmem>>, vector<16xi32>,
      %swap3A_170 = arith.constant 0 : index
      %swap3A_171 = tpu.vector_load %arg13[%swap3A_170] {strides = array<i32>} : memref<256xi32, #tpu.memory_space<vmem>>, vector<16xi32>,
      tpu.vector_store %arg13[%swap3A_170], %get3A_169 {strides = array<i32>} : memref<256xi32, #tpu.memory_space<vmem>>, vector<16xi32>,
      %get3A_172 = arith.constant 144 : index
      %get3A_173 = tpu.vector_load %arg12[%get3A_172] {strides = array<i32>} : memref<256xi32, #tpu.memory_space<vmem>>, vector<16xi32>,
      %swap3A_174 = arith.constant 16 : index
      %swap3A_175 = tpu.vector_load %arg12[%swap3A_174] {strides = array<i32>} : memref<256xi32, #tpu.memory_space<vmem>>, vector<16xi32>,
      tpu.vector_store %arg12[%swap3A_174], %get3A_173 {strides = array<i32>} : memref<256xi32, #tpu.memory_space<vmem>>, vector<16xi32>,
      %get3A_176 = arith.constant 144 : index
      %get3A_177 = tpu.vector_load %arg13[%get3A_176] {strides = array<i32>} : memref<256xi32, #tpu.memory_space<vmem>>, vector<16xi32>,
      %swap3A_178 = arith.constant 16 : index
      %swap3A_179 = tpu.vector_load %arg13[%swap3A_178] {strides = array<i32>} : memref<256xi32, #tpu.memory_space<vmem>>, vector<16xi32>,
      tpu.vector_store %arg13[%swap3A_178], %get3A_177 {strides = array<i32>} : memref<256xi32, #tpu.memory_space<vmem>>, vector<16xi32>,
      %get3A_180 = arith.constant 160 : index
      %get3A_181 = tpu.vector_load %arg12[%get3A_180] {strides = array<i32>} : memref<256xi32, #tpu.memory_space<vmem>>, vector<16xi32>,
      %swap3A_182 = arith.constant 32 : index
      %swap3A_183 = tpu.vector_load %arg12[%swap3A_182] {strides = array<i32>} : memref<256xi32, #tpu.memory_space<vmem>>, vector<16xi32>,
      tpu.vector_store %arg12[%swap3A_182], %get3A_181 {strides = array<i32>} : memref<256xi32, #tpu.memory_space<vmem>>, vector<16xi32>,
      %get3A_184 = arith.constant 160 : index
      %get3A_185 = tpu.vector_load %arg13[%get3A_184] {strides = array<i32>} : memref<256xi32, #tpu.memory_space<vmem>>, vector<16xi32>,
      %swap3A_186 = arith.constant 32 : index
      %swap3A_187 = tpu.vector_load %arg13[%swap3A_186] {strides = array<i32>} : memref<256xi32, #tpu.memory_space<vmem>>, vector<16xi32>,
      tpu.vector_store %arg13[%swap3A_186], %get3A_185 {strides = array<i32>} : memref<256xi32, #tpu.memory_space<vmem>>, vector<16xi32>,
      %get3A_188 = arith.constant 176 : index
      %get3A_189 = tpu.vector_load %arg12[%get3A_188] {strides = array<i32>} : memref<256xi32, #tpu.memory_space<vmem>>, vector<16xi32>,
      %swap3A_190 = arith.constant 48 : index
      %swap3A_191 = tpu.vector_load %arg12[%swap3A_190] {strides = array<i32>} : memref<256xi32, #tpu.memory_space<vmem>>, vector<16xi32>,
      tpu.vector_store %arg12[%swap3A_190], %get3A_189 {strides = array<i32>} : memref<256xi32, #tpu.memory_space<vmem>>, vector<16xi32>,
      %get3A_192 = arith.constant 176 : index
      %get3A_193 = tpu.vector_load %arg13[%get3A_192] {strides = array<i32>} : memref<256xi32, #tpu.memory_space<vmem>>, vector<16xi32>,
      %swap3A_194 = arith.constant 48 : index
      %swap3A_195 = tpu.vector_load %arg13[%swap3A_194] {strides = array<i32>} : memref<256xi32, #tpu.memory_space<vmem>>, vector<16xi32>,
      tpu.vector_store %arg13[%swap3A_194], %get3A_193 {strides = array<i32>} : memref<256xi32, #tpu.memory_space<vmem>>, vector<16xi32>,
    } else {
    }
    %mul3A_147 = arith.constant 49152 : i32
    %mul3A_148 = arith.muli %add3A, %mul3A_147 : i32
    "tpu.region"() ({
      %run_scoped3A = tpu.sem_alloc : memref<!tpu.dma_semaphore, #tpu.memory_space<semaphore_mem>>
      %dma_start3A_149 = arith.constant 0 : i32
      %dma_start3A_150 = tpu.memref_slice %arg14[%dma_start3A_149] : memref<49536xf32, #tpu.memory_space<vmem>> -> memref<49152xf32, #tpu.memory_space<vmem>>
      %dma_start3A_151 = tpu.memref_slice %arg6[%mul3A_148] : memref<1572864xf32, #tpu.memory_space<hbm>> -> memref<49152xf32, #tpu.memory_space<hbm>>
      %dma_start3A_152 = tpu.memref_slice %arg6[%mul3A_148] : memref<1572864xf32, #tpu.memory_space<hbm>> -> memref<49152xf32, #tpu.memory_space<hbm>>
      %dma_start3A_153 = arith.constant 0 : i32
      %dma_start3A_154 = tpu.memref_slice %arg14[%dma_start3A_153] : memref<49536xf32, #tpu.memory_space<vmem>> -> memref<49152xf32, #tpu.memory_space<vmem>>
      tpu.enqueue_dma source(%dma_start3A_154 : memref<49152xf32, #tpu.memory_space<vmem>>) target(%dma_start3A_152 : memref<49152xf32, #tpu.memory_space<hbm>>) target_semaphore(%run_scoped3A : memref<!tpu.dma_semaphore, #tpu.memory_space<semaphore_mem>>)
      %dma_wait3A_155 = arith.constant 0 : i32
      %dma_wait3A_156 = tpu.memref_slice %arg14[%dma_wait3A_155] : memref<49536xf32, #tpu.memory_space<vmem>> -> memref<49152xf32, #tpu.memory_space<vmem>>
      %dma_wait3A_157 = tpu.memref_slice %arg6[%mul3A_148] : memref<1572864xf32, #tpu.memory_space<hbm>> -> memref<49152xf32, #tpu.memory_space<hbm>>
      %dma_wait3A_158 = tpu.memref_slice %arg6[%mul3A_148] : memref<1572864xf32, #tpu.memory_space<hbm>> -> memref<49152xf32, #tpu.memory_space<hbm>>
      %dma_wait3A_159 = arith.constant 0 : i32
      %dma_wait3A_160 = tpu.memref_slice %arg14[%dma_wait3A_159] : memref<49536xf32, #tpu.memory_space<vmem>> -> memref<49152xf32, #tpu.memory_space<vmem>>
      tpu.wait_dma2 semaphore(%run_scoped3A : memref<!tpu.dma_semaphore, #tpu.memory_space<semaphore_mem>>) src(%dma_wait3A_160 : memref<49152xf32, #tpu.memory_space<vmem>>) dst(%dma_wait3A_158 : memref<49152xf32, #tpu.memory_space<hbm>>)
      tpu.yield
    }) : () -> ()
    return
  }
}

#map = affine_map<(d0, d1) -> (0)>
module attributes {stable_mosaic.version = 14 : i64} {
  func.func @_build_slots(%arg0: i32, %arg1: i32, %arg2: memref<4096xi32, #tpu.memory_space<hbm>>, %arg3: memref<10240xi32, #tpu.memory_space<hbm>>, %arg4: memref<4096xi32, #tpu.memory_space<vmem>>, %arg5: memref<320xi32, #tpu.memory_space<vmem>>) attributes {dimension_semantics = [#tpu.dimension_semantics<core_parallel>, #tpu.dimension_semantics<subcore_parallel>], iteration_bounds = array<i64: 2, 16>, scalar_prefetch = 0 : i64, scratch_operands = 2 : i64, tpu.core_type = #tpu.core_type<sc_vector_subcore>, window_params = [{transform_indices = #map}, {transform_indices = #map}]} {
    %mul3A = arith.constant 16 : i32
    %mul3A_0 = arith.muli %arg0, %mul3A : i32
    %add3A = arith.addi %mul3A_0, %arg1 : i32
    %mul3A_1 = arith.constant 320 : i32
    %mul3A_2 = arith.muli %add3A, %mul3A_1 : i32
    "tpu.region"() ({
      %run_scoped3A = tpu.sem_alloc : memref<!tpu.dma_semaphore, #tpu.memory_space<semaphore_mem>>
      tpu.enqueue_dma source(%arg2 : memref<4096xi32, #tpu.memory_space<hbm>>) target(%arg4 : memref<4096xi32, #tpu.memory_space<vmem>>) target_semaphore(%run_scoped3A : memref<!tpu.dma_semaphore, #tpu.memory_space<semaphore_mem>>)
      tpu.wait_dma2 semaphore(%run_scoped3A : memref<!tpu.dma_semaphore, #tpu.memory_space<semaphore_mem>>) src(%arg2 : memref<4096xi32, #tpu.memory_space<hbm>>) dst(%arg4 : memref<4096xi32, #tpu.memory_space<vmem>>)
      tpu.yield
    }) : () -> ()
    %broadcast_in_dim3A = arith.constant -1 : i32
    %broadcast_in_dim3A_3 = vector.broadcast %broadcast_in_dim3A : i32 to vector<16xi32>
    %swap3A = arith.constant 0 : index
    %swap3A_4 = tpu.vector_load %arg5[%swap3A] {strides = array<i32>} : memref<320xi32, #tpu.memory_space<vmem>>, vector<16xi32>,
    tpu.vector_store %arg5[%swap3A], %broadcast_in_dim3A_3 {strides = array<i32>} : memref<320xi32, #tpu.memory_space<vmem>>, vector<16xi32>,
    %broadcast_in_dim3A_5 = arith.constant -1 : i32
    %broadcast_in_dim3A_6 = vector.broadcast %broadcast_in_dim3A_5 : i32 to vector<16xi32>
    %swap3A_7 = arith.constant 16 : index
    %swap3A_8 = tpu.vector_load %arg5[%swap3A_7] {strides = array<i32>} : memref<320xi32, #tpu.memory_space<vmem>>, vector<16xi32>,
    tpu.vector_store %arg5[%swap3A_7], %broadcast_in_dim3A_6 {strides = array<i32>} : memref<320xi32, #tpu.memory_space<vmem>>, vector<16xi32>,
    %broadcast_in_dim3A_9 = arith.constant -1 : i32
    %broadcast_in_dim3A_10 = vector.broadcast %broadcast_in_dim3A_9 : i32 to vector<16xi32>
    %swap3A_11 = arith.constant 32 : index
    %swap3A_12 = tpu.vector_load %arg5[%swap3A_11] {strides = array<i32>} : memref<320xi32, #tpu.memory_space<vmem>>, vector<16xi32>,
    tpu.vector_store %arg5[%swap3A_11], %broadcast_in_dim3A_10 {strides = array<i32>} : memref<320xi32, #tpu.memory_space<vmem>>, vector<16xi32>,
    %broadcast_in_dim3A_13 = arith.constant -1 : i32
    %broadcast_in_dim3A_14 = vector.broadcast %broadcast_in_dim3A_13 : i32 to vector<16xi32>
    %swap3A_15 = arith.constant 48 : index
    %swap3A_16 = tpu.vector_load %arg5[%swap3A_15] {strides = array<i32>} : memref<320xi32, #tpu.memory_space<vmem>>, vector<16xi32>,
    tpu.vector_store %arg5[%swap3A_15], %broadcast_in_dim3A_14 {strides = array<i32>} : memref<320xi32, #tpu.memory_space<vmem>>, vector<16xi32>,
    %broadcast_in_dim3A_17 = arith.constant -1 : i32
    %broadcast_in_dim3A_18 = vector.broadcast %broadcast_in_dim3A_17 : i32 to vector<16xi32>
    %swap3A_19 = arith.constant 64 : index
    %swap3A_20 = tpu.vector_load %arg5[%swap3A_19] {strides = array<i32>} : memref<320xi32, #tpu.memory_space<vmem>>, vector<16xi32>,
    tpu.vector_store %arg5[%swap3A_19], %broadcast_in_dim3A_18 {strides = array<i32>} : memref<320xi32, #tpu.memory_space<vmem>>, vector<16xi32>,
    %broadcast_in_dim3A_21 = arith.constant -1 : i32
    %broadcast_in_dim3A_22 = vector.broadcast %broadcast_in_dim3A_21 : i32 to vector<16xi32>
    %swap3A_23 = arith.constant 80 : index
    %swap3A_24 = tpu.vector_load %arg5[%swap3A_23] {strides = array<i32>} : memref<320xi32, #tpu.memory_space<vmem>>, vector<16xi32>,
    tpu.vector_store %arg5[%swap3A_23], %broadcast_in_dim3A_22 {strides = array<i32>} : memref<320xi32, #tpu.memory_space<vmem>>, vector<16xi32>,
    %broadcast_in_dim3A_25 = arith.constant -1 : i32
    %broadcast_in_dim3A_26 = vector.broadcast %broadcast_in_dim3A_25 : i32 to vector<16xi32>
    %swap3A_27 = arith.constant 96 : index
    %swap3A_28 = tpu.vector_load %arg5[%swap3A_27] {strides = array<i32>} : memref<320xi32, #tpu.memory_space<vmem>>, vector<16xi32>,
    tpu.vector_store %arg5[%swap3A_27], %broadcast_in_dim3A_26 {strides = array<i32>} : memref<320xi32, #tpu.memory_space<vmem>>, vector<16xi32>,
    %broadcast_in_dim3A_29 = arith.constant -1 : i32
    %broadcast_in_dim3A_30 = vector.broadcast %broadcast_in_dim3A_29 : i32 to vector<16xi32>
    %swap3A_31 = arith.constant 112 : index
    %swap3A_32 = tpu.vector_load %arg5[%swap3A_31] {strides = array<i32>} : memref<320xi32, #tpu.memory_space<vmem>>, vector<16xi32>,
    tpu.vector_store %arg5[%swap3A_31], %broadcast_in_dim3A_30 {strides = array<i32>} : memref<320xi32, #tpu.memory_space<vmem>>, vector<16xi32>,
    %broadcast_in_dim3A_33 = arith.constant -1 : i32
    %broadcast_in_dim3A_34 = vector.broadcast %broadcast_in_dim3A_33 : i32 to vector<16xi32>
    %swap3A_35 = arith.constant 128 : index
    %swap3A_36 = tpu.vector_load %arg5[%swap3A_35] {strides = array<i32>} : memref<320xi32, #tpu.memory_space<vmem>>, vector<16xi32>,
    tpu.vector_store %arg5[%swap3A_35], %broadcast_in_dim3A_34 {strides = array<i32>} : memref<320xi32, #tpu.memory_space<vmem>>, vector<16xi32>,
    %broadcast_in_dim3A_37 = arith.constant -1 : i32
    %broadcast_in_dim3A_38 = vector.broadcast %broadcast_in_dim3A_37 : i32 to vector<16xi32>
    %swap3A_39 = arith.constant 144 : index
    %swap3A_40 = tpu.vector_load %arg5[%swap3A_39] {strides = array<i32>} : memref<320xi32, #tpu.memory_space<vmem>>, vector<16xi32>,
    tpu.vector_store %arg5[%swap3A_39], %broadcast_in_dim3A_38 {strides = array<i32>} : memref<320xi32, #tpu.memory_space<vmem>>, vector<16xi32>,
    %broadcast_in_dim3A_41 = arith.constant -1 : i32
    %broadcast_in_dim3A_42 = vector.broadcast %broadcast_in_dim3A_41 : i32 to vector<16xi32>
    %swap3A_43 = arith.constant 160 : index
    %swap3A_44 = tpu.vector_load %arg5[%swap3A_43] {strides = array<i32>} : memref<320xi32, #tpu.memory_space<vmem>>, vector<16xi32>,
    tpu.vector_store %arg5[%swap3A_43], %broadcast_in_dim3A_42 {strides = array<i32>} : memref<320xi32, #tpu.memory_space<vmem>>, vector<16xi32>,
    %broadcast_in_dim3A_45 = arith.constant -1 : i32
    %broadcast_in_dim3A_46 = vector.broadcast %broadcast_in_dim3A_45 : i32 to vector<16xi32>
    %swap3A_47 = arith.constant 176 : index
    %swap3A_48 = tpu.vector_load %arg5[%swap3A_47] {strides = array<i32>} : memref<320xi32, #tpu.memory_space<vmem>>, vector<16xi32>,
    tpu.vector_store %arg5[%swap3A_47], %broadcast_in_dim3A_46 {strides = array<i32>} : memref<320xi32, #tpu.memory_space<vmem>>, vector<16xi32>,
    %broadcast_in_dim3A_49 = arith.constant -1 : i32
    %broadcast_in_dim3A_50 = vector.broadcast %broadcast_in_dim3A_49 : i32 to vector<16xi32>
    %swap3A_51 = arith.constant 192 : index
    %swap3A_52 = tpu.vector_load %arg5[%swap3A_51] {strides = array<i32>} : memref<320xi32, #tpu.memory_space<vmem>>, vector<16xi32>,
    tpu.vector_store %arg5[%swap3A_51], %broadcast_in_dim3A_50 {strides = array<i32>} : memref<320xi32, #tpu.memory_space<vmem>>, vector<16xi32>,
    %broadcast_in_dim3A_53 = arith.constant -1 : i32
    %broadcast_in_dim3A_54 = vector.broadcast %broadcast_in_dim3A_53 : i32 to vector<16xi32>
    %swap3A_55 = arith.constant 208 : index
    %swap3A_56 = tpu.vector_load %arg5[%swap3A_55] {strides = array<i32>} : memref<320xi32, #tpu.memory_space<vmem>>, vector<16xi32>,
    tpu.vector_store %arg5[%swap3A_55], %broadcast_in_dim3A_54 {strides = array<i32>} : memref<320xi32, #tpu.memory_space<vmem>>, vector<16xi32>,
    %broadcast_in_dim3A_57 = arith.constant -1 : i32
    %broadcast_in_dim3A_58 = vector.broadcast %broadcast_in_dim3A_57 : i32 to vector<16xi32>
    %swap3A_59 = arith.constant 224 : index
    %swap3A_60 = tpu.vector_load %arg5[%swap3A_59] {strides = array<i32>} : memref<320xi32, #tpu.memory_space<vmem>>, vector<16xi32>,
    tpu.vector_store %arg5[%swap3A_59], %broadcast_in_dim3A_58 {strides = array<i32>} : memref<320xi32, #tpu.memory_space<vmem>>, vector<16xi32>,
    %broadcast_in_dim3A_61 = arith.constant -1 : i32
    %broadcast_in_dim3A_62 = vector.broadcast %broadcast_in_dim3A_61 : i32 to vector<16xi32>
    %swap3A_63 = arith.constant 240 : index
    %swap3A_64 = tpu.vector_load %arg5[%swap3A_63] {strides = array<i32>} : memref<320xi32, #tpu.memory_space<vmem>>, vector<16xi32>,
    tpu.vector_store %arg5[%swap3A_63], %broadcast_in_dim3A_62 {strides = array<i32>} : memref<320xi32, #tpu.memory_space<vmem>>, vector<16xi32>,
    %broadcast_in_dim3A_65 = arith.constant -1 : i32
    %broadcast_in_dim3A_66 = vector.broadcast %broadcast_in_dim3A_65 : i32 to vector<16xi32>
    %swap3A_67 = arith.constant 256 : index
    %swap3A_68 = tpu.vector_load %arg5[%swap3A_67] {strides = array<i32>} : memref<320xi32, #tpu.memory_space<vmem>>, vector<16xi32>,
    tpu.vector_store %arg5[%swap3A_67], %broadcast_in_dim3A_66 {strides = array<i32>} : memref<320xi32, #tpu.memory_space<vmem>>, vector<16xi32>,
    %broadcast_in_dim3A_69 = arith.constant -1 : i32
    %broadcast_in_dim3A_70 = vector.broadcast %broadcast_in_dim3A_69 : i32 to vector<16xi32>
    %swap3A_71 = arith.constant 272 : index
    %swap3A_72 = tpu.vector_load %arg5[%swap3A_71] {strides = array<i32>} : memref<320xi32, #tpu.memory_space<vmem>>, vector<16xi32>,
    tpu.vector_store %arg5[%swap3A_71], %broadcast_in_dim3A_70 {strides = array<i32>} : memref<320xi32, #tpu.memory_space<vmem>>, vector<16xi32>,
    %broadcast_in_dim3A_73 = arith.constant -1 : i32
    %broadcast_in_dim3A_74 = vector.broadcast %broadcast_in_dim3A_73 : i32 to vector<16xi32>
    %swap3A_75 = arith.constant 288 : index
    %swap3A_76 = tpu.vector_load %arg5[%swap3A_75] {strides = array<i32>} : memref<320xi32, #tpu.memory_space<vmem>>, vector<16xi32>,
    tpu.vector_store %arg5[%swap3A_75], %broadcast_in_dim3A_74 {strides = array<i32>} : memref<320xi32, #tpu.memory_space<vmem>>, vector<16xi32>,
    %broadcast_in_dim3A_77 = arith.constant -1 : i32
    %broadcast_in_dim3A_78 = vector.broadcast %broadcast_in_dim3A_77 : i32 to vector<16xi32>
    %swap3A_79 = arith.constant 304 : index
    %swap3A_80 = tpu.vector_load %arg5[%swap3A_79] {strides = array<i32>} : memref<320xi32, #tpu.memory_space<vmem>>, vector<16xi32>,
    tpu.vector_store %arg5[%swap3A_79], %broadcast_in_dim3A_78 {strides = array<i32>} : memref<320xi32, #tpu.memory_space<vmem>>, vector<16xi32>,
    %scan3A = arith.constant 0 : i32
    %scan3A_81 = arith.constant 0 : i32
    %scan3A_82 = arith.constant 256 : i32
    %scan3A_83 = arith.addi %scan3A_81, %scan3A_82 : i32
    %scan3A_84 = arith.constant 1 : i32
    scf.for %scan3A_86 = %scan3A_81 to %scan3A_83 step %scan3A_84  : i32 {
      %mul3A_87 = arith.constant 16 : i32
      %mul3A_88 = arith.muli %scan3A_86, %mul3A_87 : i32
      %get3A = arith.index_cast %mul3A_88 : i32 to index
      %get3A_89 = tpu.vector_load %arg4[%get3A] {strides = array<i32>} : memref<4096xi32, #tpu.memory_space<vmem>>, vector<16xi32>,
      %sub3A = vector.broadcast %mul3A_2 : i32 to vector<16xi32>
      %sub3A_90 = arith.subi %get3A_89, %sub3A : vector<16xi32>
      %ge3A = arith.constant 0 : i32
      %ge3A_91 = vector.broadcast %ge3A : i32 to vector<16xi32>
      %ge3A_92 = arith.cmpi sge, %sub3A_90, %ge3A_91 : vector<16xi32>
      %lt3A = arith.constant 320 : i32
      %lt3A_93 = vector.broadcast %lt3A : i32 to vector<16xi32>
      %lt3A_94 = arith.cmpi slt, %sub3A_90, %lt3A_93 : vector<16xi32>
      %and3A = arith.andi %ge3A_92, %lt3A_94 : vector<16xi1>
      %iota3A = tpu.iota {dimensions = array<i32: 0>} : vector<16xi32>
      %mul3A_95 = arith.constant 16 : i32
      %mul3A_96 = arith.muli %scan3A_86, %mul3A_95 : i32
      %add3A_97 = vector.broadcast %mul3A_96 : i32 to vector<16xi32>
      %add3A_98 = arith.addi %iota3A, %add3A_97 : vector<16xi32>
      %jit3A = arith.constant 0 : i32
      %jit3A_99 = arith.constant 319 : i32
      %max3A = vector.broadcast %jit3A : i32 to vector<16xi32>
      %max3A_100 = arith.maxsi %max3A, %sub3A_90 : vector<16xi32>
      %min3A = vector.broadcast %jit3A_99 : i32 to vector<16xi32>
      %min3A_101 = arith.minsi %min3A, %max3A_100 : vector<16xi32>
      tpu.vector_store_idx %arg5[%min3A_101], %add3A_98 masked %and3A : memref<320xi32, #tpu.memory_space<vmem>>[vector<16xi32>], vector<16xi32>, vector<16xi1>
    }
    %scan3A_85 = arith.constant 256 : i32
    "tpu.region"() ({
      %run_scoped3A = tpu.sem_alloc : memref<!tpu.dma_semaphore, #tpu.memory_space<semaphore_mem>>
      %dma_start3A = tpu.memref_slice %arg3[%mul3A_2] : memref<10240xi32, #tpu.memory_space<hbm>> -> memref<320xi32, #tpu.memory_space<hbm>>
      %dma_start3A_86 = tpu.memref_slice %arg3[%mul3A_2] : memref<10240xi32, #tpu.memory_space<hbm>> -> memref<320xi32, #tpu.memory_space<hbm>>
      tpu.enqueue_dma source(%arg5 : memref<320xi32, #tpu.memory_space<vmem>>) target(%dma_start3A_86 : memref<320xi32, #tpu.memory_space<hbm>>) target_semaphore(%run_scoped3A : memref<!tpu.dma_semaphore, #tpu.memory_space<semaphore_mem>>)
      %dma_wait3A = tpu.memref_slice %arg3[%mul3A_2] : memref<10240xi32, #tpu.memory_space<hbm>> -> memref<320xi32, #tpu.memory_space<hbm>>
      %dma_wait3A_87 = tpu.memref_slice %arg3[%mul3A_2] : memref<10240xi32, #tpu.memory_space<hbm>> -> memref<320xi32, #tpu.memory_space<hbm>>
      tpu.wait_dma2 semaphore(%run_scoped3A : memref<!tpu.dma_semaphore, #tpu.memory_space<semaphore_mem>>) src(%arg5 : memref<320xi32, #tpu.memory_space<vmem>>) dst(%dma_wait3A_87 : memref<320xi32, #tpu.memory_space<hbm>>)
      tpu.yield
    }) : () -> ()
    return
  }
}

#map = affine_map<(d0, d1) -> (0)>
#map1 = affine_map<(d0, d1) -> (0, 0)>
module attributes {stable_mosaic.version = 14 : i64} {
  func.func @_finalize(%arg0: i32, %arg1: i32, %arg2: memref<4096xi32, #tpu.memory_space<hbm>>, %arg3: memref<10240xi32, #tpu.memory_space<hbm>>, %arg4: memref<4096x384xf32, #tpu.memory_space<hbm>>, %arg5: memref<4096x384xf32, #tpu.memory_space<hbm>>, %arg6: memref<10240xi32, #tpu.memory_space<vmem>>, %arg7: memref<128xi32, #tpu.memory_space<vmem>>, %arg8: memref<128xi32, #tpu.memory_space<vmem>>, %arg9: memref<128x384xf32, #tpu.memory_space<vmem>>, %arg10: memref<128xf32, #tpu.memory_space<vmem>>, %arg11: memref<!tpu.dma_semaphore, #tpu.memory_space<semaphore_mem>>) attributes {dimension_semantics = [#tpu.dimension_semantics<core_parallel>, #tpu.dimension_semantics<subcore_parallel>], iteration_bounds = array<i64: 2, 16>, scalar_prefetch = 0 : i64, scratch_operands = 6 : i64, tpu.core_type = #tpu.core_type<sc_vector_subcore>, window_params = [{transform_indices = #map}, {transform_indices = #map}, {transform_indices = #map1}, {transform_indices = #map1}]} {
    %mul3A = arith.constant 16 : i32
    %mul3A_0 = arith.muli %arg0, %mul3A : i32
    %add3A = arith.addi %mul3A_0, %arg1 : i32
    %mul3A_1 = arith.constant 128 : i32
    %mul3A_2 = arith.muli %add3A, %mul3A_1 : i32
    "tpu.region"() ({
      %run_scoped3A = tpu.sem_alloc : memref<!tpu.dma_semaphore, #tpu.memory_space<semaphore_mem>>
      tpu.enqueue_dma source(%arg3 : memref<10240xi32, #tpu.memory_space<hbm>>) target(%arg6 : memref<10240xi32, #tpu.memory_space<vmem>>) target_semaphore(%run_scoped3A : memref<!tpu.dma_semaphore, #tpu.memory_space<semaphore_mem>>)
      tpu.wait_dma2 semaphore(%run_scoped3A : memref<!tpu.dma_semaphore, #tpu.memory_space<semaphore_mem>>) src(%arg3 : memref<10240xi32, #tpu.memory_space<hbm>>) dst(%arg6 : memref<10240xi32, #tpu.memory_space<vmem>>)
      tpu.yield
    }) : () -> ()
    "tpu.region"() ({
      %run_scoped3A = tpu.sem_alloc : memref<!tpu.dma_semaphore, #tpu.memory_space<semaphore_mem>>
      %dma_start3A_176 = tpu.memref_slice %arg2[%mul3A_2] : memref<4096xi32, #tpu.memory_space<hbm>> -> memref<128xi32, #tpu.memory_space<hbm>>
      %dma_start3A_177 = tpu.memref_slice %arg2[%mul3A_2] : memref<4096xi32, #tpu.memory_space<hbm>> -> memref<128xi32, #tpu.memory_space<hbm>>
      tpu.enqueue_dma source(%dma_start3A_177 : memref<128xi32, #tpu.memory_space<hbm>>) target(%arg7 : memref<128xi32, #tpu.memory_space<vmem>>) target_semaphore(%run_scoped3A : memref<!tpu.dma_semaphore, #tpu.memory_space<semaphore_mem>>)
      %dma_wait3A_178 = tpu.memref_slice %arg2[%mul3A_2] : memref<4096xi32, #tpu.memory_space<hbm>> -> memref<128xi32, #tpu.memory_space<hbm>>
      %dma_wait3A_179 = tpu.memref_slice %arg2[%mul3A_2] : memref<4096xi32, #tpu.memory_space<hbm>> -> memref<128xi32, #tpu.memory_space<hbm>>
      tpu.wait_dma2 semaphore(%run_scoped3A : memref<!tpu.dma_semaphore, #tpu.memory_space<semaphore_mem>>) src(%dma_wait3A_179 : memref<128xi32, #tpu.memory_space<hbm>>) dst(%arg7 : memref<128xi32, #tpu.memory_space<vmem>>)
      tpu.yield
    }) : () -> ()
    %get3A = arith.constant 0 : index
    %get3A_3 = tpu.vector_load %arg7[%get3A] {strides = array<i32>} : memref<128xi32, #tpu.memory_space<vmem>>, vector<16xi32>,
    %gather3A = tpu.vector_load_idx %arg6[%get3A_3] : memref<10240xi32, #tpu.memory_space<vmem>>[vector<16xi32>], vector<16xi32>,
    %swap3A = arith.constant 0 : index
    %swap3A_4 = tpu.vector_load %arg8[%swap3A] {strides = array<i32>} : memref<128xi32, #tpu.memory_space<vmem>>, vector<16xi32>,
    tpu.vector_store %arg8[%swap3A], %gather3A {strides = array<i32>} : memref<128xi32, #tpu.memory_space<vmem>>, vector<16xi32>,
    %get3A_5 = arith.constant 16 : index
    %get3A_6 = tpu.vector_load %arg7[%get3A_5] {strides = array<i32>} : memref<128xi32, #tpu.memory_space<vmem>>, vector<16xi32>,
    %gather3A_7 = tpu.vector_load_idx %arg6[%get3A_6] : memref<10240xi32, #tpu.memory_space<vmem>>[vector<16xi32>], vector<16xi32>,
    %swap3A_8 = arith.constant 16 : index
    %swap3A_9 = tpu.vector_load %arg8[%swap3A_8] {strides = array<i32>} : memref<128xi32, #tpu.memory_space<vmem>>, vector<16xi32>,
    tpu.vector_store %arg8[%swap3A_8], %gather3A_7 {strides = array<i32>} : memref<128xi32, #tpu.memory_space<vmem>>, vector<16xi32>,
    %get3A_10 = arith.constant 32 : index
    %get3A_11 = tpu.vector_load %arg7[%get3A_10] {strides = array<i32>} : memref<128xi32, #tpu.memory_space<vmem>>, vector<16xi32>,
    %gather3A_12 = tpu.vector_load_idx %arg6[%get3A_11] : memref<10240xi32, #tpu.memory_space<vmem>>[vector<16xi32>], vector<16xi32>,
    %swap3A_13 = arith.constant 32 : index
    %swap3A_14 = tpu.vector_load %arg8[%swap3A_13] {strides = array<i32>} : memref<128xi32, #tpu.memory_space<vmem>>, vector<16xi32>,
    tpu.vector_store %arg8[%swap3A_13], %gather3A_12 {strides = array<i32>} : memref<128xi32, #tpu.memory_space<vmem>>, vector<16xi32>,
    %get3A_15 = arith.constant 48 : index
    %get3A_16 = tpu.vector_load %arg7[%get3A_15] {strides = array<i32>} : memref<128xi32, #tpu.memory_space<vmem>>, vector<16xi32>,
    %gather3A_17 = tpu.vector_load_idx %arg6[%get3A_16] : memref<10240xi32, #tpu.memory_space<vmem>>[vector<16xi32>], vector<16xi32>,
    %swap3A_18 = arith.constant 48 : index
    %swap3A_19 = tpu.vector_load %arg8[%swap3A_18] {strides = array<i32>} : memref<128xi32, #tpu.memory_space<vmem>>, vector<16xi32>,
    tpu.vector_store %arg8[%swap3A_18], %gather3A_17 {strides = array<i32>} : memref<128xi32, #tpu.memory_space<vmem>>, vector<16xi32>,
    %get3A_20 = arith.constant 64 : index
    %get3A_21 = tpu.vector_load %arg7[%get3A_20] {strides = array<i32>} : memref<128xi32, #tpu.memory_space<vmem>>, vector<16xi32>,
    %gather3A_22 = tpu.vector_load_idx %arg6[%get3A_21] : memref<10240xi32, #tpu.memory_space<vmem>>[vector<16xi32>], vector<16xi32>,
    %swap3A_23 = arith.constant 64 : index
    %swap3A_24 = tpu.vector_load %arg8[%swap3A_23] {strides = array<i32>} : memref<128xi32, #tpu.memory_space<vmem>>, vector<16xi32>,
    tpu.vector_store %arg8[%swap3A_23], %gather3A_22 {strides = array<i32>} : memref<128xi32, #tpu.memory_space<vmem>>, vector<16xi32>,
    %get3A_25 = arith.constant 80 : index
    %get3A_26 = tpu.vector_load %arg7[%get3A_25] {strides = array<i32>} : memref<128xi32, #tpu.memory_space<vmem>>, vector<16xi32>,
    %gather3A_27 = tpu.vector_load_idx %arg6[%get3A_26] : memref<10240xi32, #tpu.memory_space<vmem>>[vector<16xi32>], vector<16xi32>,
    %swap3A_28 = arith.constant 80 : index
    %swap3A_29 = tpu.vector_load %arg8[%swap3A_28] {strides = array<i32>} : memref<128xi32, #tpu.memory_space<vmem>>, vector<16xi32>,
    tpu.vector_store %arg8[%swap3A_28], %gather3A_27 {strides = array<i32>} : memref<128xi32, #tpu.memory_space<vmem>>, vector<16xi32>,
    %get3A_30 = arith.constant 96 : index
    %get3A_31 = tpu.vector_load %arg7[%get3A_30] {strides = array<i32>} : memref<128xi32, #tpu.memory_space<vmem>>, vector<16xi32>,
    %gather3A_32 = tpu.vector_load_idx %arg6[%get3A_31] : memref<10240xi32, #tpu.memory_space<vmem>>[vector<16xi32>], vector<16xi32>,
    %swap3A_33 = arith.constant 96 : index
    %swap3A_34 = tpu.vector_load %arg8[%swap3A_33] {strides = array<i32>} : memref<128xi32, #tpu.memory_space<vmem>>, vector<16xi32>,
    tpu.vector_store %arg8[%swap3A_33], %gather3A_32 {strides = array<i32>} : memref<128xi32, #tpu.memory_space<vmem>>, vector<16xi32>,
    %get3A_35 = arith.constant 112 : index
    %get3A_36 = tpu.vector_load %arg7[%get3A_35] {strides = array<i32>} : memref<128xi32, #tpu.memory_space<vmem>>, vector<16xi32>,
    %gather3A_37 = tpu.vector_load_idx %arg6[%get3A_36] : memref<10240xi32, #tpu.memory_space<vmem>>[vector<16xi32>], vector<16xi32>,
    %swap3A_38 = arith.constant 112 : index
    %swap3A_39 = tpu.vector_load %arg8[%swap3A_38] {strides = array<i32>} : memref<128xi32, #tpu.memory_space<vmem>>, vector<16xi32>,
    tpu.vector_store %arg8[%swap3A_38], %gather3A_37 {strides = array<i32>} : memref<128xi32, #tpu.memory_space<vmem>>, vector<16xi32>,
    %dma_start3A = arith.constant 0 : i32
    %dma_start3A_40 = arith.constant 0 : i32
    %dma_start3A_41 = tpu.memref_slice %arg4[%dma_start3A, %dma_start3A_40] : memref<4096x384xf32, #tpu.memory_space<hbm>> -> memref<4096x384xf32, #tpu.memory_space<hbm>>
    tpu.enqueue_indirect_dma source(%dma_start3A_41 : memref<4096x384xf32, #tpu.memory_space<hbm>>) target(%arg9 : memref<128x384xf32, #tpu.memory_space<vmem>>) offsets(%arg8 : memref<128xi32, #tpu.memory_space<vmem>>) semaphore(%arg11 : memref<!tpu.dma_semaphore, #tpu.memory_space<semaphore_mem>>)
    %dma_wait3A = arith.constant 0 : i32
    %dma_wait3A_42 = arith.constant 0 : i32
    %dma_wait3A_43 = tpu.memref_slice %arg4[%dma_wait3A, %dma_wait3A_42] : memref<4096x384xf32, #tpu.memory_space<hbm>> -> memref<4096x384xf32, #tpu.memory_space<hbm>>
    tpu.wait_indirect_dma semaphore(%arg11 : memref<!tpu.dma_semaphore, #tpu.memory_space<semaphore_mem>>) src(%dma_wait3A_43 : memref<4096x384xf32, #tpu.memory_space<hbm>>) dst(%arg9 : memref<128x384xf32, #tpu.memory_space<vmem>>)
    %broadcast_in_dim3A = arith.constant 256 : i32
    %broadcast_in_dim3A_44 = vector.broadcast %broadcast_in_dim3A : i32 to vector<16xi32>
    %iota3A = tpu.iota {dimensions = array<i32: 0>} : vector<16xi32>
    %add3A_45 = arith.constant 0 : i32
    %add3A_46 = vector.broadcast %add3A_45 : i32 to vector<16xi32>
    %add3A_47 = arith.addi %iota3A, %add3A_46 : vector<16xi32>
    %gather3A_48 = tpu.vector_load_idx %arg9[%add3A_47, %broadcast_in_dim3A_44] : memref<128x384xf32, #tpu.memory_space<vmem>>[vector<16xi32>, vector<16xi32>], vector<16xf32>,
    %eq3A = arith.constant 0.000000e+00 : f32
    %eq3A_49 = vector.broadcast %eq3A : f32 to vector<16xf32>
    %eq3A_50 = arith.cmpf oeq, %gather3A_48, %eq3A_49 : vector<16xf32>
    %broadcast_in_dim3A_51 = arith.constant 1.000000e+00 : f32
    %broadcast_in_dim3A_52 = vector.broadcast %broadcast_in_dim3A_51 : f32 to vector<16xf32>
    %select_n3A = arith.select %eq3A_50, %broadcast_in_dim3A_52, %gather3A_48 : vector<16xi1>, vector<16xf32>
    %div3A = arith.constant 1.000000e+00 : f32
    %div3A_53 = vector.broadcast %div3A : f32 to vector<16xf32>
    %div3A_54 = arith.divf %div3A_53, %select_n3A : vector<16xf32>
    %swap3A_55 = arith.constant 0 : index
    %swap3A_56 = tpu.vector_load %arg10[%swap3A_55] {strides = array<i32>} : memref<128xf32, #tpu.memory_space<vmem>>, vector<16xf32>,
    tpu.vector_store %arg10[%swap3A_55], %div3A_54 {strides = array<i32>} : memref<128xf32, #tpu.memory_space<vmem>>, vector<16xf32>,
    %iota3A_57 = tpu.iota {dimensions = array<i32: 0>} : vector<16xi32>
    %add3A_58 = arith.constant 16 : i32
    %add3A_59 = vector.broadcast %add3A_58 : i32 to vector<16xi32>
    %add3A_60 = arith.addi %iota3A_57, %add3A_59 : vector<16xi32>
    %gather3A_61 = tpu.vector_load_idx %arg9[%add3A_60, %broadcast_in_dim3A_44] : memref<128x384xf32, #tpu.memory_space<vmem>>[vector<16xi32>, vector<16xi32>], vector<16xf32>,
    %eq3A_62 = arith.constant 0.000000e+00 : f32
    %eq3A_63 = vector.broadcast %eq3A_62 : f32 to vector<16xf32>
    %eq3A_64 = arith.cmpf oeq, %gather3A_61, %eq3A_63 : vector<16xf32>
    %broadcast_in_dim3A_65 = arith.constant 1.000000e+00 : f32
    %broadcast_in_dim3A_66 = vector.broadcast %broadcast_in_dim3A_65 : f32 to vector<16xf32>
    %select_n3A_67 = arith.select %eq3A_64, %broadcast_in_dim3A_66, %gather3A_61 : vector<16xi1>, vector<16xf32>
    %div3A_68 = arith.constant 1.000000e+00 : f32
    %div3A_69 = vector.broadcast %div3A_68 : f32 to vector<16xf32>
    %div3A_70 = arith.divf %div3A_69, %select_n3A_67 : vector<16xf32>
    %swap3A_71 = arith.constant 16 : index
    %swap3A_72 = tpu.vector_load %arg10[%swap3A_71] {strides = array<i32>} : memref<128xf32, #tpu.memory_space<vmem>>, vector<16xf32>,
    tpu.vector_store %arg10[%swap3A_71], %div3A_70 {strides = array<i32>} : memref<128xf32, #tpu.memory_space<vmem>>, vector<16xf32>,
    %iota3A_73 = tpu.iota {dimensions = array<i32: 0>} : vector<16xi32>
    %add3A_74 = arith.constant 32 : i32
    %add3A_75 = vector.broadcast %add3A_74 : i32 to vector<16xi32>
    %add3A_76 = arith.addi %iota3A_73, %add3A_75 : vector<16xi32>
    %gather3A_77 = tpu.vector_load_idx %arg9[%add3A_76, %broadcast_in_dim3A_44] : memref<128x384xf32, #tpu.memory_space<vmem>>[vector<16xi32>, vector<16xi32>], vector<16xf32>,
    %eq3A_78 = arith.constant 0.000000e+00 : f32
    %eq3A_79 = vector.broadcast %eq3A_78 : f32 to vector<16xf32>
    %eq3A_80 = arith.cmpf oeq, %gather3A_77, %eq3A_79 : vector<16xf32>
    %broadcast_in_dim3A_81 = arith.constant 1.000000e+00 : f32
    %broadcast_in_dim3A_82 = vector.broadcast %broadcast_in_dim3A_81 : f32 to vector<16xf32>
    %select_n3A_83 = arith.select %eq3A_80, %broadcast_in_dim3A_82, %gather3A_77 : vector<16xi1>, vector<16xf32>
    %div3A_84 = arith.constant 1.000000e+00 : f32
    %div3A_85 = vector.broadcast %div3A_84 : f32 to vector<16xf32>
    %div3A_86 = arith.divf %div3A_85, %select_n3A_83 : vector<16xf32>
    %swap3A_87 = arith.constant 32 : index
    %swap3A_88 = tpu.vector_load %arg10[%swap3A_87] {strides = array<i32>} : memref<128xf32, #tpu.memory_space<vmem>>, vector<16xf32>,
    tpu.vector_store %arg10[%swap3A_87], %div3A_86 {strides = array<i32>} : memref<128xf32, #tpu.memory_space<vmem>>, vector<16xf32>,
    %iota3A_89 = tpu.iota {dimensions = array<i32: 0>} : vector<16xi32>
    %add3A_90 = arith.constant 48 : i32
    %add3A_91 = vector.broadcast %add3A_90 : i32 to vector<16xi32>
    %add3A_92 = arith.addi %iota3A_89, %add3A_91 : vector<16xi32>
    %gather3A_93 = tpu.vector_load_idx %arg9[%add3A_92, %broadcast_in_dim3A_44] : memref<128x384xf32, #tpu.memory_space<vmem>>[vector<16xi32>, vector<16xi32>], vector<16xf32>,
    %eq3A_94 = arith.constant 0.000000e+00 : f32
    %eq3A_95 = vector.broadcast %eq3A_94 : f32 to vector<16xf32>
    %eq3A_96 = arith.cmpf oeq, %gather3A_93, %eq3A_95 : vector<16xf32>
    %broadcast_in_dim3A_97 = arith.constant 1.000000e+00 : f32
    %broadcast_in_dim3A_98 = vector.broadcast %broadcast_in_dim3A_97 : f32 to vector<16xf32>
    %select_n3A_99 = arith.select %eq3A_96, %broadcast_in_dim3A_98, %gather3A_93 : vector<16xi1>, vector<16xf32>
    %div3A_100 = arith.constant 1.000000e+00 : f32
    %div3A_101 = vector.broadcast %div3A_100 : f32 to vector<16xf32>
    %div3A_102 = arith.divf %div3A_101, %select_n3A_99 : vector<16xf32>
    %swap3A_103 = arith.constant 48 : index
    %swap3A_104 = tpu.vector_load %arg10[%swap3A_103] {strides = array<i32>} : memref<128xf32, #tpu.memory_space<vmem>>, vector<16xf32>,
    tpu.vector_store %arg10[%swap3A_103], %div3A_102 {strides = array<i32>} : memref<128xf32, #tpu.memory_space<vmem>>, vector<16xf32>,
    %iota3A_105 = tpu.iota {dimensions = array<i32: 0>} : vector<16xi32>
    %add3A_106 = arith.constant 64 : i32
    %add3A_107 = vector.broadcast %add3A_106 : i32 to vector<16xi32>
    %add3A_108 = arith.addi %iota3A_105, %add3A_107 : vector<16xi32>
    %gather3A_109 = tpu.vector_load_idx %arg9[%add3A_108, %broadcast_in_dim3A_44] : memref<128x384xf32, #tpu.memory_space<vmem>>[vector<16xi32>, vector<16xi32>], vector<16xf32>,
    %eq3A_110 = arith.constant 0.000000e+00 : f32
    %eq3A_111 = vector.broadcast %eq3A_110 : f32 to vector<16xf32>
    %eq3A_112 = arith.cmpf oeq, %gather3A_109, %eq3A_111 : vector<16xf32>
    %broadcast_in_dim3A_113 = arith.constant 1.000000e+00 : f32
    %broadcast_in_dim3A_114 = vector.broadcast %broadcast_in_dim3A_113 : f32 to vector<16xf32>
    %select_n3A_115 = arith.select %eq3A_112, %broadcast_in_dim3A_114, %gather3A_109 : vector<16xi1>, vector<16xf32>
    %div3A_116 = arith.constant 1.000000e+00 : f32
    %div3A_117 = vector.broadcast %div3A_116 : f32 to vector<16xf32>
    %div3A_118 = arith.divf %div3A_117, %select_n3A_115 : vector<16xf32>
    %swap3A_119 = arith.constant 64 : index
    %swap3A_120 = tpu.vector_load %arg10[%swap3A_119] {strides = array<i32>} : memref<128xf32, #tpu.memory_space<vmem>>, vector<16xf32>,
    tpu.vector_store %arg10[%swap3A_119], %div3A_118 {strides = array<i32>} : memref<128xf32, #tpu.memory_space<vmem>>, vector<16xf32>,
    %iota3A_121 = tpu.iota {dimensions = array<i32: 0>} : vector<16xi32>
    %add3A_122 = arith.constant 80 : i32
    %add3A_123 = vector.broadcast %add3A_122 : i32 to vector<16xi32>
    %add3A_124 = arith.addi %iota3A_121, %add3A_123 : vector<16xi32>
    %gather3A_125 = tpu.vector_load_idx %arg9[%add3A_124, %broadcast_in_dim3A_44] : memref<128x384xf32, #tpu.memory_space<vmem>>[vector<16xi32>, vector<16xi32>], vector<16xf32>,
    %eq3A_126 = arith.constant 0.000000e+00 : f32
    %eq3A_127 = vector.broadcast %eq3A_126 : f32 to vector<16xf32>
    %eq3A_128 = arith.cmpf oeq, %gather3A_125, %eq3A_127 : vector<16xf32>
    %broadcast_in_dim3A_129 = arith.constant 1.000000e+00 : f32
    %broadcast_in_dim3A_130 = vector.broadcast %broadcast_in_dim3A_129 : f32 to vector<16xf32>
    %select_n3A_131 = arith.select %eq3A_128, %broadcast_in_dim3A_130, %gather3A_125 : vector<16xi1>, vector<16xf32>
    %div3A_132 = arith.constant 1.000000e+00 : f32
    %div3A_133 = vector.broadcast %div3A_132 : f32 to vector<16xf32>
    %div3A_134 = arith.divf %div3A_133, %select_n3A_131 : vector<16xf32>
    %swap3A_135 = arith.constant 80 : index
    %swap3A_136 = tpu.vector_load %arg10[%swap3A_135] {strides = array<i32>} : memref<128xf32, #tpu.memory_space<vmem>>, vector<16xf32>,
    tpu.vector_store %arg10[%swap3A_135], %div3A_134 {strides = array<i32>} : memref<128xf32, #tpu.memory_space<vmem>>, vector<16xf32>,
    %iota3A_137 = tpu.iota {dimensions = array<i32: 0>} : vector<16xi32>
    %add3A_138 = arith.constant 96 : i32
    %add3A_139 = vector.broadcast %add3A_138 : i32 to vector<16xi32>
    %add3A_140 = arith.addi %iota3A_137, %add3A_139 : vector<16xi32>
    %gather3A_141 = tpu.vector_load_idx %arg9[%add3A_140, %broadcast_in_dim3A_44] : memref<128x384xf32, #tpu.memory_space<vmem>>[vector<16xi32>, vector<16xi32>], vector<16xf32>,
    %eq3A_142 = arith.constant 0.000000e+00 : f32
    %eq3A_143 = vector.broadcast %eq3A_142 : f32 to vector<16xf32>
    %eq3A_144 = arith.cmpf oeq, %gather3A_141, %eq3A_143 : vector<16xf32>
    %broadcast_in_dim3A_145 = arith.constant 1.000000e+00 : f32
    %broadcast_in_dim3A_146 = vector.broadcast %broadcast_in_dim3A_145 : f32 to vector<16xf32>
    %select_n3A_147 = arith.select %eq3A_144, %broadcast_in_dim3A_146, %gather3A_141 : vector<16xi1>, vector<16xf32>
    %div3A_148 = arith.constant 1.000000e+00 : f32
    %div3A_149 = vector.broadcast %div3A_148 : f32 to vector<16xf32>
    %div3A_150 = arith.divf %div3A_149, %select_n3A_147 : vector<16xf32>
    %swap3A_151 = arith.constant 96 : index
    %swap3A_152 = tpu.vector_load %arg10[%swap3A_151] {strides = array<i32>} : memref<128xf32, #tpu.memory_space<vmem>>, vector<16xf32>,
    tpu.vector_store %arg10[%swap3A_151], %div3A_150 {strides = array<i32>} : memref<128xf32, #tpu.memory_space<vmem>>, vector<16xf32>,
    %iota3A_153 = tpu.iota {dimensions = array<i32: 0>} : vector<16xi32>
    %add3A_154 = arith.constant 112 : i32
    %add3A_155 = vector.broadcast %add3A_154 : i32 to vector<16xi32>
    %add3A_156 = arith.addi %iota3A_153, %add3A_155 : vector<16xi32>
    %gather3A_157 = tpu.vector_load_idx %arg9[%add3A_156, %broadcast_in_dim3A_44] : memref<128x384xf32, #tpu.memory_space<vmem>>[vector<16xi32>, vector<16xi32>], vector<16xf32>,
    %eq3A_158 = arith.constant 0.000000e+00 : f32
    %eq3A_159 = vector.broadcast %eq3A_158 : f32 to vector<16xf32>
    %eq3A_160 = arith.cmpf oeq, %gather3A_157, %eq3A_159 : vector<16xf32>
    %broadcast_in_dim3A_161 = arith.constant 1.000000e+00 : f32
    %broadcast_in_dim3A_162 = vector.broadcast %broadcast_in_dim3A_161 : f32 to vector<16xf32>
    %select_n3A_163 = arith.select %eq3A_160, %broadcast_in_dim3A_162, %gather3A_157 : vector<16xi1>, vector<16xf32>
    %div3A_164 = arith.constant 1.000000e+00 : f32
    %div3A_165 = vector.broadcast %div3A_164 : f32 to vector<16xf32>
    %div3A_166 = arith.divf %div3A_165, %select_n3A_163 : vector<16xf32>
    %swap3A_167 = arith.constant 112 : index
    %swap3A_168 = tpu.vector_load %arg10[%swap3A_167] {strides = array<i32>} : memref<128xf32, #tpu.memory_space<vmem>>, vector<16xf32>,
    tpu.vector_store %arg10[%swap3A_167], %div3A_166 {strides = array<i32>} : memref<128xf32, #tpu.memory_space<vmem>>, vector<16xf32>,
    %broadcast_in_dim3A_169 = arith.constant 0 : i32
    %broadcast_in_dim3A_170 = vector.broadcast %broadcast_in_dim3A_169 : i32 to vector<16xi32>
    %scan3A = arith.constant 0 : i32
    %scan3A_171 = arith.constant 0 : i32
    %scan3A_172 = arith.constant 128 : i32
    %scan3A_173 = arith.addi %scan3A_171, %scan3A_172 : i32
    %scan3A_174 = arith.constant 1 : i32
    scf.for %scan3A_176 = %scan3A_171 to %scan3A_173 step %scan3A_174  : i32 {
      %add3A_177 = vector.broadcast %scan3A_176 : i32 to vector<16xi32>
      %add3A_178 = arith.addi %broadcast_in_dim3A_170, %add3A_177 : vector<16xi32>
      %gather3A_179 = tpu.vector_load_idx %arg10[%add3A_178] : memref<128xf32, #tpu.memory_space<vmem>>[vector<16xi32>], vector<16xf32>,
      %get3A_180 = arith.index_cast %scan3A_176 : i32 to index
      %get3A_181 = arith.constant 0 : index
      %get3A_182 = tpu.vector_load %arg9[%get3A_180, %get3A_181] {strides = array<i32>} : memref<128x384xf32, #tpu.memory_space<vmem>>, vector<16xf32>,
      %mul3A_183 = arith.mulf %get3A_182, %gather3A_179 : vector<16xf32>
      %swap3A_184 = arith.index_cast %scan3A_176 : i32 to index
      %swap3A_185 = arith.constant 0 : index
      %swap3A_186 = tpu.vector_load %arg9[%swap3A_184, %swap3A_185] {strides = array<i32>} : memref<128x384xf32, #tpu.memory_space<vmem>>, vector<16xf32>,
      tpu.vector_store %arg9[%swap3A_184, %swap3A_185], %mul3A_183 {strides = array<i32>} : memref<128x384xf32, #tpu.memory_space<vmem>>, vector<16xf32>,
      %get3A_187 = arith.index_cast %scan3A_176 : i32 to index
      %get3A_188 = arith.constant 16 : index
      %get3A_189 = tpu.vector_load %arg9[%get3A_187, %get3A_188] {strides = array<i32>} : memref<128x384xf32, #tpu.memory_space<vmem>>, vector<16xf32>,
      %mul3A_190 = arith.mulf %get3A_189, %gather3A_179 : vector<16xf32>
      %swap3A_191 = arith.index_cast %scan3A_176 : i32 to index
      %swap3A_192 = arith.constant 16 : index
      %swap3A_193 = tpu.vector_load %arg9[%swap3A_191, %swap3A_192] {strides = array<i32>} : memref<128x384xf32, #tpu.memory_space<vmem>>, vector<16xf32>,
      tpu.vector_store %arg9[%swap3A_191, %swap3A_192], %mul3A_190 {strides = array<i32>} : memref<128x384xf32, #tpu.memory_space<vmem>>, vector<16xf32>,
      %get3A_194 = arith.index_cast %scan3A_176 : i32 to index
      %get3A_195 = arith.constant 32 : index
      %get3A_196 = tpu.vector_load %arg9[%get3A_194, %get3A_195] {strides = array<i32>} : memref<128x384xf32, #tpu.memory_space<vmem>>, vector<16xf32>,
      %mul3A_197 = arith.mulf %get3A_196, %gather3A_179 : vector<16xf32>
      %swap3A_198 = arith.index_cast %scan3A_176 : i32 to index
      %swap3A_199 = arith.constant 32 : index
      %swap3A_200 = tpu.vector_load %arg9[%swap3A_198, %swap3A_199] {strides = array<i32>} : memref<128x384xf32, #tpu.memory_space<vmem>>, vector<16xf32>,
      tpu.vector_store %arg9[%swap3A_198, %swap3A_199], %mul3A_197 {strides = array<i32>} : memref<128x384xf32, #tpu.memory_space<vmem>>, vector<16xf32>,
      %get3A_201 = arith.index_cast %scan3A_176 : i32 to index
      %get3A_202 = arith.constant 48 : index
      %get3A_203 = tpu.vector_load %arg9[%get3A_201, %get3A_202] {strides = array<i32>} : memref<128x384xf32, #tpu.memory_space<vmem>>, vector<16xf32>,
      %mul3A_204 = arith.mulf %get3A_203, %gather3A_179 : vector<16xf32>
      %swap3A_205 = arith.index_cast %scan3A_176 : i32 to index
      %swap3A_206 = arith.constant 48 : index
      %swap3A_207 = tpu.vector_load %arg9[%swap3A_205, %swap3A_206] {strides = array<i32>} : memref<128x384xf32, #tpu.memory_space<vmem>>, vector<16xf32>,
      tpu.vector_store %arg9[%swap3A_205, %swap3A_206], %mul3A_204 {strides = array<i32>} : memref<128x384xf32, #tpu.memory_space<vmem>>, vector<16xf32>,
      %get3A_208 = arith.index_cast %scan3A_176 : i32 to index
      %get3A_209 = arith.constant 64 : index
      %get3A_210 = tpu.vector_load %arg9[%get3A_208, %get3A_209] {strides = array<i32>} : memref<128x384xf32, #tpu.memory_space<vmem>>, vector<16xf32>,
      %mul3A_211 = arith.mulf %get3A_210, %gather3A_179 : vector<16xf32>
      %swap3A_212 = arith.index_cast %scan3A_176 : i32 to index
      %swap3A_213 = arith.constant 64 : index
      %swap3A_214 = tpu.vector_load %arg9[%swap3A_212, %swap3A_213] {strides = array<i32>} : memref<128x384xf32, #tpu.memory_space<vmem>>, vector<16xf32>,
      tpu.vector_store %arg9[%swap3A_212, %swap3A_213], %mul3A_211 {strides = array<i32>} : memref<128x384xf32, #tpu.memory_space<vmem>>, vector<16xf32>,
      %get3A_215 = arith.index_cast %scan3A_176 : i32 to index
      %get3A_216 = arith.constant 80 : index
      %get3A_217 = tpu.vector_load %arg9[%get3A_215, %get3A_216] {strides = array<i32>} : memref<128x384xf32, #tpu.memory_space<vmem>>, vector<16xf32>,
      %mul3A_218 = arith.mulf %get3A_217, %gather3A_179 : vector<16xf32>
      %swap3A_219 = arith.index_cast %scan3A_176 : i32 to index
      %swap3A_220 = arith.constant 80 : index
      %swap3A_221 = tpu.vector_load %arg9[%swap3A_219, %swap3A_220] {strides = array<i32>} : memref<128x384xf32, #tpu.memory_space<vmem>>, vector<16xf32>,
      tpu.vector_store %arg9[%swap3A_219, %swap3A_220], %mul3A_218 {strides = array<i32>} : memref<128x384xf32, #tpu.memory_space<vmem>>, vector<16xf32>,
      %get3A_222 = arith.index_cast %scan3A_176 : i32 to index
      %get3A_223 = arith.constant 96 : index
      %get3A_224 = tpu.vector_load %arg9[%get3A_222, %get3A_223] {strides = array<i32>} : memref<128x384xf32, #tpu.memory_space<vmem>>, vector<16xf32>,
      %mul3A_225 = arith.mulf %get3A_224, %gather3A_179 : vector<16xf32>
      %swap3A_226 = arith.index_cast %scan3A_176 : i32 to index
      %swap3A_227 = arith.constant 96 : index
      %swap3A_228 = tpu.vector_load %arg9[%swap3A_226, %swap3A_227] {strides = array<i32>} : memref<128x384xf32, #tpu.memory_space<vmem>>, vector<16xf32>,
      tpu.vector_store %arg9[%swap3A_226, %swap3A_227], %mul3A_225 {strides = array<i32>} : memref<128x384xf32, #tpu.memory_space<vmem>>, vector<16xf32>,
      %get3A_229 = arith.index_cast %scan3A_176 : i32 to index
      %get3A_230 = arith.constant 112 : index
      %get3A_231 = tpu.vector_load %arg9[%get3A_229, %get3A_230] {strides = array<i32>} : memref<128x384xf32, #tpu.memory_space<vmem>>, vector<16xf32>,
      %mul3A_232 = arith.mulf %get3A_231, %gather3A_179 : vector<16xf32>
      %swap3A_233 = arith.index_cast %scan3A_176 : i32 to index
      %swap3A_234 = arith.constant 112 : index
      %swap3A_235 = tpu.vector_load %arg9[%swap3A_233, %swap3A_234] {strides = array<i32>} : memref<128x384xf32, #tpu.memory_space<vmem>>, vector<16xf32>,
      tpu.vector_store %arg9[%swap3A_233, %swap3A_234], %mul3A_232 {strides = array<i32>} : memref<128x384xf32, #tpu.memory_space<vmem>>, vector<16xf32>,
      %get3A_236 = arith.index_cast %scan3A_176 : i32 to index
      %get3A_237 = arith.constant 128 : index
      %get3A_238 = tpu.vector_load %arg9[%get3A_236, %get3A_237] {strides = array<i32>} : memref<128x384xf32, #tpu.memory_space<vmem>>, vector<16xf32>,
      %mul3A_239 = arith.mulf %get3A_238, %gather3A_179 : vector<16xf32>
      %swap3A_240 = arith.index_cast %scan3A_176 : i32 to index
      %swap3A_241 = arith.constant 128 : index
      %swap3A_242 = tpu.vector_load %arg9[%swap3A_240, %swap3A_241] {strides = array<i32>} : memref<128x384xf32, #tpu.memory_space<vmem>>, vector<16xf32>,
      tpu.vector_store %arg9[%swap3A_240, %swap3A_241], %mul3A_239 {strides = array<i32>} : memref<128x384xf32, #tpu.memory_space<vmem>>, vector<16xf32>,
      %get3A_243 = arith.index_cast %scan3A_176 : i32 to index
      %get3A_244 = arith.constant 144 : index
      %get3A_245 = tpu.vector_load %arg9[%get3A_243, %get3A_244] {strides = array<i32>} : memref<128x384xf32, #tpu.memory_space<vmem>>, vector<16xf32>,
      %mul3A_246 = arith.mulf %get3A_245, %gather3A_179 : vector<16xf32>
      %swap3A_247 = arith.index_cast %scan3A_176 : i32 to index
      %swap3A_248 = arith.constant 144 : index
      %swap3A_249 = tpu.vector_load %arg9[%swap3A_247, %swap3A_248] {strides = array<i32>} : memref<128x384xf32, #tpu.memory_space<vmem>>, vector<16xf32>,
      tpu.vector_store %arg9[%swap3A_247, %swap3A_248], %mul3A_246 {strides = array<i32>} : memref<128x384xf32, #tpu.memory_space<vmem>>, vector<16xf32>,
      %get3A_250 = arith.index_cast %scan3A_176 : i32 to index
      %get3A_251 = arith.constant 160 : index
      %get3A_252 = tpu.vector_load %arg9[%get3A_250, %get3A_251] {strides = array<i32>} : memref<128x384xf32, #tpu.memory_space<vmem>>, vector<16xf32>,
      %mul3A_253 = arith.mulf %get3A_252, %gather3A_179 : vector<16xf32>
      %swap3A_254 = arith.index_cast %scan3A_176 : i32 to index
      %swap3A_255 = arith.constant 160 : index
      %swap3A_256 = tpu.vector_load %arg9[%swap3A_254, %swap3A_255] {strides = array<i32>} : memref<128x384xf32, #tpu.memory_space<vmem>>, vector<16xf32>,
      tpu.vector_store %arg9[%swap3A_254, %swap3A_255], %mul3A_253 {strides = array<i32>} : memref<128x384xf32, #tpu.memory_space<vmem>>, vector<16xf32>,
      %get3A_257 = arith.index_cast %scan3A_176 : i32 to index
      %get3A_258 = arith.constant 176 : index
      %get3A_259 = tpu.vector_load %arg9[%get3A_257, %get3A_258] {strides = array<i32>} : memref<128x384xf32, #tpu.memory_space<vmem>>, vector<16xf32>,
      %mul3A_260 = arith.mulf %get3A_259, %gather3A_179 : vector<16xf32>
      %swap3A_261 = arith.index_cast %scan3A_176 : i32 to index
      %swap3A_262 = arith.constant 176 : index
      %swap3A_263 = tpu.vector_load %arg9[%swap3A_261, %swap3A_262] {strides = array<i32>} : memref<128x384xf32, #tpu.memory_space<vmem>>, vector<16xf32>,
      tpu.vector_store %arg9[%swap3A_261, %swap3A_262], %mul3A_260 {strides = array<i32>} : memref<128x384xf32, #tpu.memory_space<vmem>>, vector<16xf32>,
      %get3A_264 = arith.index_cast %scan3A_176 : i32 to index
      %get3A_265 = arith.constant 192 : index
      %get3A_266 = tpu.vector_load %arg9[%get3A_264, %get3A_265] {strides = array<i32>} : memref<128x384xf32, #tpu.memory_space<vmem>>, vector<16xf32>,
      %mul3A_267 = arith.mulf %get3A_266, %gather3A_179 : vector<16xf32>
      %swap3A_268 = arith.index_cast %scan3A_176 : i32 to index
      %swap3A_269 = arith.constant 192 : index
      %swap3A_270 = tpu.vector_load %arg9[%swap3A_268, %swap3A_269] {strides = array<i32>} : memref<128x384xf32, #tpu.memory_space<vmem>>, vector<16xf32>,
      tpu.vector_store %arg9[%swap3A_268, %swap3A_269], %mul3A_267 {strides = array<i32>} : memref<128x384xf32, #tpu.memory_space<vmem>>, vector<16xf32>,
      %get3A_271 = arith.index_cast %scan3A_176 : i32 to index
      %get3A_272 = arith.constant 208 : index
      %get3A_273 = tpu.vector_load %arg9[%get3A_271, %get3A_272] {strides = array<i32>} : memref<128x384xf32, #tpu.memory_space<vmem>>, vector<16xf32>,
      %mul3A_274 = arith.mulf %get3A_273, %gather3A_179 : vector<16xf32>
      %swap3A_275 = arith.index_cast %scan3A_176 : i32 to index
      %swap3A_276 = arith.constant 208 : index
      %swap3A_277 = tpu.vector_load %arg9[%swap3A_275, %swap3A_276] {strides = array<i32>} : memref<128x384xf32, #tpu.memory_space<vmem>>, vector<16xf32>,
      tpu.vector_store %arg9[%swap3A_275, %swap3A_276], %mul3A_274 {strides = array<i32>} : memref<128x384xf32, #tpu.memory_space<vmem>>, vector<16xf32>,
      %get3A_278 = arith.index_cast %scan3A_176 : i32 to index
      %get3A_279 = arith.constant 224 : index
      %get3A_280 = tpu.vector_load %arg9[%get3A_278, %get3A_279] {strides = array<i32>} : memref<128x384xf32, #tpu.memory_space<vmem>>, vector<16xf32>,
      %mul3A_281 = arith.mulf %get3A_280, %gather3A_179 : vector<16xf32>
      %swap3A_282 = arith.index_cast %scan3A_176 : i32 to index
      %swap3A_283 = arith.constant 224 : index
      %swap3A_284 = tpu.vector_load %arg9[%swap3A_282, %swap3A_283] {strides = array<i32>} : memref<128x384xf32, #tpu.memory_space<vmem>>, vector<16xf32>,
      tpu.vector_store %arg9[%swap3A_282, %swap3A_283], %mul3A_281 {strides = array<i32>} : memref<128x384xf32, #tpu.memory_space<vmem>>, vector<16xf32>,
      %get3A_285 = arith.index_cast %scan3A_176 : i32 to index
      %get3A_286 = arith.constant 240 : index
      %get3A_287 = tpu.vector_load %arg9[%get3A_285, %get3A_286] {strides = array<i32>} : memref<128x384xf32, #tpu.memory_space<vmem>>, vector<16xf32>,
      %mul3A_288 = arith.mulf %get3A_287, %gather3A_179 : vector<16xf32>
      %swap3A_289 = arith.index_cast %scan3A_176 : i32 to index
      %swap3A_290 = arith.constant 240 : index
      %swap3A_291 = tpu.vector_load %arg9[%swap3A_289, %swap3A_290] {strides = array<i32>} : memref<128x384xf32, #tpu.memory_space<vmem>>, vector<16xf32>,
      tpu.vector_store %arg9[%swap3A_289, %swap3A_290], %mul3A_288 {strides = array<i32>} : memref<128x384xf32, #tpu.memory_space<vmem>>, vector<16xf32>,
    }
    %scan3A_175 = arith.constant 128 : i32
    "tpu.region"() ({
      %run_scoped3A = tpu.sem_alloc : memref<!tpu.dma_semaphore, #tpu.memory_space<semaphore_mem>>
      %dma_start3A_176 = arith.constant 0 : i32
      %dma_start3A_177 = tpu.memref_slice %arg5[%mul3A_2, %dma_start3A_176] : memref<4096x384xf32, #tpu.memory_space<hbm>> -> memref<128x384xf32, #tpu.memory_space<hbm>>
      %dma_start3A_178 = arith.constant 0 : i32
      %dma_start3A_179 = tpu.memref_slice %arg5[%mul3A_2, %dma_start3A_178] : memref<4096x384xf32, #tpu.memory_space<hbm>> -> memref<128x384xf32, #tpu.memory_space<hbm>>
      tpu.enqueue_dma source(%arg9 : memref<128x384xf32, #tpu.memory_space<vmem>>) target(%dma_start3A_179 : memref<128x384xf32, #tpu.memory_space<hbm>>) target_semaphore(%run_scoped3A : memref<!tpu.dma_semaphore, #tpu.memory_space<semaphore_mem>>)
      %dma_wait3A_180 = arith.constant 0 : i32
      %dma_wait3A_181 = tpu.memref_slice %arg5[%mul3A_2, %dma_wait3A_180] : memref<4096x384xf32, #tpu.memory_space<hbm>> -> memref<128x384xf32, #tpu.memory_space<hbm>>
      %dma_wait3A_182 = arith.constant 0 : i32
      %dma_wait3A_183 = tpu.memref_slice %arg5[%mul3A_2, %dma_wait3A_182] : memref<4096x384xf32, #tpu.memory_space<hbm>> -> memref<128x384xf32, #tpu.memory_space<hbm>>
      tpu.wait_dma2 semaphore(%run_scoped3A : memref<!tpu.dma_semaphore, #tpu.memory_space<semaphore_mem>>) src(%arg9 : memref<128x384xf32, #tpu.memory_space<vmem>>) dst(%dma_wait3A_183 : memref<128x384xf32, #tpu.memory_space<hbm>>)
      tpu.yield
    }) : () -> ()
    return
  }
}

module attributes {stable_mosaic.version = 14 : i64} {
  func.func @body(%arg0: i32, %arg1: memref<1000x256xf32, #tpu.memory_space<vmem>>, %arg2: memref<256x256xf32, #tpu.memory_space<vmem>>, %arg3: memref<1x256xf32, #tpu.memory_space<vmem>>, %arg4: memref<256x256xf32, #tpu.memory_space<vmem>>, %arg5: memref<1x256xf32, #tpu.memory_space<vmem>>, %arg6: memref<1000x256xf32, #tpu.memory_space<vmem>>) attributes {dimension_semantics = [#tpu.dimension_semantics<arbitrary>], iteration_bounds = array<i64: 10>, scalar_prefetch = 0 : i64, scratch_operands = 0 : i64, tpu.core_type = #tpu.core_type<tc>, window_params = [{transform_indices = @transform_0, window_bounds = array<i64: 1000, 256>}, {pipeline_mode = #tpu.pipeline_mode<synchronous>, transform_indices = @transform_1, window_bounds = array<i64: 256, 256>}, {pipeline_mode = #tpu.pipeline_mode<synchronous>, transform_indices = @transform_2, window_bounds = array<i64: 1, 256>}, {pipeline_mode = #tpu.pipeline_mode<synchronous>, transform_indices = @transform_3, window_bounds = array<i64: 256, 256>}, {pipeline_mode = #tpu.pipeline_mode<synchronous>, transform_indices = @transform_4, window_bounds = array<i64: 1, 256>}, {transform_indices = @transform_5, window_bounds = array<i64: 1000, 256>}]} {
    %get3A = arith.constant 0 : index
    %get3A_0 = arith.constant 0 : index
    %get3A_1 = vector.load %arg1[%get3A, %get3A_0] : memref<1000x256xf32, #tpu.memory_space<vmem>>, vector<1000x256xf32>
    %get3A_2 = arith.constant 0 : index
    %get3A_3 = arith.constant 0 : index
    %get3A_4 = vector.load %arg2[%get3A_2, %get3A_3] : memref<256x256xf32, #tpu.memory_space<vmem>>, vector<256x256xf32>
    %dot_general3A = arith.constant dense<0.000000e+00> : vector<1000x256xf32>
    %dot_general3A_5 = tpu.matmul %get3A_1, %get3A_4, %dot_general3A {dimension_numbers = #tpu.dot_dimension_numbers<[1], [0], [0], [1], [0, 0, 1, 1], [], []>, transpose_lhs_hint = false} : vector<1000x256xf32>, vector<256x256xf32>, vector<1000x256xf32> -> vector<1000x256xf32>
    %get3A_6 = arith.constant 0 : index
    %get3A_7 = arith.constant 0 : index
    %get3A_8 = vector.load %arg3[%get3A_6, %get3A_7] : memref<1x256xf32, #tpu.memory_space<vmem>>, vector<1x256xf32>
    %add3A = vector.broadcast %get3A_8 : vector<1x256xf32> to vector<1000x256xf32>
    %add3A_9 = arith.addf %dot_general3A_5, %add3A : vector<1000x256xf32>
    %tanh3A = math.tanh %add3A_9 : vector<1000x256xf32>
    %get3A_10 = arith.constant 0 : index
    %get3A_11 = arith.constant 0 : index
    %get3A_12 = vector.load %arg4[%get3A_10, %get3A_11] : memref<256x256xf32, #tpu.memory_space<vmem>>, vector<256x256xf32>
    %dot_general3A_13 = arith.constant dense<0.000000e+00> : vector<1000x256xf32>
    %dot_general3A_14 = tpu.matmul %tanh3A, %get3A_12, %dot_general3A_13 {dimension_numbers = #tpu.dot_dimension_numbers<[1], [0], [0], [1], [0, 0, 1, 1], [], []>, transpose_lhs_hint = false} : vector<1000x256xf32>, vector<256x256xf32>, vector<1000x256xf32> -> vector<1000x256xf32>
    %get3A_15 = arith.constant 0 : index
    %get3A_16 = arith.constant 0 : index
    %get3A_17 = vector.load %arg5[%get3A_15, %get3A_16] : memref<1x256xf32, #tpu.memory_space<vmem>>, vector<1x256xf32>
    %add3A_18 = vector.broadcast %get3A_17 : vector<1x256xf32> to vector<1000x256xf32>
    %add3A_19 = arith.addf %dot_general3A_14, %add3A_18 : vector<1000x256xf32>
    %swap3A = arith.constant 0 : index
    %swap3A_20 = arith.constant 0 : index
    %swap3A_21 = vector.load %arg6[%swap3A, %swap3A_20] : memref<1000x256xf32, #tpu.memory_space<vmem>>, vector<1000x256xf32>
    tpu.vector_store %arg6[%swap3A, %swap3A_20], %add3A_19 {strides = array<i32>} : memref<1000x256xf32, #tpu.memory_space<vmem>>, vector<1000x256xf32>,
    return
  }
  func.func @transform_0(%arg0: i32) -> (i32, i32) {
    %c0_i32 = arith.constant 0 : i32
    %c0_i32_0 = arith.constant 0 : i32
    return %arg0, %c0_i32 : i32, i32
  }
  func.func @transform_1(%arg0: i32) -> (i32, i32) {
    %c0_i32 = arith.constant 0 : i32
    %c0_i32_0 = arith.constant 0 : i32
    %c0_i32_1 = arith.constant 0 : i32
    return %c0_i32, %c0_i32_0 : i32, i32
  }
  func.func @transform_2(%arg0: i32) -> (i32, i32) {
    %c0_i32 = arith.constant 0 : i32
    %c0_i32_0 = arith.constant 0 : i32
    %c0_i32_1 = arith.constant 0 : i32
    return %c0_i32, %c0_i32_0 : i32, i32
  }
  func.func @transform_3(%arg0: i32) -> (i32, i32) {
    %c0_i32 = arith.constant 0 : i32
    %c0_i32_0 = arith.constant 0 : i32
    %c0_i32_1 = arith.constant 0 : i32
    return %c0_i32, %c0_i32_0 : i32, i32
  }
  func.func @transform_4(%arg0: i32) -> (i32, i32) {
    %c0_i32 = arith.constant 0 : i32
    %c0_i32_0 = arith.constant 0 : i32
    %c0_i32_1 = arith.constant 0 : i32
    return %c0_i32, %c0_i32_0 : i32, i32
  }
  func.func @transform_5(%arg0: i32) -> (i32, i32) {
    %c0_i32 = arith.constant 0 : i32
    %c0_i32_0 = arith.constant 0 : i32
    return %arg0, %c0_i32 : i32, i32
  }
}

</mosaic_0001>

<sc_bundles>
// kernel: kernel.12.cloned.1.call-start
scs
__scs_entry_jumppad:
0x0: {  	(pc) =	sbr.rel $0x88, $3  }
0x1: {  	(tag) =	ssettag $0x0;
	lr =	simm.s32 $0x1  }
0x2: {  	[smem:$0x3F9A] =	sst lr;
	_ =	strace $0xD0000000  }
0x3: {  	_ = 	snop  }
0x4: {  	_ = 	snop  }
0x5: {  	_ = 	snop  }
0x6: {  	_ = 	snop  }
0x7: {  	_ = 	snop  }
__scs_overlays_trampoline_lowered:
0x8: {  	[smem:$0x3FA9] =	sst s0  }
0x9: {  	[smem:$0x3FAA] =	sst s1  }
0xa: {  	[smem:$0x3FAB] =	sst s2  }
0xb: {  	[smem:$0x3FAC] =	sst s3  }
0xc: {  	[smem:$0x3FAD] =	sst s4  }
0xd: {  	[smem:$0x3FAE] =	sst s5  }
0xe: {  	[smem:$0x3FAF] =	sst s6  }
0xf: {  	[smem:$0x3FB0] =	sst s7  }
0x10: {  	[smem:$0x3FB1] =	sst s8  }
0x11: {  	[smem:$0x3FB2] =	sst s9;
	s0 =	simm.s32 @!p0 $0x0  }
0x12: {  	s1 =	sld [smem:$0x3F98];
	s0 =	simm.s32 @p0 $0x1  }
0x13: {  	[smem:$0x3FB3] =	sst s0;
	s0 =	simm.s32 @!p1 $0x0  }
0x14: {  	s2 =	sld [smem:$0x3F97];
	s0 =	simm.s32 @p1 $0x1  }
0x15: {  	[smem:$0x3FB4] =	sst s0;
	s0 =	simm.s32 @!p2 $0x0  }
0x16: {  	s3 =	sld [smem:$0x3FDB];
	s0 =	simm.s32 @p2 $0x1  }
0x17: {  	s4 =	simm.s32 $0x1BF5;
	[smem:$0x3FB6] =	sst s0  }
0x18: {  	s0 =	sld [smem:$0x3F99];
	_ =	swait.ge [sflag:s4], $0x0  }
0x19: {  	s7 =	sld [smem:$0x3F9A]  }
0x1a: {  	s8 =	sadd.s32 $0xFFFFE003, lr  }
0x1b: {  	s9 =	sadd.s32 $0xFFFFFEF7, lr;
	s5 =	simm.s32 $0xFFFFFFFF;
	p2 =	slt.u32 s8, $0xFFFFF086  }
0x1c: {  	p1 =	slt.u32 s9, $0xF7A;
	s5 =	simm.s32 @!p2 $0x0  }
0x1d: {  	s5 =	simm.s32 @p1 $0x1;
	p0 =	seq.s32 s7, s2  }
0x1e: {  	s7 =	smul.u32 @!p0 $0xF7A, s2;
	p2 =	seq.s32 @!p0 s5, $0x0  }
0x1f: {  	s9 =	smul.u32 $0xF7A, s1;
	s8 =	simm.s32 @!p0 $0x1BF5;
	p2 =	por !p2, p0  }
0x20: {  	[sflag:s8] =	ssyncset.s32 @!p0 $0xFFFFF086;
	s6 =	sadd.s32 @!p0 s3, s7;
	s7 =	simm.s32 @!p0 $0x108  }
0x21: {  	s3 =	sadd.s32 s3, s9;
	s6 =	sadd.s32 @!p0 $0x88, s6;
	s7 =	simm.s32 @p2 $0x1082  }
0x22: {  	[simem:s7], [sflag:s8] =	dma.local @!p0 [hbm:s6], $0xF7A  }
0x23: {  	s9 =	sor.u32 $0xD0000000, s2;
	s6 =	simm.s32 $0x108;
	_ =	swait.ge @!p0 [sflag:s8], $0x0  }
0x24: {  	s3 =	sadd.s32 $0x88, s3;
	s6 =	simm.s32 @!p1 $0x1082;
	[sflag:s4] =	ssyncset.s32 $0xFFFFF086  }
0x25: {  	[simem:s6], [sflag:s4] =	dma.local [hbm:s3], $0xF7A  }
0x26: {  	[smem:$0x3F9A] =	sst s1;
	(tag) =	ssettag s2;
	_ =	strace s9  }
0x27: {  	s1 =	sld [smem:$0x3FAA]  }
0x28: {  	s2 =	sld [smem:$0x3FAB]  }
0x29: {  	s4 =	sld [smem:$0x3FAD]  }
0x2a: {  	p0 =	seq.s32 s5, $0x0;
	s5 =	sld [smem:$0x3FAE]  }
0x2b: {  	s6 =	sld [smem:$0x3FAF]  }
0x2c: {  	s7 =	sld [smem:$0x3FB0]  }
0x2d: {  	s3 =	simm.s32 $0x108;
	s8 =	sld [smem:$0x3FB1]  }
0x2e: {  	s3 =	simm.s32 @!p0 $0x1082;
	s9 =	sld [smem:$0x3FB2]  }
0x2f: {  	lr =	sadd.s32 s0, s3;
	s0 =	sld [smem:$0x3FA9]  }
0x30: {  	s3 =	sld [smem:$0x3FAC]  }
0x31: {  	[smem:$0x3FB5] =	sst s10  }
0x32: {  	s10 =	sld [smem:$0x3FB3];
	_ =	sdelay $0x3  }
0x33: {  	p0 =	seq.s32 s10, $0x1;
	s10 =	sld [smem:$0x3FB5];
	_ =	sdelay $0x3  }
0x34: {  	[smem:$0x3FB5] =	sst s10  }
0x35: {  	s10 =	sld [smem:$0x3FB4];
	_ =	sdelay $0x3  }
0x36: {  	p1 =	seq.s32 s10, $0x1;
	s10 =	sld [smem:$0x3FB5];
	_ =	sdelay $0x3  }
0x37: {  	[smem:$0x3FB5] =	sst s10  }
0x38: {  	s10 =	sld [smem:$0x3FB6]  }
0x39: {  	_ = 	snop;
	(pc) =	sbr.ind lr, $3  }
0x3a: {  	_ = 	snop  }
0x3b: {  	_ = 	snop  }
0x3c: {  	p2 =	seq.s32 s10, $0x1;
	s10 =	sld [smem:$0x3FB5]  }
0x3d: {  	_ =	shalt  }
0x3e: {  	_ =	shalt  }
0x3f: {  	_ =	shalt  }
0x40: {  	_ =	shalt  }
0x41: {  	_ =	shalt  }
0x42: {  	_ =	shalt  }
0x43: {  	_ =	shalt  }
0x44: {  	_ =	shalt  }
0x45: {  	_ =	shalt  }
0x46: {  	_ =	shalt  }
0x47: {  	_ =	shalt  }
0x48: {  	_ =	shalt  }
0x49: {  	_ =	shalt  }
0x4a: {  	_ =	shalt  }
0x4b: {  	_ =	shalt  }
0x4c: {  	_ =	shalt  }
0x4d: {  	_ =	shalt  }
0x4e: {  	_ =	shalt  }
0x4f: {  	_ =	shalt  }
0x50: {  	_ =	shalt  }
0x51: {  	_ =	shalt  }
0x52: {  	_ =	shalt  }
0x53: {  	_ =	shalt  }
0x54: {  	_ =	shalt  }
0x55: {  	_ =	shalt  }
0x56: {  	_ =	shalt  }
0x57: {  	_ =	shalt  }
0x58: {  	_ =	shalt  }
0x59: {  	_ =	shalt  }
0x5a: {  	_ =	shalt  }
0x5b: {  	_ =	shalt  }
0x5c: {  	_ =	shalt  }
0x5d: {  	_ =	shalt  }
0x5e: {  	_ =	shalt  }
0x5f: {  	_ =	shalt  }
0x60: {  	_ =	shalt  }
0x61: {  	_ =	shalt  }
0x62: {  	_ =	shalt  }
0x63: {  	_ =	shalt  }
0x64: {  	_ =	shalt  }
0x65: {  	_ =	shalt  }
0x66: {  	_ =	shalt  }
0x67: {  	_ =	shalt  }
0x68: {  	_ =	shalt  }
0x69: {  	_ =	shalt  }
0x6a: {  	_ =	shalt  }
0x6b: {  	_ =	shalt  }
0x6c: {  	_ =	shalt  }
0x6d: {  	_ =	shalt  }
0x6e: {  	_ =	shalt  }
0x6f: {  	_ =	shalt  }
0x70: {  	_ =	shalt  }
0x71: {  	_ =	shalt  }
0x72: {  	_ =	shalt  }
0x73: {  	_ =	shalt  }
0x74: {  	_ =	shalt  }
0x75: {  	_ =	shalt  }
0x76: {  	_ =	shalt  }
0x77: {  	_ =	shalt  }
0x78: {  	_ =	shalt  }
0x79: {  	_ =	shalt  }
0x7a: {  	_ =	shalt  }
0x7b: {  	_ =	shalt  }
0x7c: {  	_ =	shalt  }
0x7d: {  	_ =	shalt  }
0x7e: {  	_ =	shalt  }
0x7f: {  	_ =	shalt  }
0x80: {  	_ =	shalt  }
0x81: {  	_ =	shalt  }
0x82: {  	_ =	shalt  }
0x83: {  	_ =	shalt  }
0x84: {  	_ =	shalt  }
0x85: {  	_ =	shalt  }
0x86: {  	_ =	shalt  }
0x87: {  	_ =	shalt  }
.Lfunc_end0:
.L_simem_size_0:
called_computation.2_lowered:
.L_overlay_start_0:
0x88: {  	s2 =	sld [smem:$0x3FD9]  }
0x89: {  	s3 =	sld [smem:$0x3FFE];
	_ =	sdelay $0x1  }
0x8a: {  	s1 =	srdreg.scid  }
0x8b: {  	s0 =	sand.u32 $0x1, s1  }
0x8c: {  	s17 =	sshll.u32 s0, $0xA;
	s2 =	sadd.s32 s3, s2  }
0x8d: {  	s2 =	sadd.s32 s2, s17  }
0x8e: {  	[smem:$0x3FC1] =	sst s2  }
0x8f: {  	_ = 	snop  }
0x90: {  	s2 =	sld [smem:$0x3FC9];
	(tm) =	ssettm $0x1  }
0x91: {  	s18 =	sld [smem:$0x3FFB];
	_ =	sdelay $0x3  }
0x92: {  	_ =	strace s18  }
0x93: {  	s3 =	sld [smem:$0x3FFC];
	_ =	sdelay $0x3  }
0x94: {  	_ =	strace s3  }
0x95: {  	s3 =	sld [smem:$0x3FFD];
	_ =	sdelay $0x3  }
0x96: {  	_ =	strace s3  }
0x97: {  	_ =	strace $0x8FFFFFFF  }
0x98: {  	s19 =	sld [smem:$0x3FDB];
	_ =	sdelay $0x1  }
0x99: {  	s4 =	simm.s32 $_scs_section_size  }
0x9a: {  	s5 =	simm.s32 $_size__tile_overlayer_lowered;
	s6 =	simm.s32 $_tile_overlayer_lowered  }
0x9b: {  	s22 =	simm.s32 $0x1BFF;
	s21 =	sshll.u32 s6, $0x1;
	s3 =	sadd.s32 s4, s19  }
0x9c: {  	s7 =	simm.s32 $0x0;
	s20 =	sshll.u32 s5, $0x1;
	s5 =	sadd.s32 s21, s3  }
0x9d: {  	[timem:s7], [sflag:s22] =	dma.local [hbm:s5], s20  }
0x9e: {  	_ =	swait.ge [sflag:s22], s20  }
0x9f: {  	s4 =	ssub.s32 $0x0, s20;
	[sflag:s22] =	ssyncset.done $0x0  }
0xa0: {  	[sflag:s22] =	ssyncadd.s32 s4;
	_ =	sdelay $0x1  }
0xa1: {  	s23 =	simm.s32 $0x1B8B  }
0xa2: {  	_ =	swait.ge [sflag:s23], $0x1  }
0xa3: {  	[sflag:s23] =	ssyncset.done $0x0  }
0xa4: {  	s25 =	simm.s32 $0x1B8E;
	s24 =	sld [smem:$0x3FFE];
	[sflag:s23] =	ssyncadd.s32 $0xFFFFFFFF  }
0xa5: {  	s26 =	simm.s32 $execute0_lowered;
	[smem:$0x3FD2] =	sst s25  }
0xa6: {  	s5 =	sshll.u32 s26, $0x1;
	_ =	strace $0x8000004C;
	[dreg:$0x1] =	wrdreg $0xFFFFFFFF  }
0xa7: {  	s28 =	simm.s32 $_size_execute0_lowered;
	s3 =	sadd.s32 s3, s5;
	[dreg:$0x0] =	wrdreg $0x0  }
0xa8: {  	s5 =	sshll.u32 s28, $0x1;
	[dreg:$0x2] =	wrdreg s3  }
0xa9: {  	[dreg:$0x3] =	wrdreg s5  }
0xaa: {  	[dreg:$0x4] =	wrdreg $0xC0  }
0xab: {  	_ =	task [dreg:s7], $0x5FFFF  }
0xac: {  	[dreg:$0x1] =	wrdreg $0xFFFFFFFF  }
0xad: {  	[dreg:$0x0] =	wrdreg $0x60  }
0xae: {  	[dreg:$0x2] =	wrdreg s2  }
0xaf: {  	[dreg:$0x3] =	wrdreg s24  }
0xb0: {  	[dreg:$0x4] =	wrdreg $0x9  }
0xb1: {  	_ =	task.clear_ibuf [dreg:s7], $0x5FFFF;
	_ =	strace $0x9000004C  }
0xb2: {  	s29 =	simm.s32 $0x9;
	_ =	strace $0x8000004E  }
0xb3: {  	_ =	swait.ge [sflag:s29], $0x1  }
0xb4: {  	[sflag:s29] =	ssyncadd.s32 $0xFFFFFFFF  }
0xb5: {  	_ =	strace $0x9000004E  }
0xb6: {  	_ =	sfence  }
0xb7: {  	s30 =	sld [smem:$0x0];
	_ =	sdelay $0x2  }
0xb8: {  	s31 =	sshll.u32 s1, $0xD;
	s1 =	sshrl.u32 s1, $0x2  }
0xb9: {  	s3 =	sand.u32 $0x4000, s31;
	s1 =	sadd.s32 s1, s30  }
0xba: {  	s0 =	sor.u32 s3, s0;
	s1 =	sshll.u32 s1, $0x11  }
0xbb: {  	s0 =	sor.u32 s1, s0  }
0xbc: {  	s0 =	sadd.s32 $0x8F2B, s0  }
0xbd: {  	[sflag:s0] =	ssyncadd.remote.s32 $0x1  }
0xbe: {  	_ =	sfence.sel $0xFFFF  }
0xbf: {  	[dreg:$0x0] =	wrdreg $0xFFFFFFFF;
	(pc) =	sbr.abs _section_cstart, $3  }
0xc0: {  	[dreg:$0x1] =	wrdreg $0xFFFFFFFF  }
0xc1: {  	_ =	task.clear_ibuf [dreg:s7], $0x2FFFF;
	_ =	strace $0x9FFFFFFF  }
0xc2: {  	(tm) =	ssettm $0x7FFFFFFF  }
0xc3: {  	_ =	shalt  }
tec
execute0_lowered:
.L_overlay_start_1:
0x0: {  	(tag) =	ssettag $0x1  }
0x1: {  	v10 =	vlaneseq.u32;
	vm0 =	vmmov $0xffff;
	v0 =	vimm.s32 $0x1780  }
0x2: {  	vm1 =	vcmask $0x300;
	v2 =	vimm.s32 $0x2F80;
	v3 =	vimm.s32 $0x4780  }
0x3: {  	v4 =	vimm.s32 $0x5F80;
	v5 =	vimm.s32 $0x7780;
	v6 =	vimm.s32 $0x8F80  }
0x4: {  	v7 =	vimm.s32 $0xA780;
	v8 =	vimm.s32 $0xBF80;
	v1 =	vshrl.u32 v10, $0x3  }
0x5: {  	v0 =	vsel vm1, $0x800, v0;
	v2 =	vsel vm1, $0x2000, v2;
	v3 =	vsel vm1, $0x3800, v3  }
0x6: {  	v4 =	vsel vm1, $0x5000, v4;
	v5 =	vsel vm1, $0x6800, v5;
	v6 =	vsel vm1, $0x8000, v6  }
0x7: {  	v7 =	vsel vm1, $0x9800, v7;
	v8 =	vsel vm1, $0xB000, v8;
	vm1 =	vcmask $0x704  }
0x8: {  	v0 =	vsel vm1, $0x880, v0;
	v2 =	vsel vm1, $0x2080, v2;
	v3 =	vsel vm1, $0x3880, v3  }
0x9: {  	v4 =	vsel vm1, $0x5080, v4;
	v5 =	vsel vm1, $0x6880, v5;
	v6 =	vsel vm1, $0x8080, v6  }
0xa: {  	v7 =	vsel vm1, $0x9880, v7;
	v8 =	vsel vm1, $0xB080, v8;
	vm1 =	vcmask $0xB08  }
0xb: {  	v0 =	vsel vm1, $0x900, v0;
	v2 =	vsel vm1, $0x2100, v2;
	v3 =	vsel vm1, $0x3900, v3  }
0xc: {  	v4 =	vsel vm1, $0x5100, v4;
	v5 =	vsel vm1, $0x6900, v5;
	v6 =	vsel vm1, $0x8100, v6  }
0xd: {  	v7 =	vsel vm1, $0x9900, v7;
	v8 =	vsel vm1, $0xB100, v8;
	vm1 =	vcmask $0xF0C  }
0xe: {  	v0 =	vsel vm1, $0x980, v0;
	v2 =	vsel vm1, $0x2180, v2;
	v3 =	vsel vm1, $0x3980, v3  }
0xf: {  	v4 =	vsel vm1, $0x5180, v4;
	v5 =	vsel vm1, $0x6980, v5;
	v6 =	vsel vm1, $0x8180, v6  }
0x10: {  	v7 =	vsel vm1, $0x9980, v7;
	v8 =	vsel vm1, $0xB180, v8;
	vm1 =	vcmask $0x1310  }
0x11: {  	v0 =	vsel vm1, $0xA00, v0;
	v2 =	vsel vm1, $0x2200, v2;
	v3 =	vsel vm1, $0x3A00, v3  }
0x12: {  	v4 =	vsel vm1, $0x5200, v4;
	v5 =	vsel vm1, $0x6A00, v5;
	v6 =	vsel vm1, $0x8200, v6  }
0x13: {  	v7 =	vsel vm1, $0x9A00, v7;
	v8 =	vsel vm1, $0xB200, v8;
	vm1 =	vcmask $0x1714  }
0x14: {  	v0 =	vsel vm1, $0xA80, v0;
	v2 =	vsel vm1, $0x2280, v2;
	v3 =	vsel vm1, $0x3A80, v3  }
0x15: {  	v4 =	vsel vm1, $0x5280, v4;
	v5 =	vsel vm1, $0x6A80, v5;
	v6 =	vsel vm1, $0x8280, v6  }
0x16: {  	v7 =	vsel vm1, $0x9A80, v7;
	v8 =	vsel vm1, $0xB280, v8;
	vm1 =	vcmask $0x1B18  }
0x17: {  	v0 =	vsel vm1, $0xB00, v0;
	v2 =	vsel vm1, $0x2300, v2;
	v3 =	vsel vm1, $0x3B00, v3  }
0x18: {  	v4 =	vsel vm1, $0x5300, v4;
	v5 =	vsel vm1, $0x6B00, v5;
	v6 =	vsel vm1, $0x8300, v6  }
0x19: {  	v7 =	vsel vm1, $0x9B00, v7;
	v8 =	vsel vm1, $0xB300, v8;
	vm1 =	vcmask $0x1F1C  }
0x1a: {  	v0 =	vsel vm1, $0xB80, v0;
	v2 =	vsel vm1, $0x2380, v2;
	v3 =	vsel vm1, $0x3B80, v3  }
0x1b: {  	v4 =	vsel vm1, $0x5380, v4;
	v5 =	vsel vm1, $0x6B80, v5;
	v6 =	vsel vm1, $0x8380, v6  }
0x1c: {  	v7 =	vsel vm1, $0x9B80, v7;
	v8 =	vsel vm1, $0xB380, v8;
	vm1 =	vcmask $0x2320  }
0x1d: {  	v0 =	vsel vm1, $0x1400, v0;
	v2 =	vsel vm1, $0x2C00, v2;
	v3 =	vsel vm1, $0x4400, v3  }
0x1e: {  	v4 =	vsel vm1, $0x5C00, v4;
	v5 =	vsel vm1, $0x7400, v5;
	v6 =	vsel vm1, $0x8C00, v6  }
0x1f: {  	v7 =	vsel vm1, $0xA400, v7;
	v8 =	vsel vm1, $0xBC00, v8;
	vm1 =	vcmask $0x2724  }
0x20: {  	v0 =	vsel vm1, $0x1480, v0;
	v2 =	vsel vm1, $0x2C80, v2;
	v3 =	vsel vm1, $0x4480, v3  }
0x21: {  	v4 =	vsel vm1, $0x5C80, v4;
	v5 =	vsel vm1, $0x7480, v5;
	v6 =	vsel vm1, $0x8C80, v6  }
0x22: {  	v7 =	vsel vm1, $0xA480, v7;
	v8 =	vsel vm1, $0xBC80, v8;
	vm1 =	vcmask $0x2B28  }
0x23: {  	v0 =	vsel vm1, $0x1500, v0;
	v2 =	vsel vm1, $0x2D00, v2;
	v3 =	vsel vm1, $0x4500, v3  }
0x24: {  	v4 =	vsel vm1, $0x5D00, v4;
	v5 =	vsel vm1, $0x7500, v5;
	v6 =	vsel vm1, $0x8D00, v6  }
0x25: {  	s0 =	srdreg.scid;
	s1 =	rddreg [dreg:$0x0];
	v7 =	vsel vm1, $0xA500, v7;
	v8 =	vsel vm1, $0xBD00, v8;
	vm1 =	vcmask $0x2F2C  }
0x26: {  	s2 =	stileid.u32;
	s6 =	rddreg [dreg:$0x1];
	v0 =	vsel vm1, $0x1580, v0;
	v2 =	vsel vm1, $0x2D80, v2;
	v3 =	vsel vm1, $0x4580, v3  }
0x27: {  	s9 =	simm.s32 $0x2;
	s11 =	simm.s32 $0x2900;
	s31 =	simm.s32 $0x9D00;
	v4 =	vsel vm1, $0x5D80, v4;
	v5 =	vsel vm1, $0x7580, v5;
	v6 =	vsel vm1, $0x8D80, v6  }
0x28: {  	s10 =	simm.s32 $0xAD00;
	s12 =	simm.s32 $0xB500;
	s13 =	simm.s32 $0xB900;
	v7 =	vsel vm1, $0xA580, v7;
	v8 =	vsel vm1, $0xBD80, v8;
	vm1 =	vcmask $0x3330  }
0x29: {  	s14 =	simm.s32 $0xC100;
	s15 =	simm.s32 $0xC500;
	s16 =	simm.s32 $0xCD00;
	v0 =	vsel vm1, $0x1600, v0;
	v2 =	vsel vm1, $0x2E00, v2;
	v3 =	vsel vm1, $0x4600, v3  }
0x2a: {  	s17 =	simm.s32 $0xD100;
	s18 =	simm.s32 $0xD900;
	s19 =	simm.s32 $0xDD00;
	v4 =	vsel vm1, $0x5E00, v4;
	v5 =	vsel vm1, $0x7600, v5;
	v6 =	vsel vm1, $0x8E00, v6  }
0x2b: {  	s20 =	simm.s32 $0xE500;
	s21 =	simm.s32 $0x1;
	s22 =	simm.s32 $0xE900;
	v7 =	vsel vm1, $0xA600, v7;
	v8 =	vsel vm1, $0xBE00, v8;
	vm1 =	vcmask $0x3734  }
0x2c: {  	s0 =	sand.u32 $0x1, s0;
	s4 =	sshll.u32 s2, $0x4;
	s2 =	simm.s32 $0x0;
	v1 =	vmul.u32 $0x8, v1;
	v9 =	vsel vm1, $0x1680, v0;
	v11 =	vsel vm1, $0x2E80, v2  }
0x2d: {  	s23 =	simm.s32 $0x0;
	s3 =	sshll.u32 s0, $0x8;
	[smem:$0x7FF] =	sst s2;
	v12 =	vsel vm1, $0x4680, v3;
	v13 =	vsel vm1, $0x5E80, v4;
	v14 =	vsel vm1, $0x7680, v5  }
0x2e: {  	s0 =	ssub.s32 $0x2, s0;
	s5 =	sor.u32 s4, s3;
	_ =	strace $0x8000004D;
	v15 =	vsel vm1, $0x8E80, v6;
	v16 =	vsel vm1, $0xA680, v7;
	v17 =	vsel vm1, $0xBE80, v8  }
0x2f: {  	s3 =	sadd.s32 $0x1200, s6;
	s8 =	sshrl.u32 s0, $0x1;
	s7 =	smul.u32 $0x180, s5;
	vm1 =	vcmask $0x3B38;
	v0 =	vand.u32 $0x7, v10;
	v10 =	vor.u32 $0x8, v10  }
0x30: {  	s4 =	sadd.s32 $0x1800, s6;
	s0 =	ssub.s32 s0, s8;
	s5 =	sadd.s32 s1, s5;
	v2 =	vsel vm1, $0x1700, v9;
	v3 =	vsel vm1, $0x2F00, v11;
	v4 =	vsel vm1, $0x4700, v12  }
0x31: {  	s1 =	simm.s32 $0xA100;
	s8 =	smax.u32 s0, $0x1;
	s7 =	sadd.s32 s7, s6;
	v5 =	vsel vm1, $0x5F00, v13;
	v6 =	vsel vm1, $0x7700, v14;
	v7 =	vsel vm1, $0x8F00, v15  }
0x32: {  	s0 =	simm.s32 $0xA900;
	s6 =	sadd.s32 $0x1900, s6;
	s7 =	sadd.s32 $0x31800, s7;
	v8 =	vsel vm1, $0xA700, v16;
	v9 =	vsel vm1, $0xBF00, v17;
	vm1 =	vmmov $0xff  }
.LBB2_1:
0x33: {  	[tilespmem:s2], [sflag:$0x2] =	stream.linear.gather [hbm4b:s3+s2], $0x2800, $0x38;
	[tilespmem:$0xE980] =	vst v63  }
0x34: {  	_ =	swait.ge [sflag:s9], $0x2800  }
0x35: {  	[sflag:s9] =	ssyncset.done $0x0  }
0x36: {  	s24 =	simm.s32 $0x2800;
	[sflag:s9] =	ssyncadd.s32 $0xFFFFD800  }
0x37: {  	[tilespmem:s24], [sflag:$0x2] =	stream.linear.gather [hbm4b:s5+s2], $0x80, $0x38;
	[tilespmem:$0xE980] =	vst v63  }
0x38: {  	_ =	swait.ge [sflag:s9], $0x80  }
0x39: {  	[sflag:s9] =	ssyncset.done $0x0  }
0x3a: {  	[sflag:s9] =	ssyncadd.s32 $0xFFFFFF80  }
0x3b: {  	v11 =	vld [tilespmem:$0x2800];
	_ =	sdelay $0x5  }
0x3c: {  	v12 =	vld [tilespmem:$0x2810];
	_ =	sdelay $0x1  }
0x3d: {  	v11 =	vld.idx.msk [tilespmem:v11+s2+$0x0], $0xffff;
	_ =	sdelay $0x3  }
0x3e: {  	v13 =	vld [tilespmem:$0x2820]  }
0x3f: {  	[tilespmem:$0x2880] =	vst v11  }
0x40: {  	v12 =	vld.idx.msk [tilespmem:v12+s2+$0x0], $0xffff;
	_ =	sdelay $0x3  }
0x41: {  	v14 =	vld [tilespmem:$0x2830]  }
0x42: {  	[tilespmem:$0x2890] =	vst v12  }
0x43: {  	v12 =	vld.idx.msk [tilespmem:v13+s2+$0x0], $0xffff;
	_ =	sdelay $0x3  }
0x44: {  	v13 =	vld [tilespmem:$0x2840]  }
0x45: {  	[tilespmem:$0x28A0] =	vst v12  }
0x46: {  	v12 =	vld.idx.msk [tilespmem:v14+s2+$0x0], $0xffff;
	_ =	sdelay $0x3  }
0x47: {  	v14 =	vld [tilespmem:$0x2850]  }
0x48: {  	[tilespmem:$0x28B0] =	vst v12  }
0x49: {  	v12 =	vld.idx.msk [tilespmem:v13+s2+$0x0], $0xffff;
	_ =	sdelay $0x3  }
0x4a: {  	v13 =	vld [tilespmem:$0x2860]  }
0x4b: {  	[tilespmem:$0x28C0] =	vst v12  }
0x4c: {  	v12 =	vld.idx.msk [tilespmem:v14+s2+$0x0], $0xffff;
	_ =	sdelay $0x3  }
0x4d: {  	v14 =	vld [tilespmem:$0x2870]  }
0x4e: {  	[tilespmem:$0x28D0] =	vst v12  }
0x4f: {  	v12 =	vld.idx.msk [tilespmem:v13+s2+$0x0], $0xffff  }
0x50: {  	v13 =	vshrl.u32 v11, $0x3  }
0x51: {  	v13 =	vmul.u32 $0x18, v13  }
0x52: {  	v11 =	vand.u32 $0x7, v11  }
0x53: {  	v11 =	vor.u32 v11, v13  }
0x54: {  	[tilespmem:$0x28E0] =	vst v12;
	v12 =	vperm.xlane v11, v0  }
0x55: {  	v13 =	vld.idx.msk [tilespmem:v14+s2+$0x0], $0xffff  }
0x56: {  	v12 =	vadd.s32 v1, v12;
	_ =	sdelay $0x1  }
0x57: {  	v11 =	vperm.xlane v11, v10;
	_ =	sdelay $0x1  }
0x58: {  	v11 =	vadd.s32 v1, v11;
	[tilespmem:$0x28F0] =	vst v13  }
0x59: {  	[tilespmem:s11], [sflag:$0x1] =	stream.indirect_vreg.gather [hbm4b:s4+s2], $0x80, v12, vm0, $0xb8;
	[tilespmem:$0xE980] =	vst v63  }
0x5a: {  	s26 =	simm.s32 $0x3100  }
0x5b: {  	[tilespmem:s26], [sflag:$0x1] =	stream.indirect_vreg.gather [hbm4b:s6+s2], $0x80, v12, vm1, $0xb8;
	[tilespmem:$0xE980] =	vst v63  }
0x5c: {  	s28 =	simm.s32 $0x3500  }
0x5d: {  	[tilespmem:s28], [sflag:$0x1] =	stream.indirect_vreg.gather [hbm4b:s4+s2], $0x80, v11, vm0, $0xb8;
	[tilespmem:$0xE980] =	vst v63  }
0x5e: {  	s29 =	simm.s32 $0x3D00  }
0x5f: {  	[tilespmem:s29], [sflag:$0x1] =	stream.indirect_vreg.gather [hbm4b:s6+s2], $0x80, v11, vm1, $0xb8;
	[tilespmem:$0xE980] =	vst v63  }
0x60: {  	v11 =	vld [tilespmem:$0x2890];
	_ =	sdelay $0x4  }
0x61: {  	v12 =	vshrl.u32 v11, $0x3  }
0x62: {  	v12 =	vmul.u32 $0x18, v12  }
0x63: {  	v11 =	vand.u32 $0x7, v11  }
0x64: {  	v11 =	vor.u32 v11, v12  }
0x65: {  	v12 =	vperm.xlane v11, v0;
	_ =	sdelay $0x1  }
0x66: {  	v12 =	vadd.s32 v1, v12;
	_ =	sdelay $0x1  }
0x67: {  	v11 =	vperm.xlane v11, v10;
	_ =	sdelay $0x1  }
0x68: {  	s30 =	simm.s32 $0x4100;
	v11 =	vadd.s32 v1, v11  }
0x69: {  	[tilespmem:s30], [sflag:$0x1] =	stream.indirect_vreg.gather [hbm4b:s4+s2], $0x80, v12, vm0, $0xb8;
	[tilespmem:$0xE980] =	vst v63  }
0x6a: {  	s25 =	simm.s32 $0x4900  }
0x6b: {  	[tilespmem:s25], [sflag:$0x1] =	stream.indirect_vreg.gather [hbm4b:s6+s2], $0x80, v12, vm1, $0xb8;
	[tilespmem:$0xE980] =	vst v63  }
0x6c: {  	s26 =	simm.s32 $0x4D00  }
0x6d: {  	[tilespmem:s26], [sflag:$0x1] =	stream.indirect_vreg.gather [hbm4b:s4+s2], $0x80, v11, vm0, $0xb8;
	[tilespmem:$0xE980] =	vst v63  }
0x6e: {  	s28 =	simm.s32 $0x5500  }
0x6f: {  	[tilespmem:s28], [sflag:$0x1] =	stream.indirect_vreg.gather [hbm4b:s6+s2], $0x80, v11, vm1, $0xb8;
	[tilespmem:$0xE980] =	vst v63  }
0x70: {  	v11 =	vld [tilespmem:$0x28A0];
	_ =	sdelay $0x4  }
0x71: {  	v12 =	vshrl.u32 v11, $0x3  }
0x72: {  	v12 =	vmul.u32 $0x18, v12  }
0x73: {  	v11 =	vand.u32 $0x7, v11  }
0x74: {  	v11 =	vor.u32 v11, v12  }
0x75: {  	v12 =	vperm.xlane v11, v0;
	_ =	sdelay $0x1  }
0x76: {  	v12 =	vadd.s32 v1, v12;
	_ =	sdelay $0x1  }
0x77: {  	v11 =	vperm.xlane v11, v10;
	_ =	sdelay $0x1  }
0x78: {  	s29 =	simm.s32 $0x5900;
	v11 =	vadd.s32 v1, v11  }
0x79: {  	[tilespmem:s29], [sflag:$0x1] =	stream.indirect_vreg.gather [hbm4b:s4+s2], $0x80, v12, vm0, $0xb8;
	[tilespmem:$0xE980] =	vst v63  }
0x7a: {  	s30 =	simm.s32 $0x6100  }
0x7b: {  	[tilespmem:s30], [sflag:$0x1] =	stream.indirect_vreg.gather [hbm4b:s6+s2], $0x80, v12, vm1, $0xb8;
	[tilespmem:$0xE980] =	vst v63  }
0x7c: {  	s25 =	simm.s32 $0x6500  }
0x7d: {  	[tilespmem:s25], [sflag:$0x1] =	stream.indirect_vreg.gather [hbm4b:s4+s2], $0x80, v11, vm0, $0xb8;
	[tilespmem:$0xE980] =	vst v63  }
0x7e: {  	s26 =	simm.s32 $0x6D00  }
0x7f: {  	[tilespmem:s26], [sflag:$0x1] =	stream.indirect_vreg.gather [hbm4b:s6+s2], $0x80, v11, vm1, $0xb8;
	[tilespmem:$0xE980] =	vst v63  }
0x80: {  	v11 =	vld [tilespmem:$0x28B0];
	_ =	sdelay $0x4  }
0x81: {  	v12 =	vshrl.u32 v11, $0x3  }
0x82: {  	v12 =	vmul.u32 $0x18, v12  }
0x83: {  	v11 =	vand.u32 $0x7, v11  }
0x84: {  	v11 =	vor.u32 v11, v12  }
0x85: {  	v12 =	vperm.xlane v11, v0;
	_ =	sdelay $0x1  }
0x86: {  	v12 =	vadd.s32 v1, v12;
	_ =	sdelay $0x1  }
0x87: {  	v11 =	vperm.xlane v11, v10;
	_ =	sdelay $0x1  }
0x88: {  	s28 =	simm.s32 $0x7100;
	v11 =	vadd.s32 v1, v11  }
0x89: {  	[tilespmem:s28], [sflag:$0x1] =	stream.indirect_vreg.gather [hbm4b:s4+s2], $0x80, v12, vm0, $0xb8;
	[tilespmem:$0xE980] =	vst v63  }
0x8a: {  	s29 =	simm.s32 $0x7900  }
0x8b: {  	[tilespmem:s29], [sflag:$0x1] =	stream.indirect_vreg.gather [hbm4b:s6+s2], $0x80, v12, vm1, $0xb8;
	[tilespmem:$0xE980] =	vst v63  }
0x8c: {  	s30 =	simm.s32 $0x7D00  }
0x8d: {  	[tilespmem:s30], [sflag:$0x1] =	stream.indirect_vreg.gather [hbm4b:s4+s2], $0x80, v11, vm0, $0xb8;
	[tilespmem:$0xE980] =	vst v63  }
0x8e: {  	s25 =	simm.s32 $0x8500  }
0x8f: {  	[tilespmem:s25], [sflag:$0x1] =	stream.indirect_vreg.gather [hbm4b:s6+s2], $0x80, v11, vm1, $0xb8;
	[tilespmem:$0xE980] =	vst v63  }
0x90: {  	v11 =	vld [tilespmem:$0x28C0];
	_ =	sdelay $0x4  }
0x91: {  	v12 =	vshrl.u32 v11, $0x3  }
0x92: {  	v12 =	vmul.u32 $0x18, v12  }
0x93: {  	v11 =	vand.u32 $0x7, v11  }
0x94: {  	v11 =	vor.u32 v11, v12  }
0x95: {  	v12 =	vperm.xlane v11, v0;
	_ =	sdelay $0x1  }
0x96: {  	v12 =	vadd.s32 v1, v12;
	_ =	sdelay $0x1  }
0x97: {  	v11 =	vperm.xlane v11, v10;
	_ =	sdelay $0x1  }
0x98: {  	s26 =	simm.s32 $0x8900;
	v11 =	vadd.s32 v1, v11  }
0x99: {  	[tilespmem:s26], [sflag:$0x1] =	stream.indirect_vreg.gather [hbm4b:s4+s2], $0x80, v12, vm0, $0xb8;
	[tilespmem:$0xE980] =	vst v63  }
0x9a: {  	s28 =	simm.s32 $0x9100  }
0x9b: {  	[tilespmem:s28], [sflag:$0x1] =	stream.indirect_vreg.gather [hbm4b:s6+s2], $0x80, v12, vm1, $0xb8;
	[tilespmem:$0xE980] =	vst v63  }
0x9c: {  	s29 =	simm.s32 $0x9500  }
0x9d: {  	[tilespmem:s29], [sflag:$0x1] =	stream.indirect_vreg.gather [hbm4b:s4+s2], $0x80, v11, vm0, $0xb8;
	[tilespmem:$0xE980] =	vst v63  }
0x9e: {  	_ = 	snop  }
0x9f: {  	[tilespmem:s31], [sflag:$0x1] =	stream.indirect_vreg.gather [hbm4b:s6+s2], $0x80, v11, vm1, $0xb8;
	[tilespmem:$0xE980] =	vst v63  }
0xa0: {  	v11 =	vld [tilespmem:$0x28D0];
	_ =	sdelay $0x4  }
0xa1: {  	v12 =	vshrl.u32 v11, $0x3  }
0xa2: {  	v12 =	vmul.u32 $0x18, v12  }
0xa3: {  	v11 =	vand.u32 $0x7, v11  }
0xa4: {  	v11 =	vor.u32 v11, v12  }
0xa5: {  	v12 =	vperm.xlane v11, v0;
	_ =	sdelay $0x1  }
0xa6: {  	v12 =	vadd.s32 v1, v12;
	_ =	sdelay $0x1  }
0xa7: {  	v11 =	vperm.xlane v11, v10;
	_ =	sdelay $0x1  }
0xa8: {  	v11 =	vadd.s32 v1, v11  }
0xa9: {  	[tilespmem:s1], [sflag:$0x1] =	stream.indirect_vreg.gather [hbm4b:s4+s2], $0x80, v12, vm0, $0xb8;
	[tilespmem:$0xE980] =	vst v63  }
0xaa: {  	_ = 	snop  }
0xab: {  	[tilespmem:s0], [sflag:$0x1] =	stream.indirect_vreg.gather [hbm4b:s6+s2], $0x80, v12, vm1, $0xb8;
	[tilespmem:$0xE980] =	vst v63  }
0xac: {  	_ = 	snop  }
0xad: {  	[tilespmem:s10], [sflag:$0x1] =	stream.indirect_vreg.gather [hbm4b:s4+s2], $0x80, v11, vm0, $0xb8;
	[tilespmem:$0xE980] =	vst v63  }
0xae: {  	_ = 	snop  }
0xaf: {  	[tilespmem:s12], [sflag:$0x1] =	stream.indirect_vreg.gather [hbm4b:s6+s2], $0x80, v11, vm1, $0xb8;
	[tilespmem:$0xE980] =	vst v63  }
0xb0: {  	v11 =	vld [tilespmem:$0x28E0];
	_ =	sdelay $0x4  }
0xb1: {  	v12 =	vshrl.u32 v11, $0x3  }
0xb2: {  	v12 =	vmul.u32 $0x18, v12  }
0xb3: {  	v11 =	vand.u32 $0x7, v11  }
0xb4: {  	v11 =	vor.u32 v11, v12  }
0xb5: {  	v12 =	vperm.xlane v11, v0;
	_ =	sdelay $0x1  }
0xb6: {  	v12 =	vadd.s32 v1, v12;
	_ =	sdelay $0x1  }
0xb7: {  	v11 =	vperm.xlane v11, v10;
	_ =	sdelay $0x1  }
0xb8: {  	v11 =	vadd.s32 v1, v11  }
0xb9: {  	[tilespmem:s13], [sflag:$0x1] =	stream.indirect_vreg.gather [hbm4b:s4+s2], $0x80, v12, vm0, $0xb8;
	[tilespmem:$0xE980] =	vst v63  }
0xba: {  	_ = 	snop  }
0xbb: {  	[tilespmem:s14], [sflag:$0x1] =	stream.indirect_vreg.gather [hbm4b:s6+s2], $0x80, v12, vm1, $0xb8;
	[tilespmem:$0xE980] =	vst v63  }
0xbc: {  	_ = 	snop  }
0xbd: {  	[tilespmem:s15], [sflag:$0x1] =	stream.indirect_vreg.gather [hbm4b:s4+s2], $0x80, v11, vm0, $0xb8;
	[tilespmem:$0xE980] =	vst v63  }
0xbe: {  	_ = 	snop  }
0xbf: {  	[tilespmem:s16], [sflag:$0x1] =	stream.indirect_vreg.gather [hbm4b:s6+s2], $0x80, v11, vm1, $0xb8;
	[tilespmem:$0xE980] =	vst v63  }
0xc0: {  	v11 =	vld [tilespmem:$0x28F0];
	_ =	sdelay $0x4  }
0xc1: {  	v12 =	vshrl.u32 v11, $0x3  }
0xc2: {  	v12 =	vmul.u32 $0x18, v12  }
0xc3: {  	v11 =	vand.u32 $0x7, v11  }
0xc4: {  	v11 =	vor.u32 v11, v12  }
0xc5: {  	v12 =	vperm.xlane v11, v0;
	_ =	sdelay $0x1  }
0xc6: {  	v12 =	vadd.s32 v1, v12;
	_ =	sdelay $0x1  }
0xc7: {  	v11 =	vperm.xlane v11, v10;
	_ =	sdelay $0x1  }
0xc8: {  	v11 =	vadd.s32 v1, v11  }
0xc9: {  	[tilespmem:s17], [sflag:$0x1] =	stream.indirect_vreg.gather [hbm4b:s4+s2], $0x80, v12, vm0, $0xb8;
	[tilespmem:$0xE980] =	vst v63  }
0xca: {  	_ = 	snop  }
0xcb: {  	[tilespmem:s18], [sflag:$0x1] =	stream.indirect_vreg.gather [hbm4b:s6+s2], $0x80, v12, vm1, $0xb8;
	[tilespmem:$0xE980] =	vst v63  }
0xcc: {  	_ = 	snop  }
0xcd: {  	[tilespmem:s19], [sflag:$0x1] =	stream.indirect_vreg.gather [hbm4b:s4+s2], $0x80, v11, vm0, $0xb8;
	[tilespmem:$0xE980] =	vst v63  }
0xce: {  	_ = 	snop  }
0xcf: {  	[tilespmem:s20], [sflag:$0x1] =	stream.indirect_vreg.gather [hbm4b:s6+s2], $0x80, v11, vm1, $0xb8;
	[tilespmem:$0xE980] =	vst v63  }
0xd0: {  	_ =	swait.ge [sflag:s21], $0xC000  }
0xd1: {  	[sflag:s21] =	ssyncset.done $0x0  }
0xd2: {  	[sflag:s21] =	ssyncadd.s32 $0xFFFF4000  }
0xd3: {  	v11 =	vld.idx.msk [tilespmem:v2+s11+$0x0], $0xffff;
	_ =	sdelay $0x4  }
0xd4: {  	vm2 =	veq.f32 v11, $0.0e+00  }
0xd5: {  	v11 =	vsel vm2, $0x3F800000, v11  }
0xd6: {  	(erf) = vrcp.f32 v11;
	_ =	sdelay $0x8  }
0xd7: {  	v11 =	vpop (erf)  }
0xd8: {  	[tilespmem:$0xE900] =	vst v11  }
0xd9: {  	v11 =	vld.idx.msk [tilespmem:v3+s11+$0x0], $0xffff;
	_ =	sdelay $0x4  }
0xda: {  	vm2 =	veq.f32 v11, $0.0e+00  }
0xdb: {  	v11 =	vsel vm2, $0x3F800000, v11  }
0xdc: {  	(erf) = vrcp.f32 v11;
	_ =	sdelay $0x8  }
0xdd: {  	v11 =	vpop (erf)  }
0xde: {  	[tilespmem:$0xE910] =	vst v11  }
0xdf: {  	v11 =	vld.idx.msk [tilespmem:v4+s11+$0x0], $0xffff;
	_ =	sdelay $0x4  }
0xe0: {  	vm2 =	veq.f32 v11, $0.0e+00  }
0xe1: {  	v11 =	vsel vm2, $0x3F800000, v11  }
0xe2: {  	(erf) = vrcp.f32 v11;
	_ =	sdelay $0x8  }
0xe3: {  	v11 =	vpop (erf)  }
0xe4: {  	[tilespmem:$0xE920] =	vst v11  }
0xe5: {  	v11 =	vld.idx.msk [tilespmem:v5+s11+$0x0], $0xffff;
	_ =	sdelay $0x4  }
0xe6: {  	vm2 =	veq.f32 v11, $0.0e+00  }
0xe7: {  	v11 =	vsel vm2, $0x3F800000, v11  }
0xe8: {  	(erf) = vrcp.f32 v11;
	_ =	sdelay $0x8  }
0xe9: {  	v11 =	vpop (erf)  }
0xea: {  	[tilespmem:$0xE930] =	vst v11  }
0xeb: {  	v11 =	vld.idx.msk [tilespmem:v6+s11+$0x0], $0xffff;
	_ =	sdelay $0x4  }
0xec: {  	vm2 =	veq.f32 v11, $0.0e+00  }
0xed: {  	v11 =	vsel vm2, $0x3F800000, v11  }
0xee: {  	(erf) = vrcp.f32 v11;
	_ =	sdelay $0x8  }
0xef: {  	v11 =	vpop (erf)  }
0xf0: {  	[tilespmem:$0xE940] =	vst v11  }
0xf1: {  	v11 =	vld.idx.msk [tilespmem:v7+s11+$0x0], $0xffff;
	_ =	sdelay $0x4  }
0xf2: {  	vm2 =	veq.f32 v11, $0.0e+00  }
0xf3: {  	v11 =	vsel vm2, $0x3F800000, v11  }
0xf4: {  	(erf) = vrcp.f32 v11;
	_ =	sdelay $0x8  }
0xf5: {  	v11 =	vpop (erf)  }
0xf6: {  	[tilespmem:$0xE950] =	vst v11  }
0xf7: {  	v11 =	vld.idx.msk [tilespmem:v8+s11+$0x0], $0xffff;
	_ =	sdelay $0x4  }
0xf8: {  	vm2 =	veq.f32 v11, $0.0e+00  }
0xf9: {  	v11 =	vsel vm2, $0x3F800000, v11  }
0xfa: {  	(erf) = vrcp.f32 v11;
	_ =	sdelay $0x8  }
0xfb: {  	v11 =	vpop (erf)  }
0xfc: {  	[tilespmem:$0xE960] =	vst v11  }
0xfd: {  	v11 =	vld.idx.msk [tilespmem:v9+s11+$0x0], $0xffff;
	_ =	sdelay $0x4  }
0xfe: {  	vm2 =	veq.f32 v11, $0.0e+00  }
0xff: {  	v11 =	vsel vm2, $0x3F800000, v11  }
0x100: {  	(erf) = vrcp.f32 v11;
	_ =	sdelay $0x5  }
0x101: {  	s30 =	simm.s32 $0x0  }
0x102: {  	s24 =	smul.u32 $0x3000, s30;
	_ =	sdelay $0x1  }
0x103: {  	s25 =	sand.u32 $0x380, s2;
	s24 =	sshra.s32 s24, $0x2;
	v11 =	vpop (erf)  }
0x104: {  	s24 =	sor.u32 s25, s24;
	[tilespmem:$0xE970] =	vst v11  }
0x105: {  	v14 =	vld [tilespmem:s24+$0x2930]  }
0x106: {  	v12 =	vld [tilespmem:s24+$0x2960]  }
0x107: {  	v11 =	vmov s2;
	v13 =	vld [tilespmem:s24+$0x2970]  }
0x108: {  	v15 =	vld [tilespmem:s24+$0x2D50]  }
0x109: {  	v16 =	vld [tilespmem:s24+$0x2D60]  }
0x10a: {  	v19 =	vld [tilespmem:s24+$0x2D40]  }
0x10b: {  	v18 =	vld [tilespmem:s24+$0x2940]  }
0x10c: {  	v11 =	vld.idx.msk [tilespmem:v11+s22+$0x0], $0xffff  }
0x10d: {  	s25 =	simm.s32 $0x0;
	s26 =	simm.s32 $0x1;
	v17 =	vld [tilespmem:s24+$0x2D70]  }
.LBB2_2:
0x10e: {  	s29 =	sshrl.u32 s26, $0x3  }
0x10f: {  	v20 =	vld [tilespmem:s24+$0x2950];
	s25 =	sadd.s32 $0x80, s25;
	s30 =	smov.u32 s26;
	s28 =	sadd.s32 $0x1, s26  }
0x110: {  	p0 =	sne.s32 s26, $0x7F;
	s29 =	smul.u32 $0x3000, s29;
	v21 =	vld [tilespmem:s24+$0x2D10]  }
0x111: {  	v15 =	vmul.f32 v15, v11;
	v22 =	vld [tilespmem:s24+$0x2D30];
	v19 =	vmul.f32 v19, v11  }
0x112: {  	v16 =	vmul.f32 v16, v11;
	s26 =	sshra.s32 s29, $0x2;
	v18 =	vmul.f32 v18, v11;
	v23 =	vld [tilespmem:s24+$0x2D20]  }
0x113: {  	v14 =	vmul.f32 v14, v11;
	v24 =	vld [tilespmem:s24+$0x2D00];
	[tilespmem:s24+$0x2D40] =	vst v19;
	v17 =	vmul.f32 v17, v11  }
0x114: {  	v19 =	vld [tilespmem:s24+$0x2910];
	[tilespmem:s24+$0x2940] =	vst v18  }
0x115: {  	v18 =	vld [tilespmem:s24+$0x2920];
	[tilespmem:s24+$0x2D60] =	vst v16  }
0x116: {  	v16 =	vld [tilespmem:s24+$0x2900];
	[tilespmem:s24+$0x2D70] =	vst v17  }
0x117: {  	v22 =	vmul.f32 v22, v11;
	v17 =	vmul.f32 v23, v11;
	[tilespmem:s24+$0x2D50] =	vst v15  }
0x118: {  	v15 =	vmul.f32 v21, v11;
	[tilespmem:s24+$0x2930] =	vst v14;
	v14 =	vmul.f32 v24, v11  }
0x119: {  	v12 =	vmul.f32 v12, v11;
	v13 =	vmul.f32 v13, v11;
	[tilespmem:s24+$0x2D30] =	vst v22  }
0x11a: {  	v20 =	vmul.f32 v20, v11;
	v21 =	vmov s30;
	v18 =	vmul.f32 v18, v11;
	[tilespmem:s24+$0x2D10] =	vst v15  }
0x11b: {  	v22 =	vmul.f32 v16, v11;
	v11 =	vmul.f32 v19, v11;
	[tilespmem:s24+$0x2D00] =	vst v14  }
0x11c: {  	s29 =	sand.u32 $0x380, s25;
	[tilespmem:s24+$0x2970] =	vst v13  }
0x11d: {  	s26 =	sor.u32 s29, s26;
	[tilespmem:s24+$0x2960] =	vst v12  }
0x11e: {  	v14 =	vld [tilespmem:s26+$0x2930];
	[tilespmem:s24+$0x2D20] =	vst v17  }
0x11f: {  	v12 =	vld [tilespmem:s26+$0x2960];
	[tilespmem:s24+$0x2950] =	vst v20  }
0x120: {  	v13 =	vld [tilespmem:s26+$0x2970];
	[tilespmem:s24+$0x2920] =	vst v18  }
0x121: {  	v15 =	vld [tilespmem:s26+$0x2D50];
	[tilespmem:s24+$0x2910] =	vst v11  }
.Ltmp0:
0x122: {  	v16 =	vld [tilespmem:s26+$0x2D60];
	[tilespmem:s24+$0x2900] =	vst v22;
	s24 =	smov.u32 s26;
	(pc) =	sbr.rel @p0 .LBB2_2-.Ltmp0, $4  }
0x123: {  	v11 =	vld.idx.msk [tilespmem:v21+s22+$0x0], $0xffff  }
0x124: {  	v19 =	vld [tilespmem:s24+$0x2D40]  }
0x125: {  	v18 =	vld [tilespmem:s24+$0x2940]  }
0x126: {  	s26 =	smov.u32 s28;
	v17 =	vld [tilespmem:s24+$0x2D70]  }
0x127: {  	_ = 	snop  }
0x128: {  	v16 =	vmul.f32 v16, v11  }
0x129: {  	v15 =	vmul.f32 v15, v11  }
0x12a: {  	v14 =	vmul.f32 v14, v11;
	[tilespmem:s24+$0x2D60] =	vst v16  }
0x12b: {  	v22 =	vld [tilespmem:s24+$0x2D30];
	v13 =	vmul.f32 v13, v11;
	[tilespmem:s24+$0x2D50] =	vst v15  }
0x12c: {  	v21 =	vld [tilespmem:s24+$0x2D10];
	v12 =	vmul.f32 v12, v11;
	[tilespmem:s24+$0x2930] =	vst v14  }
0x12d: {  	v24 =	vld [tilespmem:s24+$0x2D00];
	v19 =	vmul.f32 v19, v11;
	[tilespmem:s24+$0x2970] =	vst v13  }
0x12e: {  	v23 =	vld [tilespmem:s24+$0x2D20];
	v18 =	vmul.f32 v18, v11;
	[tilespmem:s24+$0x2960] =	vst v12  }
0x12f: {  	v20 =	vld [tilespmem:s24+$0x2950];
	[tilespmem:s24+$0x2D40] =	vst v19;
	v17 =	vmul.f32 v17, v11  }
0x130: {  	v55 =	vld [tilespmem:s24+$0x2920];
	[tilespmem:s24+$0x2940] =	vst v18;
	v57 =	vmul.f32 v22, v11  }
0x131: {  	v54 =	vld [tilespmem:s24+$0x2910];
	v58 =	vmul.f32 v21, v11;
	[tilespmem:s24+$0x2D70] =	vst v17  }
0x132: {  	v56 =	vld [tilespmem:s24+$0x2900];
	v59 =	vmul.f32 v24, v11;
	[tilespmem:s24+$0x2D30] =	vst v57  }
0x133: {  	v60 =	vmul.f32 v23, v11;
	[tilespmem:s24+$0x2D10] =	vst v58  }
0x134: {  	v61 =	vmul.f32 v20, v11;
	[tilespmem:s24+$0x2D00] =	vst v59  }
0x135: {  	v62 =	vmul.f32 v55, v11;
	[tilespmem:s24+$0x2D20] =	vst v60  }
0x136: {  	v63 =	vmul.f32 v54, v11;
	[tilespmem:s24+$0x2950] =	vst v61  }
0x137: {  	s23 =	sadd.s32 $0x1, s23;
	v11 =	vmul.f32 v56, v11;
	[tilespmem:s24+$0x2920] =	vst v62  }
0x138: {  	p0 =	sne.s32 s23, s8;
	[tilespmem:s24+$0x2910] =	vst v63  }
.Ltmp1:
0x139: {  	[tilespmem:s24+$0x2900] =	vst v11;
	(pc) =	sbr.rel @p0 .LBB2_1-.Ltmp1, $4  }
0x13a: {  	[hbm4b:s7+s2] =	stream.linear.scatter [tilespmem:s11], [sflag:$0x2], $0xC000, $0x38;
	[tilespmem:$0xE980] =	vst v63  }
0x13b: {  	_ =	swait.ge [sflag:s9], $0xC000  }
0x13c: {  	[sflag:s9] =	ssyncset.done $0x0  }
0x13d: {  	[sflag:s9] =	ssyncadd.s32 $0xFFFF4000  }
0x13e: {  	_ =	sfence.sel $0x180000  }
0x13f: {  	[bflag:$0x0] =	sbarrier.arrive $0xFFFF  }
0x140: {  	_ =	strace $0x9000004D  }
0x141: {  	s0 =	stileid.u32;
	[bflag:$0x2] =	sbarrier.arrive $0xFFFF  }
0x142: {  	p0 =	sne.s32 s0, $0x0;
	s0 =	rddreg [dreg:$0x2]  }
0x143: {  	s0 =	sadd.s32 @!p0 $0x100000, s0  }
0x144: {  	[sflag:s0] =	ssyncadd.tile.s32 @!p0 $0x1;
	_ =	shalt  }
.Lfunc_end2:
_tile_overlayer_lowered:
.L_overlay_start_2:
0x145: {  	(tag) =	ssettag $0x2  }
0x146: {  	s0 =	rddreg [dreg:$0x0];
	s2 =	stileid.u32  }
0x147: {  	s1 =	rddreg [dreg:$0x1];
	p0 =	sne.s32 s2, $0x0  }
0x148: {  	s3 =	rddreg [dreg:$0x2];
	[bflag:$0x3] =	sbarrier.arrive $0xFFFF;
	s2 =	simm.s32 @!p0 $0x1C02  }
0x149: {  	[timem:s3], [sflag:s2] =	dma.local @!p0 [hbm:s0], s1  }
0x14a: {  	s0 =	simm.s32 @!p0 $0x2  }
0x14b: {  	_ =	swait.ge @!p0 [sflag:s0], s1  }
0x14c: {  	s1 =	ssub.s32 @!p0 $0x0, s1;
	[sflag:s0] =	ssyncset.done @!p0 $0x0  }
0x14d: {  	[sflag:s0] =	ssyncadd.s32 @!p0 s1  }
0x14e: {  	[bflag:$0x3] =	sbarrier.arrive $0xFFFF  }
0x14f: {  	_ =	shalt  }

// kernel: kernel.6.cloned.1.call-start
scs
__scs_entry_jumppad:
0x0: {  	(pc) =	sbr.rel $0x88, $3  }
0x1: {  	(tag) =	ssettag $0x0;
	lr =	simm.s32 $0x1  }
0x2: {  	[smem:$0x3F9A] =	sst lr;
	_ =	strace $0xD0000000  }
0x3: {  	_ = 	snop  }
0x4: {  	_ = 	snop  }
0x5: {  	_ = 	snop  }
0x6: {  	_ = 	snop  }
0x7: {  	_ = 	snop  }
__scs_overlays_trampoline_lowered:
0x8: {  	[smem:$0x3FA9] =	sst s0  }
0x9: {  	[smem:$0x3FAA] =	sst s1  }
0xa: {  	[smem:$0x3FAB] =	sst s2  }
0xb: {  	[smem:$0x3FAC] =	sst s3  }
0xc: {  	[smem:$0x3FAD] =	sst s4  }
0xd: {  	[smem:$0x3FAE] =	sst s5  }
0xe: {  	[smem:$0x3FAF] =	sst s6  }
0xf: {  	[smem:$0x3FB0] =	sst s7  }
0x10: {  	[smem:$0x3FB1] =	sst s8  }
0x11: {  	[smem:$0x3FB2] =	sst s9;
	s0 =	simm.s32 @!p0 $0x0  }
0x12: {  	s1 =	sld [smem:$0x3F98];
	s0 =	simm.s32 @p0 $0x1  }
0x13: {  	[smem:$0x3FB3] =	sst s0;
	s0 =	simm.s32 @!p1 $0x0  }
0x14: {  	s2 =	sld [smem:$0x3F97];
	s0 =	simm.s32 @p1 $0x1  }
0x15: {  	[smem:$0x3FB4] =	sst s0;
	s0 =	simm.s32 @!p2 $0x0  }
0x16: {  	s3 =	sld [smem:$0x3FDB];
	s0 =	simm.s32 @p2 $0x1  }
0x17: {  	s4 =	simm.s32 $0x1BF5;
	[smem:$0x3FB6] =	sst s0  }
0x18: {  	s0 =	sld [smem:$0x3F99];
	_ =	swait.ge [sflag:s4], $0x0  }
0x19: {  	s7 =	sld [smem:$0x3F9A]  }
0x1a: {  	s8 =	sadd.s32 $0xFFFFE003, lr  }
0x1b: {  	s9 =	sadd.s32 $0xFFFFFEF7, lr;
	s5 =	simm.s32 $0xFFFFFFFF;
	p2 =	slt.u32 s8, $0xFFFFF086  }
0x1c: {  	p1 =	slt.u32 s9, $0xF7A;
	s5 =	simm.s32 @!p2 $0x0  }
0x1d: {  	s5 =	simm.s32 @p1 $0x1;
	p0 =	seq.s32 s7, s2  }
0x1e: {  	s7 =	smul.u32 @!p0 $0xF7A, s2;
	p2 =	seq.s32 @!p0 s5, $0x0  }
0x1f: {  	s9 =	smul.u32 $0xF7A, s1;
	s8 =	simm.s32 @!p0 $0x1BF5;
	p2 =	por !p2, p0  }
0x20: {  	[sflag:s8] =	ssyncset.s32 @!p0 $0xFFFFF086;
	s6 =	sadd.s32 @!p0 s3, s7;
	s7 =	simm.s32 @!p0 $0x108  }
0x21: {  	s3 =	sadd.s32 s3, s9;
	s6 =	sadd.s32 @!p0 $0x88, s6;
	s7 =	simm.s32 @p2 $0x1082  }
0x22: {  	[simem:s7], [sflag:s8] =	dma.local @!p0 [hbm:s6], $0xF7A  }
0x23: {  	s9 =	sor.u32 $0xD0000000, s2;
	s6 =	simm.s32 $0x108;
	_ =	swait.ge @!p0 [sflag:s8], $0x0  }
0x24: {  	s3 =	sadd.s32 $0x88, s3;
	s6 =	simm.s32 @!p1 $0x1082;
	[sflag:s4] =	ssyncset.s32 $0xFFFFF086  }
0x25: {  	[simem:s6], [sflag:s4] =	dma.local [hbm:s3], $0xF7A  }
0x26: {  	[smem:$0x3F9A] =	sst s1;
	(tag) =	ssettag s2;
	_ =	strace s9  }
0x27: {  	s1 =	sld [smem:$0x3FAA]  }
0x28: {  	s2 =	sld [smem:$0x3FAB]  }
0x29: {  	s4 =	sld [smem:$0x3FAD]  }
0x2a: {  	p0 =	seq.s32 s5, $0x0;
	s5 =	sld [smem:$0x3FAE]  }
0x2b: {  	s6 =	sld [smem:$0x3FAF]  }
0x2c: {  	s7 =	sld [smem:$0x3FB0]  }
0x2d: {  	s3 =	simm.s32 $0x108;
	s8 =	sld [smem:$0x3FB1]  }
0x2e: {  	s3 =	simm.s32 @!p0 $0x1082;
	s9 =	sld [smem:$0x3FB2]  }
0x2f: {  	lr =	sadd.s32 s0, s3;
	s0 =	sld [smem:$0x3FA9]  }
0x30: {  	s3 =	sld [smem:$0x3FAC]  }
0x31: {  	[smem:$0x3FB5] =	sst s10  }
0x32: {  	s10 =	sld [smem:$0x3FB3];
	_ =	sdelay $0x3  }
0x33: {  	p0 =	seq.s32 s10, $0x1;
	s10 =	sld [smem:$0x3FB5];
	_ =	sdelay $0x3  }
0x34: {  	[smem:$0x3FB5] =	sst s10  }
0x35: {  	s10 =	sld [smem:$0x3FB4];
	_ =	sdelay $0x3  }
0x36: {  	p1 =	seq.s32 s10, $0x1;
	s10 =	sld [smem:$0x3FB5];
	_ =	sdelay $0x3  }
0x37: {  	[smem:$0x3FB5] =	sst s10  }
0x38: {  	s10 =	sld [smem:$0x3FB6]  }
0x39: {  	_ = 	snop;
	(pc) =	sbr.ind lr, $3  }
0x3a: {  	_ = 	snop  }
0x3b: {  	_ = 	snop  }
0x3c: {  	p2 =	seq.s32 s10, $0x1;
	s10 =	sld [smem:$0x3FB5]  }
0x3d: {  	_ =	shalt  }
0x3e: {  	_ =	shalt  }
0x3f: {  	_ =	shalt  }
0x40: {  	_ =	shalt  }
0x41: {  	_ =	shalt  }
0x42: {  	_ =	shalt  }
0x43: {  	_ =	shalt  }
0x44: {  	_ =	shalt  }
0x45: {  	_ =	shalt  }
0x46: {  	_ =	shalt  }
0x47: {  	_ =	shalt  }
0x48: {  	_ =	shalt  }
0x49: {  	_ =	shalt  }
0x4a: {  	_ =	shalt  }
0x4b: {  	_ =	shalt  }
0x4c: {  	_ =	shalt  }
0x4d: {  	_ =	shalt  }
0x4e: {  	_ =	shalt  }
0x4f: {  	_ =	shalt  }
0x50: {  	_ =	shalt  }
0x51: {  	_ =	shalt  }
0x52: {  	_ =	shalt  }
0x53: {  	_ =	shalt  }
0x54: {  	_ =	shalt  }
0x55: {  	_ =	shalt  }
0x56: {  	_ =	shalt  }
0x57: {  	_ =	shalt  }
0x58: {  	_ =	shalt  }
0x59: {  	_ =	shalt  }
0x5a: {  	_ =	shalt  }
0x5b: {  	_ =	shalt  }
0x5c: {  	_ =	shalt  }
0x5d: {  	_ =	shalt  }
0x5e: {  	_ =	shalt  }
0x5f: {  	_ =	shalt  }
0x60: {  	_ =	shalt  }
0x61: {  	_ =	shalt  }
0x62: {  	_ =	shalt  }
0x63: {  	_ =	shalt  }
0x64: {  	_ =	shalt  }
0x65: {  	_ =	shalt  }
0x66: {  	_ =	shalt  }
0x67: {  	_ =	shalt  }
0x68: {  	_ =	shalt  }
0x69: {  	_ =	shalt  }
0x6a: {  	_ =	shalt  }
0x6b: {  	_ =	shalt  }
0x6c: {  	_ =	shalt  }
0x6d: {  	_ =	shalt  }
0x6e: {  	_ =	shalt  }
0x6f: {  	_ =	shalt  }
0x70: {  	_ =	shalt  }
0x71: {  	_ =	shalt  }
0x72: {  	_ =	shalt  }
0x73: {  	_ =	shalt  }
0x74: {  	_ =	shalt  }
0x75: {  	_ =	shalt  }
0x76: {  	_ =	shalt  }
0x77: {  	_ =	shalt  }
0x78: {  	_ =	shalt  }
0x79: {  	_ =	shalt  }
0x7a: {  	_ =	shalt  }
0x7b: {  	_ =	shalt  }
0x7c: {  	_ =	shalt  }
0x7d: {  	_ =	shalt  }
0x7e: {  	_ =	shalt  }
0x7f: {  	_ =	shalt  }
0x80: {  	_ =	shalt  }
0x81: {  	_ =	shalt  }
0x82: {  	_ =	shalt  }
0x83: {  	_ =	shalt  }
0x84: {  	_ =	shalt  }
0x85: {  	_ =	shalt  }
0x86: {  	_ =	shalt  }
0x87: {  	_ =	shalt  }
.Lfunc_end0:
.L_simem_size_0:
called_computation_lowered:
.L_overlay_start_0:
0x88: {  	s2 =	sld [smem:$0x3FD9]  }
0x89: {  	s3 =	sld [smem:$0x3FFE];
	_ =	sdelay $0x1  }
0x8a: {  	s1 =	srdreg.scid  }
0x8b: {  	s0 =	sand.u32 $0x1, s1  }
0x8c: {  	s17 =	sshll.u32 s0, $0xA;
	s2 =	sadd.s32 s3, s2  }
0x8d: {  	s2 =	sadd.s32 s2, s17  }
0x8e: {  	[smem:$0x3FC1] =	sst s2  }
0x8f: {  	_ = 	snop  }
0x90: {  	s2 =	sld [smem:$0x3FC9];
	(tm) =	ssettm $0x1  }
0x91: {  	s18 =	sld [smem:$0x3FFB];
	_ =	sdelay $0x3  }
0x92: {  	_ =	strace s18  }
0x93: {  	s3 =	sld [smem:$0x3FFC];
	_ =	sdelay $0x3  }
0x94: {  	_ =	strace s3  }
0x95: {  	s3 =	sld [smem:$0x3FFD];
	_ =	sdelay $0x3  }
0x96: {  	_ =	strace s3  }
0x97: {  	_ =	strace $0x8FFFFFFF  }
0x98: {  	s19 =	sld [smem:$0x3FDB];
	_ =	sdelay $0x1  }
0x99: {  	s4 =	simm.s32 $_scs_section_size  }
0x9a: {  	s5 =	simm.s32 $_size__tile_overlayer_lowered;
	s6 =	simm.s32 $_tile_overlayer_lowered  }
0x9b: {  	s22 =	simm.s32 $0x1BFF;
	s21 =	sshll.u32 s6, $0x1;
	s3 =	sadd.s32 s4, s19  }
0x9c: {  	s7 =	simm.s32 $0x0;
	s20 =	sshll.u32 s5, $0x1;
	s5 =	sadd.s32 s21, s3  }
0x9d: {  	[timem:s7], [sflag:s22] =	dma.local [hbm:s5], s20  }
0x9e: {  	_ =	swait.ge [sflag:s22], s20  }
0x9f: {  	s4 =	ssub.s32 $0x0, s20;
	[sflag:s22] =	ssyncset.done $0x0  }
0xa0: {  	[sflag:s22] =	ssyncadd.s32 s4;
	_ =	sdelay $0x1  }
0xa1: {  	s23 =	simm.s32 $0x1B8B  }
0xa2: {  	_ =	swait.ge [sflag:s23], $0x1  }
0xa3: {  	[sflag:s23] =	ssyncset.done $0x0  }
0xa4: {  	s25 =	simm.s32 $0x1B8E;
	s24 =	sld [smem:$0x3FFE];
	[sflag:s23] =	ssyncadd.s32 $0xFFFFFFFF  }
0xa5: {  	s26 =	simm.s32 $execute0_lowered;
	[smem:$0x3FD2] =	sst s25  }
0xa6: {  	s5 =	sshll.u32 s26, $0x1;
	_ =	strace $0x80000046;
	[dreg:$0x1] =	wrdreg $0xFFFFFFFF  }
0xa7: {  	s28 =	simm.s32 $_size_execute0_lowered;
	s3 =	sadd.s32 s3, s5;
	[dreg:$0x0] =	wrdreg $0x0  }
0xa8: {  	s5 =	sshll.u32 s28, $0x1;
	[dreg:$0x2] =	wrdreg s3  }
0xa9: {  	[dreg:$0x3] =	wrdreg s5  }
0xaa: {  	[dreg:$0x4] =	wrdreg $0xC0  }
0xab: {  	_ =	task [dreg:s7], $0x5FFFF  }
0xac: {  	[dreg:$0x1] =	wrdreg $0xFFFFFFFF  }
0xad: {  	[dreg:$0x0] =	wrdreg $0x60  }
0xae: {  	[dreg:$0x2] =	wrdreg s2  }
0xaf: {  	[dreg:$0x3] =	wrdreg s24  }
0xb0: {  	[dreg:$0x4] =	wrdreg $0x9  }
0xb1: {  	_ =	task.clear_ibuf [dreg:s7], $0x5FFFF;
	_ =	strace $0x90000046  }
0xb2: {  	s29 =	simm.s32 $0x9;
	_ =	strace $0x80000048  }
0xb3: {  	_ =	swait.ge [sflag:s29], $0x1  }
0xb4: {  	[sflag:s29] =	ssyncadd.s32 $0xFFFFFFFF  }
0xb5: {  	_ =	strace $0x90000048  }
0xb6: {  	_ =	sfence  }
0xb7: {  	s30 =	sld [smem:$0x0];
	_ =	sdelay $0x2  }
0xb8: {  	s31 =	sshll.u32 s1, $0xD;
	s1 =	sshrl.u32 s1, $0x2  }
0xb9: {  	s3 =	sand.u32 $0x4000, s31;
	s1 =	sadd.s32 s1, s30  }
0xba: {  	s0 =	sor.u32 s3, s0;
	s1 =	sshll.u32 s1, $0x11  }
0xbb: {  	s0 =	sor.u32 s1, s0  }
0xbc: {  	s0 =	sadd.s32 $0x8F2B, s0  }
0xbd: {  	[sflag:s0] =	ssyncadd.remote.s32 $0x1  }
0xbe: {  	_ =	sfence.sel $0xFFFF  }
0xbf: {  	[dreg:$0x0] =	wrdreg $0xFFFFFFFF;
	(pc) =	sbr.abs _section_cstart, $3  }
0xc0: {  	[dreg:$0x1] =	wrdreg $0xFFFFFFFF  }
0xc1: {  	_ =	task.clear_ibuf [dreg:s7], $0x2FFFF;
	_ =	strace $0x9FFFFFFF  }
0xc2: {  	(tm) =	ssettm $0x7FFFFFFF  }
0xc3: {  	_ =	shalt  }
tec
execute0_lowered:
.L_overlay_start_1:
0x0: {  	(tag) =	ssettag $0x1  }
0x1: {  	s0 =	srdreg.scid  }
0x2: {  	s2 =	rddreg [dreg:$0x0];
	s3 =	sand.u32 $0x1, s0  }
0x3: {  	s4 =	rddreg [dreg:$0x1];
	s0 =	stileid.u32;
	s1 =	sshll.u32 s3, $0x4  }
0x4: {  	s5 =	ssub.s32 $0x2, s3;
	s3 =	simm.s32 $0x0;
	s1 =	sor.u32 s0, s1  }
0x5: {  	[smem:$0x7FF] =	sst s3;
	s6 =	smul.u32 $0x140, s1  }
0x6: {  	s8 =	sshrl.u32 s5, $0x1;
	s1 =	rddreg [dreg:$0x2]  }
0x7: {  	s5 =	ssub.s32 s5, s8;
	_ =	strace $0x80000047;
	s7 =	sshrl.u32 s6, $0x3  }
0x8: {  	s8 =	simm.s32 $0x0;
	s5 =	smax.u32 s5, $0x1;
	s4 =	sadd.s32 s7, s4  }
0x9: {  	v1 =	vimm.s32 $0xFFFFFFFF;
	v2 =	vlaneseq.u32;
	v0 =	vmov s6;
	s6 =	simm.s32 $0x1;
	s7 =	simm.s32 $0x1000;
	s4 =	sadd.s32 $0x1200, s4  }
.LBB2_1:
0xa: {  	[tilespmem:s3], [sflag:$0x1] =	stream.linear.gather [hbm4b:s2+s3], $0x1000, $0x38;
	[tilespmem:$0x1180] =	vst v63  }
0xb: {  	_ =	swait.ge [sflag:s6], $0x1000  }
0xc: {  	[sflag:s6] =	ssyncset.done $0x0  }
0xd: {  	[sflag:s6] =	ssyncadd.s32 $0xFFFFF000  }
0xe: {  	[tilespmem:$0x1000] =	vst v1  }
0xf: {  	[tilespmem:$0x1010] =	vst v1  }
0x10: {  	[tilespmem:$0x1020] =	vst v1  }
0x11: {  	[tilespmem:$0x1030] =	vst v1  }
0x12: {  	[tilespmem:$0x1040] =	vst v1  }
0x13: {  	[tilespmem:$0x1050] =	vst v1  }
0x14: {  	[tilespmem:$0x1060] =	vst v1  }
0x15: {  	[tilespmem:$0x1070] =	vst v1  }
0x16: {  	[tilespmem:$0x1080] =	vst v1  }
0x17: {  	[tilespmem:$0x1090] =	vst v1  }
0x18: {  	[tilespmem:$0x10A0] =	vst v1  }
0x19: {  	[tilespmem:$0x10B0] =	vst v1  }
0x1a: {  	[tilespmem:$0x10C0] =	vst v1  }
0x1b: {  	[tilespmem:$0x10D0] =	vst v1  }
0x1c: {  	[tilespmem:$0x10E0] =	vst v1  }
0x1d: {  	[tilespmem:$0x10F0] =	vst v1  }
0x1e: {  	[tilespmem:$0x1100] =	vst v1  }
0x1f: {  	[tilespmem:$0x1110] =	vst v1  }
0x20: {  	[tilespmem:$0x1120] =	vst v1  }
0x21: {  	[tilespmem:$0x1130] =	vst v1  }
0x22: {  	s10 =	simm.s32 $0x10;
	s9 =	simm.s32 $0x0;
	s11 =	simm.s32 $0x0;
	v3 =	vld [tilespmem:s3+$0x0]  }
.LBB2_2:
0x23: {  	p0 =	sne.s32 s10, $0xFF0;
	_ =	sdelay $0x3  }
0x24: {  	v3 =	vsub.s32 v3, v0  }
0x25: {  	vm0 =	vgt.s32 v3, $0x0  }
0x26: {  	vm1 =	vlt.u32 v3, $0x140;
	v3 =	vnsel vm0, $0x0, v3  }
0x27: {  	v3 =	vmin.u32 v3, $0x13F;
	_ =	sdelay $0x1  }
.Ltmp0:
0x28: {  	(pc) =	sbr.rel @p0 .LBB2_2-.Ltmp0, $4  }
0x29: {  	_ = 	snop  }
0x2a: {  	v4 =	vor.u32 s9, v2;
	s9 =	smov.u32 s10  }
0x2b: {  	s11 =	sadd.s32 $0x10, s11;
	[tilespmem:v3+s7+$0x0] =	vst.idx.msk vm1, v4  }
0x2c: {  	s10 =	sadd.s32 $0x10, s10;
	v3 =	vld [tilespmem:s11+$0x0]  }
0x2d: {  	_ =	sdelay $0x3  }
0x2e: {  	v3 =	vsub.s32 v3, v0  }
0x2f: {  	vm0 =	vgt.s32 v3, $0x0  }
0x30: {  	vm1 =	vlt.u32 v3, $0x140;
	v3 =	vnsel vm0, $0x0, v3  }
0x31: {  	v3 =	vmin.u32 v3, $0x13F;
	_ =	sdelay $0x2  }
0x32: {  	s8 =	sadd.s32 $0x1, s8  }
0x33: {  	v4 =	vor.u32 s9, v2;
	p0 =	sne.s32 s8, s5  }
.Ltmp1:
0x34: {  	[tilespmem:v3+s7+$0x0] =	vst.idx.msk vm1, v4;
	(pc) =	sbr.rel @p0 .LBB2_1-.Ltmp1, $4  }
0x35: {  	[hbm4b:s4+s3] =	stream.linear.scatter [tilespmem:s7], [sflag:$0x1], $0x140, $0x38;
	[tilespmem:$0x1180] =	vst v63  }
0x36: {  	_ =	swait.ge [sflag:s6], $0x140  }
0x37: {  	[sflag:s6] =	ssyncset.done $0x0  }
0x38: {  	[sflag:s6] =	ssyncadd.s32 $0xFFFFFEC0  }
0x39: {  	_ =	sfence.sel $0x180000  }
0x3a: {  	[bflag:$0x0] =	sbarrier.arrive $0xFFFF  }
0x3b: {  	p0 =	sne.s32 s0, $0x0;
	_ =	strace $0x90000047  }
0x3c: {  	s0 =	sadd.s32 @!p0 $0x100000, s1;
	[bflag:$0x2] =	sbarrier.arrive $0xFFFF  }
0x3d: {  	[sflag:s0] =	ssyncadd.tile.s32 @!p0 $0x1;
	_ =	shalt  }
.Lfunc_end2:
_tile_overlayer_lowered:
.L_overlay_start_2:
0x3e: {  	(tag) =	ssettag $0x2  }
0x3f: {  	s0 =	rddreg [dreg:$0x0];
	s2 =	stileid.u32  }
0x40: {  	s1 =	rddreg [dreg:$0x1];
	p0 =	sne.s32 s2, $0x0  }
0x41: {  	s3 =	rddreg [dreg:$0x2];
	[bflag:$0x3] =	sbarrier.arrive $0xFFFF;
	s2 =	simm.s32 @!p0 $0x1C01  }
0x42: {  	[timem:s3], [sflag:s2] =	dma.local @!p0 [hbm:s0], s1  }
0x43: {  	s0 =	simm.s32 @!p0 $0x1  }
0x44: {  	_ =	swait.ge @!p0 [sflag:s0], s1  }
0x45: {  	s1 =	ssub.s32 @!p0 $0x0, s1;
	[sflag:s0] =	ssyncset.done @!p0 $0x0  }
0x46: {  	[sflag:s0] =	ssyncadd.s32 @!p0 s1  }
0x47: {  	[bflag:$0x3] =	sbarrier.arrive $0xFFFF  }
0x48: {  	_ =	shalt  }

// kernel: kernel.9.cloned.1.call-start
scs
__scs_entry_jumppad:
0x0: {  	(pc) =	sbr.rel $0x88, $3  }
0x1: {  	(tag) =	ssettag $0x0;
	lr =	simm.s32 $0x1  }
0x2: {  	[smem:$0x3F9A] =	sst lr;
	_ =	strace $0xD0000000  }
0x3: {  	_ = 	snop  }
0x4: {  	_ = 	snop  }
0x5: {  	_ = 	snop  }
0x6: {  	_ = 	snop  }
0x7: {  	_ = 	snop  }
__scs_overlays_trampoline_lowered:
0x8: {  	[smem:$0x3FA9] =	sst s0  }
0x9: {  	[smem:$0x3FAA] =	sst s1  }
0xa: {  	[smem:$0x3FAB] =	sst s2  }
0xb: {  	[smem:$0x3FAC] =	sst s3  }
0xc: {  	[smem:$0x3FAD] =	sst s4  }
0xd: {  	[smem:$0x3FAE] =	sst s5  }
0xe: {  	[smem:$0x3FAF] =	sst s6  }
0xf: {  	[smem:$0x3FB0] =	sst s7  }
0x10: {  	[smem:$0x3FB1] =	sst s8  }
0x11: {  	[smem:$0x3FB2] =	sst s9;
	s0 =	simm.s32 @!p0 $0x0  }
0x12: {  	s1 =	sld [smem:$0x3F98];
	s0 =	simm.s32 @p0 $0x1  }
0x13: {  	[smem:$0x3FB3] =	sst s0;
	s0 =	simm.s32 @!p1 $0x0  }
0x14: {  	s2 =	sld [smem:$0x3F97];
	s0 =	simm.s32 @p1 $0x1  }
0x15: {  	[smem:$0x3FB4] =	sst s0;
	s0 =	simm.s32 @!p2 $0x0  }
0x16: {  	s3 =	sld [smem:$0x3FDB];
	s0 =	simm.s32 @p2 $0x1  }
0x17: {  	s4 =	simm.s32 $0x1BF5;
	[smem:$0x3FB6] =	sst s0  }
0x18: {  	s0 =	sld [smem:$0x3F99];
	_ =	swait.ge [sflag:s4], $0x0  }
0x19: {  	s7 =	sld [smem:$0x3F9A]  }
0x1a: {  	s8 =	sadd.s32 $0xFFFFE003, lr  }
0x1b: {  	s9 =	sadd.s32 $0xFFFFFEF7, lr;
	s5 =	simm.s32 $0xFFFFFFFF;
	p2 =	slt.u32 s8, $0xFFFFF086  }
0x1c: {  	p1 =	slt.u32 s9, $0xF7A;
	s5 =	simm.s32 @!p2 $0x0  }
0x1d: {  	s5 =	simm.s32 @p1 $0x1;
	p0 =	seq.s32 s7, s2  }
0x1e: {  	s7 =	smul.u32 @!p0 $0xF7A, s2;
	p2 =	seq.s32 @!p0 s5, $0x0  }
0x1f: {  	s9 =	smul.u32 $0xF7A, s1;
	s8 =	simm.s32 @!p0 $0x1BF5;
	p2 =	por !p2, p0  }
0x20: {  	[sflag:s8] =	ssyncset.s32 @!p0 $0xFFFFF086;
	s6 =	sadd.s32 @!p0 s3, s7;
	s7 =	simm.s32 @!p0 $0x108  }
0x21: {  	s3 =	sadd.s32 s3, s9;
	s6 =	sadd.s32 @!p0 $0x88, s6;
	s7 =	simm.s32 @p2 $0x1082  }
0x22: {  	[simem:s7], [sflag:s8] =	dma.local @!p0 [hbm:s6], $0xF7A  }
0x23: {  	s9 =	sor.u32 $0xD0000000, s2;
	s6 =	simm.s32 $0x108;
	_ =	swait.ge @!p0 [sflag:s8], $0x0  }
0x24: {  	s3 =	sadd.s32 $0x88, s3;
	s6 =	simm.s32 @!p1 $0x1082;
	[sflag:s4] =	ssyncset.s32 $0xFFFFF086  }
0x25: {  	[simem:s6], [sflag:s4] =	dma.local [hbm:s3], $0xF7A  }
0x26: {  	[smem:$0x3F9A] =	sst s1;
	(tag) =	ssettag s2;
	_ =	strace s9  }
0x27: {  	s1 =	sld [smem:$0x3FAA]  }
0x28: {  	s2 =	sld [smem:$0x3FAB]  }
0x29: {  	s4 =	sld [smem:$0x3FAD]  }
0x2a: {  	p0 =	seq.s32 s5, $0x0;
	s5 =	sld [smem:$0x3FAE]  }
0x2b: {  	s6 =	sld [smem:$0x3FAF]  }
0x2c: {  	s7 =	sld [smem:$0x3FB0]  }
0x2d: {  	s3 =	simm.s32 $0x108;
	s8 =	sld [smem:$0x3FB1]  }
0x2e: {  	s3 =	simm.s32 @!p0 $0x1082;
	s9 =	sld [smem:$0x3FB2]  }
0x2f: {  	lr =	sadd.s32 s0, s3;
	s0 =	sld [smem:$0x3FA9]  }
0x30: {  	s3 =	sld [smem:$0x3FAC]  }
0x31: {  	[smem:$0x3FB5] =	sst s10  }
0x32: {  	s10 =	sld [smem:$0x3FB3];
	_ =	sdelay $0x3  }
0x33: {  	p0 =	seq.s32 s10, $0x1;
	s10 =	sld [smem:$0x3FB5];
	_ =	sdelay $0x3  }
0x34: {  	[smem:$0x3FB5] =	sst s10  }
0x35: {  	s10 =	sld [smem:$0x3FB4];
	_ =	sdelay $0x3  }
0x36: {  	p1 =	seq.s32 s10, $0x1;
	s10 =	sld [smem:$0x3FB5];
	_ =	sdelay $0x3  }
0x37: {  	[smem:$0x3FB5] =	sst s10  }
0x38: {  	s10 =	sld [smem:$0x3FB6]  }
0x39: {  	_ = 	snop;
	(pc) =	sbr.ind lr, $3  }
0x3a: {  	_ = 	snop  }
0x3b: {  	_ = 	snop  }
0x3c: {  	p2 =	seq.s32 s10, $0x1;
	s10 =	sld [smem:$0x3FB5]  }
0x3d: {  	_ =	shalt  }
0x3e: {  	_ =	shalt  }
0x3f: {  	_ =	shalt  }
0x40: {  	_ =	shalt  }
0x41: {  	_ =	shalt  }
0x42: {  	_ =	shalt  }
0x43: {  	_ =	shalt  }
0x44: {  	_ =	shalt  }
0x45: {  	_ =	shalt  }
0x46: {  	_ =	shalt  }
0x47: {  	_ =	shalt  }
0x48: {  	_ =	shalt  }
0x49: {  	_ =	shalt  }
0x4a: {  	_ =	shalt  }
0x4b: {  	_ =	shalt  }
0x4c: {  	_ =	shalt  }
0x4d: {  	_ =	shalt  }
0x4e: {  	_ =	shalt  }
0x4f: {  	_ =	shalt  }
0x50: {  	_ =	shalt  }
0x51: {  	_ =	shalt  }
0x52: {  	_ =	shalt  }
0x53: {  	_ =	shalt  }
0x54: {  	_ =	shalt  }
0x55: {  	_ =	shalt  }
0x56: {  	_ =	shalt  }
0x57: {  	_ =	shalt  }
0x58: {  	_ =	shalt  }
0x59: {  	_ =	shalt  }
0x5a: {  	_ =	shalt  }
0x5b: {  	_ =	shalt  }
0x5c: {  	_ =	shalt  }
0x5d: {  	_ =	shalt  }
0x5e: {  	_ =	shalt  }
0x5f: {  	_ =	shalt  }
0x60: {  	_ =	shalt  }
0x61: {  	_ =	shalt  }
0x62: {  	_ =	shalt  }
0x63: {  	_ =	shalt  }
0x64: {  	_ =	shalt  }
0x65: {  	_ =	shalt  }
0x66: {  	_ =	shalt  }
0x67: {  	_ =	shalt  }
0x68: {  	_ =	shalt  }
0x69: {  	_ =	shalt  }
0x6a: {  	_ =	shalt  }
0x6b: {  	_ =	shalt  }
0x6c: {  	_ =	shalt  }
0x6d: {  	_ =	shalt  }
0x6e: {  	_ =	shalt  }
0x6f: {  	_ =	shalt  }
0x70: {  	_ =	shalt  }
0x71: {  	_ =	shalt  }
0x72: {  	_ =	shalt  }
0x73: {  	_ =	shalt  }
0x74: {  	_ =	shalt  }
0x75: {  	_ =	shalt  }
0x76: {  	_ =	shalt  }
0x77: {  	_ =	shalt  }
0x78: {  	_ =	shalt  }
0x79: {  	_ =	shalt  }
0x7a: {  	_ =	shalt  }
0x7b: {  	_ =	shalt  }
0x7c: {  	_ =	shalt  }
0x7d: {  	_ =	shalt  }
0x7e: {  	_ =	shalt  }
0x7f: {  	_ =	shalt  }
0x80: {  	_ =	shalt  }
0x81: {  	_ =	shalt  }
0x82: {  	_ =	shalt  }
0x83: {  	_ =	shalt  }
0x84: {  	_ =	shalt  }
0x85: {  	_ =	shalt  }
0x86: {  	_ =	shalt  }
0x87: {  	_ =	shalt  }
.Lfunc_end0:
.L_simem_size_0:
called_computation.1_lowered:
.L_overlay_start_0:
0x88: {  	s2 =	sld [smem:$0x3FD9]  }
0x89: {  	s3 =	sld [smem:$0x3FFE];
	_ =	sdelay $0x1  }
0x8a: {  	s1 =	srdreg.scid  }
0x8b: {  	s0 =	sand.u32 $0x1, s1  }
0x8c: {  	s17 =	sshll.u32 s0, $0xA;
	s2 =	sadd.s32 s3, s2  }
0x8d: {  	s2 =	sadd.s32 s2, s17  }
0x8e: {  	[smem:$0x3FC1] =	sst s2  }
0x8f: {  	_ = 	snop  }
0x90: {  	s2 =	sld [smem:$0x3FD0];
	(tm) =	ssettm $0x1  }
0x91: {  	s18 =	sld [smem:$0x3FFB];
	_ =	sdelay $0x3  }
0x92: {  	_ =	strace s18  }
0x93: {  	s3 =	sld [smem:$0x3FFC];
	_ =	sdelay $0x3  }
0x94: {  	_ =	strace s3  }
0x95: {  	s3 =	sld [smem:$0x3FFD];
	_ =	sdelay $0x3  }
0x96: {  	_ =	strace s3  }
0x97: {  	_ =	strace $0x8FFFFFFF  }
0x98: {  	s19 =	sld [smem:$0x3FDB];
	_ =	sdelay $0x1  }
0x99: {  	s4 =	simm.s32 $_scs_section_size  }
0x9a: {  	s5 =	simm.s32 $_size__tile_overlayer_lowered;
	s6 =	simm.s32 $_tile_overlayer_lowered  }
0x9b: {  	s22 =	simm.s32 $0x1BFF;
	s21 =	sshll.u32 s6, $0x1;
	s3 =	sadd.s32 s4, s19  }
0x9c: {  	s7 =	simm.s32 $0x0;
	s20 =	sshll.u32 s5, $0x1;
	s5 =	sadd.s32 s21, s3  }
0x9d: {  	[timem:s7], [sflag:s22] =	dma.local [hbm:s5], s20  }
0x9e: {  	_ =	swait.ge [sflag:s22], s20  }
0x9f: {  	s4 =	ssub.s32 $0x0, s20;
	[sflag:s22] =	ssyncset.done $0x0  }
0xa0: {  	[sflag:s22] =	ssyncadd.s32 s4;
	_ =	sdelay $0x1  }
0xa1: {  	s23 =	simm.s32 $0x1B8B  }
0xa2: {  	_ =	swait.ge [sflag:s23], $0x1  }
0xa3: {  	[sflag:s23] =	ssyncset.done $0x0  }
0xa4: {  	s25 =	simm.s32 $0x1B8E;
	s24 =	sld [smem:$0x3FFE];
	[sflag:s23] =	ssyncadd.s32 $0xFFFFFFFF  }
0xa5: {  	s26 =	simm.s32 $execute0_lowered;
	[smem:$0x3FD2] =	sst s25  }
0xa6: {  	s5 =	sshll.u32 s26, $0x1;
	_ =	strace $0x80000049;
	[dreg:$0x1] =	wrdreg $0xFFFFFFFF  }
0xa7: {  	s28 =	simm.s32 $_size_execute0_lowered;
	s3 =	sadd.s32 s3, s5;
	[dreg:$0x0] =	wrdreg $0x0  }
0xa8: {  	s5 =	sshll.u32 s28, $0x1;
	[dreg:$0x2] =	wrdreg s3  }
0xa9: {  	[dreg:$0x3] =	wrdreg s5  }
0xaa: {  	[dreg:$0x4] =	wrdreg $0xC0  }
0xab: {  	_ =	task [dreg:s7], $0x5FFFF  }
0xac: {  	[dreg:$0x1] =	wrdreg $0xFFFFFFFF  }
0xad: {  	[dreg:$0x0] =	wrdreg $0x60  }
0xae: {  	[dreg:$0x2] =	wrdreg s24  }
0xaf: {  	[dreg:$0x3] =	wrdreg s2  }
0xb0: {  	[dreg:$0x4] =	wrdreg $0x9  }
0xb1: {  	_ =	task.clear_ibuf [dreg:s7], $0x5FFFF;
	_ =	strace $0x90000049  }
0xb2: {  	s29 =	simm.s32 $0x9;
	_ =	strace $0x8000004B  }
0xb3: {  	_ =	swait.ge [sflag:s29], $0x1  }
0xb4: {  	[sflag:s29] =	ssyncadd.s32 $0xFFFFFFFF  }
0xb5: {  	_ =	strace $0x9000004B  }
0xb6: {  	_ =	sfence  }
0xb7: {  	s30 =	sld [smem:$0x0];
	_ =	sdelay $0x2  }
0xb8: {  	s31 =	sshll.u32 s1, $0xD;
	s1 =	sshrl.u32 s1, $0x2  }
0xb9: {  	s3 =	sand.u32 $0x4000, s31;
	s1 =	sadd.s32 s1, s30  }
0xba: {  	s0 =	sor.u32 s3, s0;
	s1 =	sshll.u32 s1, $0x11  }
0xbb: {  	s0 =	sor.u32 s1, s0  }
0xbc: {  	s0 =	sadd.s32 $0x8F2B, s0  }
0xbd: {  	[sflag:s0] =	ssyncadd.remote.s32 $0x1  }
0xbe: {  	_ =	sfence.sel $0xFFFF  }
0xbf: {  	[dreg:$0x0] =	wrdreg $0xFFFFFFFF;
	(pc) =	sbr.abs _section_cstart, $3  }
0xc0: {  	[dreg:$0x1] =	wrdreg $0xFFFFFFFF  }
0xc1: {  	_ =	task.clear_ibuf [dreg:s7], $0x2FFFF;
	_ =	strace $0x9FFFFFFF  }
0xc2: {  	(tm) =	ssettm $0x7FFFFFFF  }
0xc3: {  	_ =	shalt  }
tec
execute0_lowered:
.L_overlay_start_1:
0x0: {  	(tag) =	ssettag $0x1  }
0x1: {  	s0 =	rddreg [dreg:$0x0]  }
0x2: {  	s4 =	rddreg [dreg:$0x1];
	s1 =	srdreg.scid  }
0x3: {  	s3 =	simm.s32 $0x0;
	s5 =	stileid.u32;
	s18 =	simm.s32 $0x5A00  }
0x4: {  	s19 =	simm.s32 $0x5B00;
	s20 =	simm.s32 $0x11D80;
	s21 =	simm.s32 $0x12580  }
0x5: {  	s22 =	simm.s32 $0x12D80;
	s28 =	simm.s32 $0x15580;
	s29 =	simm.s32 $0x15D80  }
0x6: {  	s30 =	simm.s32 $0x16580;
	s31 =	simm.s32 $0x16D80;
	s8 =	simm.s32 $0x19580  }
0x7: {  	s9 =	simm.s32 $0x1;
	s10 =	simm.s32 $0x0;
	s1 =	sand.u32 $0x1, s1  }
0x8: {  	[smem:$0x7FF] =	sst s3;
	s6 =	sadd.s32 $0x4FA00, s0;
	s23 =	sadd.s32 $0x1200, s0  }
0x9: {  	s24 =	sadd.s32 $0x190, s4;
	_ =	strace $0x8000004A;
	[dreg:$0x3] =	wrdreg s6  }
0xa: {  	s4 =	simm.s32 $0x6;
	s2 =	sshll.u32 s1, $0x4;
	[dreg:$0x4] =	wrdreg s23  }
0xb: {  	s1 =	ssub.s32 $0x2, s1;
	s6 =	sadd.s32 $0x1800, s0;
	[dreg:$0x6] =	wrdreg s24  }
0xc: {  	s23 =	simm.s32 $0x13580;
	s2 =	sor.u32 s5, s2;
	s7 =	sshrl.u32 s1, $0x1  }
0xd: {  	s24 =	simm.s32 $0x13D80;
	s5 =	smul.u32 $0x1800, s2;
	s1 =	ssub.s32 s1, s7  }
.Ltmp0:
0xe: {  	s2 =	sshll.u32 s2, $0x7;
	s7 =	simm.s32 $0x18D80;
	(pc) =	sbr.rel .LBB2_1-.Ltmp0, $4  }
0xf: {  	v1 =	vimm.f32 $0.0e+00;
	v5 =	vlaneseq.u32;
	s26 =	smax.u32 s1, $0x1;
	v0 =	vmov s2;
	s2 =	simm.s32 $0x17D80;
	s5 =	sadd.s32 s5, s0  }
0x10: {  	v2 =	vimm.s32 $0x0;
	vm0 =	vmmov $0xffff;
	vm1 =	vcmask $0x300;
	s0 =	sadd.s32 $0x4FB90, s0;
	[dreg:$0x8] =	wrdreg s26;
	s26 =	simm.s32 $0x14D80  }
0x11: {  	v7 =	vimm.s32 $0x80;
	v3 =	vand.u32 $0x7, v5;
	v4 =	vshrl.u32 v5, $0x3;
	[dreg:$0x5] =	wrdreg s0;
	s25 =	sadd.s32 $0x54A00, s5;
	s0 =	simm.s32 $0x17580  }
0x12: {  	v5 =	vor.u32 $0x8, v5;
	v6 =	vsel vm1, $0x3F800000, v1;
	v4 =	vmul.u32 $0x8, v4;
	s5 =	simm.s32 $0x18580;
	[dreg:$0x7] =	wrdreg s25;
	s25 =	simm.s32 $0x14580  }
.LBB2_21:
0x13: {  	s1 =	rddreg [dreg:$0x7];
	s4 =	simm.s32 $0x5C00  }
0x14: {  	[hbm4b:s1+s3] =	stream.linear.scatter [tilespmem:s4], [sflag:$0x6], $0xC000, $0x38;
	[tilespmem:$0x19D80] =	vst v63  }
0x15: {  	s4 =	simm.s32 $0x6  }
0x16: {  	_ =	swait.ge [sflag:s4], $0xC000  }
0x17: {  	s10 =	sadd.s32 $0x1, s10;
	s17 =	rddreg [dreg:$0x8]  }
0x18: {  	p0 =	sne.s32 s10, s17  }
.Ltmp1:
0x19: {  	_ = 	snop;
	(pc) =	sbr.rel @!p0 .LBB2_22-.Ltmp1, $3  }
0x1a: {  	_ =	sdelay $0x1  }
0x1b: {  	[sflag:s4] =	ssyncset.done $0x0  }
0x1c: {  	[sflag:s4] =	ssyncadd.s32 $0xFFFF4000  }
.LBB2_1:
0x1d: {  	[dreg:$0x9] =	wrdreg s10  }
0x1e: {  	s1 =	rddreg [dreg:$0x4]  }
0x1f: {  	[tilespmem:s3], [sflag:$0x6] =	stream.linear.gather [hbm4b:s1+s3], $0x2800, $0x38;
	[tilespmem:$0x19D80] =	vst v63  }
0x20: {  	_ =	swait.ge [sflag:s4], $0x2800  }
0x21: {  	[sflag:s4] =	ssyncset.done $0x0  }
0x22: {  	s10 =	simm.s32 $0x0;
	s1 =	simm.s32 $0x40;
	[sflag:s4] =	ssyncadd.s32 $0xFFFFD800  }
.LBB2_2:
0x23: {  	p0 =	sne.s32 s1, $0x305C0;
	[tilespmem:s10+$0x5C00] =	vst v1;
	s10 =	smov.u32 s1;
	s1 =	sadd.s32 $0x40, s1  }
.Ltmp2:
0x24: {  	(pc) =	sbr.rel @p0 .LBB2_2-.Ltmp2, $2  }
0x25: {  	_ =	sdelay $0x2  }
0x26: {  	s10 =	sshra.s32 s10, $0x2  }
0x27: {  	[tilespmem:s10+$0x5C00] =	vst v1;
	s12 =	simm.s32 $0x0;
	s1 =	rddreg [dreg:$0x3];
	s4 =	simm.s32 $0x2800  }
0x28: {  	[tilespmem:s4], [sflag:$0x2] =	stream.linear.gather [hbm4b:s1+s12], $0xC80, $0x38;
	[tilespmem:$0x19D80] =	vst v63  }
0x29: {  	s11 =	rddreg [dreg:$0x1];
	s13 =	simm.s32 $0x3480  }
0x2a: {  	[tilespmem:s13], [sflag:$0x3] =	stream.linear.gather [hbm4b:s11+s12], $0xC80, $0x38;
	[tilespmem:$0x19D80] =	vst v63  }
.Ltmp3:
0x2b: {  	_ = 	snop;
	(pc) =	sbr.rel .LBB2_4-.Ltmp3, $4  }
0x2c: {  	s14 =	rddreg [dreg:$0x5];
	s15 =	simm.s32 $0x4100  }
0x2d: {  	[tilespmem:s15], [sflag:$0x4] =	stream.linear.gather [hbm4b:s14+s12], $0xC80, $0x38;
	[tilespmem:$0x19D80] =	vst v63  }
0x2e: {  	s16 =	rddreg [dreg:$0x6];
	s17 =	simm.s32 $0x4D80  }
0x2f: {  	v8 =	vimm.s32 $0x0;
	[tilespmem:s17], [sflag:$0x5] =	stream.linear.gather [hbm4b:s16+s12], $0xC80, $0x38;
	[tilespmem:$0x19D80] =	vst v63  }
.LBB2_16:
0x30: {  	s12 =	sadd.s32 $0x1, s12  }
0x31: {  	p0 =	sne.s32 s12, $0x19  }
.Ltmp4:
0x32: {  	s1 =	sadd.s32 $0x4B0, s13;
	s4 =	rddreg [dreg:$0x3];
	(pc) =	sbr.rel @!p0 .LBB2_17-.Ltmp4, $4  }
0x33: {  	s10 =	simm.s32 $0x4100;
	s16 =	rddreg [dreg:$0x1];
	s4 =	sadd.s32 s4, s1  }
0x34: {  	[tilespmem:s10], [sflag:$0x4] =	stream.linear.gather [hbm4b:s4+s3], $0xC80, $0x38;
	[tilespmem:$0x19D80] =	vst v63  }
0x35: {  	s17 =	simm.s32 $0x4D80;
	s1 =	sadd.s32 s16, s1  }
0x36: {  	[tilespmem:s17], [sflag:$0x5] =	stream.linear.gather [hbm4b:s1+s3], $0xC80, $0x38;
	[tilespmem:$0x19D80] =	vst v63  }
.LBB2_4:
0x37: {  	s1 =	simm.s32 $0x2  }
0x38: {  	_ =	swait.ge [sflag:s1], $0xC80  }
.Ltmp5:
0x39: {  	[sflag:s1] =	ssyncset.done $0x0;
	(pc) =	sbr.rel .LBB2_5-.Ltmp5, $4  }
0x3a: {  	s17 =	simm.s32 $0x3;
	[sflag:s1] =	ssyncadd.s32 $0xFFFFF380  }
0x3b: {  	_ =	swait.ge [sflag:s17], $0xC80  }
0x3c: {  	[sflag:s17] =	ssyncset.done $0x0  }
0x3d: {  	s13 =	simm.s32 $0x0;
	[sflag:s17] =	ssyncadd.s32 $0xFFFFF380  }
.LBB2_8:
0x3e: {  	[tilespmem:s16+$0x5CF0] =	vst v9  }
0x3f: {  	v9 =	vld [tilespmem:$0x5A80]  }
0x40: {  	v10 =	vld [tilespmem:$0x5B80]  }
0x41: {  	v11 =	vld [tilespmem:$0x5A90]  }
0x42: {  	v12 =	vld [tilespmem:$0x5B90]  }
0x43: {  	v13 =	vld [tilespmem:$0x5AA0]  }
0x44: {  	[tilespmem:$0x5A00] =	vst v9;
	v9 =	vld [tilespmem:$0x5BA0]  }
0x45: {  	[tilespmem:$0x5B00] =	vst v10;
	v10 =	vld [tilespmem:$0x5AB0]  }
0x46: {  	[tilespmem:$0x5A10] =	vst v11;
	v11 =	vld [tilespmem:$0x5BB0]  }
0x47: {  	[tilespmem:$0x5B10] =	vst v12  }
0x48: {  	[tilespmem:$0x5A20] =	vst v13  }
0x49: {  	[tilespmem:$0x5B20] =	vst v9  }
0x4a: {  	[tilespmem:$0x5A30] =	vst v10  }
0x4b: {  	[tilespmem:$0x5B30] =	vst v11  }
.LBB2_9:
0x4c: {  	s13 =	sadd.s32 $0x1, s13  }
0x4d: {  	p1 =	sne.s32 s13, $0x19  }
.Ltmp6:
0x4e: {  	_ = 	snop;
	(pc) =	sbr.rel @!p1 .LBB2_10-.Ltmp6, $3  }
0x4f: {  	_ =	sdelay $0x1  }
0x50: {  	p0 =	sgt.s32 s14, $0x7F;
	v9 =	vadd.s32 $0xFFFFFF80, v8  }
0x51: {  	v8 =	vpsel p0, v9, v8  }
.LBB2_5:
0x52: {  	s1 =	sshll.u32 s13, $0x7  }
0x53: {  	v9 =	vld [tilespmem:s1+$0x2800];
	_ =	sdelay $0x7  }
0x54: {  	v9 =	vld.idx.msk [tilespmem:v9+s3+$0x0], $0xffff;
	_ =	sdelay $0x4  }
0x55: {  	v9 =	vsub.s32 v9, v0  }
0x56: {  	vm1 =	vlt.u32 v9, $0x80  }
0x57: {  	v10 =	vsel vm1, $0x1, v2  }
0x58: {  	(xrf0) =	vadd.scan.msk.s32 $0xffff, v10;
	_ =	sdelay $0x5  }
0x59: {  	v10, _, _ =	vpop (xrf0)  }
0x5a: {  	v10 =	vadd.s32 v10, v8  }
0x5b: {  	v11 =	vld [tilespmem:s1+$0x3480];
	v10 =	vadd.s32 $0xFFFFFFFF, v10;
	_ =	sdelay $0x4  }
0x5c: {  	[tilespmem:v10+s18+$0x0] =	vst.idx.msk vm1, v11  }
0x5d: {  	[tilespmem:v10+s19+$0x0] =	vst.idx.msk vm1, v9  }
0x5e: {  	v9 =	vld [tilespmem:s1+$0x2810];
	_ =	sdelay $0x7  }
0x5f: {  	v9 =	vld.idx.msk [tilespmem:v9+s3+$0x0], $0xffff;
	_ =	sdelay $0x4  }
0x60: {  	v9 =	vsub.s32 v9, v0  }
0x61: {  	vm2 =	vlt.u32 v9, $0x80  }
0x62: {  	v10 =	vsel vm2, $0x1, v2  }
0x63: {  	(xrf0) =	vadd.scan.msk.s32 $0xffff, v10;
	_ =	sdelay $0x1  }
0x64: {  	v10 =	vmpcnt.ones.xlane vm1;
	_ =	sdelay $0x3  }
0x65: {  	v8 =	vadd.s32 v8, v10;
	v10, _, _ =	vpop (xrf0)  }
0x66: {  	v10 =	vadd.s32 v10, v8  }
0x67: {  	v11 =	vld [tilespmem:s1+$0x3490];
	v10 =	vadd.s32 $0xFFFFFFFF, v10;
	_ =	sdelay $0x4  }
0x68: {  	[tilespmem:v10+s18+$0x0] =	vst.idx.msk vm2, v11  }
0x69: {  	[tilespmem:v10+s19+$0x0] =	vst.idx.msk vm2, v9  }
0x6a: {  	v9 =	vld [tilespmem:s1+$0x2820];
	_ =	sdelay $0x7  }
0x6b: {  	v9 =	vld.idx.msk [tilespmem:v9+s3+$0x0], $0xffff;
	_ =	sdelay $0x4  }
0x6c: {  	v9 =	vsub.s32 v9, v0  }
0x6d: {  	vm1 =	vlt.u32 v9, $0x80  }
0x6e: {  	v10 =	vsel vm1, $0x1, v2  }
0x6f: {  	(xrf0) =	vadd.scan.msk.s32 $0xffff, v10;
	_ =	sdelay $0x1  }
0x70: {  	v10 =	vmpcnt.ones.xlane vm2;
	_ =	sdelay $0x3  }
0x71: {  	v8 =	vadd.s32 v8, v10;
	v10, _, _ =	vpop (xrf0)  }
0x72: {  	v10 =	vadd.s32 v10, v8  }
0x73: {  	v11 =	vld [tilespmem:s1+$0x34A0];
	v10 =	vadd.s32 $0xFFFFFFFF, v10;
	_ =	sdelay $0x4  }
0x74: {  	[tilespmem:v10+s18+$0x0] =	vst.idx.msk vm1, v11  }
0x75: {  	[tilespmem:v10+s19+$0x0] =	vst.idx.msk vm1, v9  }
0x76: {  	v9 =	vld [tilespmem:s1+$0x2830];
	_ =	sdelay $0x7  }
0x77: {  	v9 =	vld.idx.msk [tilespmem:v9+s3+$0x0], $0xffff;
	_ =	sdelay $0x4  }
0x78: {  	v9 =	vsub.s32 v9, v0  }
0x79: {  	vm2 =	vlt.u32 v9, $0x80  }
0x7a: {  	v10 =	vsel vm2, $0x1, v2  }
0x7b: {  	(xrf0) =	vadd.scan.msk.s32 $0xffff, v10;
	_ =	sdelay $0x1  }
0x7c: {  	v10 =	vmpcnt.ones.xlane vm1;
	_ =	sdelay $0x3  }
0x7d: {  	v8 =	vadd.s32 v8, v10;
	v10, _, _ =	vpop (xrf0)  }
0x7e: {  	v10 =	vadd.s32 v10, v8  }
0x7f: {  	v11 =	vld [tilespmem:s1+$0x34B0];
	v10 =	vadd.s32 $0xFFFFFFFF, v10;
	_ =	sdelay $0x4  }
0x80: {  	[tilespmem:v10+s18+$0x0] =	vst.idx.msk vm2, v11  }
0x81: {  	[tilespmem:v10+s19+$0x0] =	vst.idx.msk vm2, v9  }
0x82: {  	v9 =	vld [tilespmem:s1+$0x2840];
	_ =	sdelay $0x7  }
0x83: {  	v9 =	vld.idx.msk [tilespmem:v9+s3+$0x0], $0xffff;
	_ =	sdelay $0x4  }
0x84: {  	v9 =	vsub.s32 v9, v0  }
0x85: {  	vm1 =	vlt.u32 v9, $0x80  }
0x86: {  	v10 =	vsel vm1, $0x1, v2  }
0x87: {  	(xrf0) =	vadd.scan.msk.s32 $0xffff, v10;
	_ =	sdelay $0x1  }
0x88: {  	v10 =	vmpcnt.ones.xlane vm2;
	_ =	sdelay $0x3  }
0x89: {  	v8 =	vadd.s32 v8, v10;
	v10, _, _ =	vpop (xrf0)  }
0x8a: {  	v10 =	vadd.s32 v10, v8  }
0x8b: {  	v11 =	vld [tilespmem:s1+$0x34C0];
	v10 =	vadd.s32 $0xFFFFFFFF, v10;
	_ =	sdelay $0x4  }
0x8c: {  	[tilespmem:v10+s18+$0x0] =	vst.idx.msk vm1, v11  }
0x8d: {  	[tilespmem:v10+s19+$0x0] =	vst.idx.msk vm1, v9  }
0x8e: {  	v9 =	vld [tilespmem:s1+$0x2850];
	_ =	sdelay $0x7  }
0x8f: {  	v9 =	vld.idx.msk [tilespmem:v9+s3+$0x0], $0xffff;
	_ =	sdelay $0x4  }
0x90: {  	v9 =	vsub.s32 v9, v0  }
0x91: {  	vm2 =	vlt.u32 v9, $0x80  }
0x92: {  	v10 =	vsel vm2, $0x1, v2  }
0x93: {  	(xrf0) =	vadd.scan.msk.s32 $0xffff, v10;
	_ =	sdelay $0x1  }
0x94: {  	v10 =	vmpcnt.ones.xlane vm1;
	_ =	sdelay $0x3  }
0x95: {  	v8 =	vadd.s32 v8, v10;
	v10, _, _ =	vpop (xrf0)  }
0x96: {  	v10 =	vadd.s32 v10, v8  }
0x97: {  	v11 =	vld [tilespmem:s1+$0x34D0];
	v10 =	vadd.s32 $0xFFFFFFFF, v10;
	_ =	sdelay $0x4  }
0x98: {  	[tilespmem:v10+s18+$0x0] =	vst.idx.msk vm2, v11  }
0x99: {  	[tilespmem:v10+s19+$0x0] =	vst.idx.msk vm2, v9  }
0x9a: {  	v9 =	vld [tilespmem:s1+$0x2860];
	_ =	sdelay $0x7  }
0x9b: {  	v9 =	vld.idx.msk [tilespmem:v9+s3+$0x0], $0xffff;
	_ =	sdelay $0x4  }
0x9c: {  	v9 =	vsub.s32 v9, v0  }
0x9d: {  	vm1 =	vlt.u32 v9, $0x80  }
0x9e: {  	v10 =	vsel vm1, $0x1, v2  }
0x9f: {  	(xrf0) =	vadd.scan.msk.s32 $0xffff, v10;
	_ =	sdelay $0x1  }
0xa0: {  	v10 =	vmpcnt.ones.xlane vm2;
	_ =	sdelay $0x3  }
0xa1: {  	v8 =	vadd.s32 v8, v10;
	v10, _, _ =	vpop (xrf0)  }
0xa2: {  	v10 =	vadd.s32 v10, v8  }
0xa3: {  	v11 =	vld [tilespmem:s1+$0x34E0];
	v10 =	vadd.s32 $0xFFFFFFFF, v10;
	_ =	sdelay $0x4  }
0xa4: {  	[tilespmem:v10+s18+$0x0] =	vst.idx.msk vm1, v11  }
0xa5: {  	[tilespmem:v10+s19+$0x0] =	vst.idx.msk vm1, v9  }
0xa6: {  	v9 =	vld [tilespmem:s1+$0x2870];
	_ =	sdelay $0x7  }
0xa7: {  	v9 =	vld.idx.msk [tilespmem:v9+s3+$0x0], $0xffff;
	_ =	sdelay $0x4  }
0xa8: {  	v9 =	vsub.s32 v9, v0  }
0xa9: {  	v10 =	vmpcnt.ones.xlane vm1;
	vm1 =	vlt.u32 v9, $0x80  }
0xaa: {  	v11 =	vmpcnt.ones.xlane vm1  }
0xab: {  	v10 =	vadd.s32 v8, v10  }
0xac: {  	v8 =	vadd.s32 v10, v11  }
0xad: {  	(v2sf) =	vpush v8, $0x0;
	_ =	sdelay $0x5  }
0xae: {  	v11 =	vsel vm1, $0x1, v2  }
0xaf: {  	(xrf0) =	vadd.scan.msk.s32 $0xffff, v11;
	_ =	sdelay $0x5  }
0xb0: {  	v11, _, _ =	vpop (xrf0)  }
0xb1: {  	v10 =	vadd.s32 v11, v10  }
0xb2: {  	v11 =	vld [tilespmem:s1+$0x34F0];
	v10 =	vadd.s32 $0xFFFFFFFF, v10;
	s14 =	spop (v2sf)  }
0xb3: {  	p0 =	slt.s32 s14, $0x80  }
.Ltmp7:
0xb4: {  	_ = 	snop;
	(pc) =	sbr.rel @p0 .LBB2_9-.Ltmp7, $3  }
0xb5: {  	_ =	sdelay $0x1  }
0xb6: {  	[tilespmem:v10+s18+$0x0] =	vst.idx.msk vm1, v11  }
0xb7: {  	[tilespmem:v10+s19+$0x0] =	vst.idx.msk vm1, v9  }
0xb8: {  	v9 =	vld [tilespmem:$0x5A00];
	_ =	sdelay $0x4  }
0xb9: {  	v10 =	vshll.u32 v9, $0x1  }
0xba: {  	v9 =	vand.u32 $0x7, v9;
	v10 =	vand.u32 $0xFFFFFFF0, v10  }
0xbb: {  	v9 =	vor.u32 v9, v10  }
0xbc: {  	v10 =	vperm.xlane v9, v3;
	_ =	sdelay $0x1  }
0xbd: {  	v9 =	vperm.xlane v9, v5;
	v10 =	vadd.s32 v4, v10;
	_ =	sdelay $0x1  }
0xbe: {  	v9 =	vadd.s32 v4, v9;
	_ =	sdelay $0x1  }
0xbf: {  	s15 =	simm.s32 $0x0  }
0xc0: {  	[tilespmem:s20], [sflag:$0x1] =	stream.indirect_vreg.gather [hbm4b:s6+s15], $0x80, v10, vm0, $0xb8;
	[tilespmem:$0x19D80] =	vst v63  }
0xc1: {  	_ = 	snop  }
0xc2: {  	[tilespmem:s21], [sflag:$0x1] =	stream.indirect_vreg.gather [hbm4b:s6+s15], $0x80, v9, vm0, $0xb8;
	[tilespmem:$0x19D80] =	vst v63  }
0xc3: {  	v9 =	vld [tilespmem:$0x5A10];
	_ =	sdelay $0x4  }
0xc4: {  	v10 =	vshll.u32 v9, $0x1  }
0xc5: {  	v9 =	vand.u32 $0x7, v9;
	v10 =	vand.u32 $0xFFFFFFF0, v10  }
0xc6: {  	v9 =	vor.u32 v9, v10  }
0xc7: {  	v10 =	vperm.xlane v9, v3;
	_ =	sdelay $0x1  }
0xc8: {  	v9 =	vperm.xlane v9, v5;
	v10 =	vadd.s32 v4, v10;
	_ =	sdelay $0x1  }
0xc9: {  	v9 =	vadd.s32 v4, v9;
	_ =	sdelay $0x2  }
0xca: {  	[tilespmem:s22], [sflag:$0x1] =	stream.indirect_vreg.gather [hbm4b:s6+s15], $0x80, v10, vm0, $0xb8;
	[tilespmem:$0x19D80] =	vst v63  }
0xcb: {  	_ = 	snop  }
0xcc: {  	[tilespmem:s23], [sflag:$0x1] =	stream.indirect_vreg.gather [hbm4b:s6+s15], $0x80, v9, vm0, $0xb8;
	[tilespmem:$0x19D80] =	vst v63  }
0xcd: {  	v9 =	vld [tilespmem:$0x5A20];
	_ =	sdelay $0x4  }
0xce: {  	v10 =	vshll.u32 v9, $0x1  }
0xcf: {  	v9 =	vand.u32 $0x7, v9;
	v10 =	vand.u32 $0xFFFFFFF0, v10  }
0xd0: {  	v9 =	vor.u32 v9, v10  }
0xd1: {  	v10 =	vperm.xlane v9, v3;
	_ =	sdelay $0x1  }
0xd2: {  	v9 =	vperm.xlane v9, v5;
	v10 =	vadd.s32 v4, v10;
	_ =	sdelay $0x1  }
0xd3: {  	v9 =	vadd.s32 v4, v9;
	_ =	sdelay $0x2  }
0xd4: {  	[tilespmem:s24], [sflag:$0x1] =	stream.indirect_vreg.gather [hbm4b:s6+s15], $0x80, v10, vm0, $0xb8;
	[tilespmem:$0x19D80] =	vst v63  }
0xd5: {  	_ = 	snop  }
0xd6: {  	[tilespmem:s25], [sflag:$0x1] =	stream.indirect_vreg.gather [hbm4b:s6+s15], $0x80, v9, vm0, $0xb8;
	[tilespmem:$0x19D80] =	vst v63  }
0xd7: {  	v9 =	vld [tilespmem:$0x5A30];
	_ =	sdelay $0x4  }
0xd8: {  	v10 =	vshll.u32 v9, $0x1  }
0xd9: {  	v9 =	vand.u32 $0x7, v9;
	v10 =	vand.u32 $0xFFFFFFF0, v10  }
0xda: {  	v9 =	vor.u32 v9, v10  }
0xdb: {  	v10 =	vperm.xlane v9, v3;
	_ =	sdelay $0x1  }
0xdc: {  	v9 =	vperm.xlane v9, v5;
	v10 =	vadd.s32 v4, v10;
	_ =	sdelay $0x1  }
0xdd: {  	v9 =	vadd.s32 v4, v9;
	_ =	sdelay $0x2  }
0xde: {  	[tilespmem:s26], [sflag:$0x1] =	stream.indirect_vreg.gather [hbm4b:s6+s15], $0x80, v10, vm0, $0xb8;
	[tilespmem:$0x19D80] =	vst v63  }
0xdf: {  	_ = 	snop  }
0xe0: {  	[tilespmem:s28], [sflag:$0x1] =	stream.indirect_vreg.gather [hbm4b:s6+s15], $0x80, v9, vm0, $0xb8;
	[tilespmem:$0x19D80] =	vst v63  }
0xe1: {  	v9 =	vld [tilespmem:$0x5A40];
	_ =	sdelay $0x4  }
0xe2: {  	v10 =	vshll.u32 v9, $0x1  }
0xe3: {  	v9 =	vand.u32 $0x7, v9;
	v10 =	vand.u32 $0xFFFFFFF0, v10  }
0xe4: {  	v9 =	vor.u32 v9, v10  }
0xe5: {  	v10 =	vperm.xlane v9, v3;
	_ =	sdelay $0x1  }
0xe6: {  	v9 =	vperm.xlane v9, v5;
	v10 =	vadd.s32 v4, v10;
	_ =	sdelay $0x1  }
0xe7: {  	v9 =	vadd.s32 v4, v9;
	_ =	sdelay $0x2  }
0xe8: {  	[tilespmem:s29], [sflag:$0x1] =	stream.indirect_vreg.gather [hbm4b:s6+s15], $0x80, v10, vm0, $0xb8;
	[tilespmem:$0x19D80] =	vst v63  }
0xe9: {  	_ = 	snop  }
0xea: {  	[tilespmem:s30], [sflag:$0x1] =	stream.indirect_vreg.gather [hbm4b:s6+s15], $0x80, v9, vm0, $0xb8;
	[tilespmem:$0x19D80] =	vst v63  }
0xeb: {  	v9 =	vld [tilespmem:$0x5A50];
	_ =	sdelay $0x4  }
0xec: {  	v10 =	vshll.u32 v9, $0x1  }
0xed: {  	v9 =	vand.u32 $0x7, v9;
	v10 =	vand.u32 $0xFFFFFFF0, v10  }
0xee: {  	v9 =	vor.u32 v9, v10  }
0xef: {  	v10 =	vperm.xlane v9, v3;
	_ =	sdelay $0x1  }
0xf0: {  	v9 =	vperm.xlane v9, v5;
	v10 =	vadd.s32 v4, v10;
	_ =	sdelay $0x1  }
0xf1: {  	v9 =	vadd.s32 v4, v9;
	_ =	sdelay $0x2  }
0xf2: {  	[tilespmem:s31], [sflag:$0x1] =	stream.indirect_vreg.gather [hbm4b:s6+s15], $0x80, v10, vm0, $0xb8;
	[tilespmem:$0x19D80] =	vst v63  }
0xf3: {  	_ = 	snop  }
0xf4: {  	[tilespmem:s0], [sflag:$0x1] =	stream.indirect_vreg.gather [hbm4b:s6+s15], $0x80, v9, vm0, $0xb8;
	[tilespmem:$0x19D80] =	vst v63  }
0xf5: {  	v9 =	vld [tilespmem:$0x5A60];
	_ =	sdelay $0x4  }
0xf6: {  	v10 =	vshll.u32 v9, $0x1  }
0xf7: {  	v9 =	vand.u32 $0x7, v9;
	v10 =	vand.u32 $0xFFFFFFF0, v10  }
0xf8: {  	v9 =	vor.u32 v9, v10  }
0xf9: {  	v10 =	vperm.xlane v9, v3;
	_ =	sdelay $0x1  }
0xfa: {  	v9 =	vperm.xlane v9, v5;
	v10 =	vadd.s32 v4, v10;
	_ =	sdelay $0x1  }
0xfb: {  	v9 =	vadd.s32 v4, v9;
	_ =	sdelay $0x2  }
0xfc: {  	[tilespmem:s2], [sflag:$0x1] =	stream.indirect_vreg.gather [hbm4b:s6+s15], $0x80, v10, vm0, $0xb8;
	[tilespmem:$0x19D80] =	vst v63  }
0xfd: {  	_ = 	snop  }
0xfe: {  	[tilespmem:s5], [sflag:$0x1] =	stream.indirect_vreg.gather [hbm4b:s6+s15], $0x80, v9, vm0, $0xb8;
	[tilespmem:$0x19D80] =	vst v63  }
0xff: {  	v9 =	vld [tilespmem:$0x5A70];
	_ =	sdelay $0x4  }
0x100: {  	v10 =	vshll.u32 v9, $0x1  }
0x101: {  	v9 =	vand.u32 $0x7, v9;
	v10 =	vand.u32 $0xFFFFFFF0, v10  }
0x102: {  	v9 =	vor.u32 v9, v10  }
0x103: {  	v10 =	vperm.xlane v9, v3;
	_ =	sdelay $0x1  }
0x104: {  	v9 =	vperm.xlane v9, v5;
	v10 =	vadd.s32 v4, v10;
	_ =	sdelay $0x1  }
0x105: {  	v9 =	vadd.s32 v4, v9;
	_ =	sdelay $0x2  }
0x106: {  	[tilespmem:s7], [sflag:$0x1] =	stream.indirect_vreg.gather [hbm4b:s6+s15], $0x80, v10, vm0, $0xb8;
	[tilespmem:$0x19D80] =	vst v63  }
0x107: {  	_ = 	snop  }
0x108: {  	[tilespmem:s8], [sflag:$0x1] =	stream.indirect_vreg.gather [hbm4b:s6+s15], $0x80, v9, vm0, $0xb8;
	[tilespmem:$0x19D80] =	vst v63  }
0x109: {  	_ =	swait.ge [sflag:s9], $0x8000  }
0x10a: {  	[sflag:s9] =	ssyncset.done $0x0  }
0x10b: {  	s1 =	simm.s32 $0x5B00;
	[sflag:s9] =	ssyncadd.s32 $0xFFFF8000  }
0x10c: {  	v9 =	vld [tilespmem:s1+$0x0];
	_ =	sdelay $0x4  }
0x10d: {  	(v2sf) =	vpush v9, $0x0;
	_ =	sdelay $0xe  }
0x10e: {  	s10 =	spop (v2sf)  }
0x10f: {  	s11 =	sand.u32 $0x7800, s15;
	s16 =	sand.u32 $0x380, s15;
	s10 =	smul.u32 $0x600, s10  }
0x110: {  	s11 =	sor.u32 s16, s11  }
0x111: {  	v9 =	vld [tilespmem:s11+$0x11D80];
	s16 =	sshra.s32 s10, $0x2  }
0x112: {  	v10 =	vld [tilespmem:s16+$0x5C00];
	_ =	sdelay $0x4  }
0x113: {  	v9 =	vadd.f32 v9, v10;
	_ =	sdelay $0x1  }
0x114: {  	s17 =	sadd.s32 $0x11D80, s11;
	[tilespmem:s16+$0x5C00] =	vst v9;
	v9 =	vld [tilespmem:s16+$0x5C10]  }
0x115: {  	v10 =	vld [tilespmem:s17+$0x10];
	_ =	sdelay $0x4  }
0x116: {  	v9 =	vadd.f32 v10, v9;
	_ =	sdelay $0x1  }
0x117: {  	[tilespmem:s16+$0x5C10] =	vst v9;
	v9 =	vld [tilespmem:s16+$0x5C20]  }
0x118: {  	v10 =	vld [tilespmem:s17+$0x20];
	_ =	sdelay $0x4  }
0x119: {  	v9 =	vadd.f32 v10, v9;
	_ =	sdelay $0x1  }
0x11a: {  	[tilespmem:s16+$0x5C20] =	vst v9;
	v9 =	vld [tilespmem:s16+$0x5C30]  }
0x11b: {  	v10 =	vld [tilespmem:s17+$0x30];
	_ =	sdelay $0x4  }
0x11c: {  	v9 =	vadd.f32 v10, v9;
	_ =	sdelay $0x1  }
0x11d: {  	[tilespmem:s16+$0x5C30] =	vst v9;
	v9 =	vld [tilespmem:s16+$0x5C40]  }
0x11e: {  	v10 =	vld [tilespmem:s17+$0x40];
	_ =	sdelay $0x4  }
0x11f: {  	v9 =	vadd.f32 v10, v9;
	_ =	sdelay $0x1  }
0x120: {  	[tilespmem:s16+$0x5C40] =	vst v9;
	v9 =	vld [tilespmem:s16+$0x5C50]  }
0x121: {  	v10 =	vld [tilespmem:s17+$0x50];
	_ =	sdelay $0x4  }
0x122: {  	v9 =	vadd.f32 v10, v9;
	_ =	sdelay $0x1  }
0x123: {  	[tilespmem:s16+$0x5C50] =	vst v9;
	v9 =	vld [tilespmem:s16+$0x5C60]  }
0x124: {  	v10 =	vld [tilespmem:s17+$0x60];
	_ =	sdelay $0x4  }
0x125: {  	v9 =	vadd.f32 v10, v9;
	_ =	sdelay $0x1  }
0x126: {  	[tilespmem:s16+$0x5C60] =	vst v9;
	v9 =	vld [tilespmem:s16+$0x5C70]  }
0x127: {  	v10 =	vld [tilespmem:s17+$0x70];
	_ =	sdelay $0x4  }
0x128: {  	v9 =	vadd.f32 v10, v9;
	_ =	sdelay $0x1  }
0x129: {  	[tilespmem:s16+$0x5C70] =	vst v9;
	v9 =	vld [tilespmem:s16+$0x5C80]  }
0x12a: {  	v10 =	vld [tilespmem:s17+$0x400];
	_ =	sdelay $0x4  }
0x12b: {  	v9 =	vadd.f32 v10, v9;
	_ =	sdelay $0x1  }
0x12c: {  	[tilespmem:s16+$0x5C80] =	vst v9;
	v9 =	vld [tilespmem:s16+$0x5C90]  }
0x12d: {  	v10 =	vld [tilespmem:s17+$0x410];
	_ =	sdelay $0x4  }
0x12e: {  	v9 =	vadd.f32 v10, v9;
	_ =	sdelay $0x1  }
0x12f: {  	[tilespmem:s16+$0x5C90] =	vst v9;
	v9 =	vld [tilespmem:s16+$0x5CA0]  }
0x130: {  	v10 =	vld [tilespmem:s17+$0x420];
	_ =	sdelay $0x4  }
0x131: {  	v9 =	vadd.f32 v10, v9;
	_ =	sdelay $0x1  }
0x132: {  	[tilespmem:s16+$0x5CA0] =	vst v9;
	v9 =	vld [tilespmem:s16+$0x5CB0]  }
0x133: {  	v10 =	vld [tilespmem:s17+$0x430];
	_ =	sdelay $0x4  }
0x134: {  	v9 =	vadd.f32 v10, v9;
	_ =	sdelay $0x1  }
0x135: {  	[tilespmem:s16+$0x5CB0] =	vst v9;
	v9 =	vld [tilespmem:s16+$0x5CC0]  }
0x136: {  	v10 =	vld [tilespmem:s17+$0x440];
	_ =	sdelay $0x4  }
0x137: {  	v9 =	vadd.f32 v10, v9;
	_ =	sdelay $0x1  }
0x138: {  	[tilespmem:s16+$0x5CC0] =	vst v9;
	v9 =	vld [tilespmem:s16+$0x5CD0]  }
0x139: {  	v10 =	vld [tilespmem:s17+$0x450];
	_ =	sdelay $0x4  }
0x13a: {  	v9 =	vadd.f32 v10, v9;
	_ =	sdelay $0x1  }
0x13b: {  	[tilespmem:s16+$0x5CD0] =	vst v9;
	v9 =	vld [tilespmem:s16+$0x5CE0]  }
0x13c: {  	v10 =	vld [tilespmem:s17+$0x460];
	_ =	sdelay $0x4  }
0x13d: {  	v9 =	vadd.f32 v10, v9  }
0x13e: {  	v10 =	vld [tilespmem:s16+$0x5D00]  }
0x13f: {  	[tilespmem:s16+$0x5CE0] =	vst v9;
	v9 =	vld [tilespmem:s16+$0x5CF0]  }
0x140: {  	v11 =	vld [tilespmem:s17+$0x470];
	_ =	sdelay $0x2  }
0x141: {  	v10 =	vadd.f32 v6, v10;
	_ =	sdelay $0x1  }
0x142: {  	s17 =	simm.s32 $0x100;
	[tilespmem:s16+$0x5D00] =	vst v10;
	v9 =	vadd.f32 v11, v9  }
.LBB2_7:
0x143: {  	p0 =	sne.s32 s17, $0x7F00;
	s15 =	sadd.s32 $0x80, s15;
	s1 =	sadd.s32 $0x1, s1  }
0x144: {  	s10 =	smov.u32 s17;
	s17 =	sadd.s32 $0x100, s17;
	[tilespmem:s16+$0x5CF0] =	vst v9  }
0x145: {  	v9 =	vld [tilespmem:s1+$0x0];
	_ =	sdelay $0x4  }
0x146: {  	(v2sf) =	vpush v9, $0x0;
	_ =	sdelay $0xe  }
0x147: {  	s11 =	spop (v2sf)  }
0x148: {  	s10 =	sand.u32 $0x7800, s10;
	s16 =	sand.u32 $0x380, s15;
	s11 =	smul.u32 $0x600, s11  }
0x149: {  	s10 =	sor.u32 s16, s10  }
0x14a: {  	s16 =	sshra.s32 s11, $0x2;
	v9 =	vld [tilespmem:s10+$0x11D80]  }
0x14b: {  	v10 =	vld [tilespmem:s16+$0x5C00];
	_ =	sdelay $0x4  }
0x14c: {  	v9 =	vadd.f32 v9, v10  }
0x14d: {  	s10 =	sadd.s32 $0x11D80, s10  }
0x14e: {  	[tilespmem:s16+$0x5C00] =	vst v9;
	v9 =	vld [tilespmem:s16+$0x5C10]  }
0x14f: {  	v10 =	vld [tilespmem:s10+$0x10];
	_ =	sdelay $0x4  }
0x150: {  	v9 =	vadd.f32 v10, v9;
	_ =	sdelay $0x1  }
0x151: {  	[tilespmem:s16+$0x5C10] =	vst v9;
	v9 =	vld [tilespmem:s16+$0x5C20]  }
0x152: {  	v10 =	vld [tilespmem:s10+$0x20];
	_ =	sdelay $0x4  }
0x153: {  	v9 =	vadd.f32 v10, v9;
	_ =	sdelay $0x1  }
0x154: {  	[tilespmem:s16+$0x5C20] =	vst v9;
	v9 =	vld [tilespmem:s16+$0x5C30]  }
0x155: {  	v10 =	vld [tilespmem:s10+$0x30];
	_ =	sdelay $0x4  }
0x156: {  	v9 =	vadd.f32 v10, v9;
	_ =	sdelay $0x1  }
0x157: {  	[tilespmem:s16+$0x5C30] =	vst v9;
	v9 =	vld [tilespmem:s16+$0x5C40]  }
0x158: {  	v10 =	vld [tilespmem:s10+$0x40];
	_ =	sdelay $0x4  }
0x159: {  	v9 =	vadd.f32 v10, v9;
	_ =	sdelay $0x1  }
0x15a: {  	[tilespmem:s16+$0x5C40] =	vst v9;
	v9 =	vld [tilespmem:s16+$0x5C50]  }
0x15b: {  	v10 =	vld [tilespmem:s10+$0x50];
	_ =	sdelay $0x4  }
0x15c: {  	v9 =	vadd.f32 v10, v9;
	_ =	sdelay $0x1  }
0x15d: {  	[tilespmem:s16+$0x5C50] =	vst v9;
	v9 =	vld [tilespmem:s16+$0x5C60]  }
0x15e: {  	v10 =	vld [tilespmem:s10+$0x60];
	_ =	sdelay $0x4  }
0x15f: {  	v9 =	vadd.f32 v10, v9;
	_ =	sdelay $0x1  }
0x160: {  	[tilespmem:s16+$0x5C60] =	vst v9;
	v9 =	vld [tilespmem:s16+$0x5C70]  }
0x161: {  	v10 =	vld [tilespmem:s10+$0x70];
	_ =	sdelay $0x4  }
0x162: {  	v9 =	vadd.f32 v10, v9;
	_ =	sdelay $0x1  }
0x163: {  	[tilespmem:s16+$0x5C70] =	vst v9;
	v9 =	vld [tilespmem:s16+$0x5C80]  }
0x164: {  	v10 =	vld [tilespmem:s10+$0x400];
	_ =	sdelay $0x4  }
0x165: {  	v9 =	vadd.f32 v10, v9;
	_ =	sdelay $0x1  }
0x166: {  	[tilespmem:s16+$0x5C80] =	vst v9;
	v9 =	vld [tilespmem:s16+$0x5C90]  }
0x167: {  	v10 =	vld [tilespmem:s10+$0x410];
	_ =	sdelay $0x4  }
0x168: {  	v9 =	vadd.f32 v10, v9;
	_ =	sdelay $0x1  }
0x169: {  	[tilespmem:s16+$0x5C90] =	vst v9;
	v9 =	vld [tilespmem:s16+$0x5CA0]  }
0x16a: {  	v10 =	vld [tilespmem:s10+$0x420];
	_ =	sdelay $0x4  }
0x16b: {  	v9 =	vadd.f32 v10, v9;
	_ =	sdelay $0x1  }
0x16c: {  	[tilespmem:s16+$0x5CA0] =	vst v9;
	v9 =	vld [tilespmem:s16+$0x5CB0]  }
0x16d: {  	v10 =	vld [tilespmem:s10+$0x430];
	_ =	sdelay $0x4  }
0x16e: {  	v9 =	vadd.f32 v10, v9;
	_ =	sdelay $0x1  }
0x16f: {  	[tilespmem:s16+$0x5CB0] =	vst v9;
	v9 =	vld [tilespmem:s16+$0x5CC0]  }
0x170: {  	v10 =	vld [tilespmem:s10+$0x440];
	_ =	sdelay $0x4  }
0x171: {  	v9 =	vadd.f32 v10, v9;
	_ =	sdelay $0x1  }
0x172: {  	[tilespmem:s16+$0x5CC0] =	vst v9;
	v9 =	vld [tilespmem:s16+$0x5CD0]  }
0x173: {  	v10 =	vld [tilespmem:s10+$0x450];
	_ =	sdelay $0x4  }
0x174: {  	v9 =	vadd.f32 v10, v9;
	_ =	sdelay $0x1  }
0x175: {  	[tilespmem:s16+$0x5CD0] =	vst v9;
	v9 =	vld [tilespmem:s16+$0x5CE0]  }
0x176: {  	v10 =	vld [tilespmem:s10+$0x460];
	_ =	sdelay $0x1  }
0x177: {  	v11 =	vld [tilespmem:s16+$0x5D00];
	_ =	sdelay $0x2  }
0x178: {  	v9 =	vadd.f32 v10, v9;
	_ =	sdelay $0x1  }
0x179: {  	[tilespmem:s16+$0x5CE0] =	vst v9;
	v9 =	vld [tilespmem:s16+$0x5CF0];
	v10 =	vadd.f32 v6, v11  }
0x17a: {  	v11 =	vld [tilespmem:s10+$0x470]  }
.Ltmp8:
0x17b: {  	[tilespmem:s16+$0x5D00] =	vst v10;
	(pc) =	sbr.rel @p0 .LBB2_7-.Ltmp8, $2  }
0x17c: {  	_ =	sdelay $0x2  }
0x17d: {  	v9 =	vadd.f32 v11, v9  }
.Ltmp9:
0x17e: {  	_ = 	snop;
	(pc) =	sbr.rel .LBB2_8-.Ltmp9, $1  }
0x17f: {  	_ =	sdelay $0x3  }
.LBB2_10:
0x180: {  	s1 =	sshll.u32 s12, $0x1  }
0x181: {  	s1 =	smin.u32 s1, $0x2E  }
0x182: {  	s1 =	smul.u32 $0xC80, s1;
	_ =	sdelay $0x1  }
0x183: {  	s13 =	sshrl.u32 s1, $0x3  }
0x184: {  	s4 =	rddreg [dreg:$0x3];
	s14 =	simm.s32 $0x0;
	s1 =	sadd.s32 $0x320, s13  }
0x185: {  	s17 =	simm.s32 $0x2800;
	s11 =	rddreg [dreg:$0x1];
	s10 =	sadd.s32 s4, s1  }
0x186: {  	[tilespmem:s17], [sflag:$0x2] =	stream.linear.gather [hbm4b:s10+s14], $0xC80, $0x38;
	[tilespmem:$0x19D80] =	vst v63  }
0x187: {  	s15 =	simm.s32 $0x3480;
	s16 =	simm.s32 $0x4;
	s1 =	sadd.s32 s11, s1  }
0x188: {  	[tilespmem:s15], [sflag:$0x3] =	stream.linear.gather [hbm4b:s1+s14], $0xC80, $0x38;
	[tilespmem:$0x19D80] =	vst v63  }
0x189: {  	_ =	swait.ge [sflag:s16], $0xC80  }
.Ltmp10:
0x18a: {  	[sflag:s16] =	ssyncset.done $0x0;
	(pc) =	sbr.rel .LBB2_11-.Ltmp10, $4  }
0x18b: {  	s17 =	simm.s32 $0x5;
	[sflag:s16] =	ssyncadd.s32 $0xFFFFF380  }
0x18c: {  	_ =	swait.ge [sflag:s17], $0xC80  }
0x18d: {  	[sflag:s17] =	ssyncset.done $0x0  }
0x18e: {  	[sflag:s17] =	ssyncadd.s32 $0xFFFFF380  }
.LBB2_14:
0x18f: {  	[tilespmem:s17+$0x5CF0] =	vst v9  }
0x190: {  	v9 =	vld [tilespmem:$0x5A80]  }
0x191: {  	v10 =	vld [tilespmem:$0x5B80]  }
0x192: {  	v11 =	vld [tilespmem:$0x5A90]  }
0x193: {  	v12 =	vld [tilespmem:$0x5B90]  }
0x194: {  	v13 =	vld [tilespmem:$0x5AA0]  }
0x195: {  	[tilespmem:$0x5A00] =	vst v9;
	v9 =	vld [tilespmem:$0x5BA0]  }
0x196: {  	[tilespmem:$0x5B00] =	vst v10;
	v10 =	vld [tilespmem:$0x5AB0]  }
0x197: {  	[tilespmem:$0x5A10] =	vst v11;
	v11 =	vld [tilespmem:$0x5BB0]  }
0x198: {  	[tilespmem:$0x5B10] =	vst v12  }
0x199: {  	[tilespmem:$0x5A20] =	vst v13  }
0x19a: {  	[tilespmem:$0x5B20] =	vst v9  }
0x19b: {  	[tilespmem:$0x5A30] =	vst v10  }
0x19c: {  	[tilespmem:$0x5B30] =	vst v11  }
.LBB2_15:
0x19d: {  	s14 =	sadd.s32 $0x1, s14  }
0x19e: {  	p1 =	sne.s32 s14, $0x19  }
.Ltmp11:
0x19f: {  	_ = 	snop;
	(pc) =	sbr.rel @!p1 .LBB2_16-.Ltmp11, $3  }
0x1a0: {  	_ =	sdelay $0x1  }
0x1a1: {  	p0 =	sgt.s32 s15, $0x7F;
	v9 =	vadd.s32 $0xFFFFFF80, v8  }
0x1a2: {  	v8 =	vpsel p0, v9, v8  }
.LBB2_11:
0x1a3: {  	s1 =	sshll.u32 s14, $0x7  }
0x1a4: {  	v9 =	vld [tilespmem:s1+$0x4100];
	_ =	sdelay $0x7  }
0x1a5: {  	v9 =	vld.idx.msk [tilespmem:v9+s3+$0x0], $0xffff;
	_ =	sdelay $0x4  }
0x1a6: {  	v9 =	vsub.s32 v9, v0  }
0x1a7: {  	vm1 =	vlt.u32 v9, $0x80  }
0x1a8: {  	v10 =	vsel vm1, $0x1, v2  }
0x1a9: {  	(xrf0) =	vadd.scan.msk.s32 $0xffff, v10;
	_ =	sdelay $0x5  }
0x1aa: {  	v10, _, _ =	vpop (xrf0)  }
0x1ab: {  	v10 =	vadd.s32 v10, v8  }
0x1ac: {  	v11 =	vld [tilespmem:s1+$0x4D80];
	v10 =	vadd.s32 $0xFFFFFFFF, v10;
	_ =	sdelay $0x4  }
0x1ad: {  	[tilespmem:v10+s18+$0x0] =	vst.idx.msk vm1, v11  }
0x1ae: {  	[tilespmem:v10+s19+$0x0] =	vst.idx.msk vm1, v9  }
0x1af: {  	v9 =	vld [tilespmem:s1+$0x4110];
	_ =	sdelay $0x7  }
0x1b0: {  	v9 =	vld.idx.msk [tilespmem:v9+s3+$0x0], $0xffff;
	_ =	sdelay $0x4  }
0x1b1: {  	v9 =	vsub.s32 v9, v0  }
0x1b2: {  	vm2 =	vlt.u32 v9, $0x80  }
0x1b3: {  	v10 =	vsel vm2, $0x1, v2  }
0x1b4: {  	(xrf0) =	vadd.scan.msk.s32 $0xffff, v10;
	_ =	sdelay $0x1  }
0x1b5: {  	v10 =	vmpcnt.ones.xlane vm1;
	_ =	sdelay $0x3  }
0x1b6: {  	v8 =	vadd.s32 v8, v10;
	v10, _, _ =	vpop (xrf0)  }
0x1b7: {  	v10 =	vadd.s32 v10, v8  }
0x1b8: {  	v11 =	vld [tilespmem:s1+$0x4D90];
	v10 =	vadd.s32 $0xFFFFFFFF, v10;
	_ =	sdelay $0x4  }
0x1b9: {  	[tilespmem:v10+s18+$0x0] =	vst.idx.msk vm2, v11  }
0x1ba: {  	[tilespmem:v10+s19+$0x0] =	vst.idx.msk vm2, v9  }
0x1bb: {  	v9 =	vld [tilespmem:s1+$0x4120];
	_ =	sdelay $0x7  }
0x1bc: {  	v9 =	vld.idx.msk [tilespmem:v9+s3+$0x0], $0xffff;
	_ =	sdelay $0x4  }
0x1bd: {  	v9 =	vsub.s32 v9, v0  }
0x1be: {  	vm1 =	vlt.u32 v9, $0x80  }
0x1bf: {  	v10 =	vsel vm1, $0x1, v2  }
0x1c0: {  	(xrf0) =	vadd.scan.msk.s32 $0xffff, v10;
	_ =	sdelay $0x1  }
0x1c1: {  	v10 =	vmpcnt.ones.xlane vm2;
	_ =	sdelay $0x3  }
0x1c2: {  	v8 =	vadd.s32 v8, v10;
	v10, _, _ =	vpop (xrf0)  }
0x1c3: {  	v10 =	vadd.s32 v10, v8  }
0x1c4: {  	v11 =	vld [tilespmem:s1+$0x4DA0];
	v10 =	vadd.s32 $0xFFFFFFFF, v10;
	_ =	sdelay $0x4  }
0x1c5: {  	[tilespmem:v10+s18+$0x0] =	vst.idx.msk vm1, v11  }
0x1c6: {  	[tilespmem:v10+s19+$0x0] =	vst.idx.msk vm1, v9  }
0x1c7: {  	v9 =	vld [tilespmem:s1+$0x4130];
	_ =	sdelay $0x7  }
0x1c8: {  	v9 =	vld.idx.msk [tilespmem:v9+s3+$0x0], $0xffff;
	_ =	sdelay $0x4  }
0x1c9: {  	v9 =	vsub.s32 v9, v0  }
0x1ca: {  	vm2 =	vlt.u32 v9, $0x80  }
0x1cb: {  	v10 =	vsel vm2, $0x1, v2  }
0x1cc: {  	(xrf0) =	vadd.scan.msk.s32 $0xffff, v10;
	_ =	sdelay $0x1  }
0x1cd: {  	v10 =	vmpcnt.ones.xlane vm1;
	_ =	sdelay $0x3  }
0x1ce: {  	v8 =	vadd.s32 v8, v10;
	v10, _, _ =	vpop (xrf0)  }
0x1cf: {  	v10 =	vadd.s32 v10, v8  }
0x1d0: {  	v11 =	vld [tilespmem:s1+$0x4DB0];
	v10 =	vadd.s32 $0xFFFFFFFF, v10;
	_ =	sdelay $0x4  }
0x1d1: {  	[tilespmem:v10+s18+$0x0] =	vst.idx.msk vm2, v11  }
0x1d2: {  	[tilespmem:v10+s19+$0x0] =	vst.idx.msk vm2, v9  }
0x1d3: {  	v9 =	vld [tilespmem:s1+$0x4140];
	_ =	sdelay $0x7  }
0x1d4: {  	v9 =	vld.idx.msk [tilespmem:v9+s3+$0x0], $0xffff;
	_ =	sdelay $0x4  }
0x1d5: {  	v9 =	vsub.s32 v9, v0  }
0x1d6: {  	vm1 =	vlt.u32 v9, $0x80  }
0x1d7: {  	v10 =	vsel vm1, $0x1, v2  }
0x1d8: {  	(xrf0) =	vadd.scan.msk.s32 $0xffff, v10;
	_ =	sdelay $0x1  }
0x1d9: {  	v10 =	vmpcnt.ones.xlane vm2;
	_ =	sdelay $0x3  }
0x1da: {  	v8 =	vadd.s32 v8, v10;
	v10, _, _ =	vpop (xrf0)  }
0x1db: {  	v10 =	vadd.s32 v10, v8  }
0x1dc: {  	v11 =	vld [tilespmem:s1+$0x4DC0];
	v10 =	vadd.s32 $0xFFFFFFFF, v10;
	_ =	sdelay $0x4  }
0x1dd: {  	[tilespmem:v10+s18+$0x0] =	vst.idx.msk vm1, v11  }
0x1de: {  	[tilespmem:v10+s19+$0x0] =	vst.idx.msk vm1, v9  }
0x1df: {  	v9 =	vld [tilespmem:s1+$0x4150];
	_ =	sdelay $0x7  }
0x1e0: {  	v9 =	vld.idx.msk [tilespmem:v9+s3+$0x0], $0xffff;
	_ =	sdelay $0x4  }
0x1e1: {  	v9 =	vsub.s32 v9, v0  }
0x1e2: {  	vm2 =	vlt.u32 v9, $0x80  }
0x1e3: {  	v10 =	vsel vm2, $0x1, v2  }
0x1e4: {  	(xrf0) =	vadd.scan.msk.s32 $0xffff, v10;
	_ =	sdelay $0x1  }
0x1e5: {  	v10 =	vmpcnt.ones.xlane vm1;
	_ =	sdelay $0x3  }
0x1e6: {  	v8 =	vadd.s32 v8, v10;
	v10, _, _ =	vpop (xrf0)  }
0x1e7: {  	v10 =	vadd.s32 v10, v8  }
0x1e8: {  	v11 =	vld [tilespmem:s1+$0x4DD0];
	v10 =	vadd.s32 $0xFFFFFFFF, v10;
	_ =	sdelay $0x4  }
0x1e9: {  	[tilespmem:v10+s18+$0x0] =	vst.idx.msk vm2, v11  }
0x1ea: {  	[tilespmem:v10+s19+$0x0] =	vst.idx.msk vm2, v9  }
0x1eb: {  	v9 =	vld [tilespmem:s1+$0x4160];
	_ =	sdelay $0x7  }
0x1ec: {  	v9 =	vld.idx.msk [tilespmem:v9+s3+$0x0], $0xffff;
	_ =	sdelay $0x4  }
0x1ed: {  	v9 =	vsub.s32 v9, v0  }
0x1ee: {  	vm1 =	vlt.u32 v9, $0x80  }
0x1ef: {  	v10 =	vsel vm1, $0x1, v2  }
0x1f0: {  	(xrf0) =	vadd.scan.msk.s32 $0xffff, v10;
	_ =	sdelay $0x1  }
0x1f1: {  	v10 =	vmpcnt.ones.xlane vm2;
	_ =	sdelay $0x3  }
0x1f2: {  	v8 =	vadd.s32 v8, v10;
	v10, _, _ =	vpop (xrf0)  }
0x1f3: {  	v10 =	vadd.s32 v10, v8  }
0x1f4: {  	v11 =	vld [tilespmem:s1+$0x4DE0];
	v10 =	vadd.s32 $0xFFFFFFFF, v10;
	_ =	sdelay $0x4  }
0x1f5: {  	[tilespmem:v10+s18+$0x0] =	vst.idx.msk vm1, v11  }
0x1f6: {  	[tilespmem:v10+s19+$0x0] =	vst.idx.msk vm1, v9  }
0x1f7: {  	v9 =	vld [tilespmem:s1+$0x4170];
	_ =	sdelay $0x7  }
0x1f8: {  	v9 =	vld.idx.msk [tilespmem:v9+s3+$0x0], $0xffff;
	_ =	sdelay $0x4  }
0x1f9: {  	v9 =	vsub.s32 v9, v0  }
0x1fa: {  	v10 =	vmpcnt.ones.xlane vm1;
	vm1 =	vlt.u32 v9, $0x80  }
0x1fb: {  	v11 =	vmpcnt.ones.xlane vm1  }
0x1fc: {  	v10 =	vadd.s32 v8, v10  }
0x1fd: {  	v8 =	vadd.s32 v10, v11  }
0x1fe: {  	(v2sf) =	vpush v8, $0x0;
	_ =	sdelay $0x5  }
0x1ff: {  	v11 =	vsel vm1, $0x1, v2  }
0x200: {  	(xrf0) =	vadd.scan.msk.s32 $0xffff, v11;
	_ =	sdelay $0x5  }
0x201: {  	v11, _, _ =	vpop (xrf0)  }
0x202: {  	v10 =	vadd.s32 v11, v10  }
0x203: {  	v11 =	vld [tilespmem:s1+$0x4DF0];
	v10 =	vadd.s32 $0xFFFFFFFF, v10;
	s15 =	spop (v2sf)  }
0x204: {  	p0 =	slt.s32 s15, $0x80  }
.Ltmp12:
0x205: {  	_ = 	snop;
	(pc) =	sbr.rel @p0 .LBB2_15-.Ltmp12, $3  }
0x206: {  	_ =	sdelay $0x1  }
0x207: {  	[tilespmem:v10+s18+$0x0] =	vst.idx.msk vm1, v11  }
0x208: {  	[tilespmem:v10+s19+$0x0] =	vst.idx.msk vm1, v9  }
0x209: {  	v9 =	vld [tilespmem:$0x5A00];
	_ =	sdelay $0x4  }
0x20a: {  	v10 =	vshll.u32 v9, $0x1  }
0x20b: {  	v9 =	vand.u32 $0x7, v9;
	v10 =	vand.u32 $0xFFFFFFF0, v10  }
0x20c: {  	v9 =	vor.u32 v9, v10  }
0x20d: {  	v10 =	vperm.xlane v9, v3;
	_ =	sdelay $0x1  }
0x20e: {  	v9 =	vperm.xlane v9, v5;
	v10 =	vadd.s32 v4, v10;
	_ =	sdelay $0x1  }
0x20f: {  	v9 =	vadd.s32 v4, v9;
	_ =	sdelay $0x1  }
0x210: {  	s1 =	simm.s32 $0x0  }
0x211: {  	[tilespmem:s20], [sflag:$0x1] =	stream.indirect_vreg.gather [hbm4b:s6+s1], $0x80, v10, vm0, $0xb8;
	[tilespmem:$0x19D80] =	vst v63  }
0x212: {  	_ = 	snop  }
0x213: {  	[tilespmem:s21], [sflag:$0x1] =	stream.indirect_vreg.gather [hbm4b:s6+s1], $0x80, v9, vm0, $0xb8;
	[tilespmem:$0x19D80] =	vst v63  }
0x214: {  	v9 =	vld [tilespmem:$0x5A10];
	_ =	sdelay $0x4  }
0x215: {  	v10 =	vshll.u32 v9, $0x1  }
0x216: {  	v9 =	vand.u32 $0x7, v9;
	v10 =	vand.u32 $0xFFFFFFF0, v10  }
0x217: {  	v9 =	vor.u32 v9, v10  }
0x218: {  	v10 =	vperm.xlane v9, v3;
	_ =	sdelay $0x1  }
0x219: {  	v9 =	vperm.xlane v9, v5;
	v10 =	vadd.s32 v4, v10;
	_ =	sdelay $0x1  }
0x21a: {  	v9 =	vadd.s32 v4, v9;
	_ =	sdelay $0x2  }
0x21b: {  	[tilespmem:s22], [sflag:$0x1] =	stream.indirect_vreg.gather [hbm4b:s6+s1], $0x80, v10, vm0, $0xb8;
	[tilespmem:$0x19D80] =	vst v63  }
0x21c: {  	_ = 	snop  }
0x21d: {  	[tilespmem:s23], [sflag:$0x1] =	stream.indirect_vreg.gather [hbm4b:s6+s1], $0x80, v9, vm0, $0xb8;
	[tilespmem:$0x19D80] =	vst v63  }
0x21e: {  	v9 =	vld [tilespmem:$0x5A20];
	_ =	sdelay $0x4  }
0x21f: {  	v10 =	vshll.u32 v9, $0x1  }
0x220: {  	v9 =	vand.u32 $0x7, v9;
	v10 =	vand.u32 $0xFFFFFFF0, v10  }
0x221: {  	v9 =	vor.u32 v9, v10  }
0x222: {  	v10 =	vperm.xlane v9, v3;
	_ =	sdelay $0x1  }
0x223: {  	v9 =	vperm.xlane v9, v5;
	v10 =	vadd.s32 v4, v10;
	_ =	sdelay $0x1  }
0x224: {  	v9 =	vadd.s32 v4, v9;
	_ =	sdelay $0x2  }
0x225: {  	[tilespmem:s24], [sflag:$0x1] =	stream.indirect_vreg.gather [hbm4b:s6+s1], $0x80, v10, vm0, $0xb8;
	[tilespmem:$0x19D80] =	vst v63  }
0x226: {  	_ = 	snop  }
0x227: {  	[tilespmem:s25], [sflag:$0x1] =	stream.indirect_vreg.gather [hbm4b:s6+s1], $0x80, v9, vm0, $0xb8;
	[tilespmem:$0x19D80] =	vst v63  }
0x228: {  	v9 =	vld [tilespmem:$0x5A30];
	_ =	sdelay $0x4  }
0x229: {  	v10 =	vshll.u32 v9, $0x1  }
0x22a: {  	v9 =	vand.u32 $0x7, v9;
	v10 =	vand.u32 $0xFFFFFFF0, v10  }
0x22b: {  	v9 =	vor.u32 v9, v10  }
0x22c: {  	v10 =	vperm.xlane v9, v3;
	_ =	sdelay $0x1  }
0x22d: {  	v9 =	vperm.xlane v9, v5;
	v10 =	vadd.s32 v4, v10;
	_ =	sdelay $0x1  }
0x22e: {  	v9 =	vadd.s32 v4, v9;
	_ =	sdelay $0x2  }
0x22f: {  	[tilespmem:s26], [sflag:$0x1] =	stream.indirect_vreg.gather [hbm4b:s6+s1], $0x80, v10, vm0, $0xb8;
	[tilespmem:$0x19D80] =	vst v63  }
0x230: {  	_ = 	snop  }
0x231: {  	[tilespmem:s28], [sflag:$0x1] =	stream.indirect_vreg.gather [hbm4b:s6+s1], $0x80, v9, vm0, $0xb8;
	[tilespmem:$0x19D80] =	vst v63  }
0x232: {  	v9 =	vld [tilespmem:$0x5A40];
	_ =	sdelay $0x4  }
0x233: {  	v10 =	vshll.u32 v9, $0x1  }
0x234: {  	v9 =	vand.u32 $0x7, v9;
	v10 =	vand.u32 $0xFFFFFFF0, v10  }
0x235: {  	v9 =	vor.u32 v9, v10  }
0x236: {  	v10 =	vperm.xlane v9, v3;
	_ =	sdelay $0x1  }
0x237: {  	v9 =	vperm.xlane v9, v5;
	v10 =	vadd.s32 v4, v10;
	_ =	sdelay $0x1  }
0x238: {  	v9 =	vadd.s32 v4, v9;
	_ =	sdelay $0x2  }
0x239: {  	[tilespmem:s29], [sflag:$0x1] =	stream.indirect_vreg.gather [hbm4b:s6+s1], $0x80, v10, vm0, $0xb8;
	[tilespmem:$0x19D80] =	vst v63  }
0x23a: {  	_ = 	snop  }
0x23b: {  	[tilespmem:s30], [sflag:$0x1] =	stream.indirect_vreg.gather [hbm4b:s6+s1], $0x80, v9, vm0, $0xb8;
	[tilespmem:$0x19D80] =	vst v63  }
0x23c: {  	v9 =	vld [tilespmem:$0x5A50];
	_ =	sdelay $0x4  }
0x23d: {  	v10 =	vshll.u32 v9, $0x1  }
0x23e: {  	v9 =	vand.u32 $0x7, v9;
	v10 =	vand.u32 $0xFFFFFFF0, v10  }
0x23f: {  	v9 =	vor.u32 v9, v10  }
0x240: {  	v10 =	vperm.xlane v9, v3;
	_ =	sdelay $0x1  }
0x241: {  	v9 =	vperm.xlane v9, v5;
	v10 =	vadd.s32 v4, v10;
	_ =	sdelay $0x1  }
0x242: {  	v9 =	vadd.s32 v4, v9;
	_ =	sdelay $0x2  }
0x243: {  	[tilespmem:s31], [sflag:$0x1] =	stream.indirect_vreg.gather [hbm4b:s6+s1], $0x80, v10, vm0, $0xb8;
	[tilespmem:$0x19D80] =	vst v63  }
0x244: {  	_ = 	snop  }
0x245: {  	[tilespmem:s0], [sflag:$0x1] =	stream.indirect_vreg.gather [hbm4b:s6+s1], $0x80, v9, vm0, $0xb8;
	[tilespmem:$0x19D80] =	vst v63  }
0x246: {  	v9 =	vld [tilespmem:$0x5A60];
	_ =	sdelay $0x4  }
0x247: {  	v10 =	vshll.u32 v9, $0x1  }
0x248: {  	v9 =	vand.u32 $0x7, v9;
	v10 =	vand.u32 $0xFFFFFFF0, v10  }
0x249: {  	v9 =	vor.u32 v9, v10  }
0x24a: {  	v10 =	vperm.xlane v9, v3;
	_ =	sdelay $0x1  }
0x24b: {  	v9 =	vperm.xlane v9, v5;
	v10 =	vadd.s32 v4, v10;
	_ =	sdelay $0x1  }
0x24c: {  	v9 =	vadd.s32 v4, v9;
	_ =	sdelay $0x2  }
0x24d: {  	[tilespmem:s2], [sflag:$0x1] =	stream.indirect_vreg.gather [hbm4b:s6+s1], $0x80, v10, vm0, $0xb8;
	[tilespmem:$0x19D80] =	vst v63  }
0x24e: {  	_ = 	snop  }
0x24f: {  	[tilespmem:s5], [sflag:$0x1] =	stream.indirect_vreg.gather [hbm4b:s6+s1], $0x80, v9, vm0, $0xb8;
	[tilespmem:$0x19D80] =	vst v63  }
0x250: {  	v9 =	vld [tilespmem:$0x5A70];
	_ =	sdelay $0x4  }
0x251: {  	v10 =	vshll.u32 v9, $0x1  }
0x252: {  	v9 =	vand.u32 $0x7, v9;
	v10 =	vand.u32 $0xFFFFFFF0, v10  }
0x253: {  	v9 =	vor.u32 v9, v10  }
0x254: {  	v10 =	vperm.xlane v9, v3;
	_ =	sdelay $0x1  }
0x255: {  	v9 =	vperm.xlane v9, v5;
	v10 =	vadd.s32 v4, v10;
	_ =	sdelay $0x1  }
0x256: {  	v9 =	vadd.s32 v4, v9;
	_ =	sdelay $0x2  }
0x257: {  	[tilespmem:s7], [sflag:$0x1] =	stream.indirect_vreg.gather [hbm4b:s6+s1], $0x80, v10, vm0, $0xb8;
	[tilespmem:$0x19D80] =	vst v63  }
0x258: {  	_ = 	snop  }
0x259: {  	[tilespmem:s8], [sflag:$0x1] =	stream.indirect_vreg.gather [hbm4b:s6+s1], $0x80, v9, vm0, $0xb8;
	[tilespmem:$0x19D80] =	vst v63  }
0x25a: {  	_ =	swait.ge [sflag:s9], $0x8000  }
0x25b: {  	[sflag:s9] =	ssyncset.done $0x0  }
0x25c: {  	s16 =	simm.s32 $0x5B00;
	[sflag:s9] =	ssyncadd.s32 $0xFFFF8000  }
0x25d: {  	v9 =	vld [tilespmem:s16+$0x0];
	_ =	sdelay $0x4  }
0x25e: {  	(v2sf) =	vpush v9, $0x0;
	_ =	sdelay $0xe  }
0x25f: {  	s10 =	spop (v2sf)  }
0x260: {  	s11 =	sand.u32 $0x7800, s1;
	s17 =	sand.u32 $0x380, s1;
	s10 =	smul.u32 $0x600, s10  }
0x261: {  	s11 =	sor.u32 s17, s11  }
0x262: {  	v9 =	vld [tilespmem:s11+$0x11D80];
	s17 =	sshra.s32 s10, $0x2  }
0x263: {  	v10 =	vld [tilespmem:s17+$0x5C00];
	_ =	sdelay $0x4  }
0x264: {  	v9 =	vadd.f32 v9, v10;
	_ =	sdelay $0x1  }
0x265: {  	s11 =	sadd.s32 $0x11D80, s11;
	[tilespmem:s17+$0x5C00] =	vst v9;
	v9 =	vld [tilespmem:s17+$0x5C10]  }
0x266: {  	v10 =	vld [tilespmem:s11+$0x10];
	_ =	sdelay $0x4  }
0x267: {  	v9 =	vadd.f32 v10, v9;
	_ =	sdelay $0x1  }
0x268: {  	[tilespmem:s17+$0x5C10] =	vst v9;
	v9 =	vld [tilespmem:s17+$0x5C20]  }
0x269: {  	v10 =	vld [tilespmem:s11+$0x20];
	_ =	sdelay $0x4  }
0x26a: {  	v9 =	vadd.f32 v10, v9;
	_ =	sdelay $0x1  }
0x26b: {  	[tilespmem:s17+$0x5C20] =	vst v9;
	v9 =	vld [tilespmem:s17+$0x5C30]  }
0x26c: {  	v10 =	vld [tilespmem:s11+$0x30];
	_ =	sdelay $0x4  }
0x26d: {  	v9 =	vadd.f32 v10, v9;
	_ =	sdelay $0x1  }
0x26e: {  	[tilespmem:s17+$0x5C30] =	vst v9;
	v9 =	vld [tilespmem:s17+$0x5C40]  }
0x26f: {  	v10 =	vld [tilespmem:s11+$0x40];
	_ =	sdelay $0x4  }
0x270: {  	v9 =	vadd.f32 v10, v9;
	_ =	sdelay $0x1  }
0x271: {  	[tilespmem:s17+$0x5C40] =	vst v9;
	v9 =	vld [tilespmem:s17+$0x5C50]  }
0x272: {  	v10 =	vld [tilespmem:s11+$0x50];
	_ =	sdelay $0x4  }
0x273: {  	v9 =	vadd.f32 v10, v9;
	_ =	sdelay $0x1  }
0x274: {  	[tilespmem:s17+$0x5C50] =	vst v9;
	v9 =	vld [tilespmem:s17+$0x5C60]  }
0x275: {  	v10 =	vld [tilespmem:s11+$0x60];
	_ =	sdelay $0x4  }
0x276: {  	v9 =	vadd.f32 v10, v9;
	_ =	sdelay $0x1  }
0x277: {  	[tilespmem:s17+$0x5C60] =	vst v9;
	v9 =	vld [tilespmem:s17+$0x5C70]  }
0x278: {  	v10 =	vld [tilespmem:s11+$0x70];
	_ =	sdelay $0x4  }
0x279: {  	v9 =	vadd.f32 v10, v9;
	_ =	sdelay $0x1  }
0x27a: {  	[tilespmem:s17+$0x5C70] =	vst v9;
	v9 =	vld [tilespmem:s17+$0x5C80]  }
0x27b: {  	v10 =	vld [tilespmem:s11+$0x400];
	_ =	sdelay $0x4  }
0x27c: {  	v9 =	vadd.f32 v10, v9;
	_ =	sdelay $0x1  }
0x27d: {  	[tilespmem:s17+$0x5C80] =	vst v9;
	v9 =	vld [tilespmem:s17+$0x5C90]  }
0x27e: {  	v10 =	vld [tilespmem:s11+$0x410];
	_ =	sdelay $0x4  }
0x27f: {  	v9 =	vadd.f32 v10, v9;
	_ =	sdelay $0x1  }
0x280: {  	[tilespmem:s17+$0x5C90] =	vst v9;
	v9 =	vld [tilespmem:s17+$0x5CA0]  }
0x281: {  	v10 =	vld [tilespmem:s11+$0x420];
	_ =	sdelay $0x4  }
0x282: {  	v9 =	vadd.f32 v10, v9;
	_ =	sdelay $0x1  }
0x283: {  	[tilespmem:s17+$0x5CA0] =	vst v9;
	v9 =	vld [tilespmem:s17+$0x5CB0]  }
0x284: {  	v10 =	vld [tilespmem:s11+$0x430];
	_ =	sdelay $0x4  }
0x285: {  	v9 =	vadd.f32 v10, v9;
	_ =	sdelay $0x1  }
0x286: {  	[tilespmem:s17+$0x5CB0] =	vst v9;
	v9 =	vld [tilespmem:s17+$0x5CC0]  }
0x287: {  	v10 =	vld [tilespmem:s11+$0x440];
	_ =	sdelay $0x4  }
0x288: {  	v9 =	vadd.f32 v10, v9;
	_ =	sdelay $0x1  }
0x289: {  	[tilespmem:s17+$0x5CC0] =	vst v9;
	v9 =	vld [tilespmem:s17+$0x5CD0]  }
0x28a: {  	v10 =	vld [tilespmem:s11+$0x450];
	_ =	sdelay $0x4  }
0x28b: {  	v9 =	vadd.f32 v10, v9;
	_ =	sdelay $0x1  }
0x28c: {  	[tilespmem:s17+$0x5CD0] =	vst v9;
	v9 =	vld [tilespmem:s17+$0x5CE0]  }
0x28d: {  	v10 =	vld [tilespmem:s11+$0x460];
	_ =	sdelay $0x4  }
0x28e: {  	v9 =	vadd.f32 v10, v9  }
0x28f: {  	v10 =	vld [tilespmem:s17+$0x5D00]  }
0x290: {  	[tilespmem:s17+$0x5CE0] =	vst v9;
	v9 =	vld [tilespmem:s17+$0x5CF0]  }
0x291: {  	v11 =	vld [tilespmem:s11+$0x470];
	_ =	sdelay $0x2  }
0x292: {  	v10 =	vadd.f32 v6, v10;
	_ =	sdelay $0x1  }
0x293: {  	s10 =	simm.s32 $0x100;
	[tilespmem:s17+$0x5D00] =	vst v10;
	v9 =	vadd.f32 v11, v9  }
.LBB2_13:
0x294: {  	p0 =	sne.s32 s10, $0x7F00;
	s1 =	sadd.s32 $0x80, s1;
	s16 =	sadd.s32 $0x1, s16  }
0x295: {  	s11 =	smov.u32 s10;
	s10 =	sadd.s32 $0x100, s10;
	[tilespmem:s17+$0x5CF0] =	vst v9  }
0x296: {  	v9 =	vld [tilespmem:s16+$0x0];
	_ =	sdelay $0x4  }
0x297: {  	(v2sf) =	vpush v9, $0x0;
	_ =	sdelay $0xe  }
0x298: {  	s17 =	spop (v2sf)  }
0x299: {  	s11 =	sand.u32 $0x7800, s11;
	s4 =	sand.u32 $0x380, s1;
	s17 =	smul.u32 $0x600, s17  }
0x29a: {  	s4 =	sor.u32 s4, s11  }
0x29b: {  	s17 =	sshra.s32 s17, $0x2;
	v9 =	vld [tilespmem:s4+$0x11D80]  }
0x29c: {  	v10 =	vld [tilespmem:s17+$0x5C00];
	_ =	sdelay $0x4  }
0x29d: {  	v9 =	vadd.f32 v9, v10  }
0x29e: {  	s11 =	sadd.s32 $0x11D80, s4  }
0x29f: {  	[tilespmem:s17+$0x5C00] =	vst v9;
	v9 =	vld [tilespmem:s17+$0x5C10]  }
0x2a0: {  	v10 =	vld [tilespmem:s11+$0x10];
	_ =	sdelay $0x4  }
0x2a1: {  	v9 =	vadd.f32 v10, v9;
	_ =	sdelay $0x1  }
0x2a2: {  	[tilespmem:s17+$0x5C10] =	vst v9;
	v9 =	vld [tilespmem:s17+$0x5C20]  }
0x2a3: {  	v10 =	vld [tilespmem:s11+$0x20];
	_ =	sdelay $0x4  }
0x2a4: {  	v9 =	vadd.f32 v10, v9;
	_ =	sdelay $0x1  }
0x2a5: {  	[tilespmem:s17+$0x5C20] =	vst v9;
	v9 =	vld [tilespmem:s17+$0x5C30]  }
0x2a6: {  	v10 =	vld [tilespmem:s11+$0x30];
	_ =	sdelay $0x4  }
0x2a7: {  	v9 =	vadd.f32 v10, v9;
	_ =	sdelay $0x1  }
0x2a8: {  	[tilespmem:s17+$0x5C30] =	vst v9;
	v9 =	vld [tilespmem:s17+$0x5C40]  }
0x2a9: {  	v10 =	vld [tilespmem:s11+$0x40];
	_ =	sdelay $0x4  }
0x2aa: {  	v9 =	vadd.f32 v10, v9;
	_ =	sdelay $0x1  }
0x2ab: {  	[tilespmem:s17+$0x5C40] =	vst v9;
	v9 =	vld [tilespmem:s17+$0x5C50]  }
0x2ac: {  	v10 =	vld [tilespmem:s11+$0x50];
	_ =	sdelay $0x4  }
0x2ad: {  	v9 =	vadd.f32 v10, v9;
	_ =	sdelay $0x1  }
0x2ae: {  	[tilespmem:s17+$0x5C50] =	vst v9;
	v9 =	vld [tilespmem:s17+$0x5C60]  }
0x2af: {  	v10 =	vld [tilespmem:s11+$0x60];
	_ =	sdelay $0x4  }
0x2b0: {  	v9 =	vadd.f32 v10, v9;
	_ =	sdelay $0x1  }
0x2b1: {  	[tilespmem:s17+$0x5C60] =	vst v9;
	v9 =	vld [tilespmem:s17+$0x5C70]  }
0x2b2: {  	v10 =	vld [tilespmem:s11+$0x70];
	_ =	sdelay $0x4  }
0x2b3: {  	v9 =	vadd.f32 v10, v9;
	_ =	sdelay $0x1  }
0x2b4: {  	[tilespmem:s17+$0x5C70] =	vst v9;
	v9 =	vld [tilespmem:s17+$0x5C80]  }
0x2b5: {  	v10 =	vld [tilespmem:s11+$0x400];
	_ =	sdelay $0x4  }
0x2b6: {  	v9 =	vadd.f32 v10, v9;
	_ =	sdelay $0x1  }
0x2b7: {  	[tilespmem:s17+$0x5C80] =	vst v9;
	v9 =	vld [tilespmem:s17+$0x5C90]  }
0x2b8: {  	v10 =	vld [tilespmem:s11+$0x410];
	_ =	sdelay $0x4  }
0x2b9: {  	v9 =	vadd.f32 v10, v9;
	_ =	sdelay $0x1  }
0x2ba: {  	[tilespmem:s17+$0x5C90] =	vst v9;
	v9 =	vld [tilespmem:s17+$0x5CA0]  }
0x2bb: {  	v10 =	vld [tilespmem:s11+$0x420];
	_ =	sdelay $0x4  }
0x2bc: {  	v9 =	vadd.f32 v10, v9;
	_ =	sdelay $0x1  }
0x2bd: {  	[tilespmem:s17+$0x5CA0] =	vst v9;
	v9 =	vld [tilespmem:s17+$0x5CB0]  }
0x2be: {  	v10 =	vld [tilespmem:s11+$0x430];
	_ =	sdelay $0x4  }
0x2bf: {  	v9 =	vadd.f32 v10, v9;
	_ =	sdelay $0x1  }
0x2c0: {  	[tilespmem:s17+$0x5CB0] =	vst v9;
	v9 =	vld [tilespmem:s17+$0x5CC0]  }
0x2c1: {  	v10 =	vld [tilespmem:s11+$0x440];
	_ =	sdelay $0x4  }
0x2c2: {  	v9 =	vadd.f32 v10, v9;
	_ =	sdelay $0x1  }
0x2c3: {  	[tilespmem:s17+$0x5CC0] =	vst v9;
	v9 =	vld [tilespmem:s17+$0x5CD0]  }
0x2c4: {  	v10 =	vld [tilespmem:s11+$0x450];
	_ =	sdelay $0x4  }
0x2c5: {  	v9 =	vadd.f32 v10, v9;
	_ =	sdelay $0x1  }
0x2c6: {  	[tilespmem:s17+$0x5CD0] =	vst v9;
	v9 =	vld [tilespmem:s17+$0x5CE0]  }
0x2c7: {  	v10 =	vld [tilespmem:s11+$0x460];
	_ =	sdelay $0x1  }
0x2c8: {  	v11 =	vld [tilespmem:s17+$0x5D00];
	_ =	sdelay $0x2  }
0x2c9: {  	v9 =	vadd.f32 v10, v9;
	_ =	sdelay $0x1  }
0x2ca: {  	[tilespmem:s17+$0x5CE0] =	vst v9;
	v9 =	vld [tilespmem:s17+$0x5CF0];
	v10 =	vadd.f32 v6, v11  }
0x2cb: {  	v11 =	vld [tilespmem:s11+$0x470]  }
.Ltmp13:
0x2cc: {  	[tilespmem:s17+$0x5D00] =	vst v10;
	(pc) =	sbr.rel @p0 .LBB2_13-.Ltmp13, $2  }
0x2cd: {  	_ =	sdelay $0x2  }
0x2ce: {  	v9 =	vadd.f32 v11, v9  }
.Ltmp14:
0x2cf: {  	_ = 	snop;
	(pc) =	sbr.rel .LBB2_14-.Ltmp14, $1  }
0x2d0: {  	_ =	sdelay $0x3  }
.LBB2_17:
0x2d1: {  	s1 =	simm.s32 $0x2  }
0x2d2: {  	_ =	swait.ge [sflag:s1], $0xC80  }
0x2d3: {  	[sflag:s1] =	ssyncset.done $0x0  }
0x2d4: {  	s14 =	simm.s32 $0x3;
	[sflag:s1] =	ssyncadd.s32 $0xFFFFF380  }
0x2d5: {  	_ =	swait.ge [sflag:s14], $0xC80  }
0x2d6: {  	[sflag:s14] =	ssyncset.done $0x0  }
0x2d7: {  	s15 =	simm.s32 $0x4;
	[sflag:s14] =	ssyncadd.s32 $0xFFFFF380  }
0x2d8: {  	_ =	swait.ge [sflag:s15], $0xC80  }
0x2d9: {  	[sflag:s15] =	ssyncset.done $0x0  }
0x2da: {  	s16 =	simm.s32 $0x5;
	[sflag:s15] =	ssyncadd.s32 $0xFFFFF380  }
0x2db: {  	_ =	swait.ge [sflag:s16], $0xC80  }
0x2dc: {  	(v2sf) =	vpush v8, $0x0;
	_ =	sdelay $0xd  }
0x2dd: {  	[sflag:s16] =	ssyncset.done $0x0  }
0x2de: {  	[sflag:s16] =	ssyncadd.s32 $0xFFFFF380;
	s17 =	spop (v2sf)  }
0x2df: {  	[tilespmem:s17+$0x5B00] =	vst v7  }
0x2e0: {  	[tilespmem:s17+$0x5A00] =	vst v2  }
0x2e1: {  	[tilespmem:s17+$0x5B10] =	vst v7  }
0x2e2: {  	[tilespmem:s17+$0x5A10] =	vst v2  }
0x2e3: {  	[tilespmem:s17+$0x5B20] =	vst v7  }
0x2e4: {  	[tilespmem:s17+$0x5A20] =	vst v2  }
0x2e5: {  	[tilespmem:s17+$0x5B30] =	vst v7  }
0x2e6: {  	[tilespmem:s17+$0x5A30] =	vst v2  }
0x2e7: {  	[tilespmem:s17+$0x5B40] =	vst v7  }
0x2e8: {  	[tilespmem:s17+$0x5A40] =	vst v2  }
0x2e9: {  	[tilespmem:s17+$0x5B50] =	vst v7;
	p0 =	slt.s32 s17, $0x1  }
.Ltmp15:
0x2ea: {  	[tilespmem:s17+$0x5A50] =	vst v2;
	(pc) =	sbr.rel @p0 .LBB2_21-.Ltmp15, $4  }
0x2eb: {  	[tilespmem:s17+$0x5B60] =	vst v7  }
0x2ec: {  	[tilespmem:s17+$0x5A60] =	vst v2  }
0x2ed: {  	[tilespmem:s17+$0x5B70] =	vst v7  }
0x2ee: {  	s10 =	rddreg [dreg:$0x9];
	[tilespmem:s17+$0x5A70] =	vst v2  }
0x2ef: {  	v8 =	vld [tilespmem:$0x5A00];
	_ =	sdelay $0x4  }
0x2f0: {  	v9 =	vshll.u32 v8, $0x1  }
0x2f1: {  	v8 =	vand.u32 $0x7, v8;
	v9 =	vand.u32 $0xFFFFFFF0, v9  }
0x2f2: {  	v8 =	vor.u32 v8, v9  }
0x2f3: {  	v9 =	vperm.xlane v8, v3;
	_ =	sdelay $0x1  }
0x2f4: {  	v8 =	vperm.xlane v8, v5;
	v9 =	vadd.s32 v4, v9;
	_ =	sdelay $0x1  }
0x2f5: {  	v8 =	vadd.s32 v4, v8;
	_ =	sdelay $0x1  }
0x2f6: {  	s1 =	simm.s32 $0x0  }
0x2f7: {  	[tilespmem:s20], [sflag:$0x1] =	stream.indirect_vreg.gather [hbm4b:s6+s1], $0x80, v9, vm0, $0xb8;
	[tilespmem:$0x19D80] =	vst v63  }
0x2f8: {  	_ = 	snop  }
0x2f9: {  	[tilespmem:s21], [sflag:$0x1] =	stream.indirect_vreg.gather [hbm4b:s6+s1], $0x80, v8, vm0, $0xb8;
	[tilespmem:$0x19D80] =	vst v63  }
0x2fa: {  	v8 =	vld [tilespmem:$0x5A10];
	_ =	sdelay $0x4  }
0x2fb: {  	v9 =	vshll.u32 v8, $0x1  }
0x2fc: {  	v8 =	vand.u32 $0x7, v8;
	v9 =	vand.u32 $0xFFFFFFF0, v9  }
0x2fd: {  	v8 =	vor.u32 v8, v9  }
0x2fe: {  	v9 =	vperm.xlane v8, v3;
	_ =	sdelay $0x1  }
0x2ff: {  	v8 =	vperm.xlane v8, v5;
	v9 =	vadd.s32 v4, v9;
	_ =	sdelay $0x1  }
0x300: {  	v8 =	vadd.s32 v4, v8;
	_ =	sdelay $0x2  }
0x301: {  	[tilespmem:s22], [sflag:$0x1] =	stream.indirect_vreg.gather [hbm4b:s6+s1], $0x80, v9, vm0, $0xb8;
	[tilespmem:$0x19D80] =	vst v63  }
0x302: {  	_ = 	snop  }
0x303: {  	[tilespmem:s23], [sflag:$0x1] =	stream.indirect_vreg.gather [hbm4b:s6+s1], $0x80, v8, vm0, $0xb8;
	[tilespmem:$0x19D80] =	vst v63  }
0x304: {  	v8 =	vld [tilespmem:$0x5A20];
	_ =	sdelay $0x4  }
0x305: {  	v9 =	vshll.u32 v8, $0x1  }
0x306: {  	v8 =	vand.u32 $0x7, v8;
	v9 =	vand.u32 $0xFFFFFFF0, v9  }
0x307: {  	v8 =	vor.u32 v8, v9  }
0x308: {  	v9 =	vperm.xlane v8, v3;
	_ =	sdelay $0x1  }
0x309: {  	v8 =	vperm.xlane v8, v5;
	v9 =	vadd.s32 v4, v9;
	_ =	sdelay $0x1  }
0x30a: {  	v8 =	vadd.s32 v4, v8;
	_ =	sdelay $0x2  }
0x30b: {  	[tilespmem:s24], [sflag:$0x1] =	stream.indirect_vreg.gather [hbm4b:s6+s1], $0x80, v9, vm0, $0xb8;
	[tilespmem:$0x19D80] =	vst v63  }
0x30c: {  	_ = 	snop  }
0x30d: {  	[tilespmem:s25], [sflag:$0x1] =	stream.indirect_vreg.gather [hbm4b:s6+s1], $0x80, v8, vm0, $0xb8;
	[tilespmem:$0x19D80] =	vst v63  }
0x30e: {  	v8 =	vld [tilespmem:$0x5A30];
	_ =	sdelay $0x4  }
0x30f: {  	v9 =	vshll.u32 v8, $0x1  }
0x310: {  	v8 =	vand.u32 $0x7, v8;
	v9 =	vand.u32 $0xFFFFFFF0, v9  }
0x311: {  	v8 =	vor.u32 v8, v9  }
0x312: {  	v9 =	vperm.xlane v8, v3;
	_ =	sdelay $0x1  }
0x313: {  	v8 =	vperm.xlane v8, v5;
	v9 =	vadd.s32 v4, v9;
	_ =	sdelay $0x1  }
0x314: {  	v8 =	vadd.s32 v4, v8;
	_ =	sdelay $0x2  }
0x315: {  	[tilespmem:s26], [sflag:$0x1] =	stream.indirect_vreg.gather [hbm4b:s6+s1], $0x80, v9, vm0, $0xb8;
	[tilespmem:$0x19D80] =	vst v63  }
0x316: {  	_ = 	snop  }
0x317: {  	[tilespmem:s28], [sflag:$0x1] =	stream.indirect_vreg.gather [hbm4b:s6+s1], $0x80, v8, vm0, $0xb8;
	[tilespmem:$0x19D80] =	vst v63  }
0x318: {  	v8 =	vld [tilespmem:$0x5A40];
	_ =	sdelay $0x4  }
0x319: {  	v9 =	vshll.u32 v8, $0x1  }
0x31a: {  	v8 =	vand.u32 $0x7, v8;
	v9 =	vand.u32 $0xFFFFFFF0, v9  }
0x31b: {  	v8 =	vor.u32 v8, v9  }
0x31c: {  	v9 =	vperm.xlane v8, v3;
	_ =	sdelay $0x1  }
0x31d: {  	v8 =	vperm.xlane v8, v5;
	v9 =	vadd.s32 v4, v9;
	_ =	sdelay $0x1  }
0x31e: {  	v8 =	vadd.s32 v4, v8;
	_ =	sdelay $0x2  }
0x31f: {  	[tilespmem:s29], [sflag:$0x1] =	stream.indirect_vreg.gather [hbm4b:s6+s1], $0x80, v9, vm0, $0xb8;
	[tilespmem:$0x19D80] =	vst v63  }
0x320: {  	_ = 	snop  }
0x321: {  	[tilespmem:s30], [sflag:$0x1] =	stream.indirect_vreg.gather [hbm4b:s6+s1], $0x80, v8, vm0, $0xb8;
	[tilespmem:$0x19D80] =	vst v63  }
0x322: {  	v8 =	vld [tilespmem:$0x5A50];
	_ =	sdelay $0x4  }
0x323: {  	v9 =	vshll.u32 v8, $0x1  }
0x324: {  	v8 =	vand.u32 $0x7, v8;
	v9 =	vand.u32 $0xFFFFFFF0, v9  }
0x325: {  	v8 =	vor.u32 v8, v9  }
0x326: {  	v9 =	vperm.xlane v8, v3;
	_ =	sdelay $0x1  }
0x327: {  	v8 =	vperm.xlane v8, v5;
	v9 =	vadd.s32 v4, v9;
	_ =	sdelay $0x1  }
0x328: {  	v8 =	vadd.s32 v4, v8;
	_ =	sdelay $0x2  }
0x329: {  	[tilespmem:s31], [sflag:$0x1] =	stream.indirect_vreg.gather [hbm4b:s6+s1], $0x80, v9, vm0, $0xb8;
	[tilespmem:$0x19D80] =	vst v63  }
0x32a: {  	_ = 	snop  }
0x32b: {  	[tilespmem:s0], [sflag:$0x1] =	stream.indirect_vreg.gather [hbm4b:s6+s1], $0x80, v8, vm0, $0xb8;
	[tilespmem:$0x19D80] =	vst v63  }
0x32c: {  	v8 =	vld [tilespmem:$0x5A60];
	_ =	sdelay $0x4  }
0x32d: {  	v9 =	vshll.u32 v8, $0x1  }
0x32e: {  	v8 =	vand.u32 $0x7, v8;
	v9 =	vand.u32 $0xFFFFFFF0, v9  }
0x32f: {  	v8 =	vor.u32 v8, v9  }
0x330: {  	v9 =	vperm.xlane v8, v3;
	_ =	sdelay $0x1  }
0x331: {  	v8 =	vperm.xlane v8, v5;
	v9 =	vadd.s32 v4, v9;
	_ =	sdelay $0x1  }
0x332: {  	v8 =	vadd.s32 v4, v8;
	_ =	sdelay $0x2  }
0x333: {  	[tilespmem:s2], [sflag:$0x1] =	stream.indirect_vreg.gather [hbm4b:s6+s1], $0x80, v9, vm0, $0xb8;
	[tilespmem:$0x19D80] =	vst v63  }
0x334: {  	_ = 	snop  }
0x335: {  	[tilespmem:s5], [sflag:$0x1] =	stream.indirect_vreg.gather [hbm4b:s6+s1], $0x80, v8, vm0, $0xb8;
	[tilespmem:$0x19D80] =	vst v63  }
0x336: {  	v8 =	vld [tilespmem:$0x5A70];
	_ =	sdelay $0x4  }
0x337: {  	v9 =	vshll.u32 v8, $0x1  }
0x338: {  	v8 =	vand.u32 $0x7, v8;
	v9 =	vand.u32 $0xFFFFFFF0, v9  }
0x339: {  	v8 =	vor.u32 v8, v9  }
0x33a: {  	v9 =	vperm.xlane v8, v3;
	_ =	sdelay $0x1  }
0x33b: {  	v8 =	vperm.xlane v8, v5;
	v9 =	vadd.s32 v4, v9;
	_ =	sdelay $0x1  }
0x33c: {  	v8 =	vadd.s32 v4, v8;
	_ =	sdelay $0x2  }
0x33d: {  	[tilespmem:s7], [sflag:$0x1] =	stream.indirect_vreg.gather [hbm4b:s6+s1], $0x80, v9, vm0, $0xb8;
	[tilespmem:$0x19D80] =	vst v63  }
0x33e: {  	_ = 	snop  }
0x33f: {  	[tilespmem:s8], [sflag:$0x1] =	stream.indirect_vreg.gather [hbm4b:s6+s1], $0x80, v8, vm0, $0xb8;
	[tilespmem:$0x19D80] =	vst v63  }
0x340: {  	_ =	swait.ge [sflag:s9], $0x8000  }
0x341: {  	[sflag:s9] =	ssyncset.done $0x0  }
0x342: {  	s12 =	simm.s32 $0x5B00;
	[sflag:s9] =	ssyncadd.s32 $0xFFFF8000  }
0x343: {  	v8 =	vld [tilespmem:s12+$0x0];
	_ =	sdelay $0x4  }
0x344: {  	(v2sf) =	vpush v8, $0x0;
	_ =	sdelay $0xe  }
0x345: {  	s4 =	spop (v2sf)  }
0x346: {  	s10 =	sand.u32 $0x7800, s1;
	s11 =	sand.u32 $0x380, s1;
	s4 =	smul.u32 $0x600, s4  }
0x347: {  	s10 =	sor.u32 s11, s10  }
0x348: {  	v8 =	vld [tilespmem:s10+$0x11D80];
	s13 =	sshra.s32 s4, $0x2  }
0x349: {  	v9 =	vld [tilespmem:s13+$0x5C00];
	_ =	sdelay $0x4  }
0x34a: {  	v8 =	vadd.f32 v8, v9;
	_ =	sdelay $0x1  }
0x34b: {  	s17 =	sadd.s32 $0x11D80, s10;
	[tilespmem:s13+$0x5C00] =	vst v8;
	v8 =	vld [tilespmem:s13+$0x5C10]  }
0x34c: {  	v9 =	vld [tilespmem:s17+$0x10];
	_ =	sdelay $0x4  }
0x34d: {  	v8 =	vadd.f32 v9, v8;
	_ =	sdelay $0x1  }
0x34e: {  	[tilespmem:s13+$0x5C10] =	vst v8;
	v8 =	vld [tilespmem:s13+$0x5C20]  }
0x34f: {  	v9 =	vld [tilespmem:s17+$0x20];
	_ =	sdelay $0x4  }
0x350: {  	v8 =	vadd.f32 v9, v8;
	_ =	sdelay $0x1  }
0x351: {  	[tilespmem:s13+$0x5C20] =	vst v8;
	v8 =	vld [tilespmem:s13+$0x5C30]  }
0x352: {  	v9 =	vld [tilespmem:s17+$0x30];
	_ =	sdelay $0x4  }
0x353: {  	v8 =	vadd.f32 v9, v8;
	_ =	sdelay $0x1  }
0x354: {  	[tilespmem:s13+$0x5C30] =	vst v8;
	v8 =	vld [tilespmem:s13+$0x5C40]  }
0x355: {  	v9 =	vld [tilespmem:s17+$0x40];
	_ =	sdelay $0x4  }
0x356: {  	v8 =	vadd.f32 v9, v8;
	_ =	sdelay $0x1  }
0x357: {  	[tilespmem:s13+$0x5C40] =	vst v8;
	v8 =	vld [tilespmem:s13+$0x5C50]  }
0x358: {  	v9 =	vld [tilespmem:s17+$0x50];
	_ =	sdelay $0x4  }
0x359: {  	v8 =	vadd.f32 v9, v8;
	_ =	sdelay $0x1  }
0x35a: {  	[tilespmem:s13+$0x5C50] =	vst v8;
	v8 =	vld [tilespmem:s13+$0x5C60]  }
0x35b: {  	v9 =	vld [tilespmem:s17+$0x60];
	_ =	sdelay $0x4  }
0x35c: {  	v8 =	vadd.f32 v9, v8;
	_ =	sdelay $0x1  }
0x35d: {  	[tilespmem:s13+$0x5C60] =	vst v8;
	v8 =	vld [tilespmem:s13+$0x5C70]  }
0x35e: {  	v9 =	vld [tilespmem:s17+$0x70];
	_ =	sdelay $0x4  }
0x35f: {  	v8 =	vadd.f32 v9, v8;
	_ =	sdelay $0x1  }
0x360: {  	[tilespmem:s13+$0x5C70] =	vst v8;
	v8 =	vld [tilespmem:s13+$0x5C80]  }
0x361: {  	v9 =	vld [tilespmem:s17+$0x400];
	_ =	sdelay $0x4  }
0x362: {  	v8 =	vadd.f32 v9, v8;
	_ =	sdelay $0x1  }
0x363: {  	[tilespmem:s13+$0x5C80] =	vst v8;
	v8 =	vld [tilespmem:s13+$0x5C90]  }
0x364: {  	v9 =	vld [tilespmem:s17+$0x410];
	_ =	sdelay $0x4  }
0x365: {  	v8 =	vadd.f32 v9, v8;
	_ =	sdelay $0x1  }
0x366: {  	[tilespmem:s13+$0x5C90] =	vst v8;
	v8 =	vld [tilespmem:s13+$0x5CA0]  }
0x367: {  	v9 =	vld [tilespmem:s17+$0x420];
	_ =	sdelay $0x4  }
0x368: {  	v8 =	vadd.f32 v9, v8;
	_ =	sdelay $0x1  }
0x369: {  	[tilespmem:s13+$0x5CA0] =	vst v8;
	v8 =	vld [tilespmem:s13+$0x5CB0]  }
0x36a: {  	v9 =	vld [tilespmem:s17+$0x430];
	_ =	sdelay $0x4  }
0x36b: {  	v8 =	vadd.f32 v9, v8;
	_ =	sdelay $0x1  }
0x36c: {  	[tilespmem:s13+$0x5CB0] =	vst v8;
	v8 =	vld [tilespmem:s13+$0x5CC0]  }
0x36d: {  	v9 =	vld [tilespmem:s17+$0x440];
	_ =	sdelay $0x4  }
0x36e: {  	v8 =	vadd.f32 v9, v8;
	_ =	sdelay $0x1  }
0x36f: {  	[tilespmem:s13+$0x5CC0] =	vst v8;
	v8 =	vld [tilespmem:s13+$0x5CD0]  }
0x370: {  	v9 =	vld [tilespmem:s17+$0x450];
	_ =	sdelay $0x4  }
0x371: {  	v8 =	vadd.f32 v9, v8;
	_ =	sdelay $0x1  }
0x372: {  	[tilespmem:s13+$0x5CD0] =	vst v8;
	v8 =	vld [tilespmem:s13+$0x5CE0]  }
0x373: {  	v9 =	vld [tilespmem:s17+$0x460];
	_ =	sdelay $0x4  }
0x374: {  	v8 =	vadd.f32 v9, v8  }
0x375: {  	v9 =	vld [tilespmem:s13+$0x5D00]  }
0x376: {  	[tilespmem:s13+$0x5CE0] =	vst v8;
	v8 =	vld [tilespmem:s13+$0x5CF0]  }
0x377: {  	v10 =	vld [tilespmem:s17+$0x470];
	_ =	sdelay $0x2  }
0x378: {  	v9 =	vadd.f32 v6, v9;
	_ =	sdelay $0x1  }
0x379: {  	s10 =	simm.s32 $0x100;
	[tilespmem:s13+$0x5D00] =	vst v9;
	v8 =	vadd.f32 v10, v8  }
.LBB2_19:
0x37a: {  	p0 =	sne.s32 s10, $0x7F00;
	s1 =	sadd.s32 $0x80, s1;
	s12 =	sadd.s32 $0x1, s12  }
0x37b: {  	s4 =	smov.u32 s10;
	s10 =	sadd.s32 $0x100, s10;
	[tilespmem:s13+$0x5CF0] =	vst v8  }
0x37c: {  	v8 =	vld [tilespmem:s12+$0x0];
	_ =	sdelay $0x4  }
0x37d: {  	(v2sf) =	vpush v8, $0x0;
	_ =	sdelay $0xe  }
0x37e: {  	s11 =	spop (v2sf)  }
0x37f: {  	s4 =	sand.u32 $0x7800, s4;
	s13 =	sand.u32 $0x380, s1;
	s11 =	smul.u32 $0x600, s11  }
0x380: {  	s4 =	sor.u32 s13, s4  }
0x381: {  	s13 =	sshra.s32 s11, $0x2;
	v8 =	vld [tilespmem:s4+$0x11D80]  }
0x382: {  	v9 =	vld [tilespmem:s13+$0x5C00];
	_ =	sdelay $0x4  }
0x383: {  	v8 =	vadd.f32 v8, v9  }
0x384: {  	s11 =	sadd.s32 $0x11D80, s4  }
0x385: {  	[tilespmem:s13+$0x5C00] =	vst v8;
	v8 =	vld [tilespmem:s13+$0x5C10]  }
0x386: {  	v9 =	vld [tilespmem:s11+$0x10];
	_ =	sdelay $0x4  }
0x387: {  	v8 =	vadd.f32 v9, v8;
	_ =	sdelay $0x1  }
0x388: {  	[tilespmem:s13+$0x5C10] =	vst v8;
	v8 =	vld [tilespmem:s13+$0x5C20]  }
0x389: {  	v9 =	vld [tilespmem:s11+$0x20];
	_ =	sdelay $0x4  }
0x38a: {  	v8 =	vadd.f32 v9, v8;
	_ =	sdelay $0x1  }
0x38b: {  	[tilespmem:s13+$0x5C20] =	vst v8;
	v8 =	vld [tilespmem:s13+$0x5C30]  }
0x38c: {  	v9 =	vld [tilespmem:s11+$0x30];
	_ =	sdelay $0x4  }
0x38d: {  	v8 =	vadd.f32 v9, v8;
	_ =	sdelay $0x1  }
0x38e: {  	[tilespmem:s13+$0x5C30] =	vst v8;
	v8 =	vld [tilespmem:s13+$0x5C40]  }
0x38f: {  	v9 =	vld [tilespmem:s11+$0x40];
	_ =	sdelay $0x4  }
0x390: {  	v8 =	vadd.f32 v9, v8;
	_ =	sdelay $0x1  }
0x391: {  	[tilespmem:s13+$0x5C40] =	vst v8;
	v8 =	vld [tilespmem:s13+$0x5C50]  }
0x392: {  	v9 =	vld [tilespmem:s11+$0x50];
	_ =	sdelay $0x4  }
0x393: {  	v8 =	vadd.f32 v9, v8;
	_ =	sdelay $0x1  }
0x394: {  	[tilespmem:s13+$0x5C50] =	vst v8;
	v8 =	vld [tilespmem:s13+$0x5C60]  }
0x395: {  	v9 =	vld [tilespmem:s11+$0x60];
	_ =	sdelay $0x4  }
0x396: {  	v8 =	vadd.f32 v9, v8;
	_ =	sdelay $0x1  }
0x397: {  	[tilespmem:s13+$0x5C60] =	vst v8;
	v8 =	vld [tilespmem:s13+$0x5C70]  }
0x398: {  	v9 =	vld [tilespmem:s11+$0x70];
	_ =	sdelay $0x4  }
0x399: {  	v8 =	vadd.f32 v9, v8;
	_ =	sdelay $0x1  }
0x39a: {  	[tilespmem:s13+$0x5C70] =	vst v8;
	v8 =	vld [tilespmem:s13+$0x5C80]  }
0x39b: {  	v9 =	vld [tilespmem:s11+$0x400];
	_ =	sdelay $0x4  }
0x39c: {  	v8 =	vadd.f32 v9, v8;
	_ =	sdelay $0x1  }
0x39d: {  	[tilespmem:s13+$0x5C80] =	vst v8;
	v8 =	vld [tilespmem:s13+$0x5C90]  }
0x39e: {  	v9 =	vld [tilespmem:s11+$0x410];
	_ =	sdelay $0x4  }
0x39f: {  	v8 =	vadd.f32 v9, v8;
	_ =	sdelay $0x1  }
0x3a0: {  	[tilespmem:s13+$0x5C90] =	vst v8;
	v8 =	vld [tilespmem:s13+$0x5CA0]  }
0x3a1: {  	v9 =	vld [tilespmem:s11+$0x420];
	_ =	sdelay $0x4  }
0x3a2: {  	v8 =	vadd.f32 v9, v8;
	_ =	sdelay $0x1  }
0x3a3: {  	[tilespmem:s13+$0x5CA0] =	vst v8;
	v8 =	vld [tilespmem:s13+$0x5CB0]  }
0x3a4: {  	v9 =	vld [tilespmem:s11+$0x430];
	_ =	sdelay $0x4  }
0x3a5: {  	v8 =	vadd.f32 v9, v8;
	_ =	sdelay $0x1  }
0x3a6: {  	[tilespmem:s13+$0x5CB0] =	vst v8;
	v8 =	vld [tilespmem:s13+$0x5CC0]  }
0x3a7: {  	v9 =	vld [tilespmem:s11+$0x440];
	_ =	sdelay $0x4  }
0x3a8: {  	v8 =	vadd.f32 v9, v8;
	_ =	sdelay $0x1  }
0x3a9: {  	[tilespmem:s13+$0x5CC0] =	vst v8;
	v8 =	vld [tilespmem:s13+$0x5CD0]  }
0x3aa: {  	v9 =	vld [tilespmem:s11+$0x450];
	_ =	sdelay $0x4  }
0x3ab: {  	v8 =	vadd.f32 v9, v8;
	_ =	sdelay $0x1  }
0x3ac: {  	[tilespmem:s13+$0x5CD0] =	vst v8;
	v8 =	vld [tilespmem:s13+$0x5CE0]  }
0x3ad: {  	v9 =	vld [tilespmem:s11+$0x460];
	_ =	sdelay $0x1  }
0x3ae: {  	v10 =	vld [tilespmem:s13+$0x5D00];
	_ =	sdelay $0x2  }
0x3af: {  	v8 =	vadd.f32 v9, v8;
	_ =	sdelay $0x1  }
0x3b0: {  	[tilespmem:s13+$0x5CE0] =	vst v8;
	v8 =	vld [tilespmem:s13+$0x5CF0];
	v9 =	vadd.f32 v6, v10  }
0x3b1: {  	v10 =	vld [tilespmem:s11+$0x470]  }
.Ltmp16:
0x3b2: {  	[tilespmem:s13+$0x5D00] =	vst v9;
	(pc) =	sbr.rel @p0 .LBB2_19-.Ltmp16, $2  }
0x3b3: {  	_ =	sdelay $0x2  }
0x3b4: {  	v8 =	vadd.f32 v10, v8  }
0x3b5: {  	_ = 	snop  }
0x3b6: {  	[tilespmem:s13+$0x5CF0] =	vst v8  }
0x3b7: {  	v8 =	vld [tilespmem:$0x5A80]  }
0x3b8: {  	v9 =	vld [tilespmem:$0x5B80]  }
0x3b9: {  	v10 =	vld [tilespmem:$0x5A90]  }
0x3ba: {  	v11 =	vld [tilespmem:$0x5B90]  }
0x3bb: {  	v12 =	vld [tilespmem:$0x5AA0]  }
0x3bc: {  	v62 =	vld [tilespmem:$0x5AB0];
	[tilespmem:$0x5A00] =	vst v8  }
0x3bd: {  	v63 =	vld [tilespmem:$0x5BB0];
	[tilespmem:$0x5B00] =	vst v9  }
0x3be: {  	v8 =	vld [tilespmem:$0x5BA0];
	[tilespmem:$0x5A10] =	vst v10  }
.Ltmp17:
0x3bf: {  	[tilespmem:$0x5B10] =	vst v11;
	(pc) =	sbr.rel .LBB2_21-.Ltmp17, $4  }
0x3c0: {  	[tilespmem:$0x5A20] =	vst v12  }
0x3c1: {  	[tilespmem:$0x5A30] =	vst v62  }
0x3c2: {  	[tilespmem:$0x5B30] =	vst v63  }
0x3c3: {  	s10 =	rddreg [dreg:$0x9];
	[tilespmem:$0x5B20] =	vst v8  }
.LBB2_22:
0x3c4: {  	_ =	sfence.sel $0x180000  }
0x3c5: {  	[bflag:$0x0] =	sbarrier.arrive $0xFFFF  }
0x3c6: {  	_ =	strace $0x9000004A  }
0x3c7: {  	s0 =	stileid.u32;
	[bflag:$0x2] =	sbarrier.arrive $0xFFFF  }
0x3c8: {  	p0 =	sne.s32 s0, $0x0;
	s0 =	rddreg [dreg:$0x2]  }
0x3c9: {  	s0 =	sadd.s32 @!p0 $0x100000, s0  }
0x3ca: {  	[sflag:s0] =	ssyncadd.tile.s32 @!p0 $0x1;
	_ =	shalt  }
.Lfunc_end2:
_tile_overlayer_lowered:
.L_overlay_start_2:
0x3cb: {  	(tag) =	ssettag $0x2  }
0x3cc: {  	s0 =	rddreg [dreg:$0x0];
	s2 =	stileid.u32  }
0x3cd: {  	s1 =	rddreg [dreg:$0x1];
	p0 =	sne.s32 s2, $0x0  }
0x3ce: {  	s3 =	rddreg [dreg:$0x2];
	[bflag:$0x3] =	sbarrier.arrive $0xFFFF;
	s2 =	simm.s32 @!p0 $0x1C06  }
0x3cf: {  	[timem:s3], [sflag:s2] =	dma.local @!p0 [hbm:s0], s1  }
0x3d0: {  	s0 =	simm.s32 @!p0 $0x6  }
0x3d1: {  	_ =	swait.ge @!p0 [sflag:s0], s1  }
0x3d2: {  	s1 =	ssub.s32 @!p0 $0x0, s1;
	[sflag:s0] =	ssyncset.done @!p0 $0x0  }
0x3d3: {  	[sflag:s0] =	ssyncadd.s32 @!p0 s1  }
0x3d4: {  	[bflag:$0x3] =	sbarrier.arrive $0xFFFF  }
0x3d5: {  	_ =	shalt  }

</sc_bundles>
